<compile_context>
chip_gen: v7x
topology: tpu7x:2x2x1
jax: 0.10.2.dev20260603
libtpu: 0.0.44.dev20260713+nightly
codegen_flags: <defaults>
</compile_context>

<pallas_src>
import functools

import jax
import jax.numpy as jnp
from jax import lax
from jax.experimental import pallas as pl
from jax.experimental.pallas import tpu as pltpu
from jax.experimental.pallas import tpu_sc as plsc

F32 = jnp.float32

NC = 2
NS = 16
NW = NC * NS
SUB = 128
NSUB = 8
CH = SUB * NSUB
FW = 8
FW2 = 8
PCHUNKS = 4
BN = 4096


def _ceil_to(a, m):
    return (a + m - 1) // m * m




def _sc_mesh():
    return plsc.VectorSubcoreMesh(core_axis_name="c", subcore_axis_name="s")


def _deg_body(n_pad, ept, row2d, zeros1, out, acc, idx, ones_v, sem_s):
    c = lax.axis_index("c")
    s = lax.axis_index("s")
    wid = c * NS + s
    for i in range(SUB // 16):
        ones_v[pl.ds(i * 16, 16)] = jnp.ones((16,), F32)
    rpt = n_pad // NS
    pltpu.sync_copy(zeros1.at[pl.ds(s * rpt, rpt)], acc.at[pl.ds(s * rpt, rpt)])
    plsc.subcore_barrier()
    base = wid * (ept // SUB)

    @pl.loop(0, ept // CH)
    def _(k):
        pltpu.sync_copy(row2d.at[pl.ds(base + k * NSUB, NSUB)], idx)
        ds = [pltpu.async_copy(ones_v, acc.at[idx.at[j]], sem_s, add=True)
              for j in range(NSUB)]
        for d in ds:
            d.wait()

    plsc.subcore_barrier()
    pltpu.sync_copy(acc.at[pl.ds(s * rpt, rpt)], out.at[c, pl.ds(s * rpt, rpt)])


def _rsqrt16(d):
    di = plsc.bitcast(d, jnp.int32)
    y = plsc.bitcast(jnp.int32(0x5F3759DF) - lax.shift_right_arithmetic(di, 1),
                     F32)
    for _ in range(3):
        y = y * (1.5 - 0.5 * d * y * y)
    return y


def _prop1_body(n_pad, ept, degp, xflat, row2d, col2d, zeros8, u0, u1, out,
                acc, idx_r, idx_c, gbuf, dbuf, xbuf, ubuf, disbuf,
                sem_g, sem_s):
    c = lax.axis_index("c")
    s = lax.axis_index("s")
    wid = c * NS + s
    rpt = n_pad // NS
    r0 = s * rpt
    pltpu.sync_copy(zeros8.at[pl.ds(r0, rpt)], acc.at[pl.ds(r0, rpt)])
    iota = lax.iota(jnp.int32, 16)
    lane8 = iota // 8
    word = iota % 8
    maskx = word < 4
    maskd = word == 4
    zero16 = jnp.zeros((16,), F32)
    wordc = jnp.minimum(word, 3)
    cpn = rpt // PCHUNKS

    def _prologue(u_hbm):
        @pl.loop(0, PCHUNKS)
        def _(p):
            rp = r0 + p * cpn
            pltpu.sync_copy(degp.at[0, pl.ds(rp, cpn)], dbuf.at[0])
            pltpu.sync_copy(degp.at[1, pl.ds(rp, cpn)], dbuf.at[1])
            pltpu.sync_copy(xflat.at[pl.ds(rp * 4, cpn * 4)], xbuf)

            @pl.loop(0, cpn // 16)
            def _(g):
                d = dbuf[0, pl.ds(g * 16, 16)] + dbuf[1, pl.ds(g * 16, 16)] + 1.0
                disbuf[pl.ds(g * 16, 16)] = _rsqrt16(d)

            @pl.loop(0, cpn // 2)
            def _(m):
                node = 2 * m + lane8
                dg = plsc.load_gather(disbuf, [node])
                xg = plsc.load_gather(xbuf, [node * 4 + wordc])
                uv = jnp.where(maskx, xg * dg, jnp.where(maskd, dg, zero16))
                plsc.store_scatter(ubuf, [node, word], uv)

            pltpu.sync_copy(ubuf, u_hbm.at[pl.ds(rp, cpn)])

    base = wid * (ept // SUB)

    def _edge_loop(u_hbm):
        _prologue(u_hbm)
        plsc.subcore_barrier()

        @pl.loop(0, ept // CH)
        def _(k):
            p = lax.rem(k, 2)
            pc = p * CH
            pi = p * NSUB

            @pl.when(k >= 2)
            def _():
                for j in range(NSUB):
                    pltpu.make_async_copy(
                        gbuf.at[pl.ds(pc + j * SUB, SUB)],
                        acc.at[idx_c.at[pi + j]], sem_s).wait()

            off = base + k * NSUB
            pltpu.sync_copy(row2d.at[pl.ds(off, NSUB)], idx_r)
            pltpu.sync_copy(col2d.at[pl.ds(off, NSUB)],
                            idx_c.at[pl.ds(pi, NSUB)])
            gd = [pltpu.async_copy(u_hbm.at[idx_r.at[j]],
                                   gbuf.at[pl.ds(pc + j * SUB, SUB)], sem_g)
                  for j in range(NSUB)]
            for d in gd:
                d.wait()
            for j in range(NSUB):
                pltpu.async_copy(gbuf.at[pl.ds(pc + j * SUB, SUB)],
                                 acc.at[idx_c.at[pi + j]], sem_s, add=True)

        for j in range(2 * NSUB):
            pltpu.make_async_copy(gbuf.at[pl.ds(0, SUB)],
                                  acc.at[idx_c.at[0]], sem_s).wait()

    @pl.when(c == 0)
    def _():
        _edge_loop(u0)

    @pl.when(c == 1)
    def _():
        _edge_loop(u1)

    plsc.subcore_barrier()
    pltpu.sync_copy(acc.at[pl.ds(r0, rpt)], out.at[c, pl.ds(r0, rpt)])


def _prop_body(n_pad, ept, u_hbm, row2d, col2d, zeros8, out,
               acc, idx_r, idx_c, gbuf, sem_g, sem_s):
    c = lax.axis_index("c")
    s = lax.axis_index("s")
    wid = c * NS + s
    rpt = n_pad // NS
    pltpu.sync_copy(zeros8.at[pl.ds(s * rpt, rpt)], acc.at[pl.ds(s * rpt, rpt)])
    plsc.subcore_barrier()
    base = wid * (ept // SUB)

    @pl.loop(0, ept // CH)
    def _(k):
        p = lax.rem(k, 2)
        pc = p * CH
        pi = p * NSUB

        @pl.when(k >= 2)
        def _():
            for j in range(NSUB):
                pltpu.make_async_copy(gbuf.at[pl.ds(pc + j * SUB, SUB)],
                                      acc.at[idx_c.at[pi + j]], sem_s).wait()

        off = base + k * NSUB
        pltpu.sync_copy(row2d.at[pl.ds(off, NSUB)], idx_r)
        pltpu.sync_copy(col2d.at[pl.ds(off, NSUB)], idx_c.at[pl.ds(pi, NSUB)])
        gd = [pltpu.async_copy(u_hbm.at[idx_r.at[j]],
                               gbuf.at[pl.ds(pc + j * SUB, SUB)], sem_g)
              for j in range(NSUB)]
        for d in gd:
            d.wait()
        for j in range(NSUB):
            pltpu.async_copy(gbuf.at[pl.ds(pc + j * SUB, SUB)],
                             acc.at[idx_c.at[pi + j]], sem_s, add=True)

    for j in range(2 * NSUB):
        pltpu.make_async_copy(gbuf.at[pl.ds(0, SUB)],
                              acc.at[idx_c.at[0]], sem_s).wait()

    plsc.subcore_barrier()
    pltpu.sync_copy(acc.at[pl.ds(s * rpt, rpt)], out.at[c, pl.ds(s * rpt, rpt)])




def _tc_a(degp_ref, x_ref, u_ref):
    deg = degp_ref[0] + degp_ref[1] + 1.0
    dis = lax.rsqrt(deg)
    xb = x_ref[...]
    ones = jnp.ones((xb.shape[0], 1), F32)
    zeros = jnp.zeros((xb.shape[0], FW - 5), F32)
    u_ref[...] = dis * jnp.concatenate([xb, ones, zeros], axis=1)


def _tc_b(raw1_ref, u_ref, w1aug_ref, w2_ref, wf_ref, u2_ref):
    u = u_ref[...]
    rawsum = raw1_ref[0] + raw1_ref[1] + u
    dis = u[:, 4:5]
    sc = dis * rawsum[:, 4:5]
    pre = dis * lax.dot_general(rawsum, w1aug_ref[...], (((1,), (0,)), ((), ())),
                                preferred_element_type=F32)
    h = jnp.maximum(pre, 0.0)
    t = lax.dot_general(h, w2_ref[...], (((1,), (1,)), ((), ())),
                        preferred_element_type=F32)
    z = lax.dot_general(t, wf_ref[...], (((1,), (1,)), ((), ())),
                        preferred_element_type=F32)
    zeros = jnp.zeros((z.shape[0], FW2 - 4), F32)
    u2_ref[...] = jnp.concatenate([dis * z, sc, dis, zeros], axis=1)


def _tc_c(raw2_ref, u2_ref, wf_ref, b2_ref, bf_ref, out_ref):
    u2 = u2_ref[...]
    dis = u2[:, 3:4]
    sc = u2[:, 2:3]
    rawsum = raw2_ref[0][:, :2] + raw2_ref[1][:, :2] + u2[:, :2]
    cv = lax.dot_general(b2_ref[...], wf_ref[...], (((1,), (1,)), ((), ())),
                         preferred_element_type=F32)
    out_ref[...] = dis * rawsum + sc * cv + bf_ref[...]




def kernel(x, edge_index, W1, b1, W2, b2, Wf, bf):
    n = x.shape[0]
    e = edge_index.shape[1]
    n_pad = _ceil_to(n + 1, max(BN, NS))
    ept = _ceil_to(-(-e // NW), CH)
    e_pad = ept * NW

    ei = edge_index.astype(jnp.int32)
    pad = jnp.full((e_pad - e,), n, dtype=jnp.int32)
    row2d = jnp.concatenate([ei[0], pad]).reshape(e_pad // SUB, SUB)
    col2d = jnp.concatenate([ei[1], pad]).reshape(e_pad // SUB, SUB)
    xpad = jnp.zeros((n_pad, 4), F32).at[:n].set(x)
    zeros1 = jnp.zeros((n_pad,), F32)
    zeros8 = jnp.zeros((n_pad, FW), F32)
    zeros2 = jnp.zeros((n_pad, FW2), F32)
    w1aug = jnp.concatenate([W1.T, b1[None, :], jnp.zeros((FW - 5, 128), F32)],
                            axis=0)

    mesh = _sc_mesh()
    sc_params = pltpu.CompilerParams(use_tc_tiling_on_sc=False,
                                     skip_device_barrier=True)
    sc_params_nl = pltpu.CompilerParams(use_tc_tiling_on_sc=False,
                                        skip_device_barrier=True,
                                        needs_layout_passes=False)
    tc_params = pltpu.CompilerParams(skip_device_barrier=True)

    deg_call = pl.kernel(
        functools.partial(_deg_body, n_pad, ept),
        out_type=jax.ShapeDtypeStruct((NC, n_pad), F32),
        mesh=mesh,
        compiler_params=sc_params,
        scratch_types=[
            pltpu.VMEM_SHARED((n_pad,), F32),
            pltpu.VMEM((NSUB, SUB), jnp.int32),
            pltpu.VMEM((SUB,), F32),
            pltpu.SemaphoreType.DMA,
        ],
    )
    degp = deg_call(row2d, zeros1)

    def _make_prop(fw):
        return pl.kernel(
            functools.partial(_prop_body, n_pad, ept),
            out_type=jax.ShapeDtypeStruct((NC, n_pad, fw), F32),
            mesh=mesh,
            compiler_params=sc_params,
            scratch_types=[
                pltpu.VMEM_SHARED((n_pad, fw), F32),
                pltpu.VMEM((NSUB, SUB), jnp.int32),
                pltpu.VMEM((2 * NSUB, SUB), jnp.int32),
                pltpu.VMEM((2 * CH, fw), F32),
                pltpu.SemaphoreType.DMA,
                pltpu.SemaphoreType.DMA,
            ],
        )

    prop2_call = _make_prop(FW2)

    rpt = n_pad // NS
    prop1_call = pl.kernel(
        functools.partial(_prop1_body, n_pad, ept),
        out_type=[
            jax.ShapeDtypeStruct((n_pad, FW), F32),
            jax.ShapeDtypeStruct((n_pad, FW), F32),
            jax.ShapeDtypeStruct((NC, n_pad, FW), F32),
        ],
        mesh=mesh,
        compiler_params=sc_params_nl,
        scratch_types=[
            pltpu.VMEM_SHARED((n_pad, FW), F32),
            pltpu.VMEM((NSUB, SUB), jnp.int32),
            pltpu.VMEM((2 * NSUB, SUB), jnp.int32),
            pltpu.VMEM((2 * CH, FW), F32),
            pltpu.VMEM((2, rpt // PCHUNKS), F32),
            pltpu.VMEM((rpt // PCHUNKS * 4,), F32),
            pltpu.VMEM((rpt // PCHUNKS, FW), F32),
            pltpu.VMEM((rpt // PCHUNKS,), F32),
            pltpu.SemaphoreType.DMA,
            pltpu.SemaphoreType.DMA,
        ],
    )

    nb = n_pad // BN
    u, _u1, raw1 = prop1_call(degp, xpad.reshape(n_pad * 4), row2d, col2d,
                              zeros8)

    wspec = lambda shp: pl.BlockSpec(shp, lambda i: tuple(0 for _ in shp))
    u2 = pl.pallas_call(
        _tc_b,
        grid=(nb,),
        in_specs=[
            pl.BlockSpec((NC, BN, FW), lambda i: (0, i, 0)),
            pl.BlockSpec((BN, FW), lambda i: (i, 0)),
            wspec((FW, 128)),
            wspec((128, 128)),
            wspec((2, 128)),
        ],
        out_specs=pl.BlockSpec((BN, FW2), lambda i: (i, 0)),
        out_shape=jax.ShapeDtypeStruct((n_pad, FW2), F32),
        compiler_params=tc_params,
    )(raw1, u, w1aug, W2, Wf)

    raw2 = prop2_call(u2, row2d, col2d, zeros2)

    outp = pl.pallas_call(
        _tc_c,
        grid=(nb,),
        in_specs=[
            pl.BlockSpec((NC, BN, FW2), lambda i: (0, i, 0)),
            pl.BlockSpec((BN, FW2), lambda i: (i, 0)),
            wspec((2, 128)),
            wspec((1, 128)),
            wspec((1, 2)),
        ],
        out_specs=pl.BlockSpec((BN, 2), lambda i: (i, 0)),
        out_shape=jax.ShapeDtypeStruct((n_pad, 2), F32),
        compiler_params=tc_params,
    )(raw2, u2, Wf, b2.reshape(1, 128), bf.reshape(1, 2))

    return outp[:n]

# --- scband reference (transcript-rebuilt; emitter-appended) ---
"""Pipeline reference for scband-net-30760555774500 (READ-ONLY COPY).

The authoritative reference and input builder live on the scoring server;
editing this copy changes nothing except your own understanding.
"""

import jax, jax.numpy as jnp
import numpy as np

N = 100000
E = 1600000
IN_DIM = 4
HID = 128
OUT = 2


def setup_inputs(seed: int = 0) -> dict:
    key = jax.random.key(seed)
    ks = jax.random.split(key, 8)
    x = jax.random.normal(ks[0], (N, IN_DIM), dtype=jnp.float32)
    edge_index = jax.random.randint(ks[1], (2, E), 0, N)
    W1 = jax.random.normal(ks[2], (HID, IN_DIM), dtype=jnp.float32) * (1.0 / np.sqrt(IN_DIM))
    b1 = jnp.zeros((HID,), dtype=jnp.float32)
    W2 = jax.random.normal(ks[3], (HID, HID), dtype=jnp.float32) * (1.0 / np.sqrt(HID))
    b2 = jnp.zeros((HID,), dtype=jnp.float32)
    Wf = jax.random.normal(ks[4], (OUT, HID), dtype=jnp.float32) * (1.0 / np.sqrt(HID))
    bf = jnp.zeros((OUT,), dtype=jnp.float32)
    return {"x": x, "edge_index": edge_index, "W1": W1, "b1": b1, "W2": W2, "b2": b2, "Wf": Wf, "bf": bf}


def _gcn_conv(x, edge_index, W, b, num_nodes):
    # add self loops
    loops = jnp.arange(num_nodes, dtype=edge_index.dtype)
    ei = jnp.concatenate([edge_index, jnp.stack([loops, loops], axis=0)], axis=1)
    # linear transform
    x = x @ W.T + b
    row, col = ei[0], ei[1]
    # degree computed on row, as in the original module
    deg = jnp.zeros((num_nodes,), dtype=x.dtype).at[row].add(1.0)
    deg_inv_sqrt = deg ** -0.5
    norm = deg_inv_sqrt[row] * deg_inv_sqrt[col]
    # PyG flow source_to_target: x_j = x[edge_index[0]], aggregate (add) at edge_index[1]
    msg = norm[:, None] * jnp.take(x, row, axis=0)
    out = jnp.zeros((num_nodes, x.shape[1]), dtype=x.dtype).at[col].add(msg)
    return out


def reference(x, edge_index, W1, b1, W2, b2, Wf, bf):
    num_nodes = x.shape[0]
    h = _gcn_conv(x, edge_index, W1, b1, num_nodes)
    h = jax.nn.relu(h)
    # dropout is identity in eval mode (self.training=False)
    h = _gcn_conv(h, edge_index, W2, b2, num_nodes)
    out = h @ Wf.T + bf
    return out

if __name__ == "__main__":
    import jax
    _d = setup_inputs()
    print(jax.jit(kernel)(*tuple(_d.values())))

</pallas_src>

<mosaic_0001>
#map = affine_map<(d0, d1) -> (0, 0)>
#map1 = affine_map<(d0, d1) -> (0)>
module attributes {stable_mosaic.version = 14 : i64} {
  func.func @_deg_body(%arg0: i32, %arg1: i32, %arg2: memref<12544x128xi32, #tpu.memory_space<hbm>>, %arg3: memref<102400xf32, #tpu.memory_space<hbm>>, %arg4: memref<2x102400xf32, #tpu.memory_space<hbm>>, %arg5: memref<102400xf32, #tpu.memory_space<vmem_shared>>, %arg6: memref<8x128xi32, #tpu.memory_space<vmem>>, %arg7: memref<128xf32, #tpu.memory_space<vmem>>, %arg8: memref<!tpu.dma_semaphore, #tpu.memory_space<semaphore_mem>>) attributes {dimension_semantics = [#tpu.dimension_semantics<core_parallel>, #tpu.dimension_semantics<subcore_parallel>], iteration_bounds = array<i64: 2, 16>, scalar_prefetch = 0 : i64, scratch_operands = 4 : i64, tpu.core_type = #tpu.core_type<sc_vector_subcore>, window_params = [{transform_indices = #map}, {transform_indices = #map1}, {transform_indices = #map}]} {
    %mul3A = arith.constant 16 : i32
    %mul3A_0 = arith.muli %arg0, %mul3A : i32
    %add3A = arith.addi %mul3A_0, %arg1 : i32
    %broadcast_in_dim3A = arith.constant 1.000000e+00 : f32
    %broadcast_in_dim3A_1 = vector.broadcast %broadcast_in_dim3A : f32 to vector<16xf32>
    %swap3A = arith.constant 0 : index
    %swap3A_2 = tpu.vector_load %arg7[%swap3A] {strides = array<i32>} : memref<128xf32, #tpu.memory_space<vmem>>, vector<16xf32>,
    %swap3A_3 = vector.shape_cast %swap3A_2 : vector<16xf32> to vector<16xf32>
    %swap3A_4 = vector.shape_cast %broadcast_in_dim3A_1 : vector<16xf32> to vector<16xf32>
    tpu.vector_store %arg7[%swap3A], %swap3A_4 {strides = array<i32>} : memref<128xf32, #tpu.memory_space<vmem>>, vector<16xf32>,
    %broadcast_in_dim3A_5 = arith.constant 1.000000e+00 : f32
    %broadcast_in_dim3A_6 = vector.broadcast %broadcast_in_dim3A_5 : f32 to vector<16xf32>
    %swap3A_7 = arith.constant 16 : index
    %swap3A_8 = tpu.vector_load %arg7[%swap3A_7] {strides = array<i32>} : memref<128xf32, #tpu.memory_space<vmem>>, vector<16xf32>,
    %swap3A_9 = vector.shape_cast %swap3A_8 : vector<16xf32> to vector<16xf32>
    %swap3A_10 = vector.shape_cast %broadcast_in_dim3A_6 : vector<16xf32> to vector<16xf32>
    tpu.vector_store %arg7[%swap3A_7], %swap3A_10 {strides = array<i32>} : memref<128xf32, #tpu.memory_space<vmem>>, vector<16xf32>,
    %broadcast_in_dim3A_11 = arith.constant 1.000000e+00 : f32
    %broadcast_in_dim3A_12 = vector.broadcast %broadcast_in_dim3A_11 : f32 to vector<16xf32>
    %swap3A_13 = arith.constant 32 : index
    %swap3A_14 = tpu.vector_load %arg7[%swap3A_13] {strides = array<i32>} : memref<128xf32, #tpu.memory_space<vmem>>, vector<16xf32>,
    %swap3A_15 = vector.shape_cast %swap3A_14 : vector<16xf32> to vector<16xf32>
    %swap3A_16 = vector.shape_cast %broadcast_in_dim3A_12 : vector<16xf32> to vector<16xf32>
    tpu.vector_store %arg7[%swap3A_13], %swap3A_16 {strides = array<i32>} : memref<128xf32, #tpu.memory_space<vmem>>, vector<16xf32>,
    %broadcast_in_dim3A_17 = arith.constant 1.000000e+00 : f32
    %broadcast_in_dim3A_18 = vector.broadcast %broadcast_in_dim3A_17 : f32 to vector<16xf32>
    %swap3A_19 = arith.constant 48 : index
    %swap3A_20 = tpu.vector_load %arg7[%swap3A_19] {strides = array<i32>} : memref<128xf32, #tpu.memory_space<vmem>>, vector<16xf32>,
    %swap3A_21 = vector.shape_cast %swap3A_20 : vector<16xf32> to vector<16xf32>
    %swap3A_22 = vector.shape_cast %broadcast_in_dim3A_18 : vector<16xf32> to vector<16xf32>
    tpu.vector_store %arg7[%swap3A_19], %swap3A_22 {strides = array<i32>} : memref<128xf32, #tpu.memory_space<vmem>>, vector<16xf32>,
    %broadcast_in_dim3A_23 = arith.constant 1.000000e+00 : f32
    %broadcast_in_dim3A_24 = vector.broadcast %broadcast_in_dim3A_23 : f32 to vector<16xf32>
    %swap3A_25 = arith.constant 64 : index
    %swap3A_26 = tpu.vector_load %arg7[%swap3A_25] {strides = array<i32>} : memref<128xf32, #tpu.memory_space<vmem>>, vector<16xf32>,
    %swap3A_27 = vector.shape_cast %swap3A_26 : vector<16xf32> to vector<16xf32>
    %swap3A_28 = vector.shape_cast %broadcast_in_dim3A_24 : vector<16xf32> to vector<16xf32>
    tpu.vector_store %arg7[%swap3A_25], %swap3A_28 {strides = array<i32>} : memref<128xf32, #tpu.memory_space<vmem>>, vector<16xf32>,
    %broadcast_in_dim3A_29 = arith.constant 1.000000e+00 : f32
    %broadcast_in_dim3A_30 = vector.broadcast %broadcast_in_dim3A_29 : f32 to vector<16xf32>
    %swap3A_31 = arith.constant 80 : index
    %swap3A_32 = tpu.vector_load %arg7[%swap3A_31] {strides = array<i32>} : memref<128xf32, #tpu.memory_space<vmem>>, vector<16xf32>,
    %swap3A_33 = vector.shape_cast %swap3A_32 : vector<16xf32> to vector<16xf32>
    %swap3A_34 = vector.shape_cast %broadcast_in_dim3A_30 : vector<16xf32> to vector<16xf32>
    tpu.vector_store %arg7[%swap3A_31], %swap3A_34 {strides = array<i32>} : memref<128xf32, #tpu.memory_space<vmem>>, vector<16xf32>,
    %broadcast_in_dim3A_35 = arith.constant 1.000000e+00 : f32
    %broadcast_in_dim3A_36 = vector.broadcast %broadcast_in_dim3A_35 : f32 to vector<16xf32>
    %swap3A_37 = arith.constant 96 : index
    %swap3A_38 = tpu.vector_load %arg7[%swap3A_37] {strides = array<i32>} : memref<128xf32, #tpu.memory_space<vmem>>, vector<16xf32>,
    %swap3A_39 = vector.shape_cast %swap3A_38 : vector<16xf32> to vector<16xf32>
    %swap3A_40 = vector.shape_cast %broadcast_in_dim3A_36 : vector<16xf32> to vector<16xf32>
    tpu.vector_store %arg7[%swap3A_37], %swap3A_40 {strides = array<i32>} : memref<128xf32, #tpu.memory_space<vmem>>, vector<16xf32>,
    %broadcast_in_dim3A_41 = arith.constant 1.000000e+00 : f32
    %broadcast_in_dim3A_42 = vector.broadcast %broadcast_in_dim3A_41 : f32 to vector<16xf32>
    %swap3A_43 = arith.constant 112 : index
    %swap3A_44 = tpu.vector_load %arg7[%swap3A_43] {strides = array<i32>} : memref<128xf32, #tpu.memory_space<vmem>>, vector<16xf32>,
    %swap3A_45 = vector.shape_cast %swap3A_44 : vector<16xf32> to vector<16xf32>
    %swap3A_46 = vector.shape_cast %broadcast_in_dim3A_42 : vector<16xf32> to vector<16xf32>
    tpu.vector_store %arg7[%swap3A_43], %swap3A_46 {strides = array<i32>} : memref<128xf32, #tpu.memory_space<vmem>>, vector<16xf32>,
    %mul3A_47 = arith.constant 6400 : i32
    %mul3A_48 = arith.muli %arg1, %mul3A_47 : i32
    %mul3A_49 = arith.constant 6400 : i32
    %mul3A_50 = arith.muli %arg1, %mul3A_49 : i32
    "tpu.region"() ({
      %run_scoped3A = tpu.sem_alloc : memref<!tpu.dma_semaphore, #tpu.memory_space<semaphore_mem>>
      %dma_start3A = tpu.memref_slice %arg5[%mul3A_50] : memref<102400xf32, #tpu.memory_space<vmem_shared>> -> memref<6400xf32, #tpu.memory_space<vmem_shared>>
      %dma_start3A_62 = tpu.memref_slice %arg3[%mul3A_48] : memref<102400xf32, #tpu.memory_space<hbm>> -> memref<6400xf32, #tpu.memory_space<hbm>>
      tpu.enqueue_dma source(%dma_start3A_62 : memref<6400xf32, #tpu.memory_space<hbm>>) target(%dma_start3A : memref<6400xf32, #tpu.memory_space<vmem_shared>>) target_semaphore(%run_scoped3A : memref<!tpu.dma_semaphore, #tpu.memory_space<semaphore_mem>>)
      %dma_wait3A = tpu.memref_slice %arg5[%mul3A_50] : memref<102400xf32, #tpu.memory_space<vmem_shared>> -> memref<6400xf32, #tpu.memory_space<vmem_shared>>
      %dma_wait3A_63 = tpu.memref_slice %arg3[%mul3A_48] : memref<102400xf32, #tpu.memory_space<hbm>> -> memref<6400xf32, #tpu.memory_space<hbm>>
      tpu.wait_dma2 semaphore(%run_scoped3A : memref<!tpu.dma_semaphore, #tpu.memory_space<semaphore_mem>>) src(%dma_wait3A_63 : memref<6400xf32, #tpu.memory_space<hbm>>) dst(%dma_wait3A : memref<6400xf32, #tpu.memory_space<vmem_shared>>)
      tpu.yield
    }) : () -> ()
    %barrier3A = arith.constant 0 : index
    tpu.barrier barrier_id(%barrier3A)
    %mul3A_51 = arith.constant 392 : i32
    %mul3A_52 = arith.muli %add3A, %mul3A_51 : i32
    %scan3A = arith.constant 0 : i32
    %scan3A_53 = arith.constant 49 : i32
    %scan3A_54 = arith.addi %scan3A, %scan3A_53 : i32
    %scan3A_55 = arith.constant 1 : i32
    scf.for %scan3A_62 = %scan3A to %scan3A_54 step %scan3A_55  : i32 {
      %mul3A_63 = arith.constant 1 : i32
      %mul3A_64 = arith.muli %scan3A_62, %mul3A_63 : i32
      %add3A_65 = arith.constant 0 : i32
      %add3A_66 = arith.addi %add3A_65, %mul3A_64 : i32
      %mul3A_67 = arith.constant 8 : i32
      %mul3A_68 = arith.muli %add3A_66, %mul3A_67 : i32
      %add3A_69 = arith.addi %mul3A_52, %mul3A_68 : i32
      "tpu.region"() ({
        %run_scoped3A = tpu.sem_alloc : memref<!tpu.dma_semaphore, #tpu.memory_space<semaphore_mem>>
        %dma_start3A_164 = arith.constant 0 : i32
        %dma_start3A_165 = tpu.memref_slice %arg2[%add3A_69, %dma_start3A_164] : memref<12544x128xi32, #tpu.memory_space<hbm>> -> memref<8x128xi32, #tpu.memory_space<hbm>>
        %dma_start3A_166 = arith.constant 0 : i32
        %dma_start3A_167 = tpu.memref_slice %arg2[%add3A_69, %dma_start3A_166] : memref<12544x128xi32, #tpu.memory_space<hbm>> -> memref<8x128xi32, #tpu.memory_space<hbm>>
        tpu.enqueue_dma source(%dma_start3A_167 : memref<8x128xi32, #tpu.memory_space<hbm>>) target(%arg6 : memref<8x128xi32, #tpu.memory_space<vmem>>) target_semaphore(%run_scoped3A : memref<!tpu.dma_semaphore, #tpu.memory_space<semaphore_mem>>)
        %dma_wait3A_168 = arith.constant 0 : i32
        %dma_wait3A_169 = tpu.memref_slice %arg2[%add3A_69, %dma_wait3A_168] : memref<12544x128xi32, #tpu.memory_space<hbm>> -> memref<8x128xi32, #tpu.memory_space<hbm>>
        %dma_wait3A_170 = arith.constant 0 : i32
        %dma_wait3A_171 = tpu.memref_slice %arg2[%add3A_69, %dma_wait3A_170] : memref<12544x128xi32, #tpu.memory_space<hbm>> -> memref<8x128xi32, #tpu.memory_space<hbm>>
        tpu.wait_dma2 semaphore(%run_scoped3A : memref<!tpu.dma_semaphore, #tpu.memory_space<semaphore_mem>>) src(%dma_wait3A_171 : memref<8x128xi32, #tpu.memory_space<hbm>>) dst(%arg6 : memref<8x128xi32, #tpu.memory_space<vmem>>)
        tpu.yield
      }) : () -> ()
      %dma_start3A = arith.constant 0 : i32
      %dma_start3A_70 = arith.constant 0 : i32
      %dma_start3A_71 = tpu.memref_slice %arg6[%dma_start3A, %dma_start3A_70] : memref<8x128xi32, #tpu.memory_space<vmem>> -> memref<1x128xi32, #tpu.memory_space<vmem>>
      %dma_start3A_72 = tpu.memref_squeeze %dma_start3A_71 : memref<1x128xi32, #tpu.memory_space<vmem>> -> memref<128xi32, #tpu.memory_space<vmem>>
      %dma_start3A_73 = arith.constant 0 : i32
      %dma_start3A_74 = tpu.memref_slice %arg5[%dma_start3A_73] : memref<102400xf32, #tpu.memory_space<vmem_shared>> -> memref<102400xf32, #tpu.memory_space<vmem_shared>>
      tpu.enqueue_indirect_dma source(%arg7 : memref<128xf32, #tpu.memory_space<vmem>>) target(%dma_start3A_74 : memref<102400xf32, #tpu.memory_space<vmem_shared>>) offsets(%dma_start3A_72 : memref<128xi32, #tpu.memory_space<vmem>>) semaphore(%arg8 : memref<!tpu.dma_semaphore, #tpu.memory_space<semaphore_mem>>) {add = true}
      %dma_start3A_75 = arith.constant 1 : i32
      %dma_start3A_76 = arith.constant 0 : i32
      %dma_start3A_77 = tpu.memref_slice %arg6[%dma_start3A_75, %dma_start3A_76] : memref<8x128xi32, #tpu.memory_space<vmem>> -> memref<1x128xi32, #tpu.memory_space<vmem>>
      %dma_start3A_78 = tpu.memref_squeeze %dma_start3A_77 : memref<1x128xi32, #tpu.memory_space<vmem>> -> memref<128xi32, #tpu.memory_space<vmem>>
      %dma_start3A_79 = arith.constant 0 : i32
      %dma_start3A_80 = tpu.memref_slice %arg5[%dma_start3A_79] : memref<102400xf32, #tpu.memory_space<vmem_shared>> -> memref<102400xf32, #tpu.memory_space<vmem_shared>>
      tpu.enqueue_indirect_dma source(%arg7 : memref<128xf32, #tpu.memory_space<vmem>>) target(%dma_start3A_80 : memref<102400xf32, #tpu.memory_space<vmem_shared>>) offsets(%dma_start3A_78 : memref<128xi32, #tpu.memory_space<vmem>>) semaphore(%arg8 : memref<!tpu.dma_semaphore, #tpu.memory_space<semaphore_mem>>) {add = true}
      %dma_start3A_81 = arith.constant 2 : i32
      %dma_start3A_82 = arith.constant 0 : i32
      %dma_start3A_83 = tpu.memref_slice %arg6[%dma_start3A_81, %dma_start3A_82] : memref<8x128xi32, #tpu.memory_space<vmem>> -> memref<1x128xi32, #tpu.memory_space<vmem>>
      %dma_start3A_84 = tpu.memref_squeeze %dma_start3A_83 : memref<1x128xi32, #tpu.memory_space<vmem>> -> memref<128xi32, #tpu.memory_space<vmem>>
      %dma_start3A_85 = arith.constant 0 : i32
      %dma_start3A_86 = tpu.memref_slice %arg5[%dma_start3A_85] : memref<102400xf32, #tpu.memory_space<vmem_shared>> -> memref<102400xf32, #tpu.memory_space<vmem_shared>>
      tpu.enqueue_indirect_dma source(%arg7 : memref<128xf32, #tpu.memory_space<vmem>>) target(%dma_start3A_86 : memref<102400xf32, #tpu.memory_space<vmem_shared>>) offsets(%dma_start3A_84 : memref<128xi32, #tpu.memory_space<vmem>>) semaphore(%arg8 : memref<!tpu.dma_semaphore, #tpu.memory_space<semaphore_mem>>) {add = true}
      %dma_start3A_87 = arith.constant 3 : i32
      %dma_start3A_88 = arith.constant 0 : i32
      %dma_start3A_89 = tpu.memref_slice %arg6[%dma_start3A_87, %dma_start3A_88] : memref<8x128xi32, #tpu.memory_space<vmem>> -> memref<1x128xi32, #tpu.memory_space<vmem>>
      %dma_start3A_90 = tpu.memref_squeeze %dma_start3A_89 : memref<1x128xi32, #tpu.memory_space<vmem>> -> memref<128xi32, #tpu.memory_space<vmem>>
      %dma_start3A_91 = arith.constant 0 : i32
      %dma_start3A_92 = tpu.memref_slice %arg5[%dma_start3A_91] : memref<102400xf32, #tpu.memory_space<vmem_shared>> -> memref<102400xf32, #tpu.memory_space<vmem_shared>>
      tpu.enqueue_indirect_dma source(%arg7 : memref<128xf32, #tpu.memory_space<vmem>>) target(%dma_start3A_92 : memref<102400xf32, #tpu.memory_space<vmem_shared>>) offsets(%dma_start3A_90 : memref<128xi32, #tpu.memory_space<vmem>>) semaphore(%arg8 : memref<!tpu.dma_semaphore, #tpu.memory_space<semaphore_mem>>) {add = true}
      %dma_start3A_93 = arith.constant 4 : i32
      %dma_start3A_94 = arith.constant 0 : i32
      %dma_start3A_95 = tpu.memref_slice %arg6[%dma_start3A_93, %dma_start3A_94] : memref<8x128xi32, #tpu.memory_space<vmem>> -> memref<1x128xi32, #tpu.memory_space<vmem>>
      %dma_start3A_96 = tpu.memref_squeeze %dma_start3A_95 : memref<1x128xi32, #tpu.memory_space<vmem>> -> memref<128xi32, #tpu.memory_space<vmem>>
      %dma_start3A_97 = arith.constant 0 : i32
      %dma_start3A_98 = tpu.memref_slice %arg5[%dma_start3A_97] : memref<102400xf32, #tpu.memory_space<vmem_shared>> -> memref<102400xf32, #tpu.memory_space<vmem_shared>>
      tpu.enqueue_indirect_dma source(%arg7 : memref<128xf32, #tpu.memory_space<vmem>>) target(%dma_start3A_98 : memref<102400xf32, #tpu.memory_space<vmem_shared>>) offsets(%dma_start3A_96 : memref<128xi32, #tpu.memory_space<vmem>>) semaphore(%arg8 : memref<!tpu.dma_semaphore, #tpu.memory_space<semaphore_mem>>) {add = true}
      %dma_start3A_99 = arith.constant 5 : i32
      %dma_start3A_100 = arith.constant 0 : i32
      %dma_start3A_101 = tpu.memref_slice %arg6[%dma_start3A_99, %dma_start3A_100] : memref<8x128xi32, #tpu.memory_space<vmem>> -> memref<1x128xi32, #tpu.memory_space<vmem>>
      %dma_start3A_102 = tpu.memref_squeeze %dma_start3A_101 : memref<1x128xi32, #tpu.memory_space<vmem>> -> memref<128xi32, #tpu.memory_space<vmem>>
      %dma_start3A_103 = arith.constant 0 : i32
      %dma_start3A_104 = tpu.memref_slice %arg5[%dma_start3A_103] : memref<102400xf32, #tpu.memory_space<vmem_shared>> -> memref<102400xf32, #tpu.memory_space<vmem_shared>>
      tpu.enqueue_indirect_dma source(%arg7 : memref<128xf32, #tpu.memory_space<vmem>>) target(%dma_start3A_104 : memref<102400xf32, #tpu.memory_space<vmem_shared>>) offsets(%dma_start3A_102 : memref<128xi32, #tpu.memory_space<vmem>>) semaphore(%arg8 : memref<!tpu.dma_semaphore, #tpu.memory_space<semaphore_mem>>) {add = true}
      %dma_start3A_105 = arith.constant 6 : i32
      %dma_start3A_106 = arith.constant 0 : i32
      %dma_start3A_107 = tpu.memref_slice %arg6[%dma_start3A_105, %dma_start3A_106] : memref<8x128xi32, #tpu.memory_space<vmem>> -> memref<1x128xi32, #tpu.memory_space<vmem>>
      %dma_start3A_108 = tpu.memref_squeeze %dma_start3A_107 : memref<1x128xi32, #tpu.memory_space<vmem>> -> memref<128xi32, #tpu.memory_space<vmem>>
      %dma_start3A_109 = arith.constant 0 : i32
      %dma_start3A_110 = tpu.memref_slice %arg5[%dma_start3A_109] : memref<102400xf32, #tpu.memory_space<vmem_shared>> -> memref<102400xf32, #tpu.memory_space<vmem_shared>>
      tpu.enqueue_indirect_dma source(%arg7 : memref<128xf32, #tpu.memory_space<vmem>>) target(%dma_start3A_110 : memref<102400xf32, #tpu.memory_space<vmem_shared>>) offsets(%dma_start3A_108 : memref<128xi32, #tpu.memory_space<vmem>>) semaphore(%arg8 : memref<!tpu.dma_semaphore, #tpu.memory_space<semaphore_mem>>) {add = true}
      %dma_start3A_111 = arith.constant 7 : i32
      %dma_start3A_112 = arith.constant 0 : i32
      %dma_start3A_113 = tpu.memref_slice %arg6[%dma_start3A_111, %dma_start3A_112] : memref<8x128xi32, #tpu.memory_space<vmem>> -> memref<1x128xi32, #tpu.memory_space<vmem>>
      %dma_start3A_114 = tpu.memref_squeeze %dma_start3A_113 : memref<1x128xi32, #tpu.memory_space<vmem>> -> memref<128xi32, #tpu.memory_space<vmem>>
      %dma_start3A_115 = arith.constant 0 : i32
      %dma_start3A_116 = tpu.memref_slice %arg5[%dma_start3A_115] : memref<102400xf32, #tpu.memory_space<vmem_shared>> -> memref<102400xf32, #tpu.memory_space<vmem_shared>>
      tpu.enqueue_indirect_dma source(%arg7 : memref<128xf32, #tpu.memory_space<vmem>>) target(%dma_start3A_116 : memref<102400xf32, #tpu.memory_space<vmem_shared>>) offsets(%dma_start3A_114 : memref<128xi32, #tpu.memory_space<vmem>>) semaphore(%arg8 : memref<!tpu.dma_semaphore, #tpu.memory_space<semaphore_mem>>) {add = true}
      %dma_wait3A = arith.constant 0 : i32
      %dma_wait3A_117 = arith.constant 0 : i32
      %dma_wait3A_118 = tpu.memref_slice %arg6[%dma_wait3A, %dma_wait3A_117] : memref<8x128xi32, #tpu.memory_space<vmem>> -> memref<1x128xi32, #tpu.memory_space<vmem>>
      %dma_wait3A_119 = tpu.memref_squeeze %dma_wait3A_118 : memref<1x128xi32, #tpu.memory_space<vmem>> -> memref<128xi32, #tpu.memory_space<vmem>>
      %dma_wait3A_120 = arith.constant 0 : i32
      %dma_wait3A_121 = tpu.memref_slice %arg5[%dma_wait3A_120] : memref<102400xf32, #tpu.memory_space<vmem_shared>> -> memref<102400xf32, #tpu.memory_space<vmem_shared>>
      tpu.wait_indirect_dma semaphore(%arg8 : memref<!tpu.dma_semaphore, #tpu.memory_space<semaphore_mem>>) src(%arg7 : memref<128xf32, #tpu.memory_space<vmem>>) dst(%dma_wait3A_121 : memref<102400xf32, #tpu.memory_space<vmem_shared>>)
      %dma_wait3A_122 = arith.constant 1 : i32
      %dma_wait3A_123 = arith.constant 0 : i32
      %dma_wait3A_124 = tpu.memref_slice %arg6[%dma_wait3A_122, %dma_wait3A_123] : memref<8x128xi32, #tpu.memory_space<vmem>> -> memref<1x128xi32, #tpu.memory_space<vmem>>
      %dma_wait3A_125 = tpu.memref_squeeze %dma_wait3A_124 : memref<1x128xi32, #tpu.memory_space<vmem>> -> memref<128xi32, #tpu.memory_space<vmem>>
      %dma_wait3A_126 = arith.constant 0 : i32
      %dma_wait3A_127 = tpu.memref_slice %arg5[%dma_wait3A_126] : memref<102400xf32, #tpu.memory_space<vmem_shared>> -> memref<102400xf32, #tpu.memory_space<vmem_shared>>
      tpu.wait_indirect_dma semaphore(%arg8 : memref<!tpu.dma_semaphore, #tpu.memory_space<semaphore_mem>>) src(%arg7 : memref<128xf32, #tpu.memory_space<vmem>>) dst(%dma_wait3A_127 : memref<102400xf32, #tpu.memory_space<vmem_shared>>)
      %dma_wait3A_128 = arith.constant 2 : i32
      %dma_wait3A_129 = arith.constant 0 : i32
      %dma_wait3A_130 = tpu.memref_slice %arg6[%dma_wait3A_128, %dma_wait3A_129] : memref<8x128xi32, #tpu.memory_space<vmem>> -> memref<1x128xi32, #tpu.memory_space<vmem>>
      %dma_wait3A_131 = tpu.memref_squeeze %dma_wait3A_130 : memref<1x128xi32, #tpu.memory_space<vmem>> -> memref<128xi32, #tpu.memory_space<vmem>>
      %dma_wait3A_132 = arith.constant 0 : i32
      %dma_wait3A_133 = tpu.memref_slice %arg5[%dma_wait3A_132] : memref<102400xf32, #tpu.memory_space<vmem_shared>> -> memref<102400xf32, #tpu.memory_space<vmem_shared>>
      tpu.wait_indirect_dma semaphore(%arg8 : memref<!tpu.dma_semaphore, #tpu.memory_space<semaphore_mem>>) src(%arg7 : memref<128xf32, #tpu.memory_space<vmem>>) dst(%dma_wait3A_133 : memref<102400xf32, #tpu.memory_space<vmem_shared>>)
      %dma_wait3A_134 = arith.constant 3 : i32
      %dma_wait3A_135 = arith.constant 0 : i32
      %dma_wait3A_136 = tpu.memref_slice %arg6[%dma_wait3A_134, %dma_wait3A_135] : memref<8x128xi32, #tpu.memory_space<vmem>> -> memref<1x128xi32, #tpu.memory_space<vmem>>
      %dma_wait3A_137 = tpu.memref_squeeze %dma_wait3A_136 : memref<1x128xi32, #tpu.memory_space<vmem>> -> memref<128xi32, #tpu.memory_space<vmem>>
      %dma_wait3A_138 = arith.constant 0 : i32
      %dma_wait3A_139 = tpu.memref_slice %arg5[%dma_wait3A_138] : memref<102400xf32, #tpu.memory_space<vmem_shared>> -> memref<102400xf32, #tpu.memory_space<vmem_shared>>
      tpu.wait_indirect_dma semaphore(%arg8 : memref<!tpu.dma_semaphore, #tpu.memory_space<semaphore_mem>>) src(%arg7 : memref<128xf32, #tpu.memory_space<vmem>>) dst(%dma_wait3A_139 : memref<102400xf32, #tpu.memory_space<vmem_shared>>)
      %dma_wait3A_140 = arith.constant 4 : i32
      %dma_wait3A_141 = arith.constant 0 : i32
      %dma_wait3A_142 = tpu.memref_slice %arg6[%dma_wait3A_140, %dma_wait3A_141] : memref<8x128xi32, #tpu.memory_space<vmem>> -> memref<1x128xi32, #tpu.memory_space<vmem>>
      %dma_wait3A_143 = tpu.memref_squeeze %dma_wait3A_142 : memref<1x128xi32, #tpu.memory_space<vmem>> -> memref<128xi32, #tpu.memory_space<vmem>>
      %dma_wait3A_144 = arith.constant 0 : i32
      %dma_wait3A_145 = tpu.memref_slice %arg5[%dma_wait3A_144] : memref<102400xf32, #tpu.memory_space<vmem_shared>> -> memref<102400xf32, #tpu.memory_space<vmem_shared>>
      tpu.wait_indirect_dma semaphore(%arg8 : memref<!tpu.dma_semaphore, #tpu.memory_space<semaphore_mem>>) src(%arg7 : memref<128xf32, #tpu.memory_space<vmem>>) dst(%dma_wait3A_145 : memref<102400xf32, #tpu.memory_space<vmem_shared>>)
      %dma_wait3A_146 = arith.constant 5 : i32
      %dma_wait3A_147 = arith.constant 0 : i32
      %dma_wait3A_148 = tpu.memref_slice %arg6[%dma_wait3A_146, %dma_wait3A_147] : memref<8x128xi32, #tpu.memory_space<vmem>> -> memref<1x128xi32, #tpu.memory_space<vmem>>
      %dma_wait3A_149 = tpu.memref_squeeze %dma_wait3A_148 : memref<1x128xi32, #tpu.memory_space<vmem>> -> memref<128xi32, #tpu.memory_space<vmem>>
      %dma_wait3A_150 = arith.constant 0 : i32
      %dma_wait3A_151 = tpu.memref_slice %arg5[%dma_wait3A_150] : memref<102400xf32, #tpu.memory_space<vmem_shared>> -> memref<102400xf32, #tpu.memory_space<vmem_shared>>
      tpu.wait_indirect_dma semaphore(%arg8 : memref<!tpu.dma_semaphore, #tpu.memory_space<semaphore_mem>>) src(%arg7 : memref<128xf32, #tpu.memory_space<vmem>>) dst(%dma_wait3A_151 : memref<102400xf32, #tpu.memory_space<vmem_shared>>)
      %dma_wait3A_152 = arith.constant 6 : i32
      %dma_wait3A_153 = arith.constant 0 : i32
      %dma_wait3A_154 = tpu.memref_slice %arg6[%dma_wait3A_152, %dma_wait3A_153] : memref<8x128xi32, #tpu.memory_space<vmem>> -> memref<1x128xi32, #tpu.memory_space<vmem>>
      %dma_wait3A_155 = tpu.memref_squeeze %dma_wait3A_154 : memref<1x128xi32, #tpu.memory_space<vmem>> -> memref<128xi32, #tpu.memory_space<vmem>>
      %dma_wait3A_156 = arith.constant 0 : i32
      %dma_wait3A_157 = tpu.memref_slice %arg5[%dma_wait3A_156] : memref<102400xf32, #tpu.memory_space<vmem_shared>> -> memref<102400xf32, #tpu.memory_space<vmem_shared>>
      tpu.wait_indirect_dma semaphore(%arg8 : memref<!tpu.dma_semaphore, #tpu.memory_space<semaphore_mem>>) src(%arg7 : memref<128xf32, #tpu.memory_space<vmem>>) dst(%dma_wait3A_157 : memref<102400xf32, #tpu.memory_space<vmem_shared>>)
      %dma_wait3A_158 = arith.constant 7 : i32
      %dma_wait3A_159 = arith.constant 0 : i32
      %dma_wait3A_160 = tpu.memref_slice %arg6[%dma_wait3A_158, %dma_wait3A_159] : memref<8x128xi32, #tpu.memory_space<vmem>> -> memref<1x128xi32, #tpu.memory_space<vmem>>
      %dma_wait3A_161 = tpu.memref_squeeze %dma_wait3A_160 : memref<1x128xi32, #tpu.memory_space<vmem>> -> memref<128xi32, #tpu.memory_space<vmem>>
      %dma_wait3A_162 = arith.constant 0 : i32
      %dma_wait3A_163 = tpu.memref_slice %arg5[%dma_wait3A_162] : memref<102400xf32, #tpu.memory_space<vmem_shared>> -> memref<102400xf32, #tpu.memory_space<vmem_shared>>
      tpu.wait_indirect_dma semaphore(%arg8 : memref<!tpu.dma_semaphore, #tpu.memory_space<semaphore_mem>>) src(%arg7 : memref<128xf32, #tpu.memory_space<vmem>>) dst(%dma_wait3A_163 : memref<102400xf32, #tpu.memory_space<vmem_shared>>)
    }
    %scan3A_56 = arith.constant 49 : i32
    %barrier3A_57 = arith.constant 0 : index
    tpu.barrier barrier_id(%barrier3A_57)
    %mul3A_58 = arith.constant 6400 : i32
    %mul3A_59 = arith.muli %arg1, %mul3A_58 : i32
    %mul3A_60 = arith.constant 6400 : i32
    %mul3A_61 = arith.muli %arg1, %mul3A_60 : i32
    "tpu.region"() ({
      %run_scoped3A = tpu.sem_alloc : memref<!tpu.dma_semaphore, #tpu.memory_space<semaphore_mem>>
      %dma_start3A = tpu.memref_slice %arg4[%arg0, %mul3A_61] : memref<2x102400xf32, #tpu.memory_space<hbm>> -> memref<1x6400xf32, #tpu.memory_space<hbm>>
      %dma_start3A_62 = tpu.memref_squeeze %dma_start3A : memref<1x6400xf32, #tpu.memory_space<hbm>> -> memref<6400xf32, #tpu.memory_space<hbm>>
      %dma_start3A_63 = tpu.memref_slice %arg5[%mul3A_59] : memref<102400xf32, #tpu.memory_space<vmem_shared>> -> memref<6400xf32, #tpu.memory_space<vmem_shared>>
      tpu.enqueue_dma source(%dma_start3A_63 : memref<6400xf32, #tpu.memory_space<vmem_shared>>) target(%dma_start3A_62 : memref<6400xf32, #tpu.memory_space<hbm>>) target_semaphore(%run_scoped3A : memref<!tpu.dma_semaphore, #tpu.memory_space<semaphore_mem>>)
      %dma_wait3A = tpu.memref_slice %arg4[%arg0, %mul3A_61] : memref<2x102400xf32, #tpu.memory_space<hbm>> -> memref<1x6400xf32, #tpu.memory_space<hbm>>
      %dma_wait3A_64 = tpu.memref_squeeze %dma_wait3A : memref<1x6400xf32, #tpu.memory_space<hbm>> -> memref<6400xf32, #tpu.memory_space<hbm>>
      %dma_wait3A_65 = tpu.memref_slice %arg5[%mul3A_59] : memref<102400xf32, #tpu.memory_space<vmem_shared>> -> memref<6400xf32, #tpu.memory_space<vmem_shared>>
      tpu.wait_dma2 semaphore(%run_scoped3A : memref<!tpu.dma_semaphore, #tpu.memory_space<semaphore_mem>>) src(%dma_wait3A_65 : memref<6400xf32, #tpu.memory_space<vmem_shared>>) dst(%dma_wait3A_64 : memref<6400xf32, #tpu.memory_space<hbm>>)
      tpu.yield
    }) : () -> ()
    return
  }
}

#map = affine_map<(d0, d1) -> (0, 0)>
#map1 = affine_map<(d0, d1) -> (0, 0, 0)>
module attributes {stable_mosaic.version = 14 : i64} {
  func.func @_prop_body(%arg0: i32, %arg1: i32, %arg2: memref<102400x8xf32, #tpu.memory_space<hbm>>, %arg3: memref<12544x128xi32, #tpu.memory_space<hbm>>, %arg4: memref<12544x128xi32, #tpu.memory_space<hbm>>, %arg5: memref<102400x8xf32, #tpu.memory_space<hbm>>, %arg6: memref<2x102400x8xf32, #tpu.memory_space<hbm>>, %arg7: memref<102400x8xf32, #tpu.memory_space<vmem_shared>>, %arg8: memref<8x128xi32, #tpu.memory_space<vmem>>, %arg9: memref<16x128xi32, #tpu.memory_space<vmem>>, %arg10: memref<2048x8xf32, #tpu.memory_space<vmem>>, %arg11: memref<!tpu.dma_semaphore, #tpu.memory_space<semaphore_mem>>, %arg12: memref<!tpu.dma_semaphore, #tpu.memory_space<semaphore_mem>>) attributes {dimension_semantics = [#tpu.dimension_semantics<core_parallel>, #tpu.dimension_semantics<subcore_parallel>], iteration_bounds = array<i64: 2, 16>, scalar_prefetch = 0 : i64, scratch_operands = 6 : i64, tpu.core_type = #tpu.core_type<sc_vector_subcore>, window_params = [{transform_indices = #map}, {transform_indices = #map}, {transform_indices = #map}, {transform_indices = #map}, {transform_indices = #map1}]} {
    %mul3A = arith.constant 16 : i32
    %mul3A_0 = arith.muli %arg0, %mul3A : i32
    %add3A = arith.addi %mul3A_0, %arg1 : i32
    %mul3A_1 = arith.constant 6400 : i32
    %mul3A_2 = arith.muli %arg1, %mul3A_1 : i32
    %mul3A_3 = arith.constant 6400 : i32
    %mul3A_4 = arith.muli %arg1, %mul3A_3 : i32
    "tpu.region"() ({
      %run_scoped3A = tpu.sem_alloc : memref<!tpu.dma_semaphore, #tpu.memory_space<semaphore_mem>>
      %dma_start3A = arith.constant 0 : i32
      %dma_start3A_175 = tpu.memref_slice %arg7[%mul3A_4, %dma_start3A] : memref<102400x8xf32, #tpu.memory_space<vmem_shared>> -> memref<6400x8xf32, #tpu.memory_space<vmem_shared>>
      %dma_start3A_176 = arith.constant 0 : i32
      %dma_start3A_177 = tpu.memref_slice %arg5[%mul3A_2, %dma_start3A_176] : memref<102400x8xf32, #tpu.memory_space<hbm>> -> memref<6400x8xf32, #tpu.memory_space<hbm>>
      tpu.enqueue_dma source(%dma_start3A_177 : memref<6400x8xf32, #tpu.memory_space<hbm>>) target(%dma_start3A_175 : memref<6400x8xf32, #tpu.memory_space<vmem_shared>>) target_semaphore(%run_scoped3A : memref<!tpu.dma_semaphore, #tpu.memory_space<semaphore_mem>>)
      %dma_wait3A_178 = arith.constant 0 : i32
      %dma_wait3A_179 = tpu.memref_slice %arg7[%mul3A_4, %dma_wait3A_178] : memref<102400x8xf32, #tpu.memory_space<vmem_shared>> -> memref<6400x8xf32, #tpu.memory_space<vmem_shared>>
      %dma_wait3A_180 = arith.constant 0 : i32
      %dma_wait3A_181 = tpu.memref_slice %arg5[%mul3A_2, %dma_wait3A_180] : memref<102400x8xf32, #tpu.memory_space<hbm>> -> memref<6400x8xf32, #tpu.memory_space<hbm>>
      tpu.wait_dma2 semaphore(%run_scoped3A : memref<!tpu.dma_semaphore, #tpu.memory_space<semaphore_mem>>) src(%dma_wait3A_181 : memref<6400x8xf32, #tpu.memory_space<hbm>>) dst(%dma_wait3A_179 : memref<6400x8xf32, #tpu.memory_space<vmem_shared>>)
      tpu.yield
    }) : () -> ()
    %barrier3A = arith.constant 0 : index
    tpu.barrier barrier_id(%barrier3A)
    %mul3A_5 = arith.constant 392 : i32
    %mul3A_6 = arith.muli %add3A, %mul3A_5 : i32
    %scan3A = arith.constant 0 : i32
    %scan3A_7 = arith.constant 49 : i32
    %scan3A_8 = arith.addi %scan3A, %scan3A_7 : i32
    %scan3A_9 = arith.constant 1 : i32
    scf.for %scan3A_175 = %scan3A to %scan3A_8 step %scan3A_9  : i32 {
      %mul3A_176 = arith.constant 1 : i32
      %mul3A_177 = arith.muli %scan3A_175, %mul3A_176 : i32
      %add3A_178 = arith.constant 0 : i32
      %add3A_179 = arith.addi %add3A_178, %mul3A_177 : i32
      %rem3A = arith.constant 2 : i32
      %rem3A_180 = arith.remsi %add3A_179, %rem3A : i32
      %mul3A_181 = arith.constant 1024 : i32
      %mul3A_182 = arith.muli %rem3A_180, %mul3A_181 : i32
      %mul3A_183 = arith.constant 8 : i32
      %mul3A_184 = arith.muli %rem3A_180, %mul3A_183 : i32
      %ge3A = arith.constant 2 : i32
      %ge3A_185 = arith.cmpi sge, %add3A_179, %ge3A : i32
      %convert_element_type3A = arith.extui %ge3A_185 : i1 to i32
      %cond3A = arith.constant 0 : i32
      %cond3A_186 = arith.cmpi ne, %convert_element_type3A, %cond3A : i32
      scf.if %cond3A_186 {
        %add3A_445 = arith.constant 0 : i32
        %add3A_446 = arith.addi %mul3A_182, %add3A_445 : i32
        %add3A_447 = arith.constant 0 : i32
        %add3A_448 = arith.addi %mul3A_184, %add3A_447 : i32
        %dma_wait3A_449 = arith.constant 0 : i32
        %dma_wait3A_450 = tpu.memref_slice %arg10[%add3A_446, %dma_wait3A_449] : memref<2048x8xf32, #tpu.memory_space<vmem>> -> memref<128x8xf32, #tpu.memory_space<vmem>>
        %dma_wait3A_451 = arith.constant 0 : i32
        %dma_wait3A_452 = tpu.memref_slice %arg9[%add3A_448, %dma_wait3A_451] : memref<16x128xi32, #tpu.memory_space<vmem>> -> memref<1x128xi32, #tpu.memory_space<vmem>>
        %dma_wait3A_453 = tpu.memref_squeeze %dma_wait3A_452 : memref<1x128xi32, #tpu.memory_space<vmem>> -> memref<128xi32, #tpu.memory_space<vmem>>
        %dma_wait3A_454 = arith.constant 0 : i32
        %dma_wait3A_455 = arith.constant 0 : i32
        %dma_wait3A_456 = tpu.memref_slice %arg7[%dma_wait3A_454, %dma_wait3A_455] : memref<102400x8xf32, #tpu.memory_space<vmem_shared>> -> memref<102400x8xf32, #tpu.memory_space<vmem_shared>>
        tpu.wait_indirect_dma semaphore(%arg12 : memref<!tpu.dma_semaphore, #tpu.memory_space<semaphore_mem>>) src(%dma_wait3A_450 : memref<128x8xf32, #tpu.memory_space<vmem>>) dst(%dma_wait3A_456 : memref<102400x8xf32, #tpu.memory_space<vmem_shared>>)
        %add3A_457 = arith.constant 128 : i32
        %add3A_458 = arith.addi %mul3A_182, %add3A_457 : i32
        %add3A_459 = arith.constant 1 : i32
        %add3A_460 = arith.addi %mul3A_184, %add3A_459 : i32
        %dma_wait3A_461 = arith.constant 0 : i32
        %dma_wait3A_462 = tpu.memref_slice %arg10[%add3A_458, %dma_wait3A_461] : memref<2048x8xf32, #tpu.memory_space<vmem>> -> memref<128x8xf32, #tpu.memory_space<vmem>>
        %dma_wait3A_463 = arith.constant 0 : i32
        %dma_wait3A_464 = tpu.memref_slice %arg9[%add3A_460, %dma_wait3A_463] : memref<16x128xi32, #tpu.memory_space<vmem>> -> memref<1x128xi32, #tpu.memory_space<vmem>>
        %dma_wait3A_465 = tpu.memref_squeeze %dma_wait3A_464 : memref<1x128xi32, #tpu.memory_space<vmem>> -> memref<128xi32, #tpu.memory_space<vmem>>
        %dma_wait3A_466 = arith.constant 0 : i32
        %dma_wait3A_467 = arith.constant 0 : i32
        %dma_wait3A_468 = tpu.memref_slice %arg7[%dma_wait3A_466, %dma_wait3A_467] : memref<102400x8xf32, #tpu.memory_space<vmem_shared>> -> memref<102400x8xf32, #tpu.memory_space<vmem_shared>>
        tpu.wait_indirect_dma semaphore(%arg12 : memref<!tpu.dma_semaphore, #tpu.memory_space<semaphore_mem>>) src(%dma_wait3A_462 : memref<128x8xf32, #tpu.memory_space<vmem>>) dst(%dma_wait3A_468 : memref<102400x8xf32, #tpu.memory_space<vmem_shared>>)
        %add3A_469 = arith.constant 256 : i32
        %add3A_470 = arith.addi %mul3A_182, %add3A_469 : i32
        %add3A_471 = arith.constant 2 : i32
        %add3A_472 = arith.addi %mul3A_184, %add3A_471 : i32
        %dma_wait3A_473 = arith.constant 0 : i32
        %dma_wait3A_474 = tpu.memref_slice %arg10[%add3A_470, %dma_wait3A_473] : memref<2048x8xf32, #tpu.memory_space<vmem>> -> memref<128x8xf32, #tpu.memory_space<vmem>>
        %dma_wait3A_475 = arith.constant 0 : i32
        %dma_wait3A_476 = tpu.memref_slice %arg9[%add3A_472, %dma_wait3A_475] : memref<16x128xi32, #tpu.memory_space<vmem>> -> memref<1x128xi32, #tpu.memory_space<vmem>>
        %dma_wait3A_477 = tpu.memref_squeeze %dma_wait3A_476 : memref<1x128xi32, #tpu.memory_space<vmem>> -> memref<128xi32, #tpu.memory_space<vmem>>
        %dma_wait3A_478 = arith.constant 0 : i32
        %dma_wait3A_479 = arith.constant 0 : i32
        %dma_wait3A_480 = tpu.memref_slice %arg7[%dma_wait3A_478, %dma_wait3A_479] : memref<102400x8xf32, #tpu.memory_space<vmem_shared>> -> memref<102400x8xf32, #tpu.memory_space<vmem_shared>>
        tpu.wait_indirect_dma semaphore(%arg12 : memref<!tpu.dma_semaphore, #tpu.memory_space<semaphore_mem>>) src(%dma_wait3A_474 : memref<128x8xf32, #tpu.memory_space<vmem>>) dst(%dma_wait3A_480 : memref<102400x8xf32, #tpu.memory_space<vmem_shared>>)
        %add3A_481 = arith.constant 384 : i32
        %add3A_482 = arith.addi %mul3A_182, %add3A_481 : i32
        %add3A_483 = arith.constant 3 : i32
        %add3A_484 = arith.addi %mul3A_184, %add3A_483 : i32
        %dma_wait3A_485 = arith.constant 0 : i32
        %dma_wait3A_486 = tpu.memref_slice %arg10[%add3A_482, %dma_wait3A_485] : memref<2048x8xf32, #tpu.memory_space<vmem>> -> memref<128x8xf32, #tpu.memory_space<vmem>>
        %dma_wait3A_487 = arith.constant 0 : i32
        %dma_wait3A_488 = tpu.memref_slice %arg9[%add3A_484, %dma_wait3A_487] : memref<16x128xi32, #tpu.memory_space<vmem>> -> memref<1x128xi32, #tpu.memory_space<vmem>>
        %dma_wait3A_489 = tpu.memref_squeeze %dma_wait3A_488 : memref<1x128xi32, #tpu.memory_space<vmem>> -> memref<128xi32, #tpu.memory_space<vmem>>
        %dma_wait3A_490 = arith.constant 0 : i32
        %dma_wait3A_491 = arith.constant 0 : i32
        %dma_wait3A_492 = tpu.memref_slice %arg7[%dma_wait3A_490, %dma_wait3A_491] : memref<102400x8xf32, #tpu.memory_space<vmem_shared>> -> memref<102400x8xf32, #tpu.memory_space<vmem_shared>>
        tpu.wait_indirect_dma semaphore(%arg12 : memref<!tpu.dma_semaphore, #tpu.memory_space<semaphore_mem>>) src(%dma_wait3A_486 : memref<128x8xf32, #tpu.memory_space<vmem>>) dst(%dma_wait3A_492 : memref<102400x8xf32, #tpu.memory_space<vmem_shared>>)
        %add3A_493 = arith.constant 512 : i32
        %add3A_494 = arith.addi %mul3A_182, %add3A_493 : i32
        %add3A_495 = arith.constant 4 : i32
        %add3A_496 = arith.addi %mul3A_184, %add3A_495 : i32
        %dma_wait3A_497 = arith.constant 0 : i32
        %dma_wait3A_498 = tpu.memref_slice %arg10[%add3A_494, %dma_wait3A_497] : memref<2048x8xf32, #tpu.memory_space<vmem>> -> memref<128x8xf32, #tpu.memory_space<vmem>>
        %dma_wait3A_499 = arith.constant 0 : i32
        %dma_wait3A_500 = tpu.memref_slice %arg9[%add3A_496, %dma_wait3A_499] : memref<16x128xi32, #tpu.memory_space<vmem>> -> memref<1x128xi32, #tpu.memory_space<vmem>>
        %dma_wait3A_501 = tpu.memref_squeeze %dma_wait3A_500 : memref<1x128xi32, #tpu.memory_space<vmem>> -> memref<128xi32, #tpu.memory_space<vmem>>
        %dma_wait3A_502 = arith.constant 0 : i32
        %dma_wait3A_503 = arith.constant 0 : i32
        %dma_wait3A_504 = tpu.memref_slice %arg7[%dma_wait3A_502, %dma_wait3A_503] : memref<102400x8xf32, #tpu.memory_space<vmem_shared>> -> memref<102400x8xf32, #tpu.memory_space<vmem_shared>>
        tpu.wait_indirect_dma semaphore(%arg12 : memref<!tpu.dma_semaphore, #tpu.memory_space<semaphore_mem>>) src(%dma_wait3A_498 : memref<128x8xf32, #tpu.memory_space<vmem>>) dst(%dma_wait3A_504 : memref<102400x8xf32, #tpu.memory_space<vmem_shared>>)
        %add3A_505 = arith.constant 640 : i32
        %add3A_506 = arith.addi %mul3A_182, %add3A_505 : i32
        %add3A_507 = arith.constant 5 : i32
        %add3A_508 = arith.addi %mul3A_184, %add3A_507 : i32
        %dma_wait3A_509 = arith.constant 0 : i32
        %dma_wait3A_510 = tpu.memref_slice %arg10[%add3A_506, %dma_wait3A_509] : memref<2048x8xf32, #tpu.memory_space<vmem>> -> memref<128x8xf32, #tpu.memory_space<vmem>>
        %dma_wait3A_511 = arith.constant 0 : i32
        %dma_wait3A_512 = tpu.memref_slice %arg9[%add3A_508, %dma_wait3A_511] : memref<16x128xi32, #tpu.memory_space<vmem>> -> memref<1x128xi32, #tpu.memory_space<vmem>>
        %dma_wait3A_513 = tpu.memref_squeeze %dma_wait3A_512 : memref<1x128xi32, #tpu.memory_space<vmem>> -> memref<128xi32, #tpu.memory_space<vmem>>
        %dma_wait3A_514 = arith.constant 0 : i32
        %dma_wait3A_515 = arith.constant 0 : i32
        %dma_wait3A_516 = tpu.memref_slice %arg7[%dma_wait3A_514, %dma_wait3A_515] : memref<102400x8xf32, #tpu.memory_space<vmem_shared>> -> memref<102400x8xf32, #tpu.memory_space<vmem_shared>>
        tpu.wait_indirect_dma semaphore(%arg12 : memref<!tpu.dma_semaphore, #tpu.memory_space<semaphore_mem>>) src(%dma_wait3A_510 : memref<128x8xf32, #tpu.memory_space<vmem>>) dst(%dma_wait3A_516 : memref<102400x8xf32, #tpu.memory_space<vmem_shared>>)
        %add3A_517 = arith.constant 768 : i32
        %add3A_518 = arith.addi %mul3A_182, %add3A_517 : i32
        %add3A_519 = arith.constant 6 : i32
        %add3A_520 = arith.addi %mul3A_184, %add3A_519 : i32
        %dma_wait3A_521 = arith.constant 0 : i32
        %dma_wait3A_522 = tpu.memref_slice %arg10[%add3A_518, %dma_wait3A_521] : memref<2048x8xf32, #tpu.memory_space<vmem>> -> memref<128x8xf32, #tpu.memory_space<vmem>>
        %dma_wait3A_523 = arith.constant 0 : i32
        %dma_wait3A_524 = tpu.memref_slice %arg9[%add3A_520, %dma_wait3A_523] : memref<16x128xi32, #tpu.memory_space<vmem>> -> memref<1x128xi32, #tpu.memory_space<vmem>>
        %dma_wait3A_525 = tpu.memref_squeeze %dma_wait3A_524 : memref<1x128xi32, #tpu.memory_space<vmem>> -> memref<128xi32, #tpu.memory_space<vmem>>
        %dma_wait3A_526 = arith.constant 0 : i32
        %dma_wait3A_527 = arith.constant 0 : i32
        %dma_wait3A_528 = tpu.memref_slice %arg7[%dma_wait3A_526, %dma_wait3A_527] : memref<102400x8xf32, #tpu.memory_space<vmem_shared>> -> memref<102400x8xf32, #tpu.memory_space<vmem_shared>>
        tpu.wait_indirect_dma semaphore(%arg12 : memref<!tpu.dma_semaphore, #tpu.memory_space<semaphore_mem>>) src(%dma_wait3A_522 : memref<128x8xf32, #tpu.memory_space<vmem>>) dst(%dma_wait3A_528 : memref<102400x8xf32, #tpu.memory_space<vmem_shared>>)
        %add3A_529 = arith.constant 896 : i32
        %add3A_530 = arith.addi %mul3A_182, %add3A_529 : i32
        %add3A_531 = arith.constant 7 : i32
        %add3A_532 = arith.addi %mul3A_184, %add3A_531 : i32
        %dma_wait3A_533 = arith.constant 0 : i32
        %dma_wait3A_534 = tpu.memref_slice %arg10[%add3A_530, %dma_wait3A_533] : memref<2048x8xf32, #tpu.memory_space<vmem>> -> memref<128x8xf32, #tpu.memory_space<vmem>>
        %dma_wait3A_535 = arith.constant 0 : i32
        %dma_wait3A_536 = tpu.memref_slice %arg9[%add3A_532, %dma_wait3A_535] : memref<16x128xi32, #tpu.memory_space<vmem>> -> memref<1x128xi32, #tpu.memory_space<vmem>>
        %dma_wait3A_537 = tpu.memref_squeeze %dma_wait3A_536 : memref<1x128xi32, #tpu.memory_space<vmem>> -> memref<128xi32, #tpu.memory_space<vmem>>
        %dma_wait3A_538 = arith.constant 0 : i32
        %dma_wait3A_539 = arith.constant 0 : i32
        %dma_wait3A_540 = tpu.memref_slice %arg7[%dma_wait3A_538, %dma_wait3A_539] : memref<102400x8xf32, #tpu.memory_space<vmem_shared>> -> memref<102400x8xf32, #tpu.memory_space<vmem_shared>>
        tpu.wait_indirect_dma semaphore(%arg12 : memref<!tpu.dma_semaphore, #tpu.memory_space<semaphore_mem>>) src(%dma_wait3A_534 : memref<128x8xf32, #tpu.memory_space<vmem>>) dst(%dma_wait3A_540 : memref<102400x8xf32, #tpu.memory_space<vmem_shared>>)
      } else {
      }
      %mul3A_187 = arith.constant 8 : i32
      %mul3A_188 = arith.muli %add3A_179, %mul3A_187 : i32
      %add3A_189 = arith.addi %mul3A_6, %mul3A_188 : i32
      "tpu.region"() ({
        %run_scoped3A = tpu.sem_alloc : memref<!tpu.dma_semaphore, #tpu.memory_space<semaphore_mem>>
        %dma_start3A_445 = arith.constant 0 : i32
        %dma_start3A_446 = tpu.memref_slice %arg3[%add3A_189, %dma_start3A_445] : memref<12544x128xi32, #tpu.memory_space<hbm>> -> memref<8x128xi32, #tpu.memory_space<hbm>>
        %dma_start3A_447 = arith.constant 0 : i32
        %dma_start3A_448 = tpu.memref_slice %arg3[%add3A_189, %dma_start3A_447] : memref<12544x128xi32, #tpu.memory_space<hbm>> -> memref<8x128xi32, #tpu.memory_space<hbm>>
        tpu.enqueue_dma source(%dma_start3A_448 : memref<8x128xi32, #tpu.memory_space<hbm>>) target(%arg8 : memref<8x128xi32, #tpu.memory_space<vmem>>) target_semaphore(%run_scoped3A : memref<!tpu.dma_semaphore, #tpu.memory_space<semaphore_mem>>)
        %dma_wait3A_449 = arith.constant 0 : i32
        %dma_wait3A_450 = tpu.memref_slice %arg3[%add3A_189, %dma_wait3A_449] : memref<12544x128xi32, #tpu.memory_space<hbm>> -> memref<8x128xi32, #tpu.memory_space<hbm>>
        %dma_wait3A_451 = arith.constant 0 : i32
        %dma_wait3A_452 = tpu.memref_slice %arg3[%add3A_189, %dma_wait3A_451] : memref<12544x128xi32, #tpu.memory_space<hbm>> -> memref<8x128xi32, #tpu.memory_space<hbm>>
        tpu.wait_dma2 semaphore(%run_scoped3A : memref<!tpu.dma_semaphore, #tpu.memory_space<semaphore_mem>>) src(%dma_wait3A_452 : memref<8x128xi32, #tpu.memory_space<hbm>>) dst(%arg8 : memref<8x128xi32, #tpu.memory_space<vmem>>)
        tpu.yield
      }) : () -> ()
      "tpu.region"() ({
        %run_scoped3A = tpu.sem_alloc : memref<!tpu.dma_semaphore, #tpu.memory_space<semaphore_mem>>
        %dma_start3A_445 = arith.constant 0 : i32
        %dma_start3A_446 = tpu.memref_slice %arg9[%mul3A_184, %dma_start3A_445] : memref<16x128xi32, #tpu.memory_space<vmem>> -> memref<8x128xi32, #tpu.memory_space<vmem>>
        %dma_start3A_447 = arith.constant 0 : i32
        %dma_start3A_448 = tpu.memref_slice %arg4[%add3A_189, %dma_start3A_447] : memref<12544x128xi32, #tpu.memory_space<hbm>> -> memref<8x128xi32, #tpu.memory_space<hbm>>
        %dma_start3A_449 = arith.constant 0 : i32
        %dma_start3A_450 = tpu.memref_slice %arg9[%mul3A_184, %dma_start3A_449] : memref<16x128xi32, #tpu.memory_space<vmem>> -> memref<8x128xi32, #tpu.memory_space<vmem>>
        %dma_start3A_451 = arith.constant 0 : i32
        %dma_start3A_452 = tpu.memref_slice %arg4[%add3A_189, %dma_start3A_451] : memref<12544x128xi32, #tpu.memory_space<hbm>> -> memref<8x128xi32, #tpu.memory_space<hbm>>
        tpu.enqueue_dma source(%dma_start3A_452 : memref<8x128xi32, #tpu.memory_space<hbm>>) target(%dma_start3A_450 : memref<8x128xi32, #tpu.memory_space<vmem>>) target_semaphore(%run_scoped3A : memref<!tpu.dma_semaphore, #tpu.memory_space<semaphore_mem>>)
        %dma_wait3A_453 = arith.constant 0 : i32
        %dma_wait3A_454 = tpu.memref_slice %arg9[%mul3A_184, %dma_wait3A_453] : memref<16x128xi32, #tpu.memory_space<vmem>> -> memref<8x128xi32, #tpu.memory_space<vmem>>
        %dma_wait3A_455 = arith.constant 0 : i32
        %dma_wait3A_456 = tpu.memref_slice %arg4[%add3A_189, %dma_wait3A_455] : memref<12544x128xi32, #tpu.memory_space<hbm>> -> memref<8x128xi32, #tpu.memory_space<hbm>>
        %dma_wait3A_457 = arith.constant 0 : i32
        %dma_wait3A_458 = tpu.memref_slice %arg9[%mul3A_184, %dma_wait3A_457] : memref<16x128xi32, #tpu.memory_space<vmem>> -> memref<8x128xi32, #tpu.memory_space<vmem>>
        %dma_wait3A_459 = arith.constant 0 : i32
        %dma_wait3A_460 = tpu.memref_slice %arg4[%add3A_189, %dma_wait3A_459] : memref<12544x128xi32, #tpu.memory_space<hbm>> -> memref<8x128xi32, #tpu.memory_space<hbm>>
        tpu.wait_dma2 semaphore(%run_scoped3A : memref<!tpu.dma_semaphore, #tpu.memory_space<semaphore_mem>>) src(%dma_wait3A_460 : memref<8x128xi32, #tpu.memory_space<hbm>>) dst(%dma_wait3A_458 : memref<8x128xi32, #tpu.memory_space<vmem>>)
        tpu.yield
      }) : () -> ()
      %add3A_190 = arith.constant 0 : i32
      %add3A_191 = arith.addi %mul3A_182, %add3A_190 : i32
      %dma_start3A = arith.constant 0 : i32
      %dma_start3A_192 = arith.constant 0 : i32
      %dma_start3A_193 = tpu.memref_slice %arg10[%add3A_191, %dma_start3A_192] : memref<2048x8xf32, #tpu.memory_space<vmem>> -> memref<128x8xf32, #tpu.memory_space<vmem>>
      %dma_start3A_194 = arith.constant 0 : i32
      %dma_start3A_195 = tpu.memref_slice %arg8[%dma_start3A, %dma_start3A_194] : memref<8x128xi32, #tpu.memory_space<vmem>> -> memref<1x128xi32, #tpu.memory_space<vmem>>
      %dma_start3A_196 = tpu.memref_squeeze %dma_start3A_195 : memref<1x128xi32, #tpu.memory_space<vmem>> -> memref<128xi32, #tpu.memory_space<vmem>>
      %dma_start3A_197 = arith.constant 0 : i32
      %dma_start3A_198 = arith.constant 0 : i32
      %dma_start3A_199 = tpu.memref_slice %arg2[%dma_start3A_197, %dma_start3A_198] : memref<102400x8xf32, #tpu.memory_space<hbm>> -> memref<102400x8xf32, #tpu.memory_space<hbm>>
      tpu.enqueue_indirect_dma source(%dma_start3A_199 : memref<102400x8xf32, #tpu.memory_space<hbm>>) target(%dma_start3A_193 : memref<128x8xf32, #tpu.memory_space<vmem>>) offsets(%dma_start3A_196 : memref<128xi32, #tpu.memory_space<vmem>>) semaphore(%arg11 : memref<!tpu.dma_semaphore, #tpu.memory_space<semaphore_mem>>)
      %add3A_200 = arith.constant 128 : i32
      %add3A_201 = arith.addi %mul3A_182, %add3A_200 : i32
      %dma_start3A_202 = arith.constant 1 : i32
      %dma_start3A_203 = arith.constant 0 : i32
      %dma_start3A_204 = tpu.memref_slice %arg10[%add3A_201, %dma_start3A_203] : memref<2048x8xf32, #tpu.memory_space<vmem>> -> memref<128x8xf32, #tpu.memory_space<vmem>>
      %dma_start3A_205 = arith.constant 0 : i32
      %dma_start3A_206 = tpu.memref_slice %arg8[%dma_start3A_202, %dma_start3A_205] : memref<8x128xi32, #tpu.memory_space<vmem>> -> memref<1x128xi32, #tpu.memory_space<vmem>>
      %dma_start3A_207 = tpu.memref_squeeze %dma_start3A_206 : memref<1x128xi32, #tpu.memory_space<vmem>> -> memref<128xi32, #tpu.memory_space<vmem>>
      %dma_start3A_208 = arith.constant 0 : i32
      %dma_start3A_209 = arith.constant 0 : i32
      %dma_start3A_210 = tpu.memref_slice %arg2[%dma_start3A_208, %dma_start3A_209] : memref<102400x8xf32, #tpu.memory_space<hbm>> -> memref<102400x8xf32, #tpu.memory_space<hbm>>
      tpu.enqueue_indirect_dma source(%dma_start3A_210 : memref<102400x8xf32, #tpu.memory_space<hbm>>) target(%dma_start3A_204 : memref<128x8xf32, #tpu.memory_space<vmem>>) offsets(%dma_start3A_207 : memref<128xi32, #tpu.memory_space<vmem>>) semaphore(%arg11 : memref<!tpu.dma_semaphore, #tpu.memory_space<semaphore_mem>>)
      %add3A_211 = arith.constant 256 : i32
      %add3A_212 = arith.addi %mul3A_182, %add3A_211 : i32
      %dma_start3A_213 = arith.constant 2 : i32
      %dma_start3A_214 = arith.constant 0 : i32
      %dma_start3A_215 = tpu.memref_slice %arg10[%add3A_212, %dma_start3A_214] : memref<2048x8xf32, #tpu.memory_space<vmem>> -> memref<128x8xf32, #tpu.memory_space<vmem>>
      %dma_start3A_216 = arith.constant 0 : i32
      %dma_start3A_217 = tpu.memref_slice %arg8[%dma_start3A_213, %dma_start3A_216] : memref<8x128xi32, #tpu.memory_space<vmem>> -> memref<1x128xi32, #tpu.memory_space<vmem>>
      %dma_start3A_218 = tpu.memref_squeeze %dma_start3A_217 : memref<1x128xi32, #tpu.memory_space<vmem>> -> memref<128xi32, #tpu.memory_space<vmem>>
      %dma_start3A_219 = arith.constant 0 : i32
      %dma_start3A_220 = arith.constant 0 : i32
      %dma_start3A_221 = tpu.memref_slice %arg2[%dma_start3A_219, %dma_start3A_220] : memref<102400x8xf32, #tpu.memory_space<hbm>> -> memref<102400x8xf32, #tpu.memory_space<hbm>>
      tpu.enqueue_indirect_dma source(%dma_start3A_221 : memref<102400x8xf32, #tpu.memory_space<hbm>>) target(%dma_start3A_215 : memref<128x8xf32, #tpu.memory_space<vmem>>) offsets(%dma_start3A_218 : memref<128xi32, #tpu.memory_space<vmem>>) semaphore(%arg11 : memref<!tpu.dma_semaphore, #tpu.memory_space<semaphore_mem>>)
      %add3A_222 = arith.constant 384 : i32
      %add3A_223 = arith.addi %mul3A_182, %add3A_222 : i32
      %dma_start3A_224 = arith.constant 3 : i32
      %dma_start3A_225 = arith.constant 0 : i32
      %dma_start3A_226 = tpu.memref_slice %arg10[%add3A_223, %dma_start3A_225] : memref<2048x8xf32, #tpu.memory_space<vmem>> -> memref<128x8xf32, #tpu.memory_space<vmem>>
      %dma_start3A_227 = arith.constant 0 : i32
      %dma_start3A_228 = tpu.memref_slice %arg8[%dma_start3A_224, %dma_start3A_227] : memref<8x128xi32, #tpu.memory_space<vmem>> -> memref<1x128xi32, #tpu.memory_space<vmem>>
      %dma_start3A_229 = tpu.memref_squeeze %dma_start3A_228 : memref<1x128xi32, #tpu.memory_space<vmem>> -> memref<128xi32, #tpu.memory_space<vmem>>
      %dma_start3A_230 = arith.constant 0 : i32
      %dma_start3A_231 = arith.constant 0 : i32
      %dma_start3A_232 = tpu.memref_slice %arg2[%dma_start3A_230, %dma_start3A_231] : memref<102400x8xf32, #tpu.memory_space<hbm>> -> memref<102400x8xf32, #tpu.memory_space<hbm>>
      tpu.enqueue_indirect_dma source(%dma_start3A_232 : memref<102400x8xf32, #tpu.memory_space<hbm>>) target(%dma_start3A_226 : memref<128x8xf32, #tpu.memory_space<vmem>>) offsets(%dma_start3A_229 : memref<128xi32, #tpu.memory_space<vmem>>) semaphore(%arg11 : memref<!tpu.dma_semaphore, #tpu.memory_space<semaphore_mem>>)
      %add3A_233 = arith.constant 512 : i32
      %add3A_234 = arith.addi %mul3A_182, %add3A_233 : i32
      %dma_start3A_235 = arith.constant 4 : i32
      %dma_start3A_236 = arith.constant 0 : i32
      %dma_start3A_237 = tpu.memref_slice %arg10[%add3A_234, %dma_start3A_236] : memref<2048x8xf32, #tpu.memory_space<vmem>> -> memref<128x8xf32, #tpu.memory_space<vmem>>
      %dma_start3A_238 = arith.constant 0 : i32
      %dma_start3A_239 = tpu.memref_slice %arg8[%dma_start3A_235, %dma_start3A_238] : memref<8x128xi32, #tpu.memory_space<vmem>> -> memref<1x128xi32, #tpu.memory_space<vmem>>
      %dma_start3A_240 = tpu.memref_squeeze %dma_start3A_239 : memref<1x128xi32, #tpu.memory_space<vmem>> -> memref<128xi32, #tpu.memory_space<vmem>>
      %dma_start3A_241 = arith.constant 0 : i32
      %dma_start3A_242 = arith.constant 0 : i32
      %dma_start3A_243 = tpu.memref_slice %arg2[%dma_start3A_241, %dma_start3A_242] : memref<102400x8xf32, #tpu.memory_space<hbm>> -> memref<102400x8xf32, #tpu.memory_space<hbm>>
      tpu.enqueue_indirect_dma source(%dma_start3A_243 : memref<102400x8xf32, #tpu.memory_space<hbm>>) target(%dma_start3A_237 : memref<128x8xf32, #tpu.memory_space<vmem>>) offsets(%dma_start3A_240 : memref<128xi32, #tpu.memory_space<vmem>>) semaphore(%arg11 : memref<!tpu.dma_semaphore, #tpu.memory_space<semaphore_mem>>)
      %add3A_244 = arith.constant 640 : i32
      %add3A_245 = arith.addi %mul3A_182, %add3A_244 : i32
      %dma_start3A_246 = arith.constant 5 : i32
      %dma_start3A_247 = arith.constant 0 : i32
      %dma_start3A_248 = tpu.memref_slice %arg10[%add3A_245, %dma_start3A_247] : memref<2048x8xf32, #tpu.memory_space<vmem>> -> memref<128x8xf32, #tpu.memory_space<vmem>>
      %dma_start3A_249 = arith.constant 0 : i32
      %dma_start3A_250 = tpu.memref_slice %arg8[%dma_start3A_246, %dma_start3A_249] : memref<8x128xi32, #tpu.memory_space<vmem>> -> memref<1x128xi32, #tpu.memory_space<vmem>>
      %dma_start3A_251 = tpu.memref_squeeze %dma_start3A_250 : memref<1x128xi32, #tpu.memory_space<vmem>> -> memref<128xi32, #tpu.memory_space<vmem>>
      %dma_start3A_252 = arith.constant 0 : i32
      %dma_start3A_253 = arith.constant 0 : i32
      %dma_start3A_254 = tpu.memref_slice %arg2[%dma_start3A_252, %dma_start3A_253] : memref<102400x8xf32, #tpu.memory_space<hbm>> -> memref<102400x8xf32, #tpu.memory_space<hbm>>
      tpu.enqueue_indirect_dma source(%dma_start3A_254 : memref<102400x8xf32, #tpu.memory_space<hbm>>) target(%dma_start3A_248 : memref<128x8xf32, #tpu.memory_space<vmem>>) offsets(%dma_start3A_251 : memref<128xi32, #tpu.memory_space<vmem>>) semaphore(%arg11 : memref<!tpu.dma_semaphore, #tpu.memory_space<semaphore_mem>>)
      %add3A_255 = arith.constant 768 : i32
      %add3A_256 = arith.addi %mul3A_182, %add3A_255 : i32
      %dma_start3A_257 = arith.constant 6 : i32
      %dma_start3A_258 = arith.constant 0 : i32
      %dma_start3A_259 = tpu.memref_slice %arg10[%add3A_256, %dma_start3A_258] : memref<2048x8xf32, #tpu.memory_space<vmem>> -> memref<128x8xf32, #tpu.memory_space<vmem>>
      %dma_start3A_260 = arith.constant 0 : i32
      %dma_start3A_261 = tpu.memref_slice %arg8[%dma_start3A_257, %dma_start3A_260] : memref<8x128xi32, #tpu.memory_space<vmem>> -> memref<1x128xi32, #tpu.memory_space<vmem>>
      %dma_start3A_262 = tpu.memref_squeeze %dma_start3A_261 : memref<1x128xi32, #tpu.memory_space<vmem>> -> memref<128xi32, #tpu.memory_space<vmem>>
      %dma_start3A_263 = arith.constant 0 : i32
      %dma_start3A_264 = arith.constant 0 : i32
      %dma_start3A_265 = tpu.memref_slice %arg2[%dma_start3A_263, %dma_start3A_264] : memref<102400x8xf32, #tpu.memory_space<hbm>> -> memref<102400x8xf32, #tpu.memory_space<hbm>>
      tpu.enqueue_indirect_dma source(%dma_start3A_265 : memref<102400x8xf32, #tpu.memory_space<hbm>>) target(%dma_start3A_259 : memref<128x8xf32, #tpu.memory_space<vmem>>) offsets(%dma_start3A_262 : memref<128xi32, #tpu.memory_space<vmem>>) semaphore(%arg11 : memref<!tpu.dma_semaphore, #tpu.memory_space<semaphore_mem>>)
      %add3A_266 = arith.constant 896 : i32
      %add3A_267 = arith.addi %mul3A_182, %add3A_266 : i32
      %dma_start3A_268 = arith.constant 7 : i32
      %dma_start3A_269 = arith.constant 0 : i32
      %dma_start3A_270 = tpu.memref_slice %arg10[%add3A_267, %dma_start3A_269] : memref<2048x8xf32, #tpu.memory_space<vmem>> -> memref<128x8xf32, #tpu.memory_space<vmem>>
      %dma_start3A_271 = arith.constant 0 : i32
      %dma_start3A_272 = tpu.memref_slice %arg8[%dma_start3A_268, %dma_start3A_271] : memref<8x128xi32, #tpu.memory_space<vmem>> -> memref<1x128xi32, #tpu.memory_space<vmem>>
      %dma_start3A_273 = tpu.memref_squeeze %dma_start3A_272 : memref<1x128xi32, #tpu.memory_space<vmem>> -> memref<128xi32, #tpu.memory_space<vmem>>
      %dma_start3A_274 = arith.constant 0 : i32
      %dma_start3A_275 = arith.constant 0 : i32
      %dma_start3A_276 = tpu.memref_slice %arg2[%dma_start3A_274, %dma_start3A_275] : memref<102400x8xf32, #tpu.memory_space<hbm>> -> memref<102400x8xf32, #tpu.memory_space<hbm>>
      tpu.enqueue_indirect_dma source(%dma_start3A_276 : memref<102400x8xf32, #tpu.memory_space<hbm>>) target(%dma_start3A_270 : memref<128x8xf32, #tpu.memory_space<vmem>>) offsets(%dma_start3A_273 : memref<128xi32, #tpu.memory_space<vmem>>) semaphore(%arg11 : memref<!tpu.dma_semaphore, #tpu.memory_space<semaphore_mem>>)
      %dma_wait3A_277 = arith.constant 0 : i32
      %dma_wait3A_278 = arith.constant 0 : i32
      %dma_wait3A_279 = tpu.memref_slice %arg10[%add3A_191, %dma_wait3A_278] : memref<2048x8xf32, #tpu.memory_space<vmem>> -> memref<128x8xf32, #tpu.memory_space<vmem>>
      %dma_wait3A_280 = arith.constant 0 : i32
      %dma_wait3A_281 = tpu.memref_slice %arg8[%dma_wait3A_277, %dma_wait3A_280] : memref<8x128xi32, #tpu.memory_space<vmem>> -> memref<1x128xi32, #tpu.memory_space<vmem>>
      %dma_wait3A_282 = tpu.memref_squeeze %dma_wait3A_281 : memref<1x128xi32, #tpu.memory_space<vmem>> -> memref<128xi32, #tpu.memory_space<vmem>>
      %dma_wait3A_283 = arith.constant 0 : i32
      %dma_wait3A_284 = arith.constant 0 : i32
      %dma_wait3A_285 = tpu.memref_slice %arg2[%dma_wait3A_283, %dma_wait3A_284] : memref<102400x8xf32, #tpu.memory_space<hbm>> -> memref<102400x8xf32, #tpu.memory_space<hbm>>
      tpu.wait_indirect_dma semaphore(%arg11 : memref<!tpu.dma_semaphore, #tpu.memory_space<semaphore_mem>>) src(%dma_wait3A_285 : memref<102400x8xf32, #tpu.memory_space<hbm>>) dst(%dma_wait3A_279 : memref<128x8xf32, #tpu.memory_space<vmem>>)
      %dma_wait3A_286 = arith.constant 1 : i32
      %dma_wait3A_287 = arith.constant 0 : i32
      %dma_wait3A_288 = tpu.memref_slice %arg10[%add3A_201, %dma_wait3A_287] : memref<2048x8xf32, #tpu.memory_space<vmem>> -> memref<128x8xf32, #tpu.memory_space<vmem>>
      %dma_wait3A_289 = arith.constant 0 : i32
      %dma_wait3A_290 = tpu.memref_slice %arg8[%dma_wait3A_286, %dma_wait3A_289] : memref<8x128xi32, #tpu.memory_space<vmem>> -> memref<1x128xi32, #tpu.memory_space<vmem>>
      %dma_wait3A_291 = tpu.memref_squeeze %dma_wait3A_290 : memref<1x128xi32, #tpu.memory_space<vmem>> -> memref<128xi32, #tpu.memory_space<vmem>>
      %dma_wait3A_292 = arith.constant 0 : i32
      %dma_wait3A_293 = arith.constant 0 : i32
      %dma_wait3A_294 = tpu.memref_slice %arg2[%dma_wait3A_292, %dma_wait3A_293] : memref<102400x8xf32, #tpu.memory_space<hbm>> -> memref<102400x8xf32, #tpu.memory_space<hbm>>
      tpu.wait_indirect_dma semaphore(%arg11 : memref<!tpu.dma_semaphore, #tpu.memory_space<semaphore_mem>>) src(%dma_wait3A_294 : memref<102400x8xf32, #tpu.memory_space<hbm>>) dst(%dma_wait3A_288 : memref<128x8xf32, #tpu.memory_space<vmem>>)
      %dma_wait3A_295 = arith.constant 2 : i32
      %dma_wait3A_296 = arith.constant 0 : i32
      %dma_wait3A_297 = tpu.memref_slice %arg10[%add3A_212, %dma_wait3A_296] : memref<2048x8xf32, #tpu.memory_space<vmem>> -> memref<128x8xf32, #tpu.memory_space<vmem>>
      %dma_wait3A_298 = arith.constant 0 : i32
      %dma_wait3A_299 = tpu.memref_slice %arg8[%dma_wait3A_295, %dma_wait3A_298] : memref<8x128xi32, #tpu.memory_space<vmem>> -> memref<1x128xi32, #tpu.memory_space<vmem>>
      %dma_wait3A_300 = tpu.memref_squeeze %dma_wait3A_299 : memref<1x128xi32, #tpu.memory_space<vmem>> -> memref<128xi32, #tpu.memory_space<vmem>>
      %dma_wait3A_301 = arith.constant 0 : i32
      %dma_wait3A_302 = arith.constant 0 : i32
      %dma_wait3A_303 = tpu.memref_slice %arg2[%dma_wait3A_301, %dma_wait3A_302] : memref<102400x8xf32, #tpu.memory_space<hbm>> -> memref<102400x8xf32, #tpu.memory_space<hbm>>
      tpu.wait_indirect_dma semaphore(%arg11 : memref<!tpu.dma_semaphore, #tpu.memory_space<semaphore_mem>>) src(%dma_wait3A_303 : memref<102400x8xf32, #tpu.memory_space<hbm>>) dst(%dma_wait3A_297 : memref<128x8xf32, #tpu.memory_space<vmem>>)
      %dma_wait3A_304 = arith.constant 3 : i32
      %dma_wait3A_305 = arith.constant 0 : i32
      %dma_wait3A_306 = tpu.memref_slice %arg10[%add3A_223, %dma_wait3A_305] : memref<2048x8xf32, #tpu.memory_space<vmem>> -> memref<128x8xf32, #tpu.memory_space<vmem>>
      %dma_wait3A_307 = arith.constant 0 : i32
      %dma_wait3A_308 = tpu.memref_slice %arg8[%dma_wait3A_304, %dma_wait3A_307] : memref<8x128xi32, #tpu.memory_space<vmem>> -> memref<1x128xi32, #tpu.memory_space<vmem>>
      %dma_wait3A_309 = tpu.memref_squeeze %dma_wait3A_308 : memref<1x128xi32, #tpu.memory_space<vmem>> -> memref<128xi32, #tpu.memory_space<vmem>>
      %dma_wait3A_310 = arith.constant 0 : i32
      %dma_wait3A_311 = arith.constant 0 : i32
      %dma_wait3A_312 = tpu.memref_slice %arg2[%dma_wait3A_310, %dma_wait3A_311] : memref<102400x8xf32, #tpu.memory_space<hbm>> -> memref<102400x8xf32, #tpu.memory_space<hbm>>
      tpu.wait_indirect_dma semaphore(%arg11 : memref<!tpu.dma_semaphore, #tpu.memory_space<semaphore_mem>>) src(%dma_wait3A_312 : memref<102400x8xf32, #tpu.memory_space<hbm>>) dst(%dma_wait3A_306 : memref<128x8xf32, #tpu.memory_space<vmem>>)
      %dma_wait3A_313 = arith.constant 4 : i32
      %dma_wait3A_314 = arith.constant 0 : i32
      %dma_wait3A_315 = tpu.memref_slice %arg10[%add3A_234, %dma_wait3A_314] : memref<2048x8xf32, #tpu.memory_space<vmem>> -> memref<128x8xf32, #tpu.memory_space<vmem>>
      %dma_wait3A_316 = arith.constant 0 : i32
      %dma_wait3A_317 = tpu.memref_slice %arg8[%dma_wait3A_313, %dma_wait3A_316] : memref<8x128xi32, #tpu.memory_space<vmem>> -> memref<1x128xi32, #tpu.memory_space<vmem>>
      %dma_wait3A_318 = tpu.memref_squeeze %dma_wait3A_317 : memref<1x128xi32, #tpu.memory_space<vmem>> -> memref<128xi32, #tpu.memory_space<vmem>>
      %dma_wait3A_319 = arith.constant 0 : i32
      %dma_wait3A_320 = arith.constant 0 : i32
      %dma_wait3A_321 = tpu.memref_slice %arg2[%dma_wait3A_319, %dma_wait3A_320] : memref<102400x8xf32, #tpu.memory_space<hbm>> -> memref<102400x8xf32, #tpu.memory_space<hbm>>
      tpu.wait_indirect_dma semaphore(%arg11 : memref<!tpu.dma_semaphore, #tpu.memory_space<semaphore_mem>>) src(%dma_wait3A_321 : memref<102400x8xf32, #tpu.memory_space<hbm>>) dst(%dma_wait3A_315 : memref<128x8xf32, #tpu.memory_space<vmem>>)
      %dma_wait3A_322 = arith.constant 5 : i32
      %dma_wait3A_323 = arith.constant 0 : i32
      %dma_wait3A_324 = tpu.memref_slice %arg10[%add3A_245, %dma_wait3A_323] : memref<2048x8xf32, #tpu.memory_space<vmem>> -> memref<128x8xf32, #tpu.memory_space<vmem>>
      %dma_wait3A_325 = arith.constant 0 : i32
      %dma_wait3A_326 = tpu.memref_slice %arg8[%dma_wait3A_322, %dma_wait3A_325] : memref<8x128xi32, #tpu.memory_space<vmem>> -> memref<1x128xi32, #tpu.memory_space<vmem>>
      %dma_wait3A_327 = tpu.memref_squeeze %dma_wait3A_326 : memref<1x128xi32, #tpu.memory_space<vmem>> -> memref<128xi32, #tpu.memory_space<vmem>>
      %dma_wait3A_328 = arith.constant 0 : i32
      %dma_wait3A_329 = arith.constant 0 : i32
      %dma_wait3A_330 = tpu.memref_slice %arg2[%dma_wait3A_328, %dma_wait3A_329] : memref<102400x8xf32, #tpu.memory_space<hbm>> -> memref<102400x8xf32, #tpu.memory_space<hbm>>
      tpu.wait_indirect_dma semaphore(%arg11 : memref<!tpu.dma_semaphore, #tpu.memory_space<semaphore_mem>>) src(%dma_wait3A_330 : memref<102400x8xf32, #tpu.memory_space<hbm>>) dst(%dma_wait3A_324 : memref<128x8xf32, #tpu.memory_space<vmem>>)
      %dma_wait3A_331 = arith.constant 6 : i32
      %dma_wait3A_332 = arith.constant 0 : i32
      %dma_wait3A_333 = tpu.memref_slice %arg10[%add3A_256, %dma_wait3A_332] : memref<2048x8xf32, #tpu.memory_space<vmem>> -> memref<128x8xf32, #tpu.memory_space<vmem>>
      %dma_wait3A_334 = arith.constant 0 : i32
      %dma_wait3A_335 = tpu.memref_slice %arg8[%dma_wait3A_331, %dma_wait3A_334] : memref<8x128xi32, #tpu.memory_space<vmem>> -> memref<1x128xi32, #tpu.memory_space<vmem>>
      %dma_wait3A_336 = tpu.memref_squeeze %dma_wait3A_335 : memref<1x128xi32, #tpu.memory_space<vmem>> -> memref<128xi32, #tpu.memory_space<vmem>>
      %dma_wait3A_337 = arith.constant 0 : i32
      %dma_wait3A_338 = arith.constant 0 : i32
      %dma_wait3A_339 = tpu.memref_slice %arg2[%dma_wait3A_337, %dma_wait3A_338] : memref<102400x8xf32, #tpu.memory_space<hbm>> -> memref<102400x8xf32, #tpu.memory_space<hbm>>
      tpu.wait_indirect_dma semaphore(%arg11 : memref<!tpu.dma_semaphore, #tpu.memory_space<semaphore_mem>>) src(%dma_wait3A_339 : memref<102400x8xf32, #tpu.memory_space<hbm>>) dst(%dma_wait3A_333 : memref<128x8xf32, #tpu.memory_space<vmem>>)
      %dma_wait3A_340 = arith.constant 7 : i32
      %dma_wait3A_341 = arith.constant 0 : i32
      %dma_wait3A_342 = tpu.memref_slice %arg10[%add3A_267, %dma_wait3A_341] : memref<2048x8xf32, #tpu.memory_space<vmem>> -> memref<128x8xf32, #tpu.memory_space<vmem>>
      %dma_wait3A_343 = arith.constant 0 : i32
      %dma_wait3A_344 = tpu.memref_slice %arg8[%dma_wait3A_340, %dma_wait3A_343] : memref<8x128xi32, #tpu.memory_space<vmem>> -> memref<1x128xi32, #tpu.memory_space<vmem>>
      %dma_wait3A_345 = tpu.memref_squeeze %dma_wait3A_344 : memref<1x128xi32, #tpu.memory_space<vmem>> -> memref<128xi32, #tpu.memory_space<vmem>>
      %dma_wait3A_346 = arith.constant 0 : i32
      %dma_wait3A_347 = arith.constant 0 : i32
      %dma_wait3A_348 = tpu.memref_slice %arg2[%dma_wait3A_346, %dma_wait3A_347] : memref<102400x8xf32, #tpu.memory_space<hbm>> -> memref<102400x8xf32, #tpu.memory_space<hbm>>
      tpu.wait_indirect_dma semaphore(%arg11 : memref<!tpu.dma_semaphore, #tpu.memory_space<semaphore_mem>>) src(%dma_wait3A_348 : memref<102400x8xf32, #tpu.memory_space<hbm>>) dst(%dma_wait3A_342 : memref<128x8xf32, #tpu.memory_space<vmem>>)
      %add3A_349 = arith.constant 0 : i32
      %add3A_350 = arith.addi %mul3A_182, %add3A_349 : i32
      %add3A_351 = arith.constant 0 : i32
      %add3A_352 = arith.addi %mul3A_184, %add3A_351 : i32
      %dma_start3A_353 = arith.constant 0 : i32
      %dma_start3A_354 = tpu.memref_slice %arg10[%add3A_350, %dma_start3A_353] : memref<2048x8xf32, #tpu.memory_space<vmem>> -> memref<128x8xf32, #tpu.memory_space<vmem>>
      %dma_start3A_355 = arith.constant 0 : i32
      %dma_start3A_356 = tpu.memref_slice %arg9[%add3A_352, %dma_start3A_355] : memref<16x128xi32, #tpu.memory_space<vmem>> -> memref<1x128xi32, #tpu.memory_space<vmem>>
      %dma_start3A_357 = tpu.memref_squeeze %dma_start3A_356 : memref<1x128xi32, #tpu.memory_space<vmem>> -> memref<128xi32, #tpu.memory_space<vmem>>
      %dma_start3A_358 = arith.constant 0 : i32
      %dma_start3A_359 = arith.constant 0 : i32
      %dma_start3A_360 = tpu.memref_slice %arg7[%dma_start3A_358, %dma_start3A_359] : memref<102400x8xf32, #tpu.memory_space<vmem_shared>> -> memref<102400x8xf32, #tpu.memory_space<vmem_shared>>
      tpu.enqueue_indirect_dma source(%dma_start3A_354 : memref<128x8xf32, #tpu.memory_space<vmem>>) target(%dma_start3A_360 : memref<102400x8xf32, #tpu.memory_space<vmem_shared>>) offsets(%dma_start3A_357 : memref<128xi32, #tpu.memory_space<vmem>>) semaphore(%arg12 : memref<!tpu.dma_semaphore, #tpu.memory_space<semaphore_mem>>) {add = true}
      %add3A_361 = arith.constant 128 : i32
      %add3A_362 = arith.addi %mul3A_182, %add3A_361 : i32
      %add3A_363 = arith.constant 1 : i32
      %add3A_364 = arith.addi %mul3A_184, %add3A_363 : i32
      %dma_start3A_365 = arith.constant 0 : i32
      %dma_start3A_366 = tpu.memref_slice %arg10[%add3A_362, %dma_start3A_365] : memref<2048x8xf32, #tpu.memory_space<vmem>> -> memref<128x8xf32, #tpu.memory_space<vmem>>
      %dma_start3A_367 = arith.constant 0 : i32
      %dma_start3A_368 = tpu.memref_slice %arg9[%add3A_364, %dma_start3A_367] : memref<16x128xi32, #tpu.memory_space<vmem>> -> memref<1x128xi32, #tpu.memory_space<vmem>>
      %dma_start3A_369 = tpu.memref_squeeze %dma_start3A_368 : memref<1x128xi32, #tpu.memory_space<vmem>> -> memref<128xi32, #tpu.memory_space<vmem>>
      %dma_start3A_370 = arith.constant 0 : i32
      %dma_start3A_371 = arith.constant 0 : i32
      %dma_start3A_372 = tpu.memref_slice %arg7[%dma_start3A_370, %dma_start3A_371] : memref<102400x8xf32, #tpu.memory_space<vmem_shared>> -> memref<102400x8xf32, #tpu.memory_space<vmem_shared>>
      tpu.enqueue_indirect_dma source(%dma_start3A_366 : memref<128x8xf32, #tpu.memory_space<vmem>>) target(%dma_start3A_372 : memref<102400x8xf32, #tpu.memory_space<vmem_shared>>) offsets(%dma_start3A_369 : memref<128xi32, #tpu.memory_space<vmem>>) semaphore(%arg12 : memref<!tpu.dma_semaphore, #tpu.memory_space<semaphore_mem>>) {add = true}
      %add3A_373 = arith.constant 256 : i32
      %add3A_374 = arith.addi %mul3A_182, %add3A_373 : i32
      %add3A_375 = arith.constant 2 : i32
      %add3A_376 = arith.addi %mul3A_184, %add3A_375 : i32
      %dma_start3A_377 = arith.constant 0 : i32
      %dma_start3A_378 = tpu.memref_slice %arg10[%add3A_374, %dma_start3A_377] : memref<2048x8xf32, #tpu.memory_space<vmem>> -> memref<128x8xf32, #tpu.memory_space<vmem>>
      %dma_start3A_379 = arith.constant 0 : i32
      %dma_start3A_380 = tpu.memref_slice %arg9[%add3A_376, %dma_start3A_379] : memref<16x128xi32, #tpu.memory_space<vmem>> -> memref<1x128xi32, #tpu.memory_space<vmem>>
      %dma_start3A_381 = tpu.memref_squeeze %dma_start3A_380 : memref<1x128xi32, #tpu.memory_space<vmem>> -> memref<128xi32, #tpu.memory_space<vmem>>
      %dma_start3A_382 = arith.constant 0 : i32
      %dma_start3A_383 = arith.constant 0 : i32
      %dma_start3A_384 = tpu.memref_slice %arg7[%dma_start3A_382, %dma_start3A_383] : memref<102400x8xf32, #tpu.memory_space<vmem_shared>> -> memref<102400x8xf32, #tpu.memory_space<vmem_shared>>
      tpu.enqueue_indirect_dma source(%dma_start3A_378 : memref<128x8xf32, #tpu.memory_space<vmem>>) target(%dma_start3A_384 : memref<102400x8xf32, #tpu.memory_space<vmem_shared>>) offsets(%dma_start3A_381 : memref<128xi32, #tpu.memory_space<vmem>>) semaphore(%arg12 : memref<!tpu.dma_semaphore, #tpu.memory_space<semaphore_mem>>) {add = true}
      %add3A_385 = arith.constant 384 : i32
      %add3A_386 = arith.addi %mul3A_182, %add3A_385 : i32
      %add3A_387 = arith.constant 3 : i32
      %add3A_388 = arith.addi %mul3A_184, %add3A_387 : i32
      %dma_start3A_389 = arith.constant 0 : i32
      %dma_start3A_390 = tpu.memref_slice %arg10[%add3A_386, %dma_start3A_389] : memref<2048x8xf32, #tpu.memory_space<vmem>> -> memref<128x8xf32, #tpu.memory_space<vmem>>
      %dma_start3A_391 = arith.constant 0 : i32
      %dma_start3A_392 = tpu.memref_slice %arg9[%add3A_388, %dma_start3A_391] : memref<16x128xi32, #tpu.memory_space<vmem>> -> memref<1x128xi32, #tpu.memory_space<vmem>>
      %dma_start3A_393 = tpu.memref_squeeze %dma_start3A_392 : memref<1x128xi32, #tpu.memory_space<vmem>> -> memref<128xi32, #tpu.memory_space<vmem>>
      %dma_start3A_394 = arith.constant 0 : i32
      %dma_start3A_395 = arith.constant 0 : i32
      %dma_start3A_396 = tpu.memref_slice %arg7[%dma_start3A_394, %dma_start3A_395] : memref<102400x8xf32, #tpu.memory_space<vmem_shared>> -> memref<102400x8xf32, #tpu.memory_space<vmem_shared>>
      tpu.enqueue_indirect_dma source(%dma_start3A_390 : memref<128x8xf32, #tpu.memory_space<vmem>>) target(%dma_start3A_396 : memref<102400x8xf32, #tpu.memory_space<vmem_shared>>) offsets(%dma_start3A_393 : memref<128xi32, #tpu.memory_space<vmem>>) semaphore(%arg12 : memref<!tpu.dma_semaphore, #tpu.memory_space<semaphore_mem>>) {add = true}
      %add3A_397 = arith.constant 512 : i32
      %add3A_398 = arith.addi %mul3A_182, %add3A_397 : i32
      %add3A_399 = arith.constant 4 : i32
      %add3A_400 = arith.addi %mul3A_184, %add3A_399 : i32
      %dma_start3A_401 = arith.constant 0 : i32
      %dma_start3A_402 = tpu.memref_slice %arg10[%add3A_398, %dma_start3A_401] : memref<2048x8xf32, #tpu.memory_space<vmem>> -> memref<128x8xf32, #tpu.memory_space<vmem>>
      %dma_start3A_403 = arith.constant 0 : i32
      %dma_start3A_404 = tpu.memref_slice %arg9[%add3A_400, %dma_start3A_403] : memref<16x128xi32, #tpu.memory_space<vmem>> -> memref<1x128xi32, #tpu.memory_space<vmem>>
      %dma_start3A_405 = tpu.memref_squeeze %dma_start3A_404 : memref<1x128xi32, #tpu.memory_space<vmem>> -> memref<128xi32, #tpu.memory_space<vmem>>
      %dma_start3A_406 = arith.constant 0 : i32
      %dma_start3A_407 = arith.constant 0 : i32
      %dma_start3A_408 = tpu.memref_slice %arg7[%dma_start3A_406, %dma_start3A_407] : memref<102400x8xf32, #tpu.memory_space<vmem_shared>> -> memref<102400x8xf32, #tpu.memory_space<vmem_shared>>
      tpu.enqueue_indirect_dma source(%dma_start3A_402 : memref<128x8xf32, #tpu.memory_space<vmem>>) target(%dma_start3A_408 : memref<102400x8xf32, #tpu.memory_space<vmem_shared>>) offsets(%dma_start3A_405 : memref<128xi32, #tpu.memory_space<vmem>>) semaphore(%arg12 : memref<!tpu.dma_semaphore, #tpu.memory_space<semaphore_mem>>) {add = true}
      %add3A_409 = arith.constant 640 : i32
      %add3A_410 = arith.addi %mul3A_182, %add3A_409 : i32
      %add3A_411 = arith.constant 5 : i32
      %add3A_412 = arith.addi %mul3A_184, %add3A_411 : i32
      %dma_start3A_413 = arith.constant 0 : i32
      %dma_start3A_414 = tpu.memref_slice %arg10[%add3A_410, %dma_start3A_413] : memref<2048x8xf32, #tpu.memory_space<vmem>> -> memref<128x8xf32, #tpu.memory_space<vmem>>
      %dma_start3A_415 = arith.constant 0 : i32
      %dma_start3A_416 = tpu.memref_slice %arg9[%add3A_412, %dma_start3A_415] : memref<16x128xi32, #tpu.memory_space<vmem>> -> memref<1x128xi32, #tpu.memory_space<vmem>>
      %dma_start3A_417 = tpu.memref_squeeze %dma_start3A_416 : memref<1x128xi32, #tpu.memory_space<vmem>> -> memref<128xi32, #tpu.memory_space<vmem>>
      %dma_start3A_418 = arith.constant 0 : i32
      %dma_start3A_419 = arith.constant 0 : i32
      %dma_start3A_420 = tpu.memref_slice %arg7[%dma_start3A_418, %dma_start3A_419] : memref<102400x8xf32, #tpu.memory_space<vmem_shared>> -> memref<102400x8xf32, #tpu.memory_space<vmem_shared>>
      tpu.enqueue_indirect_dma source(%dma_start3A_414 : memref<128x8xf32, #tpu.memory_space<vmem>>) target(%dma_start3A_420 : memref<102400x8xf32, #tpu.memory_space<vmem_shared>>) offsets(%dma_start3A_417 : memref<128xi32, #tpu.memory_space<vmem>>) semaphore(%arg12 : memref<!tpu.dma_semaphore, #tpu.memory_space<semaphore_mem>>) {add = true}
      %add3A_421 = arith.constant 768 : i32
      %add3A_422 = arith.addi %mul3A_182, %add3A_421 : i32
      %add3A_423 = arith.constant 6 : i32
      %add3A_424 = arith.addi %mul3A_184, %add3A_423 : i32
      %dma_start3A_425 = arith.constant 0 : i32
      %dma_start3A_426 = tpu.memref_slice %arg10[%add3A_422, %dma_start3A_425] : memref<2048x8xf32, #tpu.memory_space<vmem>> -> memref<128x8xf32, #tpu.memory_space<vmem>>
      %dma_start3A_427 = arith.constant 0 : i32
      %dma_start3A_428 = tpu.memref_slice %arg9[%add3A_424, %dma_start3A_427] : memref<16x128xi32, #tpu.memory_space<vmem>> -> memref<1x128xi32, #tpu.memory_space<vmem>>
      %dma_start3A_429 = tpu.memref_squeeze %dma_start3A_428 : memref<1x128xi32, #tpu.memory_space<vmem>> -> memref<128xi32, #tpu.memory_space<vmem>>
      %dma_start3A_430 = arith.constant 0 : i32
      %dma_start3A_431 = arith.constant 0 : i32
      %dma_start3A_432 = tpu.memref_slice %arg7[%dma_start3A_430, %dma_start3A_431] : memref<102400x8xf32, #tpu.memory_space<vmem_shared>> -> memref<102400x8xf32, #tpu.memory_space<vmem_shared>>
      tpu.enqueue_indirect_dma source(%dma_start3A_426 : memref<128x8xf32, #tpu.memory_space<vmem>>) target(%dma_start3A_432 : memref<102400x8xf32, #tpu.memory_space<vmem_shared>>) offsets(%dma_start3A_429 : memref<128xi32, #tpu.memory_space<vmem>>) semaphore(%arg12 : memref<!tpu.dma_semaphore, #tpu.memory_space<semaphore_mem>>) {add = true}
      %add3A_433 = arith.constant 896 : i32
      %add3A_434 = arith.addi %mul3A_182, %add3A_433 : i32
      %add3A_435 = arith.constant 7 : i32
      %add3A_436 = arith.addi %mul3A_184, %add3A_435 : i32
      %dma_start3A_437 = arith.constant 0 : i32
      %dma_start3A_438 = tpu.memref_slice %arg10[%add3A_434, %dma_start3A_437] : memref<2048x8xf32, #tpu.memory_space<vmem>> -> memref<128x8xf32, #tpu.memory_space<vmem>>
      %dma_start3A_439 = arith.constant 0 : i32
      %dma_start3A_440 = tpu.memref_slice %arg9[%add3A_436, %dma_start3A_439] : memref<16x128xi32, #tpu.memory_space<vmem>> -> memref<1x128xi32, #tpu.memory_space<vmem>>
      %dma_start3A_441 = tpu.memref_squeeze %dma_start3A_440 : memref<1x128xi32, #tpu.memory_space<vmem>> -> memref<128xi32, #tpu.memory_space<vmem>>
      %dma_start3A_442 = arith.constant 0 : i32
      %dma_start3A_443 = arith.constant 0 : i32
      %dma_start3A_444 = tpu.memref_slice %arg7[%dma_start3A_442, %dma_start3A_443] : memref<102400x8xf32, #tpu.memory_space<vmem_shared>> -> memref<102400x8xf32, #tpu.memory_space<vmem_shared>>
      tpu.enqueue_indirect_dma source(%dma_start3A_438 : memref<128x8xf32, #tpu.memory_space<vmem>>) target(%dma_start3A_444 : memref<102400x8xf32, #tpu.memory_space<vmem_shared>>) offsets(%dma_start3A_441 : memref<128xi32, #tpu.memory_space<vmem>>) semaphore(%arg12 : memref<!tpu.dma_semaphore, #tpu.memory_space<semaphore_mem>>) {add = true}
    }
    %scan3A_10 = arith.constant 49 : i32
    %dma_wait3A = arith.constant 0 : i32
    %dma_wait3A_11 = arith.constant 0 : i32
    %dma_wait3A_12 = arith.constant 0 : i32
    %dma_wait3A_13 = tpu.memref_slice %arg10[%dma_wait3A_11, %dma_wait3A_12] : memref<2048x8xf32, #tpu.memory_space<vmem>> -> memref<128x8xf32, #tpu.memory_space<vmem>>
    %dma_wait3A_14 = arith.constant 0 : i32
    %dma_wait3A_15 = tpu.memref_slice %arg9[%dma_wait3A, %dma_wait3A_14] : memref<16x128xi32, #tpu.memory_space<vmem>> -> memref<1x128xi32, #tpu.memory_space<vmem>>
    %dma_wait3A_16 = tpu.memref_squeeze %dma_wait3A_15 : memref<1x128xi32, #tpu.memory_space<vmem>> -> memref<128xi32, #tpu.memory_space<vmem>>
    %dma_wait3A_17 = arith.constant 0 : i32
    %dma_wait3A_18 = arith.constant 0 : i32
    %dma_wait3A_19 = tpu.memref_slice %arg7[%dma_wait3A_17, %dma_wait3A_18] : memref<102400x8xf32, #tpu.memory_space<vmem_shared>> -> memref<102400x8xf32, #tpu.memory_space<vmem_shared>>
    tpu.wait_indirect_dma semaphore(%arg12 : memref<!tpu.dma_semaphore, #tpu.memory_space<semaphore_mem>>) src(%dma_wait3A_13 : memref<128x8xf32, #tpu.memory_space<vmem>>) dst(%dma_wait3A_19 : memref<102400x8xf32, #tpu.memory_space<vmem_shared>>)
    %dma_wait3A_20 = arith.constant 0 : i32
    %dma_wait3A_21 = arith.constant 0 : i32
    %dma_wait3A_22 = arith.constant 0 : i32
    %dma_wait3A_23 = tpu.memref_slice %arg10[%dma_wait3A_21, %dma_wait3A_22] : memref<2048x8xf32, #tpu.memory_space<vmem>> -> memref<128x8xf32, #tpu.memory_space<vmem>>
    %dma_wait3A_24 = arith.constant 0 : i32
    %dma_wait3A_25 = tpu.memref_slice %arg9[%dma_wait3A_20, %dma_wait3A_24] : memref<16x128xi32, #tpu.memory_space<vmem>> -> memref<1x128xi32, #tpu.memory_space<vmem>>
    %dma_wait3A_26 = tpu.memref_squeeze %dma_wait3A_25 : memref<1x128xi32, #tpu.memory_space<vmem>> -> memref<128xi32, #tpu.memory_space<vmem>>
    %dma_wait3A_27 = arith.constant 0 : i32
    %dma_wait3A_28 = arith.constant 0 : i32
    %dma_wait3A_29 = tpu.memref_slice %arg7[%dma_wait3A_27, %dma_wait3A_28] : memref<102400x8xf32, #tpu.memory_space<vmem_shared>> -> memref<102400x8xf32, #tpu.memory_space<vmem_shared>>
    tpu.wait_indirect_dma semaphore(%arg12 : memref<!tpu.dma_semaphore, #tpu.memory_space<semaphore_mem>>) src(%dma_wait3A_23 : memref<128x8xf32, #tpu.memory_space<vmem>>) dst(%dma_wait3A_29 : memref<102400x8xf32, #tpu.memory_space<vmem_shared>>)
    %dma_wait3A_30 = arith.constant 0 : i32
    %dma_wait3A_31 = arith.constant 0 : i32
    %dma_wait3A_32 = arith.constant 0 : i32
    %dma_wait3A_33 = tpu.memref_slice %arg10[%dma_wait3A_31, %dma_wait3A_32] : memref<2048x8xf32, #tpu.memory_space<vmem>> -> memref<128x8xf32, #tpu.memory_space<vmem>>
    %dma_wait3A_34 = arith.constant 0 : i32
    %dma_wait3A_35 = tpu.memref_slice %arg9[%dma_wait3A_30, %dma_wait3A_34] : memref<16x128xi32, #tpu.memory_space<vmem>> -> memref<1x128xi32, #tpu.memory_space<vmem>>
    %dma_wait3A_36 = tpu.memref_squeeze %dma_wait3A_35 : memref<1x128xi32, #tpu.memory_space<vmem>> -> memref<128xi32, #tpu.memory_space<vmem>>
    %dma_wait3A_37 = arith.constant 0 : i32
    %dma_wait3A_38 = arith.constant 0 : i32
    %dma_wait3A_39 = tpu.memref_slice %arg7[%dma_wait3A_37, %dma_wait3A_38] : memref<102400x8xf32, #tpu.memory_space<vmem_shared>> -> memref<102400x8xf32, #tpu.memory_space<vmem_shared>>
    tpu.wait_indirect_dma semaphore(%arg12 : memref<!tpu.dma_semaphore, #tpu.memory_space<semaphore_mem>>) src(%dma_wait3A_33 : memref<128x8xf32, #tpu.memory_space<vmem>>) dst(%dma_wait3A_39 : memref<102400x8xf32, #tpu.memory_space<vmem_shared>>)
    %dma_wait3A_40 = arith.constant 0 : i32
    %dma_wait3A_41 = arith.constant 0 : i32
    %dma_wait3A_42 = arith.constant 0 : i32
    %dma_wait3A_43 = tpu.memref_slice %arg10[%dma_wait3A_41, %dma_wait3A_42] : memref<2048x8xf32, #tpu.memory_space<vmem>> -> memref<128x8xf32, #tpu.memory_space<vmem>>
    %dma_wait3A_44 = arith.constant 0 : i32
    %dma_wait3A_45 = tpu.memref_slice %arg9[%dma_wait3A_40, %dma_wait3A_44] : memref<16x128xi32, #tpu.memory_space<vmem>> -> memref<1x128xi32, #tpu.memory_space<vmem>>
    %dma_wait3A_46 = tpu.memref_squeeze %dma_wait3A_45 : memref<1x128xi32, #tpu.memory_space<vmem>> -> memref<128xi32, #tpu.memory_space<vmem>>
    %dma_wait3A_47 = arith.constant 0 : i32
    %dma_wait3A_48 = arith.constant 0 : i32
    %dma_wait3A_49 = tpu.memref_slice %arg7[%dma_wait3A_47, %dma_wait3A_48] : memref<102400x8xf32, #tpu.memory_space<vmem_shared>> -> memref<102400x8xf32, #tpu.memory_space<vmem_shared>>
    tpu.wait_indirect_dma semaphore(%arg12 : memref<!tpu.dma_semaphore, #tpu.memory_space<semaphore_mem>>) src(%dma_wait3A_43 : memref<128x8xf32, #tpu.memory_space<vmem>>) dst(%dma_wait3A_49 : memref<102400x8xf32, #tpu.memory_space<vmem_shared>>)
    %dma_wait3A_50 = arith.constant 0 : i32
    %dma_wait3A_51 = arith.constant 0 : i32
    %dma_wait3A_52 = arith.constant 0 : i32
    %dma_wait3A_53 = tpu.memref_slice %arg10[%dma_wait3A_51, %dma_wait3A_52] : memref<2048x8xf32, #tpu.memory_space<vmem>> -> memref<128x8xf32, #tpu.memory_space<vmem>>
    %dma_wait3A_54 = arith.constant 0 : i32
    %dma_wait3A_55 = tpu.memref_slice %arg9[%dma_wait3A_50, %dma_wait3A_54] : memref<16x128xi32, #tpu.memory_space<vmem>> -> memref<1x128xi32, #tpu.memory_space<vmem>>
    %dma_wait3A_56 = tpu.memref_squeeze %dma_wait3A_55 : memref<1x128xi32, #tpu.memory_space<vmem>> -> memref<128xi32, #tpu.memory_space<vmem>>
    %dma_wait3A_57 = arith.constant 0 : i32
    %dma_wait3A_58 = arith.constant 0 : i32
    %dma_wait3A_59 = tpu.memref_slice %arg7[%dma_wait3A_57, %dma_wait3A_58] : memref<102400x8xf32, #tpu.memory_space<vmem_shared>> -> memref<102400x8xf32, #tpu.memory_space<vmem_shared>>
    tpu.wait_indirect_dma semaphore(%arg12 : memref<!tpu.dma_semaphore, #tpu.memory_space<semaphore_mem>>) src(%dma_wait3A_53 : memref<128x8xf32, #tpu.memory_space<vmem>>) dst(%dma_wait3A_59 : memref<102400x8xf32, #tpu.memory_space<vmem_shared>>)
    %dma_wait3A_60 = arith.constant 0 : i32
    %dma_wait3A_61 = arith.constant 0 : i32
    %dma_wait3A_62 = arith.constant 0 : i32
    %dma_wait3A_63 = tpu.memref_slice %arg10[%dma_wait3A_61, %dma_wait3A_62] : memref<2048x8xf32, #tpu.memory_space<vmem>> -> memref<128x8xf32, #tpu.memory_space<vmem>>
    %dma_wait3A_64 = arith.constant 0 : i32
    %dma_wait3A_65 = tpu.memref_slice %arg9[%dma_wait3A_60, %dma_wait3A_64] : memref<16x128xi32, #tpu.memory_space<vmem>> -> memref<1x128xi32, #tpu.memory_space<vmem>>
    %dma_wait3A_66 = tpu.memref_squeeze %dma_wait3A_65 : memref<1x128xi32, #tpu.memory_space<vmem>> -> memref<128xi32, #tpu.memory_space<vmem>>
    %dma_wait3A_67 = arith.constant 0 : i32
    %dma_wait3A_68 = arith.constant 0 : i32
    %dma_wait3A_69 = tpu.memref_slice %arg7[%dma_wait3A_67, %dma_wait3A_68] : memref<102400x8xf32, #tpu.memory_space<vmem_shared>> -> memref<102400x8xf32, #tpu.memory_space<vmem_shared>>
    tpu.wait_indirect_dma semaphore(%arg12 : memref<!tpu.dma_semaphore, #tpu.memory_space<semaphore_mem>>) src(%dma_wait3A_63 : memref<128x8xf32, #tpu.memory_space<vmem>>) dst(%dma_wait3A_69 : memref<102400x8xf32, #tpu.memory_space<vmem_shared>>)
    %dma_wait3A_70 = arith.constant 0 : i32
    %dma_wait3A_71 = arith.constant 0 : i32
    %dma_wait3A_72 = arith.constant 0 : i32
    %dma_wait3A_73 = tpu.memref_slice %arg10[%dma_wait3A_71, %dma_wait3A_72] : memref<2048x8xf32, #tpu.memory_space<vmem>> -> memref<128x8xf32, #tpu.memory_space<vmem>>
    %dma_wait3A_74 = arith.constant 0 : i32
    %dma_wait3A_75 = tpu.memref_slice %arg9[%dma_wait3A_70, %dma_wait3A_74] : memref<16x128xi32, #tpu.memory_space<vmem>> -> memref<1x128xi32, #tpu.memory_space<vmem>>
    %dma_wait3A_76 = tpu.memref_squeeze %dma_wait3A_75 : memref<1x128xi32, #tpu.memory_space<vmem>> -> memref<128xi32, #tpu.memory_space<vmem>>
    %dma_wait3A_77 = arith.constant 0 : i32
    %dma_wait3A_78 = arith.constant 0 : i32
    %dma_wait3A_79 = tpu.memref_slice %arg7[%dma_wait3A_77, %dma_wait3A_78] : memref<102400x8xf32, #tpu.memory_space<vmem_shared>> -> memref<102400x8xf32, #tpu.memory_space<vmem_shared>>
    tpu.wait_indirect_dma semaphore(%arg12 : memref<!tpu.dma_semaphore, #tpu.memory_space<semaphore_mem>>) src(%dma_wait3A_73 : memref<128x8xf32, #tpu.memory_space<vmem>>) dst(%dma_wait3A_79 : memref<102400x8xf32, #tpu.memory_space<vmem_shared>>)
    %dma_wait3A_80 = arith.constant 0 : i32
    %dma_wait3A_81 = arith.constant 0 : i32
    %dma_wait3A_82 = arith.constant 0 : i32
    %dma_wait3A_83 = tpu.memref_slice %arg10[%dma_wait3A_81, %dma_wait3A_82] : memref<2048x8xf32, #tpu.memory_space<vmem>> -> memref<128x8xf32, #tpu.memory_space<vmem>>
    %dma_wait3A_84 = arith.constant 0 : i32
    %dma_wait3A_85 = tpu.memref_slice %arg9[%dma_wait3A_80, %dma_wait3A_84] : memref<16x128xi32, #tpu.memory_space<vmem>> -> memref<1x128xi32, #tpu.memory_space<vmem>>
    %dma_wait3A_86 = tpu.memref_squeeze %dma_wait3A_85 : memref<1x128xi32, #tpu.memory_space<vmem>> -> memref<128xi32, #tpu.memory_space<vmem>>
    %dma_wait3A_87 = arith.constant 0 : i32
    %dma_wait3A_88 = arith.constant 0 : i32
    %dma_wait3A_89 = tpu.memref_slice %arg7[%dma_wait3A_87, %dma_wait3A_88] : memref<102400x8xf32, #tpu.memory_space<vmem_shared>> -> memref<102400x8xf32, #tpu.memory_space<vmem_shared>>
    tpu.wait_indirect_dma semaphore(%arg12 : memref<!tpu.dma_semaphore, #tpu.memory_space<semaphore_mem>>) src(%dma_wait3A_83 : memref<128x8xf32, #tpu.memory_space<vmem>>) dst(%dma_wait3A_89 : memref<102400x8xf32, #tpu.memory_space<vmem_shared>>)
    %dma_wait3A_90 = arith.constant 0 : i32
    %dma_wait3A_91 = arith.constant 0 : i32
    %dma_wait3A_92 = arith.constant 0 : i32
    %dma_wait3A_93 = tpu.memref_slice %arg10[%dma_wait3A_91, %dma_wait3A_92] : memref<2048x8xf32, #tpu.memory_space<vmem>> -> memref<128x8xf32, #tpu.memory_space<vmem>>
    %dma_wait3A_94 = arith.constant 0 : i32
    %dma_wait3A_95 = tpu.memref_slice %arg9[%dma_wait3A_90, %dma_wait3A_94] : memref<16x128xi32, #tpu.memory_space<vmem>> -> memref<1x128xi32, #tpu.memory_space<vmem>>
    %dma_wait3A_96 = tpu.memref_squeeze %dma_wait3A_95 : memref<1x128xi32, #tpu.memory_space<vmem>> -> memref<128xi32, #tpu.memory_space<vmem>>
    %dma_wait3A_97 = arith.constant 0 : i32
    %dma_wait3A_98 = arith.constant 0 : i32
    %dma_wait3A_99 = tpu.memref_slice %arg7[%dma_wait3A_97, %dma_wait3A_98] : memref<102400x8xf32, #tpu.memory_space<vmem_shared>> -> memref<102400x8xf32, #tpu.memory_space<vmem_shared>>
    tpu.wait_indirect_dma semaphore(%arg12 : memref<!tpu.dma_semaphore, #tpu.memory_space<semaphore_mem>>) src(%dma_wait3A_93 : memref<128x8xf32, #tpu.memory_space<vmem>>) dst(%dma_wait3A_99 : memref<102400x8xf32, #tpu.memory_space<vmem_shared>>)
    %dma_wait3A_100 = arith.constant 0 : i32
    %dma_wait3A_101 = arith.constant 0 : i32
    %dma_wait3A_102 = arith.constant 0 : i32
    %dma_wait3A_103 = tpu.memref_slice %arg10[%dma_wait3A_101, %dma_wait3A_102] : memref<2048x8xf32, #tpu.memory_space<vmem>> -> memref<128x8xf32, #tpu.memory_space<vmem>>
    %dma_wait3A_104 = arith.constant 0 : i32
    %dma_wait3A_105 = tpu.memref_slice %arg9[%dma_wait3A_100, %dma_wait3A_104] : memref<16x128xi32, #tpu.memory_space<vmem>> -> memref<1x128xi32, #tpu.memory_space<vmem>>
    %dma_wait3A_106 = tpu.memref_squeeze %dma_wait3A_105 : memref<1x128xi32, #tpu.memory_space<vmem>> -> memref<128xi32, #tpu.memory_space<vmem>>
    %dma_wait3A_107 = arith.constant 0 : i32
    %dma_wait3A_108 = arith.constant 0 : i32
    %dma_wait3A_109 = tpu.memref_slice %arg7[%dma_wait3A_107, %dma_wait3A_108] : memref<102400x8xf32, #tpu.memory_space<vmem_shared>> -> memref<102400x8xf32, #tpu.memory_space<vmem_shared>>
    tpu.wait_indirect_dma semaphore(%arg12 : memref<!tpu.dma_semaphore, #tpu.memory_space<semaphore_mem>>) src(%dma_wait3A_103 : memref<128x8xf32, #tpu.memory_space<vmem>>) dst(%dma_wait3A_109 : memref<102400x8xf32, #tpu.memory_space<vmem_shared>>)
    %dma_wait3A_110 = arith.constant 0 : i32
    %dma_wait3A_111 = arith.constant 0 : i32
    %dma_wait3A_112 = arith.constant 0 : i32
    %dma_wait3A_113 = tpu.memref_slice %arg10[%dma_wait3A_111, %dma_wait3A_112] : memref<2048x8xf32, #tpu.memory_space<vmem>> -> memref<128x8xf32, #tpu.memory_space<vmem>>
    %dma_wait3A_114 = arith.constant 0 : i32
    %dma_wait3A_115 = tpu.memref_slice %arg9[%dma_wait3A_110, %dma_wait3A_114] : memref<16x128xi32, #tpu.memory_space<vmem>> -> memref<1x128xi32, #tpu.memory_space<vmem>>
    %dma_wait3A_116 = tpu.memref_squeeze %dma_wait3A_115 : memref<1x128xi32, #tpu.memory_space<vmem>> -> memref<128xi32, #tpu.memory_space<vmem>>
    %dma_wait3A_117 = arith.constant 0 : i32
    %dma_wait3A_118 = arith.constant 0 : i32
    %dma_wait3A_119 = tpu.memref_slice %arg7[%dma_wait3A_117, %dma_wait3A_118] : memref<102400x8xf32, #tpu.memory_space<vmem_shared>> -> memref<102400x8xf32, #tpu.memory_space<vmem_shared>>
    tpu.wait_indirect_dma semaphore(%arg12 : memref<!tpu.dma_semaphore, #tpu.memory_space<semaphore_mem>>) src(%dma_wait3A_113 : memref<128x8xf32, #tpu.memory_space<vmem>>) dst(%dma_wait3A_119 : memref<102400x8xf32, #tpu.memory_space<vmem_shared>>)
    %dma_wait3A_120 = arith.constant 0 : i32
    %dma_wait3A_121 = arith.constant 0 : i32
    %dma_wait3A_122 = arith.constant 0 : i32
    %dma_wait3A_123 = tpu.memref_slice %arg10[%dma_wait3A_121, %dma_wait3A_122] : memref<2048x8xf32, #tpu.memory_space<vmem>> -> memref<128x8xf32, #tpu.memory_space<vmem>>
    %dma_wait3A_124 = arith.constant 0 : i32
    %dma_wait3A_125 = tpu.memref_slice %arg9[%dma_wait3A_120, %dma_wait3A_124] : memref<16x128xi32, #tpu.memory_space<vmem>> -> memref<1x128xi32, #tpu.memory_space<vmem>>
    %dma_wait3A_126 = tpu.memref_squeeze %dma_wait3A_125 : memref<1x128xi32, #tpu.memory_space<vmem>> -> memref<128xi32, #tpu.memory_space<vmem>>
    %dma_wait3A_127 = arith.constant 0 : i32
    %dma_wait3A_128 = arith.constant 0 : i32
    %dma_wait3A_129 = tpu.memref_slice %arg7[%dma_wait3A_127, %dma_wait3A_128] : memref<102400x8xf32, #tpu.memory_space<vmem_shared>> -> memref<102400x8xf32, #tpu.memory_space<vmem_shared>>
    tpu.wait_indirect_dma semaphore(%arg12 : memref<!tpu.dma_semaphore, #tpu.memory_space<semaphore_mem>>) src(%dma_wait3A_123 : memref<128x8xf32, #tpu.memory_space<vmem>>) dst(%dma_wait3A_129 : memref<102400x8xf32, #tpu.memory_space<vmem_shared>>)
    %dma_wait3A_130 = arith.constant 0 : i32
    %dma_wait3A_131 = arith.constant 0 : i32
    %dma_wait3A_132 = arith.constant 0 : i32
    %dma_wait3A_133 = tpu.memref_slice %arg10[%dma_wait3A_131, %dma_wait3A_132] : memref<2048x8xf32, #tpu.memory_space<vmem>> -> memref<128x8xf32, #tpu.memory_space<vmem>>
    %dma_wait3A_134 = arith.constant 0 : i32
    %dma_wait3A_135 = tpu.memref_slice %arg9[%dma_wait3A_130, %dma_wait3A_134] : memref<16x128xi32, #tpu.memory_space<vmem>> -> memref<1x128xi32, #tpu.memory_space<vmem>>
    %dma_wait3A_136 = tpu.memref_squeeze %dma_wait3A_135 : memref<1x128xi32, #tpu.memory_space<vmem>> -> memref<128xi32, #tpu.memory_space<vmem>>
    %dma_wait3A_137 = arith.constant 0 : i32
    %dma_wait3A_138 = arith.constant 0 : i32
    %dma_wait3A_139 = tpu.memref_slice %arg7[%dma_wait3A_137, %dma_wait3A_138] : memref<102400x8xf32, #tpu.memory_space<vmem_shared>> -> memref<102400x8xf32, #tpu.memory_space<vmem_shared>>
    tpu.wait_indirect_dma semaphore(%arg12 : memref<!tpu.dma_semaphore, #tpu.memory_space<semaphore_mem>>) src(%dma_wait3A_133 : memref<128x8xf32, #tpu.memory_space<vmem>>) dst(%dma_wait3A_139 : memref<102400x8xf32, #tpu.memory_space<vmem_shared>>)
    %dma_wait3A_140 = arith.constant 0 : i32
    %dma_wait3A_141 = arith.constant 0 : i32
    %dma_wait3A_142 = arith.constant 0 : i32
    %dma_wait3A_143 = tpu.memref_slice %arg10[%dma_wait3A_141, %dma_wait3A_142] : memref<2048x8xf32, #tpu.memory_space<vmem>> -> memref<128x8xf32, #tpu.memory_space<vmem>>
    %dma_wait3A_144 = arith.constant 0 : i32
    %dma_wait3A_145 = tpu.memref_slice %arg9[%dma_wait3A_140, %dma_wait3A_144] : memref<16x128xi32, #tpu.memory_space<vmem>> -> memref<1x128xi32, #tpu.memory_space<vmem>>
    %dma_wait3A_146 = tpu.memref_squeeze %dma_wait3A_145 : memref<1x128xi32, #tpu.memory_space<vmem>> -> memref<128xi32, #tpu.memory_space<vmem>>
    %dma_wait3A_147 = arith.constant 0 : i32
    %dma_wait3A_148 = arith.constant 0 : i32
    %dma_wait3A_149 = tpu.memref_slice %arg7[%dma_wait3A_147, %dma_wait3A_148] : memref<102400x8xf32, #tpu.memory_space<vmem_shared>> -> memref<102400x8xf32, #tpu.memory_space<vmem_shared>>
    tpu.wait_indirect_dma semaphore(%arg12 : memref<!tpu.dma_semaphore, #tpu.memory_space<semaphore_mem>>) src(%dma_wait3A_143 : memref<128x8xf32, #tpu.memory_space<vmem>>) dst(%dma_wait3A_149 : memref<102400x8xf32, #tpu.memory_space<vmem_shared>>)
    %dma_wait3A_150 = arith.constant 0 : i32
    %dma_wait3A_151 = arith.constant 0 : i32
    %dma_wait3A_152 = arith.constant 0 : i32
    %dma_wait3A_153 = tpu.memref_slice %arg10[%dma_wait3A_151, %dma_wait3A_152] : memref<2048x8xf32, #tpu.memory_space<vmem>> -> memref<128x8xf32, #tpu.memory_space<vmem>>
    %dma_wait3A_154 = arith.constant 0 : i32
    %dma_wait3A_155 = tpu.memref_slice %arg9[%dma_wait3A_150, %dma_wait3A_154] : memref<16x128xi32, #tpu.memory_space<vmem>> -> memref<1x128xi32, #tpu.memory_space<vmem>>
    %dma_wait3A_156 = tpu.memref_squeeze %dma_wait3A_155 : memref<1x128xi32, #tpu.memory_space<vmem>> -> memref<128xi32, #tpu.memory_space<vmem>>
    %dma_wait3A_157 = arith.constant 0 : i32
    %dma_wait3A_158 = arith.constant 0 : i32
    %dma_wait3A_159 = tpu.memref_slice %arg7[%dma_wait3A_157, %dma_wait3A_158] : memref<102400x8xf32, #tpu.memory_space<vmem_shared>> -> memref<102400x8xf32, #tpu.memory_space<vmem_shared>>
    tpu.wait_indirect_dma semaphore(%arg12 : memref<!tpu.dma_semaphore, #tpu.memory_space<semaphore_mem>>) src(%dma_wait3A_153 : memref<128x8xf32, #tpu.memory_space<vmem>>) dst(%dma_wait3A_159 : memref<102400x8xf32, #tpu.memory_space<vmem_shared>>)
    %dma_wait3A_160 = arith.constant 0 : i32
    %dma_wait3A_161 = arith.constant 0 : i32
    %dma_wait3A_162 = arith.constant 0 : i32
    %dma_wait3A_163 = tpu.memref_slice %arg10[%dma_wait3A_161, %dma_wait3A_162] : memref<2048x8xf32, #tpu.memory_space<vmem>> -> memref<128x8xf32, #tpu.memory_space<vmem>>
    %dma_wait3A_164 = arith.constant 0 : i32
    %dma_wait3A_165 = tpu.memref_slice %arg9[%dma_wait3A_160, %dma_wait3A_164] : memref<16x128xi32, #tpu.memory_space<vmem>> -> memref<1x128xi32, #tpu.memory_space<vmem>>
    %dma_wait3A_166 = tpu.memref_squeeze %dma_wait3A_165 : memref<1x128xi32, #tpu.memory_space<vmem>> -> memref<128xi32, #tpu.memory_space<vmem>>
    %dma_wait3A_167 = arith.constant 0 : i32
    %dma_wait3A_168 = arith.constant 0 : i32
    %dma_wait3A_169 = tpu.memref_slice %arg7[%dma_wait3A_167, %dma_wait3A_168] : memref<102400x8xf32, #tpu.memory_space<vmem_shared>> -> memref<102400x8xf32, #tpu.memory_space<vmem_shared>>
    tpu.wait_indirect_dma semaphore(%arg12 : memref<!tpu.dma_semaphore, #tpu.memory_space<semaphore_mem>>) src(%dma_wait3A_163 : memref<128x8xf32, #tpu.memory_space<vmem>>) dst(%dma_wait3A_169 : memref<102400x8xf32, #tpu.memory_space<vmem_shared>>)
    %barrier3A_170 = arith.constant 0 : index
    tpu.barrier barrier_id(%barrier3A_170)
    %mul3A_171 = arith.constant 6400 : i32
    %mul3A_172 = arith.muli %arg1, %mul3A_171 : i32
    %mul3A_173 = arith.constant 6400 : i32
    %mul3A_174 = arith.muli %arg1, %mul3A_173 : i32
    "tpu.region"() ({
      %run_scoped3A = tpu.sem_alloc : memref<!tpu.dma_semaphore, #tpu.memory_space<semaphore_mem>>
      %dma_start3A = arith.constant 0 : i32
      %dma_start3A_175 = tpu.memref_slice %arg6[%arg0, %mul3A_174, %dma_start3A] : memref<2x102400x8xf32, #tpu.memory_space<hbm>> -> memref<1x6400x8xf32, #tpu.memory_space<hbm>>
      %dma_start3A_176 = tpu.memref_squeeze %dma_start3A_175 : memref<1x6400x8xf32, #tpu.memory_space<hbm>> -> memref<6400x8xf32, #tpu.memory_space<hbm>>
      %dma_start3A_177 = arith.constant 0 : i32
      %dma_start3A_178 = tpu.memref_slice %arg7[%mul3A_172, %dma_start3A_177] : memref<102400x8xf32, #tpu.memory_space<vmem_shared>> -> memref<6400x8xf32, #tpu.memory_space<vmem_shared>>
      tpu.enqueue_dma source(%dma_start3A_178 : memref<6400x8xf32, #tpu.memory_space<vmem_shared>>) target(%dma_start3A_176 : memref<6400x8xf32, #tpu.memory_space<hbm>>) target_semaphore(%run_scoped3A : memref<!tpu.dma_semaphore, #tpu.memory_space<semaphore_mem>>)
      %dma_wait3A_179 = arith.constant 0 : i32
      %dma_wait3A_180 = tpu.memref_slice %arg6[%arg0, %mul3A_174, %dma_wait3A_179] : memref<2x102400x8xf32, #tpu.memory_space<hbm>> -> memref<1x6400x8xf32, #tpu.memory_space<hbm>>
      %dma_wait3A_181 = tpu.memref_squeeze %dma_wait3A_180 : memref<1x6400x8xf32, #tpu.memory_space<hbm>> -> memref<6400x8xf32, #tpu.memory_space<hbm>>
      %dma_wait3A_182 = arith.constant 0 : i32
      %dma_wait3A_183 = tpu.memref_slice %arg7[%mul3A_172, %dma_wait3A_182] : memref<102400x8xf32, #tpu.memory_space<vmem_shared>> -> memref<6400x8xf32, #tpu.memory_space<vmem_shared>>
      tpu.wait_dma2 semaphore(%run_scoped3A : memref<!tpu.dma_semaphore, #tpu.memory_space<semaphore_mem>>) src(%dma_wait3A_183 : memref<6400x8xf32, #tpu.memory_space<vmem_shared>>) dst(%dma_wait3A_181 : memref<6400x8xf32, #tpu.memory_space<hbm>>)
      tpu.yield
    }) : () -> ()
    return
  }
}

#map = affine_map<(d0, d1) -> (0, 0)>
#map1 = affine_map<(d0, d1) -> (0)>
#map2 = affine_map<(d0, d1) -> (0, 0, 0)>
module attributes {stable_mosaic.version = 14 : i64} {
  func.func @_prop1_body(%arg0: i32, %arg1: i32, %arg2: memref<2x102400xf32, #tpu.memory_space<hbm>>, %arg3: memref<409600xf32, #tpu.memory_space<hbm>>, %arg4: memref<12544x128xi32, #tpu.memory_space<hbm>>, %arg5: memref<12544x128xi32, #tpu.memory_space<hbm>>, %arg6: memref<102400x8xf32, #tpu.memory_space<hbm>>, %arg7: memref<102400x8xf32, #tpu.memory_space<hbm>>, %arg8: memref<102400x8xf32, #tpu.memory_space<hbm>>, %arg9: memref<2x102400x8xf32, #tpu.memory_space<hbm>>, %arg10: memref<102400x8xf32, #tpu.memory_space<vmem_shared>>, %arg11: memref<8x128xi32, #tpu.memory_space<vmem>>, %arg12: memref<16x128xi32, #tpu.memory_space<vmem>>, %arg13: memref<2048x8xf32, #tpu.memory_space<vmem>>, %arg14: memref<2x1600xf32, #tpu.memory_space<vmem>>, %arg15: memref<6400xf32, #tpu.memory_space<vmem>>, %arg16: memref<1600x8xf32, #tpu.memory_space<vmem>>, %arg17: memref<1600xf32, #tpu.memory_space<vmem>>, %arg18: memref<!tpu.dma_semaphore, #tpu.memory_space<semaphore_mem>>, %arg19: memref<!tpu.dma_semaphore, #tpu.memory_space<semaphore_mem>>) attributes {dimension_semantics = [#tpu.dimension_semantics<core_parallel>, #tpu.dimension_semantics<subcore_parallel>], iteration_bounds = array<i64: 2, 16>, scalar_prefetch = 0 : i64, scratch_operands = 10 : i64, tpu.core_type = #tpu.core_type<sc_vector_subcore>, window_params = [{transform_indices = #map}, {transform_indices = #map1}, {transform_indices = #map}, {transform_indices = #map}, {transform_indices = #map}, {transform_indices = #map}, {transform_indices = #map}, {transform_indices = #map2}]} {
    %mul3A = arith.constant 16 : i32
    %mul3A_0 = arith.muli %arg0, %mul3A : i32
    %add3A = arith.addi %mul3A_0, %arg1 : i32
    %mul3A_1 = arith.constant 6400 : i32
    %mul3A_2 = arith.muli %arg1, %mul3A_1 : i32
    "tpu.region"() ({
      %run_scoped3A = tpu.sem_alloc : memref<!tpu.dma_semaphore, #tpu.memory_space<semaphore_mem>>
      %dma_start3A = arith.constant 0 : i32
      %dma_start3A_65 = tpu.memref_slice %arg10[%mul3A_2, %dma_start3A] : memref<102400x8xf32, #tpu.memory_space<vmem_shared>> -> memref<6400x8xf32, #tpu.memory_space<vmem_shared>>
      %dma_start3A_66 = arith.constant 0 : i32
      %dma_start3A_67 = tpu.memref_slice %arg6[%mul3A_2, %dma_start3A_66] : memref<102400x8xf32, #tpu.memory_space<hbm>> -> memref<6400x8xf32, #tpu.memory_space<hbm>>
      tpu.enqueue_dma source(%dma_start3A_67 : memref<6400x8xf32, #tpu.memory_space<hbm>>) target(%dma_start3A_65 : memref<6400x8xf32, #tpu.memory_space<vmem_shared>>) target_semaphore(%run_scoped3A : memref<!tpu.dma_semaphore, #tpu.memory_space<semaphore_mem>>)
      %dma_wait3A = arith.constant 0 : i32
      %dma_wait3A_68 = tpu.memref_slice %arg10[%mul3A_2, %dma_wait3A] : memref<102400x8xf32, #tpu.memory_space<vmem_shared>> -> memref<6400x8xf32, #tpu.memory_space<vmem_shared>>
      %dma_wait3A_69 = arith.constant 0 : i32
      %dma_wait3A_70 = tpu.memref_slice %arg6[%mul3A_2, %dma_wait3A_69] : memref<102400x8xf32, #tpu.memory_space<hbm>> -> memref<6400x8xf32, #tpu.memory_space<hbm>>
      tpu.wait_dma2 semaphore(%run_scoped3A : memref<!tpu.dma_semaphore, #tpu.memory_space<semaphore_mem>>) src(%dma_wait3A_70 : memref<6400x8xf32, #tpu.memory_space<hbm>>) dst(%dma_wait3A_68 : memref<6400x8xf32, #tpu.memory_space<vmem_shared>>)
      tpu.yield
    }) : () -> ()
    %iota3A = tpu.iota {dimensions = array<i32: 0>} : vector<16xi32>
    %jit3A = arith.constant 8 : i32
    %div3A = vector.broadcast %jit3A : i32 to vector<16xi32>
    %div3A_3 = arith.divsi %iota3A, %div3A : vector<16xi32>
    %sign3A = arith.constant 0 : i32
    %sign3A_4 = vector.broadcast %sign3A : i32 to vector<16xi32>
    %sign3A_5 = arith.cmpi sgt, %iota3A, %sign3A_4 : vector<16xi32>
    %sign3A_6 = arith.extui %sign3A_5 : vector<16xi1> to vector<16xi32>
    %sign3A_7 = arith.constant 0 : i32
    %sign3A_8 = vector.broadcast %sign3A_7 : i32 to vector<16xi32>
    %sign3A_9 = arith.cmpi slt, %iota3A, %sign3A_8 : vector<16xi32>
    %sign3A_10 = arith.extui %sign3A_9 : vector<16xi1> to vector<16xi32>
    %sign3A_11 = arith.subi %sign3A_6, %sign3A_10 : vector<16xi32>
    %sign3A_12 = arith.constant 0 : i32
    %sign3A_13 = arith.cmpi sgt, %jit3A, %sign3A_12 : i32
    %sign3A_14 = arith.extui %sign3A_13 : i1 to i32
    %sign3A_15 = arith.constant 0 : i32
    %sign3A_16 = arith.cmpi slt, %jit3A, %sign3A_15 : i32
    %sign3A_17 = arith.extui %sign3A_16 : i1 to i32
    %sign3A_18 = arith.subi %sign3A_14, %sign3A_17 : i32
    %ne3A = vector.broadcast %sign3A_18 : i32 to vector<16xi32>
    %ne3A_19 = arith.cmpi ne, %sign3A_11, %ne3A : vector<16xi32>
    %rem3A = vector.broadcast %jit3A : i32 to vector<16xi32>
    %rem3A_20 = arith.remsi %iota3A, %rem3A : vector<16xi32>
    %ne3A_21 = arith.constant 0 : i32
    %ne3A_22 = vector.broadcast %ne3A_21 : i32 to vector<16xi32>
    %ne3A_23 = arith.cmpi ne, %rem3A_20, %ne3A_22 : vector<16xi32>
    %and3A = arith.andi %ne3A_19, %ne3A_23 : vector<16xi1>
    %sub3A = arith.constant 1 : i32
    %sub3A_24 = vector.broadcast %sub3A : i32 to vector<16xi32>
    %sub3A_25 = arith.subi %div3A_3, %sub3A_24 : vector<16xi32>
    %select_n3A = arith.select %and3A, %sub3A_25, %div3A_3 : vector<16xi1>, vector<16xi32>
    %jit3A_26 = arith.constant 8 : i32
    %eq3A = arith.constant 0 : i32
    %eq3A_27 = arith.cmpi eq, %jit3A_26, %eq3A : i32
    %jit3A_28 = arith.constant 1 : i32
    %select_n3A_29 = arith.select %eq3A_27, %jit3A_28, %jit3A_26 : i32
    %rem3A_30 = vector.broadcast %select_n3A_29 : i32 to vector<16xi32>
    %rem3A_31 = arith.remsi %iota3A, %rem3A_30 : vector<16xi32>
    %ne3A_32 = arith.constant 0 : i32
    %ne3A_33 = vector.broadcast %ne3A_32 : i32 to vector<16xi32>
    %ne3A_34 = arith.cmpi ne, %rem3A_31, %ne3A_33 : vector<16xi32>
    %lt3A = arith.constant 0 : i32
    %lt3A_35 = vector.broadcast %lt3A : i32 to vector<16xi32>
    %lt3A_36 = arith.cmpi slt, %rem3A_31, %lt3A_35 : vector<16xi32>
    %lt3A_37 = arith.constant 0 : i32
    %lt3A_38 = arith.cmpi slt, %select_n3A_29, %lt3A_37 : i32
    %ne3A_39 = vector.broadcast %lt3A_38 : i1 to vector<16xi1>
    %ne3A_40 = vector.broadcast %ne3A_39 : vector<16xi1> to vector<16xi1>
    %ne3A_41 = arith.xori %lt3A_36, %ne3A_40 : vector<16xi1>
    %and3A_42 = arith.andi %ne3A_41, %ne3A_34 : vector<16xi1>
    %add3A_43 = vector.broadcast %select_n3A_29 : i32 to vector<16xi32>
    %add3A_44 = arith.addi %rem3A_31, %add3A_43 : vector<16xi32>
    %select_n3A_45 = arith.select %and3A_42, %add3A_44, %rem3A_31 : vector<16xi1>, vector<16xi32>
    %lt3A_46 = arith.constant 4 : i32
    %lt3A_47 = vector.broadcast %lt3A_46 : i32 to vector<16xi32>
    %lt3A_48 = arith.cmpi slt, %select_n3A_45, %lt3A_47 : vector<16xi32>
    %eq3A_49 = arith.constant 4 : i32
    %eq3A_50 = vector.broadcast %eq3A_49 : i32 to vector<16xi32>
    %eq3A_51 = arith.cmpi eq, %select_n3A_45, %eq3A_50 : vector<16xi32>
    %broadcast_in_dim3A = arith.constant 0.000000e+00 : f32
    %broadcast_in_dim3A_52 = vector.broadcast %broadcast_in_dim3A : f32 to vector<16xf32>
    %min3A = arith.constant 3 : i32
    %min3A_53 = vector.broadcast %min3A : i32 to vector<16xi32>
    %min3A_54 = arith.minsi %select_n3A_45, %min3A_53 : vector<16xi32>
    %mul3A_55 = arith.constant 392 : i32
    %mul3A_56 = arith.muli %add3A, %mul3A_55 : i32
    %eq3A_57 = arith.constant 0 : i32
    %eq3A_58 = arith.cmpi eq, %arg0, %eq3A_57 : i32
    %convert_element_type3A = arith.extui %eq3A_58 : i1 to i32
    %cond3A = arith.constant 0 : i32
    %cond3A_59 = arith.cmpi ne, %convert_element_type3A, %cond3A : i32
    scf.if %cond3A_59 {
      %scan3A = arith.constant 0 : i32
      %scan3A_65 = arith.constant 4 : i32
      %scan3A_66 = arith.addi %scan3A, %scan3A_65 : i32
      %scan3A_67 = arith.constant 1 : i32
      scf.for %scan3A_234 = %scan3A to %scan3A_66 step %scan3A_67  : i32 {
        %mul3A_235 = arith.constant 1 : i32
        %mul3A_236 = arith.muli %scan3A_234, %mul3A_235 : i32
        %add3A_237 = arith.constant 0 : i32
        %add3A_238 = arith.addi %add3A_237, %mul3A_236 : i32
        %mul3A_239 = arith.constant 1600 : i32
        %mul3A_240 = arith.muli %add3A_238, %mul3A_239 : i32
        %add3A_241 = arith.addi %mul3A_2, %mul3A_240 : i32
        %run_scoped3A = arith.constant 0 : i32
        %run_scoped3A_242 = arith.constant 0 : i32
        "tpu.region"() ({
          %run_scoped3A_257 = tpu.sem_alloc : memref<!tpu.dma_semaphore, #tpu.memory_space<semaphore_mem>>
          %dma_start3A = arith.constant 0 : i32
          %dma_start3A_258 = tpu.memref_slice %arg14[%run_scoped3A_242, %dma_start3A] : memref<2x1600xf32, #tpu.memory_space<vmem>> -> memref<1x1600xf32, #tpu.memory_space<vmem>>
          %dma_start3A_259 = tpu.memref_squeeze %dma_start3A_258 : memref<1x1600xf32, #tpu.memory_space<vmem>> -> memref<1600xf32, #tpu.memory_space<vmem>>
          %dma_start3A_260 = tpu.memref_slice %arg2[%run_scoped3A, %add3A_241] : memref<2x102400xf32, #tpu.memory_space<hbm>> -> memref<1x1600xf32, #tpu.memory_space<hbm>>
          %dma_start3A_261 = tpu.memref_squeeze %dma_start3A_260 : memref<1x1600xf32, #tpu.memory_space<hbm>> -> memref<1600xf32, #tpu.memory_space<hbm>>
          %dma_start3A_262 = arith.constant 0 : i32
          %dma_start3A_263 = tpu.memref_slice %arg14[%run_scoped3A_242, %dma_start3A_262] : memref<2x1600xf32, #tpu.memory_space<vmem>> -> memref<1x1600xf32, #tpu.memory_space<vmem>>
          %dma_start3A_264 = tpu.memref_squeeze %dma_start3A_263 : memref<1x1600xf32, #tpu.memory_space<vmem>> -> memref<1600xf32, #tpu.memory_space<vmem>>
          %dma_start3A_265 = tpu.memref_slice %arg2[%run_scoped3A, %add3A_241] : memref<2x102400xf32, #tpu.memory_space<hbm>> -> memref<1x1600xf32, #tpu.memory_space<hbm>>
          %dma_start3A_266 = tpu.memref_squeeze %dma_start3A_265 : memref<1x1600xf32, #tpu.memory_space<hbm>> -> memref<1600xf32, #tpu.memory_space<hbm>>
          tpu.enqueue_dma source(%dma_start3A_266 : memref<1600xf32, #tpu.memory_space<hbm>>) target(%dma_start3A_264 : memref<1600xf32, #tpu.memory_space<vmem>>) target_semaphore(%run_scoped3A_257 : memref<!tpu.dma_semaphore, #tpu.memory_space<semaphore_mem>>)
          %dma_wait3A_267 = arith.constant 0 : i32
          %dma_wait3A_268 = tpu.memref_slice %arg14[%run_scoped3A_242, %dma_wait3A_267] : memref<2x1600xf32, #tpu.memory_space<vmem>> -> memref<1x1600xf32, #tpu.memory_space<vmem>>
          %dma_wait3A_269 = tpu.memref_squeeze %dma_wait3A_268 : memref<1x1600xf32, #tpu.memory_space<vmem>> -> memref<1600xf32, #tpu.memory_space<vmem>>
          %dma_wait3A_270 = tpu.memref_slice %arg2[%run_scoped3A, %add3A_241] : memref<2x102400xf32, #tpu.memory_space<hbm>> -> memref<1x1600xf32, #tpu.memory_space<hbm>>
          %dma_wait3A_271 = tpu.memref_squeeze %dma_wait3A_270 : memref<1x1600xf32, #tpu.memory_space<hbm>> -> memref<1600xf32, #tpu.memory_space<hbm>>
          %dma_wait3A_272 = arith.constant 0 : i32
          %dma_wait3A_273 = tpu.memref_slice %arg14[%run_scoped3A_242, %dma_wait3A_272] : memref<2x1600xf32, #tpu.memory_space<vmem>> -> memref<1x1600xf32, #tpu.memory_space<vmem>>
          %dma_wait3A_274 = tpu.memref_squeeze %dma_wait3A_273 : memref<1x1600xf32, #tpu.memory_space<vmem>> -> memref<1600xf32, #tpu.memory_space<vmem>>
          %dma_wait3A_275 = tpu.memref_slice %arg2[%run_scoped3A, %add3A_241] : memref<2x102400xf32, #tpu.memory_space<hbm>> -> memref<1x1600xf32, #tpu.memory_space<hbm>>
          %dma_wait3A_276 = tpu.memref_squeeze %dma_wait3A_275 : memref<1x1600xf32, #tpu.memory_space<hbm>> -> memref<1600xf32, #tpu.memory_space<hbm>>
          tpu.wait_dma2 semaphore(%run_scoped3A_257 : memref<!tpu.dma_semaphore, #tpu.memory_space<semaphore_mem>>) src(%dma_wait3A_276 : memref<1600xf32, #tpu.memory_space<hbm>>) dst(%dma_wait3A_274 : memref<1600xf32, #tpu.memory_space<vmem>>)
          tpu.yield
        }) : () -> ()
        %run_scoped3A_243 = arith.constant 1 : i32
        %run_scoped3A_244 = arith.constant 1 : i32
        "tpu.region"() ({
          %run_scoped3A_257 = tpu.sem_alloc : memref<!tpu.dma_semaphore, #tpu.memory_space<semaphore_mem>>
          %dma_start3A = arith.constant 0 : i32
          %dma_start3A_258 = tpu.memref_slice %arg14[%run_scoped3A_244, %dma_start3A] : memref<2x1600xf32, #tpu.memory_space<vmem>> -> memref<1x1600xf32, #tpu.memory_space<vmem>>
          %dma_start3A_259 = tpu.memref_squeeze %dma_start3A_258 : memref<1x1600xf32, #tpu.memory_space<vmem>> -> memref<1600xf32, #tpu.memory_space<vmem>>
          %dma_start3A_260 = tpu.memref_slice %arg2[%run_scoped3A_243, %add3A_241] : memref<2x102400xf32, #tpu.memory_space<hbm>> -> memref<1x1600xf32, #tpu.memory_space<hbm>>
          %dma_start3A_261 = tpu.memref_squeeze %dma_start3A_260 : memref<1x1600xf32, #tpu.memory_space<hbm>> -> memref<1600xf32, #tpu.memory_space<hbm>>
          %dma_start3A_262 = arith.constant 0 : i32
          %dma_start3A_263 = tpu.memref_slice %arg14[%run_scoped3A_244, %dma_start3A_262] : memref<2x1600xf32, #tpu.memory_space<vmem>> -> memref<1x1600xf32, #tpu.memory_space<vmem>>
          %dma_start3A_264 = tpu.memref_squeeze %dma_start3A_263 : memref<1x1600xf32, #tpu.memory_space<vmem>> -> memref<1600xf32, #tpu.memory_space<vmem>>
          %dma_start3A_265 = tpu.memref_slice %arg2[%run_scoped3A_243, %add3A_241] : memref<2x102400xf32, #tpu.memory_space<hbm>> -> memref<1x1600xf32, #tpu.memory_space<hbm>>
          %dma_start3A_266 = tpu.memref_squeeze %dma_start3A_265 : memref<1x1600xf32, #tpu.memory_space<hbm>> -> memref<1600xf32, #tpu.memory_space<hbm>>
          tpu.enqueue_dma source(%dma_start3A_266 : memref<1600xf32, #tpu.memory_space<hbm>>) target(%dma_start3A_264 : memref<1600xf32, #tpu.memory_space<vmem>>) target_semaphore(%run_scoped3A_257 : memref<!tpu.dma_semaphore, #tpu.memory_space<semaphore_mem>>)
          %dma_wait3A_267 = arith.constant 0 : i32
          %dma_wait3A_268 = tpu.memref_slice %arg14[%run_scoped3A_244, %dma_wait3A_267] : memref<2x1600xf32, #tpu.memory_space<vmem>> -> memref<1x1600xf32, #tpu.memory_space<vmem>>
          %dma_wait3A_269 = tpu.memref_squeeze %dma_wait3A_268 : memref<1x1600xf32, #tpu.memory_space<vmem>> -> memref<1600xf32, #tpu.memory_space<vmem>>
          %dma_wait3A_270 = tpu.memref_slice %arg2[%run_scoped3A_243, %add3A_241] : memref<2x102400xf32, #tpu.memory_space<hbm>> -> memref<1x1600xf32, #tpu.memory_space<hbm>>
          %dma_wait3A_271 = tpu.memref_squeeze %dma_wait3A_270 : memref<1x1600xf32, #tpu.memory_space<hbm>> -> memref<1600xf32, #tpu.memory_space<hbm>>
          %dma_wait3A_272 = arith.constant 0 : i32
          %dma_wait3A_273 = tpu.memref_slice %arg14[%run_scoped3A_244, %dma_wait3A_272] : memref<2x1600xf32, #tpu.memory_space<vmem>> -> memref<1x1600xf32, #tpu.memory_space<vmem>>
          %dma_wait3A_274 = tpu.memref_squeeze %dma_wait3A_273 : memref<1x1600xf32, #tpu.memory_space<vmem>> -> memref<1600xf32, #tpu.memory_space<vmem>>
          %dma_wait3A_275 = tpu.memref_slice %arg2[%run_scoped3A_243, %add3A_241] : memref<2x102400xf32, #tpu.memory_space<hbm>> -> memref<1x1600xf32, #tpu.memory_space<hbm>>
          %dma_wait3A_276 = tpu.memref_squeeze %dma_wait3A_275 : memref<1x1600xf32, #tpu.memory_space<hbm>> -> memref<1600xf32, #tpu.memory_space<hbm>>
          tpu.wait_dma2 semaphore(%run_scoped3A_257 : memref<!tpu.dma_semaphore, #tpu.memory_space<semaphore_mem>>) src(%dma_wait3A_276 : memref<1600xf32, #tpu.memory_space<hbm>>) dst(%dma_wait3A_274 : memref<1600xf32, #tpu.memory_space<vmem>>)
          tpu.yield
        }) : () -> ()
        %mul3A_245 = arith.constant 4 : i32
        %mul3A_246 = arith.muli %add3A_241, %mul3A_245 : i32
        "tpu.region"() ({
          %run_scoped3A_257 = tpu.sem_alloc : memref<!tpu.dma_semaphore, #tpu.memory_space<semaphore_mem>>
          %dma_start3A = tpu.memref_slice %arg3[%mul3A_246] : memref<409600xf32, #tpu.memory_space<hbm>> -> memref<6400xf32, #tpu.memory_space<hbm>>
          %dma_start3A_258 = tpu.memref_slice %arg3[%mul3A_246] : memref<409600xf32, #tpu.memory_space<hbm>> -> memref<6400xf32, #tpu.memory_space<hbm>>
          tpu.enqueue_dma source(%dma_start3A_258 : memref<6400xf32, #tpu.memory_space<hbm>>) target(%arg15 : memref<6400xf32, #tpu.memory_space<vmem>>) target_semaphore(%run_scoped3A_257 : memref<!tpu.dma_semaphore, #tpu.memory_space<semaphore_mem>>)
          %dma_wait3A_259 = tpu.memref_slice %arg3[%mul3A_246] : memref<409600xf32, #tpu.memory_space<hbm>> -> memref<6400xf32, #tpu.memory_space<hbm>>
          %dma_wait3A_260 = tpu.memref_slice %arg3[%mul3A_246] : memref<409600xf32, #tpu.memory_space<hbm>> -> memref<6400xf32, #tpu.memory_space<hbm>>
          tpu.wait_dma2 semaphore(%run_scoped3A_257 : memref<!tpu.dma_semaphore, #tpu.memory_space<semaphore_mem>>) src(%dma_wait3A_260 : memref<6400xf32, #tpu.memory_space<hbm>>) dst(%arg15 : memref<6400xf32, #tpu.memory_space<vmem>>)
          tpu.yield
        }) : () -> ()
        %scan3A_247 = arith.constant 0 : i32
        %scan3A_248 = arith.constant 100 : i32
        %scan3A_249 = arith.addi %scan3A_247, %scan3A_248 : i32
        %scan3A_250 = arith.constant 1 : i32
        scf.for %scan3A_257 = %scan3A_247 to %scan3A_249 step %scan3A_250  : i32 {
          %mul3A_258 = arith.constant 1 : i32
          %mul3A_259 = arith.muli %scan3A_257, %mul3A_258 : i32
          %add3A_260 = arith.constant 0 : i32
          %add3A_261 = arith.addi %add3A_260, %mul3A_259 : i32
          %mul3A_262 = arith.constant 16 : i32
          %mul3A_263 = arith.muli %add3A_261, %mul3A_262 : i32
          %get3A = arith.constant 0 : i32
          %get3A_264 = arith.index_cast %get3A : i32 to index
          %get3A_265 = arith.index_cast %mul3A_263 : i32 to index
          %get3A_266 = tpu.vector_load %arg14[%get3A_264, %get3A_265] {strides = array<i32>} : memref<2x1600xf32, #tpu.memory_space<vmem>>, vector<16xf32>,
          %mul3A_267 = arith.constant 16 : i32
          %mul3A_268 = arith.muli %add3A_261, %mul3A_267 : i32
          %get3A_269 = arith.constant 1 : i32
          %get3A_270 = arith.index_cast %get3A_269 : i32 to index
          %get3A_271 = arith.index_cast %mul3A_268 : i32 to index
          %get3A_272 = tpu.vector_load %arg14[%get3A_270, %get3A_271] {strides = array<i32>} : memref<2x1600xf32, #tpu.memory_space<vmem>>, vector<16xf32>,
          %add3A_273 = arith.addf %get3A_266, %get3A_272 : vector<16xf32>
          %add3A_274 = arith.constant 1.000000e+00 : f32
          %add3A_275 = vector.broadcast %add3A_274 : f32 to vector<16xf32>
          %add3A_276 = arith.addf %add3A_273, %add3A_275 : vector<16xf32>
          %bitcast3A = vector.bitcast %add3A_276 : vector<16xf32> to vector<16xi32>
          %shift_right_arithmetic3A = arith.constant 1 : i32
          %shift_right_arithmetic3A_277 = vector.broadcast %shift_right_arithmetic3A : i32 to vector<16xi32>
          %shift_right_arithmetic3A_278 = arith.shrsi %bitcast3A, %shift_right_arithmetic3A_277 : vector<16xi32>
          %sub3A_279 = arith.constant 1597463007 : i32
          %sub3A_280 = vector.broadcast %sub3A_279 : i32 to vector<16xi32>
          %sub3A_281 = arith.subi %sub3A_280, %shift_right_arithmetic3A_278 : vector<16xi32>
          %bitcast3A_282 = vector.bitcast %sub3A_281 : vector<16xi32> to vector<16xf32>
          %mul3A_283 = arith.constant 5.000000e-01 : f32
          %mul3A_284 = vector.broadcast %mul3A_283 : f32 to vector<16xf32>
          %mul3A_285 = arith.mulf %mul3A_284, %add3A_276 : vector<16xf32>
          %mul3A_286 = arith.mulf %mul3A_285, %bitcast3A_282 : vector<16xf32>
          %mul3A_287 = arith.mulf %mul3A_286, %bitcast3A_282 : vector<16xf32>
          %sub3A_288 = arith.constant 1.500000e+00 : f32
          %sub3A_289 = vector.broadcast %sub3A_288 : f32 to vector<16xf32>
          %sub3A_290 = arith.subf %sub3A_289, %mul3A_287 : vector<16xf32>
          %mul3A_291 = arith.mulf %bitcast3A_282, %sub3A_290 : vector<16xf32>
          %mul3A_292 = arith.constant 5.000000e-01 : f32
          %mul3A_293 = vector.broadcast %mul3A_292 : f32 to vector<16xf32>
          %mul3A_294 = arith.mulf %mul3A_293, %add3A_276 : vector<16xf32>
          %mul3A_295 = arith.mulf %mul3A_294, %mul3A_291 : vector<16xf32>
          %mul3A_296 = arith.mulf %mul3A_295, %mul3A_291 : vector<16xf32>
          %sub3A_297 = arith.constant 1.500000e+00 : f32
          %sub3A_298 = vector.broadcast %sub3A_297 : f32 to vector<16xf32>
          %sub3A_299 = arith.subf %sub3A_298, %mul3A_296 : vector<16xf32>
          %mul3A_300 = arith.mulf %mul3A_291, %sub3A_299 : vector<16xf32>
          %mul3A_301 = arith.constant 5.000000e-01 : f32
          %mul3A_302 = vector.broadcast %mul3A_301 : f32 to vector<16xf32>
          %mul3A_303 = arith.mulf %mul3A_302, %add3A_276 : vector<16xf32>
          %mul3A_304 = arith.mulf %mul3A_303, %mul3A_300 : vector<16xf32>
          %mul3A_305 = arith.mulf %mul3A_304, %mul3A_300 : vector<16xf32>
          %sub3A_306 = arith.constant 1.500000e+00 : f32
          %sub3A_307 = vector.broadcast %sub3A_306 : f32 to vector<16xf32>
          %sub3A_308 = arith.subf %sub3A_307, %mul3A_305 : vector<16xf32>
          %mul3A_309 = arith.mulf %mul3A_300, %sub3A_308 : vector<16xf32>
          %mul3A_310 = arith.constant 16 : i32
          %mul3A_311 = arith.muli %add3A_261, %mul3A_310 : i32
          %swap3A = arith.index_cast %mul3A_311 : i32 to index
          %swap3A_312 = tpu.vector_load %arg17[%swap3A] {strides = array<i32>} : memref<1600xf32, #tpu.memory_space<vmem>>, vector<16xf32>,
          tpu.vector_store %arg17[%swap3A], %mul3A_309 {strides = array<i32>} : memref<1600xf32, #tpu.memory_space<vmem>>, vector<16xf32>,
        }
        %scan3A_251 = arith.constant 100 : i32
        %scan3A_252 = arith.constant 0 : i32
        %scan3A_253 = arith.constant 800 : i32
        %scan3A_254 = arith.addi %scan3A_252, %scan3A_253 : i32
        %scan3A_255 = arith.constant 1 : i32
        scf.for %scan3A_257 = %scan3A_252 to %scan3A_254 step %scan3A_255  : i32 {
          %mul3A_258 = arith.constant 1 : i32
          %mul3A_259 = arith.muli %scan3A_257, %mul3A_258 : i32
          %add3A_260 = arith.constant 0 : i32
          %add3A_261 = arith.addi %add3A_260, %mul3A_259 : i32
          %mul3A_262 = arith.constant 2 : i32
          %mul3A_263 = arith.muli %mul3A_262, %add3A_261 : i32
          %add3A_264 = vector.broadcast %mul3A_263 : i32 to vector<16xi32>
          %add3A_265 = arith.addi %add3A_264, %select_n3A : vector<16xi32>
          %gather3A = tpu.vector_load_idx %arg17[%add3A_265] : memref<1600xf32, #tpu.memory_space<vmem>>[vector<16xi32>], vector<16xf32>,
          %mul3A_266 = arith.constant 4 : i32
          %mul3A_267 = vector.broadcast %mul3A_266 : i32 to vector<16xi32>
          %mul3A_268 = arith.muli %add3A_265, %mul3A_267 : vector<16xi32>
          %add3A_269 = arith.addi %mul3A_268, %min3A_54 : vector<16xi32>
          %gather3A_270 = tpu.vector_load_idx %arg15[%add3A_269] : memref<6400xf32, #tpu.memory_space<vmem>>[vector<16xi32>], vector<16xf32>,
          %mul3A_271 = arith.mulf %gather3A_270, %gather3A : vector<16xf32>
          %select_n3A_272 = arith.select %eq3A_51, %gather3A, %broadcast_in_dim3A_52 : vector<16xi1>, vector<16xf32>
          %select_n3A_273 = arith.select %lt3A_48, %mul3A_271, %select_n3A_272 : vector<16xi1>, vector<16xf32>
          tpu.vector_store_idx %arg16[%add3A_265, %select_n3A_45], %select_n3A_273 : memref<1600x8xf32, #tpu.memory_space<vmem>>[vector<16xi32>, vector<16xi32>], vector<16xf32>,
        }
        %scan3A_256 = arith.constant 800 : i32
        "tpu.region"() ({
          %run_scoped3A_257 = tpu.sem_alloc : memref<!tpu.dma_semaphore, #tpu.memory_space<semaphore_mem>>
          %dma_start3A = arith.constant 0 : i32
          %dma_start3A_258 = tpu.memref_slice %arg7[%add3A_241, %dma_start3A] : memref<102400x8xf32, #tpu.memory_space<hbm>> -> memref<1600x8xf32, #tpu.memory_space<hbm>>
          %dma_start3A_259 = arith.constant 0 : i32
          %dma_start3A_260 = tpu.memref_slice %arg7[%add3A_241, %dma_start3A_259] : memref<102400x8xf32, #tpu.memory_space<hbm>> -> memref<1600x8xf32, #tpu.memory_space<hbm>>
          tpu.enqueue_dma source(%arg16 : memref<1600x8xf32, #tpu.memory_space<vmem>>) target(%dma_start3A_260 : memref<1600x8xf32, #tpu.memory_space<hbm>>) target_semaphore(%run_scoped3A_257 : memref<!tpu.dma_semaphore, #tpu.memory_space<semaphore_mem>>)
          %dma_wait3A_261 = arith.constant 0 : i32
          %dma_wait3A_262 = tpu.memref_slice %arg7[%add3A_241, %dma_wait3A_261] : memref<102400x8xf32, #tpu.memory_space<hbm>> -> memref<1600x8xf32, #tpu.memory_space<hbm>>
          %dma_wait3A_263 = arith.constant 0 : i32
          %dma_wait3A_264 = tpu.memref_slice %arg7[%add3A_241, %dma_wait3A_263] : memref<102400x8xf32, #tpu.memory_space<hbm>> -> memref<1600x8xf32, #tpu.memory_space<hbm>>
          tpu.wait_dma2 semaphore(%run_scoped3A_257 : memref<!tpu.dma_semaphore, #tpu.memory_space<semaphore_mem>>) src(%arg16 : memref<1600x8xf32, #tpu.memory_space<vmem>>) dst(%dma_wait3A_264 : memref<1600x8xf32, #tpu.memory_space<hbm>>)
          tpu.yield
        }) : () -> ()
      }
      %scan3A_68 = arith.constant 4 : i32
      %barrier3A_69 = arith.constant 0 : index
      tpu.barrier barrier_id(%barrier3A_69)
      %scan3A_70 = arith.constant 0 : i32
      %scan3A_71 = arith.constant 49 : i32
      %scan3A_72 = arith.addi %scan3A_70, %scan3A_71 : i32
      %scan3A_73 = arith.constant 1 : i32
      scf.for %scan3A_234 = %scan3A_70 to %scan3A_72 step %scan3A_73  : i32 {
        %mul3A_235 = arith.constant 1 : i32
        %mul3A_236 = arith.muli %scan3A_234, %mul3A_235 : i32
        %add3A_237 = arith.constant 0 : i32
        %add3A_238 = arith.addi %add3A_237, %mul3A_236 : i32
        %rem3A_239 = arith.constant 2 : i32
        %rem3A_240 = arith.remsi %add3A_238, %rem3A_239 : i32
        %mul3A_241 = arith.constant 1024 : i32
        %mul3A_242 = arith.muli %rem3A_240, %mul3A_241 : i32
        %mul3A_243 = arith.constant 8 : i32
        %mul3A_244 = arith.muli %rem3A_240, %mul3A_243 : i32
        %ge3A = arith.constant 2 : i32
        %ge3A_245 = arith.cmpi sge, %add3A_238, %ge3A : i32
        %convert_element_type3A_246 = arith.extui %ge3A_245 : i1 to i32
        %cond3A_247 = arith.constant 0 : i32
        %cond3A_248 = arith.cmpi ne, %convert_element_type3A_246, %cond3A_247 : i32
        scf.if %cond3A_248 {
          %add3A_507 = arith.constant 0 : i32
          %add3A_508 = arith.addi %mul3A_242, %add3A_507 : i32
          %add3A_509 = arith.constant 0 : i32
          %add3A_510 = arith.addi %mul3A_244, %add3A_509 : i32
          %dma_wait3A_511 = arith.constant 0 : i32
          %dma_wait3A_512 = tpu.memref_slice %arg13[%add3A_508, %dma_wait3A_511] : memref<2048x8xf32, #tpu.memory_space<vmem>> -> memref<128x8xf32, #tpu.memory_space<vmem>>
          %dma_wait3A_513 = arith.constant 0 : i32
          %dma_wait3A_514 = tpu.memref_slice %arg12[%add3A_510, %dma_wait3A_513] : memref<16x128xi32, #tpu.memory_space<vmem>> -> memref<1x128xi32, #tpu.memory_space<vmem>>
          %dma_wait3A_515 = tpu.memref_squeeze %dma_wait3A_514 : memref<1x128xi32, #tpu.memory_space<vmem>> -> memref<128xi32, #tpu.memory_space<vmem>>
          %dma_wait3A_516 = arith.constant 0 : i32
          %dma_wait3A_517 = arith.constant 0 : i32
          %dma_wait3A_518 = tpu.memref_slice %arg10[%dma_wait3A_516, %dma_wait3A_517] : memref<102400x8xf32, #tpu.memory_space<vmem_shared>> -> memref<102400x8xf32, #tpu.memory_space<vmem_shared>>
          tpu.wait_indirect_dma semaphore(%arg19 : memref<!tpu.dma_semaphore, #tpu.memory_space<semaphore_mem>>) src(%dma_wait3A_512 : memref<128x8xf32, #tpu.memory_space<vmem>>) dst(%dma_wait3A_518 : memref<102400x8xf32, #tpu.memory_space<vmem_shared>>)
          %add3A_519 = arith.constant 128 : i32
          %add3A_520 = arith.addi %mul3A_242, %add3A_519 : i32
          %add3A_521 = arith.constant 1 : i32
          %add3A_522 = arith.addi %mul3A_244, %add3A_521 : i32
          %dma_wait3A_523 = arith.constant 0 : i32
          %dma_wait3A_524 = tpu.memref_slice %arg13[%add3A_520, %dma_wait3A_523] : memref<2048x8xf32, #tpu.memory_space<vmem>> -> memref<128x8xf32, #tpu.memory_space<vmem>>
          %dma_wait3A_525 = arith.constant 0 : i32
          %dma_wait3A_526 = tpu.memref_slice %arg12[%add3A_522, %dma_wait3A_525] : memref<16x128xi32, #tpu.memory_space<vmem>> -> memref<1x128xi32, #tpu.memory_space<vmem>>
          %dma_wait3A_527 = tpu.memref_squeeze %dma_wait3A_526 : memref<1x128xi32, #tpu.memory_space<vmem>> -> memref<128xi32, #tpu.memory_space<vmem>>
          %dma_wait3A_528 = arith.constant 0 : i32
          %dma_wait3A_529 = arith.constant 0 : i32
          %dma_wait3A_530 = tpu.memref_slice %arg10[%dma_wait3A_528, %dma_wait3A_529] : memref<102400x8xf32, #tpu.memory_space<vmem_shared>> -> memref<102400x8xf32, #tpu.memory_space<vmem_shared>>
          tpu.wait_indirect_dma semaphore(%arg19 : memref<!tpu.dma_semaphore, #tpu.memory_space<semaphore_mem>>) src(%dma_wait3A_524 : memref<128x8xf32, #tpu.memory_space<vmem>>) dst(%dma_wait3A_530 : memref<102400x8xf32, #tpu.memory_space<vmem_shared>>)
          %add3A_531 = arith.constant 256 : i32
          %add3A_532 = arith.addi %mul3A_242, %add3A_531 : i32
          %add3A_533 = arith.constant 2 : i32
          %add3A_534 = arith.addi %mul3A_244, %add3A_533 : i32
          %dma_wait3A_535 = arith.constant 0 : i32
          %dma_wait3A_536 = tpu.memref_slice %arg13[%add3A_532, %dma_wait3A_535] : memref<2048x8xf32, #tpu.memory_space<vmem>> -> memref<128x8xf32, #tpu.memory_space<vmem>>
          %dma_wait3A_537 = arith.constant 0 : i32
          %dma_wait3A_538 = tpu.memref_slice %arg12[%add3A_534, %dma_wait3A_537] : memref<16x128xi32, #tpu.memory_space<vmem>> -> memref<1x128xi32, #tpu.memory_space<vmem>>
          %dma_wait3A_539 = tpu.memref_squeeze %dma_wait3A_538 : memref<1x128xi32, #tpu.memory_space<vmem>> -> memref<128xi32, #tpu.memory_space<vmem>>
          %dma_wait3A_540 = arith.constant 0 : i32
          %dma_wait3A_541 = arith.constant 0 : i32
          %dma_wait3A_542 = tpu.memref_slice %arg10[%dma_wait3A_540, %dma_wait3A_541] : memref<102400x8xf32, #tpu.memory_space<vmem_shared>> -> memref<102400x8xf32, #tpu.memory_space<vmem_shared>>
          tpu.wait_indirect_dma semaphore(%arg19 : memref<!tpu.dma_semaphore, #tpu.memory_space<semaphore_mem>>) src(%dma_wait3A_536 : memref<128x8xf32, #tpu.memory_space<vmem>>) dst(%dma_wait3A_542 : memref<102400x8xf32, #tpu.memory_space<vmem_shared>>)
          %add3A_543 = arith.constant 384 : i32
          %add3A_544 = arith.addi %mul3A_242, %add3A_543 : i32
          %add3A_545 = arith.constant 3 : i32
          %add3A_546 = arith.addi %mul3A_244, %add3A_545 : i32
          %dma_wait3A_547 = arith.constant 0 : i32
          %dma_wait3A_548 = tpu.memref_slice %arg13[%add3A_544, %dma_wait3A_547] : memref<2048x8xf32, #tpu.memory_space<vmem>> -> memref<128x8xf32, #tpu.memory_space<vmem>>
          %dma_wait3A_549 = arith.constant 0 : i32
          %dma_wait3A_550 = tpu.memref_slice %arg12[%add3A_546, %dma_wait3A_549] : memref<16x128xi32, #tpu.memory_space<vmem>> -> memref<1x128xi32, #tpu.memory_space<vmem>>
          %dma_wait3A_551 = tpu.memref_squeeze %dma_wait3A_550 : memref<1x128xi32, #tpu.memory_space<vmem>> -> memref<128xi32, #tpu.memory_space<vmem>>
          %dma_wait3A_552 = arith.constant 0 : i32
          %dma_wait3A_553 = arith.constant 0 : i32
          %dma_wait3A_554 = tpu.memref_slice %arg10[%dma_wait3A_552, %dma_wait3A_553] : memref<102400x8xf32, #tpu.memory_space<vmem_shared>> -> memref<102400x8xf32, #tpu.memory_space<vmem_shared>>
          tpu.wait_indirect_dma semaphore(%arg19 : memref<!tpu.dma_semaphore, #tpu.memory_space<semaphore_mem>>) src(%dma_wait3A_548 : memref<128x8xf32, #tpu.memory_space<vmem>>) dst(%dma_wait3A_554 : memref<102400x8xf32, #tpu.memory_space<vmem_shared>>)
          %add3A_555 = arith.constant 512 : i32
          %add3A_556 = arith.addi %mul3A_242, %add3A_555 : i32
          %add3A_557 = arith.constant 4 : i32
          %add3A_558 = arith.addi %mul3A_244, %add3A_557 : i32
          %dma_wait3A_559 = arith.constant 0 : i32
          %dma_wait3A_560 = tpu.memref_slice %arg13[%add3A_556, %dma_wait3A_559] : memref<2048x8xf32, #tpu.memory_space<vmem>> -> memref<128x8xf32, #tpu.memory_space<vmem>>
          %dma_wait3A_561 = arith.constant 0 : i32
          %dma_wait3A_562 = tpu.memref_slice %arg12[%add3A_558, %dma_wait3A_561] : memref<16x128xi32, #tpu.memory_space<vmem>> -> memref<1x128xi32, #tpu.memory_space<vmem>>
          %dma_wait3A_563 = tpu.memref_squeeze %dma_wait3A_562 : memref<1x128xi32, #tpu.memory_space<vmem>> -> memref<128xi32, #tpu.memory_space<vmem>>
          %dma_wait3A_564 = arith.constant 0 : i32
          %dma_wait3A_565 = arith.constant 0 : i32
          %dma_wait3A_566 = tpu.memref_slice %arg10[%dma_wait3A_564, %dma_wait3A_565] : memref<102400x8xf32, #tpu.memory_space<vmem_shared>> -> memref<102400x8xf32, #tpu.memory_space<vmem_shared>>
          tpu.wait_indirect_dma semaphore(%arg19 : memref<!tpu.dma_semaphore, #tpu.memory_space<semaphore_mem>>) src(%dma_wait3A_560 : memref<128x8xf32, #tpu.memory_space<vmem>>) dst(%dma_wait3A_566 : memref<102400x8xf32, #tpu.memory_space<vmem_shared>>)
          %add3A_567 = arith.constant 640 : i32
          %add3A_568 = arith.addi %mul3A_242, %add3A_567 : i32
          %add3A_569 = arith.constant 5 : i32
          %add3A_570 = arith.addi %mul3A_244, %add3A_569 : i32
          %dma_wait3A_571 = arith.constant 0 : i32
          %dma_wait3A_572 = tpu.memref_slice %arg13[%add3A_568, %dma_wait3A_571] : memref<2048x8xf32, #tpu.memory_space<vmem>> -> memref<128x8xf32, #tpu.memory_space<vmem>>
          %dma_wait3A_573 = arith.constant 0 : i32
          %dma_wait3A_574 = tpu.memref_slice %arg12[%add3A_570, %dma_wait3A_573] : memref<16x128xi32, #tpu.memory_space<vmem>> -> memref<1x128xi32, #tpu.memory_space<vmem>>
          %dma_wait3A_575 = tpu.memref_squeeze %dma_wait3A_574 : memref<1x128xi32, #tpu.memory_space<vmem>> -> memref<128xi32, #tpu.memory_space<vmem>>
          %dma_wait3A_576 = arith.constant 0 : i32
          %dma_wait3A_577 = arith.constant 0 : i32
          %dma_wait3A_578 = tpu.memref_slice %arg10[%dma_wait3A_576, %dma_wait3A_577] : memref<102400x8xf32, #tpu.memory_space<vmem_shared>> -> memref<102400x8xf32, #tpu.memory_space<vmem_shared>>
          tpu.wait_indirect_dma semaphore(%arg19 : memref<!tpu.dma_semaphore, #tpu.memory_space<semaphore_mem>>) src(%dma_wait3A_572 : memref<128x8xf32, #tpu.memory_space<vmem>>) dst(%dma_wait3A_578 : memref<102400x8xf32, #tpu.memory_space<vmem_shared>>)
          %add3A_579 = arith.constant 768 : i32
          %add3A_580 = arith.addi %mul3A_242, %add3A_579 : i32
          %add3A_581 = arith.constant 6 : i32
          %add3A_582 = arith.addi %mul3A_244, %add3A_581 : i32
          %dma_wait3A_583 = arith.constant 0 : i32
          %dma_wait3A_584 = tpu.memref_slice %arg13[%add3A_580, %dma_wait3A_583] : memref<2048x8xf32, #tpu.memory_space<vmem>> -> memref<128x8xf32, #tpu.memory_space<vmem>>
          %dma_wait3A_585 = arith.constant 0 : i32
          %dma_wait3A_586 = tpu.memref_slice %arg12[%add3A_582, %dma_wait3A_585] : memref<16x128xi32, #tpu.memory_space<vmem>> -> memref<1x128xi32, #tpu.memory_space<vmem>>
          %dma_wait3A_587 = tpu.memref_squeeze %dma_wait3A_586 : memref<1x128xi32, #tpu.memory_space<vmem>> -> memref<128xi32, #tpu.memory_space<vmem>>
          %dma_wait3A_588 = arith.constant 0 : i32
          %dma_wait3A_589 = arith.constant 0 : i32
          %dma_wait3A_590 = tpu.memref_slice %arg10[%dma_wait3A_588, %dma_wait3A_589] : memref<102400x8xf32, #tpu.memory_space<vmem_shared>> -> memref<102400x8xf32, #tpu.memory_space<vmem_shared>>
          tpu.wait_indirect_dma semaphore(%arg19 : memref<!tpu.dma_semaphore, #tpu.memory_space<semaphore_mem>>) src(%dma_wait3A_584 : memref<128x8xf32, #tpu.memory_space<vmem>>) dst(%dma_wait3A_590 : memref<102400x8xf32, #tpu.memory_space<vmem_shared>>)
          %add3A_591 = arith.constant 896 : i32
          %add3A_592 = arith.addi %mul3A_242, %add3A_591 : i32
          %add3A_593 = arith.constant 7 : i32
          %add3A_594 = arith.addi %mul3A_244, %add3A_593 : i32
          %dma_wait3A_595 = arith.constant 0 : i32
          %dma_wait3A_596 = tpu.memref_slice %arg13[%add3A_592, %dma_wait3A_595] : memref<2048x8xf32, #tpu.memory_space<vmem>> -> memref<128x8xf32, #tpu.memory_space<vmem>>
          %dma_wait3A_597 = arith.constant 0 : i32
          %dma_wait3A_598 = tpu.memref_slice %arg12[%add3A_594, %dma_wait3A_597] : memref<16x128xi32, #tpu.memory_space<vmem>> -> memref<1x128xi32, #tpu.memory_space<vmem>>
          %dma_wait3A_599 = tpu.memref_squeeze %dma_wait3A_598 : memref<1x128xi32, #tpu.memory_space<vmem>> -> memref<128xi32, #tpu.memory_space<vmem>>
          %dma_wait3A_600 = arith.constant 0 : i32
          %dma_wait3A_601 = arith.constant 0 : i32
          %dma_wait3A_602 = tpu.memref_slice %arg10[%dma_wait3A_600, %dma_wait3A_601] : memref<102400x8xf32, #tpu.memory_space<vmem_shared>> -> memref<102400x8xf32, #tpu.memory_space<vmem_shared>>
          tpu.wait_indirect_dma semaphore(%arg19 : memref<!tpu.dma_semaphore, #tpu.memory_space<semaphore_mem>>) src(%dma_wait3A_596 : memref<128x8xf32, #tpu.memory_space<vmem>>) dst(%dma_wait3A_602 : memref<102400x8xf32, #tpu.memory_space<vmem_shared>>)
        } else {
        }
        %mul3A_249 = arith.constant 8 : i32
        %mul3A_250 = arith.muli %add3A_238, %mul3A_249 : i32
        %add3A_251 = arith.addi %mul3A_56, %mul3A_250 : i32
        "tpu.region"() ({
          %run_scoped3A = tpu.sem_alloc : memref<!tpu.dma_semaphore, #tpu.memory_space<semaphore_mem>>
          %dma_start3A_507 = arith.constant 0 : i32
          %dma_start3A_508 = tpu.memref_slice %arg4[%add3A_251, %dma_start3A_507] : memref<12544x128xi32, #tpu.memory_space<hbm>> -> memref<8x128xi32, #tpu.memory_space<hbm>>
          %dma_start3A_509 = arith.constant 0 : i32
          %dma_start3A_510 = tpu.memref_slice %arg4[%add3A_251, %dma_start3A_509] : memref<12544x128xi32, #tpu.memory_space<hbm>> -> memref<8x128xi32, #tpu.memory_space<hbm>>
          tpu.enqueue_dma source(%dma_start3A_510 : memref<8x128xi32, #tpu.memory_space<hbm>>) target(%arg11 : memref<8x128xi32, #tpu.memory_space<vmem>>) target_semaphore(%run_scoped3A : memref<!tpu.dma_semaphore, #tpu.memory_space<semaphore_mem>>)
          %dma_wait3A_511 = arith.constant 0 : i32
          %dma_wait3A_512 = tpu.memref_slice %arg4[%add3A_251, %dma_wait3A_511] : memref<12544x128xi32, #tpu.memory_space<hbm>> -> memref<8x128xi32, #tpu.memory_space<hbm>>
          %dma_wait3A_513 = arith.constant 0 : i32
          %dma_wait3A_514 = tpu.memref_slice %arg4[%add3A_251, %dma_wait3A_513] : memref<12544x128xi32, #tpu.memory_space<hbm>> -> memref<8x128xi32, #tpu.memory_space<hbm>>
          tpu.wait_dma2 semaphore(%run_scoped3A : memref<!tpu.dma_semaphore, #tpu.memory_space<semaphore_mem>>) src(%dma_wait3A_514 : memref<8x128xi32, #tpu.memory_space<hbm>>) dst(%arg11 : memref<8x128xi32, #tpu.memory_space<vmem>>)
          tpu.yield
        }) : () -> ()
        "tpu.region"() ({
          %run_scoped3A = tpu.sem_alloc : memref<!tpu.dma_semaphore, #tpu.memory_space<semaphore_mem>>
          %dma_start3A_507 = arith.constant 0 : i32
          %dma_start3A_508 = tpu.memref_slice %arg12[%mul3A_244, %dma_start3A_507] : memref<16x128xi32, #tpu.memory_space<vmem>> -> memref<8x128xi32, #tpu.memory_space<vmem>>
          %dma_start3A_509 = arith.constant 0 : i32
          %dma_start3A_510 = tpu.memref_slice %arg5[%add3A_251, %dma_start3A_509] : memref<12544x128xi32, #tpu.memory_space<hbm>> -> memref<8x128xi32, #tpu.memory_space<hbm>>
          %dma_start3A_511 = arith.constant 0 : i32
          %dma_start3A_512 = tpu.memref_slice %arg12[%mul3A_244, %dma_start3A_511] : memref<16x128xi32, #tpu.memory_space<vmem>> -> memref<8x128xi32, #tpu.memory_space<vmem>>
          %dma_start3A_513 = arith.constant 0 : i32
          %dma_start3A_514 = tpu.memref_slice %arg5[%add3A_251, %dma_start3A_513] : memref<12544x128xi32, #tpu.memory_space<hbm>> -> memref<8x128xi32, #tpu.memory_space<hbm>>
          tpu.enqueue_dma source(%dma_start3A_514 : memref<8x128xi32, #tpu.memory_space<hbm>>) target(%dma_start3A_512 : memref<8x128xi32, #tpu.memory_space<vmem>>) target_semaphore(%run_scoped3A : memref<!tpu.dma_semaphore, #tpu.memory_space<semaphore_mem>>)
          %dma_wait3A_515 = arith.constant 0 : i32
          %dma_wait3A_516 = tpu.memref_slice %arg12[%mul3A_244, %dma_wait3A_515] : memref<16x128xi32, #tpu.memory_space<vmem>> -> memref<8x128xi32, #tpu.memory_space<vmem>>
          %dma_wait3A_517 = arith.constant 0 : i32
          %dma_wait3A_518 = tpu.memref_slice %arg5[%add3A_251, %dma_wait3A_517] : memref<12544x128xi32, #tpu.memory_space<hbm>> -> memref<8x128xi32, #tpu.memory_space<hbm>>
          %dma_wait3A_519 = arith.constant 0 : i32
          %dma_wait3A_520 = tpu.memref_slice %arg12[%mul3A_244, %dma_wait3A_519] : memref<16x128xi32, #tpu.memory_space<vmem>> -> memref<8x128xi32, #tpu.memory_space<vmem>>
          %dma_wait3A_521 = arith.constant 0 : i32
          %dma_wait3A_522 = tpu.memref_slice %arg5[%add3A_251, %dma_wait3A_521] : memref<12544x128xi32, #tpu.memory_space<hbm>> -> memref<8x128xi32, #tpu.memory_space<hbm>>
          tpu.wait_dma2 semaphore(%run_scoped3A : memref<!tpu.dma_semaphore, #tpu.memory_space<semaphore_mem>>) src(%dma_wait3A_522 : memref<8x128xi32, #tpu.memory_space<hbm>>) dst(%dma_wait3A_520 : memref<8x128xi32, #tpu.memory_space<vmem>>)
          tpu.yield
        }) : () -> ()
        %add3A_252 = arith.constant 0 : i32
        %add3A_253 = arith.addi %mul3A_242, %add3A_252 : i32
        %dma_start3A = arith.constant 0 : i32
        %dma_start3A_254 = arith.constant 0 : i32
        %dma_start3A_255 = tpu.memref_slice %arg13[%add3A_253, %dma_start3A_254] : memref<2048x8xf32, #tpu.memory_space<vmem>> -> memref<128x8xf32, #tpu.memory_space<vmem>>
        %dma_start3A_256 = arith.constant 0 : i32
        %dma_start3A_257 = tpu.memref_slice %arg11[%dma_start3A, %dma_start3A_256] : memref<8x128xi32, #tpu.memory_space<vmem>> -> memref<1x128xi32, #tpu.memory_space<vmem>>
        %dma_start3A_258 = tpu.memref_squeeze %dma_start3A_257 : memref<1x128xi32, #tpu.memory_space<vmem>> -> memref<128xi32, #tpu.memory_space<vmem>>
        %dma_start3A_259 = arith.constant 0 : i32
        %dma_start3A_260 = arith.constant 0 : i32
        %dma_start3A_261 = tpu.memref_slice %arg7[%dma_start3A_259, %dma_start3A_260] : memref<102400x8xf32, #tpu.memory_space<hbm>> -> memref<102400x8xf32, #tpu.memory_space<hbm>>
        tpu.enqueue_indirect_dma source(%dma_start3A_261 : memref<102400x8xf32, #tpu.memory_space<hbm>>) target(%dma_start3A_255 : memref<128x8xf32, #tpu.memory_space<vmem>>) offsets(%dma_start3A_258 : memref<128xi32, #tpu.memory_space<vmem>>) semaphore(%arg18 : memref<!tpu.dma_semaphore, #tpu.memory_space<semaphore_mem>>)
        %add3A_262 = arith.constant 128 : i32
        %add3A_263 = arith.addi %mul3A_242, %add3A_262 : i32
        %dma_start3A_264 = arith.constant 1 : i32
        %dma_start3A_265 = arith.constant 0 : i32
        %dma_start3A_266 = tpu.memref_slice %arg13[%add3A_263, %dma_start3A_265] : memref<2048x8xf32, #tpu.memory_space<vmem>> -> memref<128x8xf32, #tpu.memory_space<vmem>>
        %dma_start3A_267 = arith.constant 0 : i32
        %dma_start3A_268 = tpu.memref_slice %arg11[%dma_start3A_264, %dma_start3A_267] : memref<8x128xi32, #tpu.memory_space<vmem>> -> memref<1x128xi32, #tpu.memory_space<vmem>>
        %dma_start3A_269 = tpu.memref_squeeze %dma_start3A_268 : memref<1x128xi32, #tpu.memory_space<vmem>> -> memref<128xi32, #tpu.memory_space<vmem>>
        %dma_start3A_270 = arith.constant 0 : i32
        %dma_start3A_271 = arith.constant 0 : i32
        %dma_start3A_272 = tpu.memref_slice %arg7[%dma_start3A_270, %dma_start3A_271] : memref<102400x8xf32, #tpu.memory_space<hbm>> -> memref<102400x8xf32, #tpu.memory_space<hbm>>
        tpu.enqueue_indirect_dma source(%dma_start3A_272 : memref<102400x8xf32, #tpu.memory_space<hbm>>) target(%dma_start3A_266 : memref<128x8xf32, #tpu.memory_space<vmem>>) offsets(%dma_start3A_269 : memref<128xi32, #tpu.memory_space<vmem>>) semaphore(%arg18 : memref<!tpu.dma_semaphore, #tpu.memory_space<semaphore_mem>>)
        %add3A_273 = arith.constant 256 : i32
        %add3A_274 = arith.addi %mul3A_242, %add3A_273 : i32
        %dma_start3A_275 = arith.constant 2 : i32
        %dma_start3A_276 = arith.constant 0 : i32
        %dma_start3A_277 = tpu.memref_slice %arg13[%add3A_274, %dma_start3A_276] : memref<2048x8xf32, #tpu.memory_space<vmem>> -> memref<128x8xf32, #tpu.memory_space<vmem>>
        %dma_start3A_278 = arith.constant 0 : i32
        %dma_start3A_279 = tpu.memref_slice %arg11[%dma_start3A_275, %dma_start3A_278] : memref<8x128xi32, #tpu.memory_space<vmem>> -> memref<1x128xi32, #tpu.memory_space<vmem>>
        %dma_start3A_280 = tpu.memref_squeeze %dma_start3A_279 : memref<1x128xi32, #tpu.memory_space<vmem>> -> memref<128xi32, #tpu.memory_space<vmem>>
        %dma_start3A_281 = arith.constant 0 : i32
        %dma_start3A_282 = arith.constant 0 : i32
        %dma_start3A_283 = tpu.memref_slice %arg7[%dma_start3A_281, %dma_start3A_282] : memref<102400x8xf32, #tpu.memory_space<hbm>> -> memref<102400x8xf32, #tpu.memory_space<hbm>>
        tpu.enqueue_indirect_dma source(%dma_start3A_283 : memref<102400x8xf32, #tpu.memory_space<hbm>>) target(%dma_start3A_277 : memref<128x8xf32, #tpu.memory_space<vmem>>) offsets(%dma_start3A_280 : memref<128xi32, #tpu.memory_space<vmem>>) semaphore(%arg18 : memref<!tpu.dma_semaphore, #tpu.memory_space<semaphore_mem>>)
        %add3A_284 = arith.constant 384 : i32
        %add3A_285 = arith.addi %mul3A_242, %add3A_284 : i32
        %dma_start3A_286 = arith.constant 3 : i32
        %dma_start3A_287 = arith.constant 0 : i32
        %dma_start3A_288 = tpu.memref_slice %arg13[%add3A_285, %dma_start3A_287] : memref<2048x8xf32, #tpu.memory_space<vmem>> -> memref<128x8xf32, #tpu.memory_space<vmem>>
        %dma_start3A_289 = arith.constant 0 : i32
        %dma_start3A_290 = tpu.memref_slice %arg11[%dma_start3A_286, %dma_start3A_289] : memref<8x128xi32, #tpu.memory_space<vmem>> -> memref<1x128xi32, #tpu.memory_space<vmem>>
        %dma_start3A_291 = tpu.memref_squeeze %dma_start3A_290 : memref<1x128xi32, #tpu.memory_space<vmem>> -> memref<128xi32, #tpu.memory_space<vmem>>
        %dma_start3A_292 = arith.constant 0 : i32
        %dma_start3A_293 = arith.constant 0 : i32
        %dma_start3A_294 = tpu.memref_slice %arg7[%dma_start3A_292, %dma_start3A_293] : memref<102400x8xf32, #tpu.memory_space<hbm>> -> memref<102400x8xf32, #tpu.memory_space<hbm>>
        tpu.enqueue_indirect_dma source(%dma_start3A_294 : memref<102400x8xf32, #tpu.memory_space<hbm>>) target(%dma_start3A_288 : memref<128x8xf32, #tpu.memory_space<vmem>>) offsets(%dma_start3A_291 : memref<128xi32, #tpu.memory_space<vmem>>) semaphore(%arg18 : memref<!tpu.dma_semaphore, #tpu.memory_space<semaphore_mem>>)
        %add3A_295 = arith.constant 512 : i32
        %add3A_296 = arith.addi %mul3A_242, %add3A_295 : i32
        %dma_start3A_297 = arith.constant 4 : i32
        %dma_start3A_298 = arith.constant 0 : i32
        %dma_start3A_299 = tpu.memref_slice %arg13[%add3A_296, %dma_start3A_298] : memref<2048x8xf32, #tpu.memory_space<vmem>> -> memref<128x8xf32, #tpu.memory_space<vmem>>
        %dma_start3A_300 = arith.constant 0 : i32
        %dma_start3A_301 = tpu.memref_slice %arg11[%dma_start3A_297, %dma_start3A_300] : memref<8x128xi32, #tpu.memory_space<vmem>> -> memref<1x128xi32, #tpu.memory_space<vmem>>
        %dma_start3A_302 = tpu.memref_squeeze %dma_start3A_301 : memref<1x128xi32, #tpu.memory_space<vmem>> -> memref<128xi32, #tpu.memory_space<vmem>>
        %dma_start3A_303 = arith.constant 0 : i32
        %dma_start3A_304 = arith.constant 0 : i32
        %dma_start3A_305 = tpu.memref_slice %arg7[%dma_start3A_303, %dma_start3A_304] : memref<102400x8xf32, #tpu.memory_space<hbm>> -> memref<102400x8xf32, #tpu.memory_space<hbm>>
        tpu.enqueue_indirect_dma source(%dma_start3A_305 : memref<102400x8xf32, #tpu.memory_space<hbm>>) target(%dma_start3A_299 : memref<128x8xf32, #tpu.memory_space<vmem>>) offsets(%dma_start3A_302 : memref<128xi32, #tpu.memory_space<vmem>>) semaphore(%arg18 : memref<!tpu.dma_semaphore, #tpu.memory_space<semaphore_mem>>)
        %add3A_306 = arith.constant 640 : i32
        %add3A_307 = arith.addi %mul3A_242, %add3A_306 : i32
        %dma_start3A_308 = arith.constant 5 : i32
        %dma_start3A_309 = arith.constant 0 : i32
        %dma_start3A_310 = tpu.memref_slice %arg13[%add3A_307, %dma_start3A_309] : memref<2048x8xf32, #tpu.memory_space<vmem>> -> memref<128x8xf32, #tpu.memory_space<vmem>>
        %dma_start3A_311 = arith.constant 0 : i32
        %dma_start3A_312 = tpu.memref_slice %arg11[%dma_start3A_308, %dma_start3A_311] : memref<8x128xi32, #tpu.memory_space<vmem>> -> memref<1x128xi32, #tpu.memory_space<vmem>>
        %dma_start3A_313 = tpu.memref_squeeze %dma_start3A_312 : memref<1x128xi32, #tpu.memory_space<vmem>> -> memref<128xi32, #tpu.memory_space<vmem>>
        %dma_start3A_314 = arith.constant 0 : i32
        %dma_start3A_315 = arith.constant 0 : i32
        %dma_start3A_316 = tpu.memref_slice %arg7[%dma_start3A_314, %dma_start3A_315] : memref<102400x8xf32, #tpu.memory_space<hbm>> -> memref<102400x8xf32, #tpu.memory_space<hbm>>
        tpu.enqueue_indirect_dma source(%dma_start3A_316 : memref<102400x8xf32, #tpu.memory_space<hbm>>) target(%dma_start3A_310 : memref<128x8xf32, #tpu.memory_space<vmem>>) offsets(%dma_start3A_313 : memref<128xi32, #tpu.memory_space<vmem>>) semaphore(%arg18 : memref<!tpu.dma_semaphore, #tpu.memory_space<semaphore_mem>>)
        %add3A_317 = arith.constant 768 : i32
        %add3A_318 = arith.addi %mul3A_242, %add3A_317 : i32
        %dma_start3A_319 = arith.constant 6 : i32
        %dma_start3A_320 = arith.constant 0 : i32
        %dma_start3A_321 = tpu.memref_slice %arg13[%add3A_318, %dma_start3A_320] : memref<2048x8xf32, #tpu.memory_space<vmem>> -> memref<128x8xf32, #tpu.memory_space<vmem>>
        %dma_start3A_322 = arith.constant 0 : i32
        %dma_start3A_323 = tpu.memref_slice %arg11[%dma_start3A_319, %dma_start3A_322] : memref<8x128xi32, #tpu.memory_space<vmem>> -> memref<1x128xi32, #tpu.memory_space<vmem>>
        %dma_start3A_324 = tpu.memref_squeeze %dma_start3A_323 : memref<1x128xi32, #tpu.memory_space<vmem>> -> memref<128xi32, #tpu.memory_space<vmem>>
        %dma_start3A_325 = arith.constant 0 : i32
        %dma_start3A_326 = arith.constant 0 : i32
        %dma_start3A_327 = tpu.memref_slice %arg7[%dma_start3A_325, %dma_start3A_326] : memref<102400x8xf32, #tpu.memory_space<hbm>> -> memref<102400x8xf32, #tpu.memory_space<hbm>>
        tpu.enqueue_indirect_dma source(%dma_start3A_327 : memref<102400x8xf32, #tpu.memory_space<hbm>>) target(%dma_start3A_321 : memref<128x8xf32, #tpu.memory_space<vmem>>) offsets(%dma_start3A_324 : memref<128xi32, #tpu.memory_space<vmem>>) semaphore(%arg18 : memref<!tpu.dma_semaphore, #tpu.memory_space<semaphore_mem>>)
        %add3A_328 = arith.constant 896 : i32
        %add3A_329 = arith.addi %mul3A_242, %add3A_328 : i32
        %dma_start3A_330 = arith.constant 7 : i32
        %dma_start3A_331 = arith.constant 0 : i32
        %dma_start3A_332 = tpu.memref_slice %arg13[%add3A_329, %dma_start3A_331] : memref<2048x8xf32, #tpu.memory_space<vmem>> -> memref<128x8xf32, #tpu.memory_space<vmem>>
        %dma_start3A_333 = arith.constant 0 : i32
        %dma_start3A_334 = tpu.memref_slice %arg11[%dma_start3A_330, %dma_start3A_333] : memref<8x128xi32, #tpu.memory_space<vmem>> -> memref<1x128xi32, #tpu.memory_space<vmem>>
        %dma_start3A_335 = tpu.memref_squeeze %dma_start3A_334 : memref<1x128xi32, #tpu.memory_space<vmem>> -> memref<128xi32, #tpu.memory_space<vmem>>
        %dma_start3A_336 = arith.constant 0 : i32
        %dma_start3A_337 = arith.constant 0 : i32
        %dma_start3A_338 = tpu.memref_slice %arg7[%dma_start3A_336, %dma_start3A_337] : memref<102400x8xf32, #tpu.memory_space<hbm>> -> memref<102400x8xf32, #tpu.memory_space<hbm>>
        tpu.enqueue_indirect_dma source(%dma_start3A_338 : memref<102400x8xf32, #tpu.memory_space<hbm>>) target(%dma_start3A_332 : memref<128x8xf32, #tpu.memory_space<vmem>>) offsets(%dma_start3A_335 : memref<128xi32, #tpu.memory_space<vmem>>) semaphore(%arg18 : memref<!tpu.dma_semaphore, #tpu.memory_space<semaphore_mem>>)
        %dma_wait3A_339 = arith.constant 0 : i32
        %dma_wait3A_340 = arith.constant 0 : i32
        %dma_wait3A_341 = tpu.memref_slice %arg13[%add3A_253, %dma_wait3A_340] : memref<2048x8xf32, #tpu.memory_space<vmem>> -> memref<128x8xf32, #tpu.memory_space<vmem>>
        %dma_wait3A_342 = arith.constant 0 : i32
        %dma_wait3A_343 = tpu.memref_slice %arg11[%dma_wait3A_339, %dma_wait3A_342] : memref<8x128xi32, #tpu.memory_space<vmem>> -> memref<1x128xi32, #tpu.memory_space<vmem>>
        %dma_wait3A_344 = tpu.memref_squeeze %dma_wait3A_343 : memref<1x128xi32, #tpu.memory_space<vmem>> -> memref<128xi32, #tpu.memory_space<vmem>>
        %dma_wait3A_345 = arith.constant 0 : i32
        %dma_wait3A_346 = arith.constant 0 : i32
        %dma_wait3A_347 = tpu.memref_slice %arg7[%dma_wait3A_345, %dma_wait3A_346] : memref<102400x8xf32, #tpu.memory_space<hbm>> -> memref<102400x8xf32, #tpu.memory_space<hbm>>
        tpu.wait_indirect_dma semaphore(%arg18 : memref<!tpu.dma_semaphore, #tpu.memory_space<semaphore_mem>>) src(%dma_wait3A_347 : memref<102400x8xf32, #tpu.memory_space<hbm>>) dst(%dma_wait3A_341 : memref<128x8xf32, #tpu.memory_space<vmem>>)
        %dma_wait3A_348 = arith.constant 1 : i32
        %dma_wait3A_349 = arith.constant 0 : i32
        %dma_wait3A_350 = tpu.memref_slice %arg13[%add3A_263, %dma_wait3A_349] : memref<2048x8xf32, #tpu.memory_space<vmem>> -> memref<128x8xf32, #tpu.memory_space<vmem>>
        %dma_wait3A_351 = arith.constant 0 : i32
        %dma_wait3A_352 = tpu.memref_slice %arg11[%dma_wait3A_348, %dma_wait3A_351] : memref<8x128xi32, #tpu.memory_space<vmem>> -> memref<1x128xi32, #tpu.memory_space<vmem>>
        %dma_wait3A_353 = tpu.memref_squeeze %dma_wait3A_352 : memref<1x128xi32, #tpu.memory_space<vmem>> -> memref<128xi32, #tpu.memory_space<vmem>>
        %dma_wait3A_354 = arith.constant 0 : i32
        %dma_wait3A_355 = arith.constant 0 : i32
        %dma_wait3A_356 = tpu.memref_slice %arg7[%dma_wait3A_354, %dma_wait3A_355] : memref<102400x8xf32, #tpu.memory_space<hbm>> -> memref<102400x8xf32, #tpu.memory_space<hbm>>
        tpu.wait_indirect_dma semaphore(%arg18 : memref<!tpu.dma_semaphore, #tpu.memory_space<semaphore_mem>>) src(%dma_wait3A_356 : memref<102400x8xf32, #tpu.memory_space<hbm>>) dst(%dma_wait3A_350 : memref<128x8xf32, #tpu.memory_space<vmem>>)
        %dma_wait3A_357 = arith.constant 2 : i32
        %dma_wait3A_358 = arith.constant 0 : i32
        %dma_wait3A_359 = tpu.memref_slice %arg13[%add3A_274, %dma_wait3A_358] : memref<2048x8xf32, #tpu.memory_space<vmem>> -> memref<128x8xf32, #tpu.memory_space<vmem>>
        %dma_wait3A_360 = arith.constant 0 : i32
        %dma_wait3A_361 = tpu.memref_slice %arg11[%dma_wait3A_357, %dma_wait3A_360] : memref<8x128xi32, #tpu.memory_space<vmem>> -> memref<1x128xi32, #tpu.memory_space<vmem>>
        %dma_wait3A_362 = tpu.memref_squeeze %dma_wait3A_361 : memref<1x128xi32, #tpu.memory_space<vmem>> -> memref<128xi32, #tpu.memory_space<vmem>>
        %dma_wait3A_363 = arith.constant 0 : i32
        %dma_wait3A_364 = arith.constant 0 : i32
        %dma_wait3A_365 = tpu.memref_slice %arg7[%dma_wait3A_363, %dma_wait3A_364] : memref<102400x8xf32, #tpu.memory_space<hbm>> -> memref<102400x8xf32, #tpu.memory_space<hbm>>
        tpu.wait_indirect_dma semaphore(%arg18 : memref<!tpu.dma_semaphore, #tpu.memory_space<semaphore_mem>>) src(%dma_wait3A_365 : memref<102400x8xf32, #tpu.memory_space<hbm>>) dst(%dma_wait3A_359 : memref<128x8xf32, #tpu.memory_space<vmem>>)
        %dma_wait3A_366 = arith.constant 3 : i32
        %dma_wait3A_367 = arith.constant 0 : i32
        %dma_wait3A_368 = tpu.memref_slice %arg13[%add3A_285, %dma_wait3A_367] : memref<2048x8xf32, #tpu.memory_space<vmem>> -> memref<128x8xf32, #tpu.memory_space<vmem>>
        %dma_wait3A_369 = arith.constant 0 : i32
        %dma_wait3A_370 = tpu.memref_slice %arg11[%dma_wait3A_366, %dma_wait3A_369] : memref<8x128xi32, #tpu.memory_space<vmem>> -> memref<1x128xi32, #tpu.memory_space<vmem>>
        %dma_wait3A_371 = tpu.memref_squeeze %dma_wait3A_370 : memref<1x128xi32, #tpu.memory_space<vmem>> -> memref<128xi32, #tpu.memory_space<vmem>>
        %dma_wait3A_372 = arith.constant 0 : i32
        %dma_wait3A_373 = arith.constant 0 : i32
        %dma_wait3A_374 = tpu.memref_slice %arg7[%dma_wait3A_372, %dma_wait3A_373] : memref<102400x8xf32, #tpu.memory_space<hbm>> -> memref<102400x8xf32, #tpu.memory_space<hbm>>
        tpu.wait_indirect_dma semaphore(%arg18 : memref<!tpu.dma_semaphore, #tpu.memory_space<semaphore_mem>>) src(%dma_wait3A_374 : memref<102400x8xf32, #tpu.memory_space<hbm>>) dst(%dma_wait3A_368 : memref<128x8xf32, #tpu.memory_space<vmem>>)
        %dma_wait3A_375 = arith.constant 4 : i32
        %dma_wait3A_376 = arith.constant 0 : i32
        %dma_wait3A_377 = tpu.memref_slice %arg13[%add3A_296, %dma_wait3A_376] : memref<2048x8xf32, #tpu.memory_space<vmem>> -> memref<128x8xf32, #tpu.memory_space<vmem>>
        %dma_wait3A_378 = arith.constant 0 : i32
        %dma_wait3A_379 = tpu.memref_slice %arg11[%dma_wait3A_375, %dma_wait3A_378] : memref<8x128xi32, #tpu.memory_space<vmem>> -> memref<1x128xi32, #tpu.memory_space<vmem>>
        %dma_wait3A_380 = tpu.memref_squeeze %dma_wait3A_379 : memref<1x128xi32, #tpu.memory_space<vmem>> -> memref<128xi32, #tpu.memory_space<vmem>>
        %dma_wait3A_381 = arith.constant 0 : i32
        %dma_wait3A_382 = arith.constant 0 : i32
        %dma_wait3A_383 = tpu.memref_slice %arg7[%dma_wait3A_381, %dma_wait3A_382] : memref<102400x8xf32, #tpu.memory_space<hbm>> -> memref<102400x8xf32, #tpu.memory_space<hbm>>
        tpu.wait_indirect_dma semaphore(%arg18 : memref<!tpu.dma_semaphore, #tpu.memory_space<semaphore_mem>>) src(%dma_wait3A_383 : memref<102400x8xf32, #tpu.memory_space<hbm>>) dst(%dma_wait3A_377 : memref<128x8xf32, #tpu.memory_space<vmem>>)
        %dma_wait3A_384 = arith.constant 5 : i32
        %dma_wait3A_385 = arith.constant 0 : i32
        %dma_wait3A_386 = tpu.memref_slice %arg13[%add3A_307, %dma_wait3A_385] : memref<2048x8xf32, #tpu.memory_space<vmem>> -> memref<128x8xf32, #tpu.memory_space<vmem>>
        %dma_wait3A_387 = arith.constant 0 : i32
        %dma_wait3A_388 = tpu.memref_slice %arg11[%dma_wait3A_384, %dma_wait3A_387] : memref<8x128xi32, #tpu.memory_space<vmem>> -> memref<1x128xi32, #tpu.memory_space<vmem>>
        %dma_wait3A_389 = tpu.memref_squeeze %dma_wait3A_388 : memref<1x128xi32, #tpu.memory_space<vmem>> -> memref<128xi32, #tpu.memory_space<vmem>>
        %dma_wait3A_390 = arith.constant 0 : i32
        %dma_wait3A_391 = arith.constant 0 : i32
        %dma_wait3A_392 = tpu.memref_slice %arg7[%dma_wait3A_390, %dma_wait3A_391] : memref<102400x8xf32, #tpu.memory_space<hbm>> -> memref<102400x8xf32, #tpu.memory_space<hbm>>
        tpu.wait_indirect_dma semaphore(%arg18 : memref<!tpu.dma_semaphore, #tpu.memory_space<semaphore_mem>>) src(%dma_wait3A_392 : memref<102400x8xf32, #tpu.memory_space<hbm>>) dst(%dma_wait3A_386 : memref<128x8xf32, #tpu.memory_space<vmem>>)
        %dma_wait3A_393 = arith.constant 6 : i32
        %dma_wait3A_394 = arith.constant 0 : i32
        %dma_wait3A_395 = tpu.memref_slice %arg13[%add3A_318, %dma_wait3A_394] : memref<2048x8xf32, #tpu.memory_space<vmem>> -> memref<128x8xf32, #tpu.memory_space<vmem>>
        %dma_wait3A_396 = arith.constant 0 : i32
        %dma_wait3A_397 = tpu.memref_slice %arg11[%dma_wait3A_393, %dma_wait3A_396] : memref<8x128xi32, #tpu.memory_space<vmem>> -> memref<1x128xi32, #tpu.memory_space<vmem>>
        %dma_wait3A_398 = tpu.memref_squeeze %dma_wait3A_397 : memref<1x128xi32, #tpu.memory_space<vmem>> -> memref<128xi32, #tpu.memory_space<vmem>>
        %dma_wait3A_399 = arith.constant 0 : i32
        %dma_wait3A_400 = arith.constant 0 : i32
        %dma_wait3A_401 = tpu.memref_slice %arg7[%dma_wait3A_399, %dma_wait3A_400] : memref<102400x8xf32, #tpu.memory_space<hbm>> -> memref<102400x8xf32, #tpu.memory_space<hbm>>
        tpu.wait_indirect_dma semaphore(%arg18 : memref<!tpu.dma_semaphore, #tpu.memory_space<semaphore_mem>>) src(%dma_wait3A_401 : memref<102400x8xf32, #tpu.memory_space<hbm>>) dst(%dma_wait3A_395 : memref<128x8xf32, #tpu.memory_space<vmem>>)
        %dma_wait3A_402 = arith.constant 7 : i32
        %dma_wait3A_403 = arith.constant 0 : i32
        %dma_wait3A_404 = tpu.memref_slice %arg13[%add3A_329, %dma_wait3A_403] : memref<2048x8xf32, #tpu.memory_space<vmem>> -> memref<128x8xf32, #tpu.memory_space<vmem>>
        %dma_wait3A_405 = arith.constant 0 : i32
        %dma_wait3A_406 = tpu.memref_slice %arg11[%dma_wait3A_402, %dma_wait3A_405] : memref<8x128xi32, #tpu.memory_space<vmem>> -> memref<1x128xi32, #tpu.memory_space<vmem>>
        %dma_wait3A_407 = tpu.memref_squeeze %dma_wait3A_406 : memref<1x128xi32, #tpu.memory_space<vmem>> -> memref<128xi32, #tpu.memory_space<vmem>>
        %dma_wait3A_408 = arith.constant 0 : i32
        %dma_wait3A_409 = arith.constant 0 : i32
        %dma_wait3A_410 = tpu.memref_slice %arg7[%dma_wait3A_408, %dma_wait3A_409] : memref<102400x8xf32, #tpu.memory_space<hbm>> -> memref<102400x8xf32, #tpu.memory_space<hbm>>
        tpu.wait_indirect_dma semaphore(%arg18 : memref<!tpu.dma_semaphore, #tpu.memory_space<semaphore_mem>>) src(%dma_wait3A_410 : memref<102400x8xf32, #tpu.memory_space<hbm>>) dst(%dma_wait3A_404 : memref<128x8xf32, #tpu.memory_space<vmem>>)
        %add3A_411 = arith.constant 0 : i32
        %add3A_412 = arith.addi %mul3A_242, %add3A_411 : i32
        %add3A_413 = arith.constant 0 : i32
        %add3A_414 = arith.addi %mul3A_244, %add3A_413 : i32
        %dma_start3A_415 = arith.constant 0 : i32
        %dma_start3A_416 = tpu.memref_slice %arg13[%add3A_412, %dma_start3A_415] : memref<2048x8xf32, #tpu.memory_space<vmem>> -> memref<128x8xf32, #tpu.memory_space<vmem>>
        %dma_start3A_417 = arith.constant 0 : i32
        %dma_start3A_418 = tpu.memref_slice %arg12[%add3A_414, %dma_start3A_417] : memref<16x128xi32, #tpu.memory_space<vmem>> -> memref<1x128xi32, #tpu.memory_space<vmem>>
        %dma_start3A_419 = tpu.memref_squeeze %dma_start3A_418 : memref<1x128xi32, #tpu.memory_space<vmem>> -> memref<128xi32, #tpu.memory_space<vmem>>
        %dma_start3A_420 = arith.constant 0 : i32
        %dma_start3A_421 = arith.constant 0 : i32
        %dma_start3A_422 = tpu.memref_slice %arg10[%dma_start3A_420, %dma_start3A_421] : memref<102400x8xf32, #tpu.memory_space<vmem_shared>> -> memref<102400x8xf32, #tpu.memory_space<vmem_shared>>
        tpu.enqueue_indirect_dma source(%dma_start3A_416 : memref<128x8xf32, #tpu.memory_space<vmem>>) target(%dma_start3A_422 : memref<102400x8xf32, #tpu.memory_space<vmem_shared>>) offsets(%dma_start3A_419 : memref<128xi32, #tpu.memory_space<vmem>>) semaphore(%arg19 : memref<!tpu.dma_semaphore, #tpu.memory_space<semaphore_mem>>) {add = true}
        %add3A_423 = arith.constant 128 : i32
        %add3A_424 = arith.addi %mul3A_242, %add3A_423 : i32
        %add3A_425 = arith.constant 1 : i32
        %add3A_426 = arith.addi %mul3A_244, %add3A_425 : i32
        %dma_start3A_427 = arith.constant 0 : i32
        %dma_start3A_428 = tpu.memref_slice %arg13[%add3A_424, %dma_start3A_427] : memref<2048x8xf32, #tpu.memory_space<vmem>> -> memref<128x8xf32, #tpu.memory_space<vmem>>
        %dma_start3A_429 = arith.constant 0 : i32
        %dma_start3A_430 = tpu.memref_slice %arg12[%add3A_426, %dma_start3A_429] : memref<16x128xi32, #tpu.memory_space<vmem>> -> memref<1x128xi32, #tpu.memory_space<vmem>>
        %dma_start3A_431 = tpu.memref_squeeze %dma_start3A_430 : memref<1x128xi32, #tpu.memory_space<vmem>> -> memref<128xi32, #tpu.memory_space<vmem>>
        %dma_start3A_432 = arith.constant 0 : i32
        %dma_start3A_433 = arith.constant 0 : i32
        %dma_start3A_434 = tpu.memref_slice %arg10[%dma_start3A_432, %dma_start3A_433] : memref<102400x8xf32, #tpu.memory_space<vmem_shared>> -> memref<102400x8xf32, #tpu.memory_space<vmem_shared>>
        tpu.enqueue_indirect_dma source(%dma_start3A_428 : memref<128x8xf32, #tpu.memory_space<vmem>>) target(%dma_start3A_434 : memref<102400x8xf32, #tpu.memory_space<vmem_shared>>) offsets(%dma_start3A_431 : memref<128xi32, #tpu.memory_space<vmem>>) semaphore(%arg19 : memref<!tpu.dma_semaphore, #tpu.memory_space<semaphore_mem>>) {add = true}
        %add3A_435 = arith.constant 256 : i32
        %add3A_436 = arith.addi %mul3A_242, %add3A_435 : i32
        %add3A_437 = arith.constant 2 : i32
        %add3A_438 = arith.addi %mul3A_244, %add3A_437 : i32
        %dma_start3A_439 = arith.constant 0 : i32
        %dma_start3A_440 = tpu.memref_slice %arg13[%add3A_436, %dma_start3A_439] : memref<2048x8xf32, #tpu.memory_space<vmem>> -> memref<128x8xf32, #tpu.memory_space<vmem>>
        %dma_start3A_441 = arith.constant 0 : i32
        %dma_start3A_442 = tpu.memref_slice %arg12[%add3A_438, %dma_start3A_441] : memref<16x128xi32, #tpu.memory_space<vmem>> -> memref<1x128xi32, #tpu.memory_space<vmem>>
        %dma_start3A_443 = tpu.memref_squeeze %dma_start3A_442 : memref<1x128xi32, #tpu.memory_space<vmem>> -> memref<128xi32, #tpu.memory_space<vmem>>
        %dma_start3A_444 = arith.constant 0 : i32
        %dma_start3A_445 = arith.constant 0 : i32
        %dma_start3A_446 = tpu.memref_slice %arg10[%dma_start3A_444, %dma_start3A_445] : memref<102400x8xf32, #tpu.memory_space<vmem_shared>> -> memref<102400x8xf32, #tpu.memory_space<vmem_shared>>
        tpu.enqueue_indirect_dma source(%dma_start3A_440 : memref<128x8xf32, #tpu.memory_space<vmem>>) target(%dma_start3A_446 : memref<102400x8xf32, #tpu.memory_space<vmem_shared>>) offsets(%dma_start3A_443 : memref<128xi32, #tpu.memory_space<vmem>>) semaphore(%arg19 : memref<!tpu.dma_semaphore, #tpu.memory_space<semaphore_mem>>) {add = true}
        %add3A_447 = arith.constant 384 : i32
        %add3A_448 = arith.addi %mul3A_242, %add3A_447 : i32
        %add3A_449 = arith.constant 3 : i32
        %add3A_450 = arith.addi %mul3A_244, %add3A_449 : i32
        %dma_start3A_451 = arith.constant 0 : i32
        %dma_start3A_452 = tpu.memref_slice %arg13[%add3A_448, %dma_start3A_451] : memref<2048x8xf32, #tpu.memory_space<vmem>> -> memref<128x8xf32, #tpu.memory_space<vmem>>
        %dma_start3A_453 = arith.constant 0 : i32
        %dma_start3A_454 = tpu.memref_slice %arg12[%add3A_450, %dma_start3A_453] : memref<16x128xi32, #tpu.memory_space<vmem>> -> memref<1x128xi32, #tpu.memory_space<vmem>>
        %dma_start3A_455 = tpu.memref_squeeze %dma_start3A_454 : memref<1x128xi32, #tpu.memory_space<vmem>> -> memref<128xi32, #tpu.memory_space<vmem>>
        %dma_start3A_456 = arith.constant 0 : i32
        %dma_start3A_457 = arith.constant 0 : i32
        %dma_start3A_458 = tpu.memref_slice %arg10[%dma_start3A_456, %dma_start3A_457] : memref<102400x8xf32, #tpu.memory_space<vmem_shared>> -> memref<102400x8xf32, #tpu.memory_space<vmem_shared>>
        tpu.enqueue_indirect_dma source(%dma_start3A_452 : memref<128x8xf32, #tpu.memory_space<vmem>>) target(%dma_start3A_458 : memref<102400x8xf32, #tpu.memory_space<vmem_shared>>) offsets(%dma_start3A_455 : memref<128xi32, #tpu.memory_space<vmem>>) semaphore(%arg19 : memref<!tpu.dma_semaphore, #tpu.memory_space<semaphore_mem>>) {add = true}
        %add3A_459 = arith.constant 512 : i32
        %add3A_460 = arith.addi %mul3A_242, %add3A_459 : i32
        %add3A_461 = arith.constant 4 : i32
        %add3A_462 = arith.addi %mul3A_244, %add3A_461 : i32
        %dma_start3A_463 = arith.constant 0 : i32
        %dma_start3A_464 = tpu.memref_slice %arg13[%add3A_460, %dma_start3A_463] : memref<2048x8xf32, #tpu.memory_space<vmem>> -> memref<128x8xf32, #tpu.memory_space<vmem>>
        %dma_start3A_465 = arith.constant 0 : i32
        %dma_start3A_466 = tpu.memref_slice %arg12[%add3A_462, %dma_start3A_465] : memref<16x128xi32, #tpu.memory_space<vmem>> -> memref<1x128xi32, #tpu.memory_space<vmem>>
        %dma_start3A_467 = tpu.memref_squeeze %dma_start3A_466 : memref<1x128xi32, #tpu.memory_space<vmem>> -> memref<128xi32, #tpu.memory_space<vmem>>
        %dma_start3A_468 = arith.constant 0 : i32
        %dma_start3A_469 = arith.constant 0 : i32
        %dma_start3A_470 = tpu.memref_slice %arg10[%dma_start3A_468, %dma_start3A_469] : memref<102400x8xf32, #tpu.memory_space<vmem_shared>> -> memref<102400x8xf32, #tpu.memory_space<vmem_shared>>
        tpu.enqueue_indirect_dma source(%dma_start3A_464 : memref<128x8xf32, #tpu.memory_space<vmem>>) target(%dma_start3A_470 : memref<102400x8xf32, #tpu.memory_space<vmem_shared>>) offsets(%dma_start3A_467 : memref<128xi32, #tpu.memory_space<vmem>>) semaphore(%arg19 : memref<!tpu.dma_semaphore, #tpu.memory_space<semaphore_mem>>) {add = true}
        %add3A_471 = arith.constant 640 : i32
        %add3A_472 = arith.addi %mul3A_242, %add3A_471 : i32
        %add3A_473 = arith.constant 5 : i32
        %add3A_474 = arith.addi %mul3A_244, %add3A_473 : i32
        %dma_start3A_475 = arith.constant 0 : i32
        %dma_start3A_476 = tpu.memref_slice %arg13[%add3A_472, %dma_start3A_475] : memref<2048x8xf32, #tpu.memory_space<vmem>> -> memref<128x8xf32, #tpu.memory_space<vmem>>
        %dma_start3A_477 = arith.constant 0 : i32
        %dma_start3A_478 = tpu.memref_slice %arg12[%add3A_474, %dma_start3A_477] : memref<16x128xi32, #tpu.memory_space<vmem>> -> memref<1x128xi32, #tpu.memory_space<vmem>>
        %dma_start3A_479 = tpu.memref_squeeze %dma_start3A_478 : memref<1x128xi32, #tpu.memory_space<vmem>> -> memref<128xi32, #tpu.memory_space<vmem>>
        %dma_start3A_480 = arith.constant 0 : i32
        %dma_start3A_481 = arith.constant 0 : i32
        %dma_start3A_482 = tpu.memref_slice %arg10[%dma_start3A_480, %dma_start3A_481] : memref<102400x8xf32, #tpu.memory_space<vmem_shared>> -> memref<102400x8xf32, #tpu.memory_space<vmem_shared>>
        tpu.enqueue_indirect_dma source(%dma_start3A_476 : memref<128x8xf32, #tpu.memory_space<vmem>>) target(%dma_start3A_482 : memref<102400x8xf32, #tpu.memory_space<vmem_shared>>) offsets(%dma_start3A_479 : memref<128xi32, #tpu.memory_space<vmem>>) semaphore(%arg19 : memref<!tpu.dma_semaphore, #tpu.memory_space<semaphore_mem>>) {add = true}
        %add3A_483 = arith.constant 768 : i32
        %add3A_484 = arith.addi %mul3A_242, %add3A_483 : i32
        %add3A_485 = arith.constant 6 : i32
        %add3A_486 = arith.addi %mul3A_244, %add3A_485 : i32
        %dma_start3A_487 = arith.constant 0 : i32
        %dma_start3A_488 = tpu.memref_slice %arg13[%add3A_484, %dma_start3A_487] : memref<2048x8xf32, #tpu.memory_space<vmem>> -> memref<128x8xf32, #tpu.memory_space<vmem>>
        %dma_start3A_489 = arith.constant 0 : i32
        %dma_start3A_490 = tpu.memref_slice %arg12[%add3A_486, %dma_start3A_489] : memref<16x128xi32, #tpu.memory_space<vmem>> -> memref<1x128xi32, #tpu.memory_space<vmem>>
        %dma_start3A_491 = tpu.memref_squeeze %dma_start3A_490 : memref<1x128xi32, #tpu.memory_space<vmem>> -> memref<128xi32, #tpu.memory_space<vmem>>
        %dma_start3A_492 = arith.constant 0 : i32
        %dma_start3A_493 = arith.constant 0 : i32
        %dma_start3A_494 = tpu.memref_slice %arg10[%dma_start3A_492, %dma_start3A_493] : memref<102400x8xf32, #tpu.memory_space<vmem_shared>> -> memref<102400x8xf32, #tpu.memory_space<vmem_shared>>
        tpu.enqueue_indirect_dma source(%dma_start3A_488 : memref<128x8xf32, #tpu.memory_space<vmem>>) target(%dma_start3A_494 : memref<102400x8xf32, #tpu.memory_space<vmem_shared>>) offsets(%dma_start3A_491 : memref<128xi32, #tpu.memory_space<vmem>>) semaphore(%arg19 : memref<!tpu.dma_semaphore, #tpu.memory_space<semaphore_mem>>) {add = true}
        %add3A_495 = arith.constant 896 : i32
        %add3A_496 = arith.addi %mul3A_242, %add3A_495 : i32
        %add3A_497 = arith.constant 7 : i32
        %add3A_498 = arith.addi %mul3A_244, %add3A_497 : i32
        %dma_start3A_499 = arith.constant 0 : i32
        %dma_start3A_500 = tpu.memref_slice %arg13[%add3A_496, %dma_start3A_499] : memref<2048x8xf32, #tpu.memory_space<vmem>> -> memref<128x8xf32, #tpu.memory_space<vmem>>
        %dma_start3A_501 = arith.constant 0 : i32
        %dma_start3A_502 = tpu.memref_slice %arg12[%add3A_498, %dma_start3A_501] : memref<16x128xi32, #tpu.memory_space<vmem>> -> memref<1x128xi32, #tpu.memory_space<vmem>>
        %dma_start3A_503 = tpu.memref_squeeze %dma_start3A_502 : memref<1x128xi32, #tpu.memory_space<vmem>> -> memref<128xi32, #tpu.memory_space<vmem>>
        %dma_start3A_504 = arith.constant 0 : i32
        %dma_start3A_505 = arith.constant 0 : i32
        %dma_start3A_506 = tpu.memref_slice %arg10[%dma_start3A_504, %dma_start3A_505] : memref<102400x8xf32, #tpu.memory_space<vmem_shared>> -> memref<102400x8xf32, #tpu.memory_space<vmem_shared>>
        tpu.enqueue_indirect_dma source(%dma_start3A_500 : memref<128x8xf32, #tpu.memory_space<vmem>>) target(%dma_start3A_506 : memref<102400x8xf32, #tpu.memory_space<vmem_shared>>) offsets(%dma_start3A_503 : memref<128xi32, #tpu.memory_space<vmem>>) semaphore(%arg19 : memref<!tpu.dma_semaphore, #tpu.memory_space<semaphore_mem>>) {add = true}
      }
      %scan3A_74 = arith.constant 49 : i32
      %dma_wait3A = arith.constant 0 : i32
      %dma_wait3A_75 = arith.constant 0 : i32
      %dma_wait3A_76 = arith.constant 0 : i32
      %dma_wait3A_77 = tpu.memref_slice %arg13[%dma_wait3A_75, %dma_wait3A_76] : memref<2048x8xf32, #tpu.memory_space<vmem>> -> memref<128x8xf32, #tpu.memory_space<vmem>>
      %dma_wait3A_78 = arith.constant 0 : i32
      %dma_wait3A_79 = tpu.memref_slice %arg12[%dma_wait3A, %dma_wait3A_78] : memref<16x128xi32, #tpu.memory_space<vmem>> -> memref<1x128xi32, #tpu.memory_space<vmem>>
      %dma_wait3A_80 = tpu.memref_squeeze %dma_wait3A_79 : memref<1x128xi32, #tpu.memory_space<vmem>> -> memref<128xi32, #tpu.memory_space<vmem>>
      %dma_wait3A_81 = arith.constant 0 : i32
      %dma_wait3A_82 = arith.constant 0 : i32
      %dma_wait3A_83 = tpu.memref_slice %arg10[%dma_wait3A_81, %dma_wait3A_82] : memref<102400x8xf32, #tpu.memory_space<vmem_shared>> -> memref<102400x8xf32, #tpu.memory_space<vmem_shared>>
      tpu.wait_indirect_dma semaphore(%arg19 : memref<!tpu.dma_semaphore, #tpu.memory_space<semaphore_mem>>) src(%dma_wait3A_77 : memref<128x8xf32, #tpu.memory_space<vmem>>) dst(%dma_wait3A_83 : memref<102400x8xf32, #tpu.memory_space<vmem_shared>>)
      %dma_wait3A_84 = arith.constant 0 : i32
      %dma_wait3A_85 = arith.constant 0 : i32
      %dma_wait3A_86 = arith.constant 0 : i32
      %dma_wait3A_87 = tpu.memref_slice %arg13[%dma_wait3A_85, %dma_wait3A_86] : memref<2048x8xf32, #tpu.memory_space<vmem>> -> memref<128x8xf32, #tpu.memory_space<vmem>>
      %dma_wait3A_88 = arith.constant 0 : i32
      %dma_wait3A_89 = tpu.memref_slice %arg12[%dma_wait3A_84, %dma_wait3A_88] : memref<16x128xi32, #tpu.memory_space<vmem>> -> memref<1x128xi32, #tpu.memory_space<vmem>>
      %dma_wait3A_90 = tpu.memref_squeeze %dma_wait3A_89 : memref<1x128xi32, #tpu.memory_space<vmem>> -> memref<128xi32, #tpu.memory_space<vmem>>
      %dma_wait3A_91 = arith.constant 0 : i32
      %dma_wait3A_92 = arith.constant 0 : i32
      %dma_wait3A_93 = tpu.memref_slice %arg10[%dma_wait3A_91, %dma_wait3A_92] : memref<102400x8xf32, #tpu.memory_space<vmem_shared>> -> memref<102400x8xf32, #tpu.memory_space<vmem_shared>>
      tpu.wait_indirect_dma semaphore(%arg19 : memref<!tpu.dma_semaphore, #tpu.memory_space<semaphore_mem>>) src(%dma_wait3A_87 : memref<128x8xf32, #tpu.memory_space<vmem>>) dst(%dma_wait3A_93 : memref<102400x8xf32, #tpu.memory_space<vmem_shared>>)
      %dma_wait3A_94 = arith.constant 0 : i32
      %dma_wait3A_95 = arith.constant 0 : i32
      %dma_wait3A_96 = arith.constant 0 : i32
      %dma_wait3A_97 = tpu.memref_slice %arg13[%dma_wait3A_95, %dma_wait3A_96] : memref<2048x8xf32, #tpu.memory_space<vmem>> -> memref<128x8xf32, #tpu.memory_space<vmem>>
      %dma_wait3A_98 = arith.constant 0 : i32
      %dma_wait3A_99 = tpu.memref_slice %arg12[%dma_wait3A_94, %dma_wait3A_98] : memref<16x128xi32, #tpu.memory_space<vmem>> -> memref<1x128xi32, #tpu.memory_space<vmem>>
      %dma_wait3A_100 = tpu.memref_squeeze %dma_wait3A_99 : memref<1x128xi32, #tpu.memory_space<vmem>> -> memref<128xi32, #tpu.memory_space<vmem>>
      %dma_wait3A_101 = arith.constant 0 : i32
      %dma_wait3A_102 = arith.constant 0 : i32
      %dma_wait3A_103 = tpu.memref_slice %arg10[%dma_wait3A_101, %dma_wait3A_102] : memref<102400x8xf32, #tpu.memory_space<vmem_shared>> -> memref<102400x8xf32, #tpu.memory_space<vmem_shared>>
      tpu.wait_indirect_dma semaphore(%arg19 : memref<!tpu.dma_semaphore, #tpu.memory_space<semaphore_mem>>) src(%dma_wait3A_97 : memref<128x8xf32, #tpu.memory_space<vmem>>) dst(%dma_wait3A_103 : memref<102400x8xf32, #tpu.memory_space<vmem_shared>>)
      %dma_wait3A_104 = arith.constant 0 : i32
      %dma_wait3A_105 = arith.constant 0 : i32
      %dma_wait3A_106 = arith.constant 0 : i32
      %dma_wait3A_107 = tpu.memref_slice %arg13[%dma_wait3A_105, %dma_wait3A_106] : memref<2048x8xf32, #tpu.memory_space<vmem>> -> memref<128x8xf32, #tpu.memory_space<vmem>>
      %dma_wait3A_108 = arith.constant 0 : i32
      %dma_wait3A_109 = tpu.memref_slice %arg12[%dma_wait3A_104, %dma_wait3A_108] : memref<16x128xi32, #tpu.memory_space<vmem>> -> memref<1x128xi32, #tpu.memory_space<vmem>>
      %dma_wait3A_110 = tpu.memref_squeeze %dma_wait3A_109 : memref<1x128xi32, #tpu.memory_space<vmem>> -> memref<128xi32, #tpu.memory_space<vmem>>
      %dma_wait3A_111 = arith.constant 0 : i32
      %dma_wait3A_112 = arith.constant 0 : i32
      %dma_wait3A_113 = tpu.memref_slice %arg10[%dma_wait3A_111, %dma_wait3A_112] : memref<102400x8xf32, #tpu.memory_space<vmem_shared>> -> memref<102400x8xf32, #tpu.memory_space<vmem_shared>>
      tpu.wait_indirect_dma semaphore(%arg19 : memref<!tpu.dma_semaphore, #tpu.memory_space<semaphore_mem>>) src(%dma_wait3A_107 : memref<128x8xf32, #tpu.memory_space<vmem>>) dst(%dma_wait3A_113 : memref<102400x8xf32, #tpu.memory_space<vmem_shared>>)
      %dma_wait3A_114 = arith.constant 0 : i32
      %dma_wait3A_115 = arith.constant 0 : i32
      %dma_wait3A_116 = arith.constant 0 : i32
      %dma_wait3A_117 = tpu.memref_slice %arg13[%dma_wait3A_115, %dma_wait3A_116] : memref<2048x8xf32, #tpu.memory_space<vmem>> -> memref<128x8xf32, #tpu.memory_space<vmem>>
      %dma_wait3A_118 = arith.constant 0 : i32
      %dma_wait3A_119 = tpu.memref_slice %arg12[%dma_wait3A_114, %dma_wait3A_118] : memref<16x128xi32, #tpu.memory_space<vmem>> -> memref<1x128xi32, #tpu.memory_space<vmem>>
      %dma_wait3A_120 = tpu.memref_squeeze %dma_wait3A_119 : memref<1x128xi32, #tpu.memory_space<vmem>> -> memref<128xi32, #tpu.memory_space<vmem>>
      %dma_wait3A_121 = arith.constant 0 : i32
      %dma_wait3A_122 = arith.constant 0 : i32
      %dma_wait3A_123 = tpu.memref_slice %arg10[%dma_wait3A_121, %dma_wait3A_122] : memref<102400x8xf32, #tpu.memory_space<vmem_shared>> -> memref<102400x8xf32, #tpu.memory_space<vmem_shared>>
      tpu.wait_indirect_dma semaphore(%arg19 : memref<!tpu.dma_semaphore, #tpu.memory_space<semaphore_mem>>) src(%dma_wait3A_117 : memref<128x8xf32, #tpu.memory_space<vmem>>) dst(%dma_wait3A_123 : memref<102400x8xf32, #tpu.memory_space<vmem_shared>>)
      %dma_wait3A_124 = arith.constant 0 : i32
      %dma_wait3A_125 = arith.constant 0 : i32
      %dma_wait3A_126 = arith.constant 0 : i32
      %dma_wait3A_127 = tpu.memref_slice %arg13[%dma_wait3A_125, %dma_wait3A_126] : memref<2048x8xf32, #tpu.memory_space<vmem>> -> memref<128x8xf32, #tpu.memory_space<vmem>>
      %dma_wait3A_128 = arith.constant 0 : i32
      %dma_wait3A_129 = tpu.memref_slice %arg12[%dma_wait3A_124, %dma_wait3A_128] : memref<16x128xi32, #tpu.memory_space<vmem>> -> memref<1x128xi32, #tpu.memory_space<vmem>>
      %dma_wait3A_130 = tpu.memref_squeeze %dma_wait3A_129 : memref<1x128xi32, #tpu.memory_space<vmem>> -> memref<128xi32, #tpu.memory_space<vmem>>
      %dma_wait3A_131 = arith.constant 0 : i32
      %dma_wait3A_132 = arith.constant 0 : i32
      %dma_wait3A_133 = tpu.memref_slice %arg10[%dma_wait3A_131, %dma_wait3A_132] : memref<102400x8xf32, #tpu.memory_space<vmem_shared>> -> memref<102400x8xf32, #tpu.memory_space<vmem_shared>>
      tpu.wait_indirect_dma semaphore(%arg19 : memref<!tpu.dma_semaphore, #tpu.memory_space<semaphore_mem>>) src(%dma_wait3A_127 : memref<128x8xf32, #tpu.memory_space<vmem>>) dst(%dma_wait3A_133 : memref<102400x8xf32, #tpu.memory_space<vmem_shared>>)
      %dma_wait3A_134 = arith.constant 0 : i32
      %dma_wait3A_135 = arith.constant 0 : i32
      %dma_wait3A_136 = arith.constant 0 : i32
      %dma_wait3A_137 = tpu.memref_slice %arg13[%dma_wait3A_135, %dma_wait3A_136] : memref<2048x8xf32, #tpu.memory_space<vmem>> -> memref<128x8xf32, #tpu.memory_space<vmem>>
      %dma_wait3A_138 = arith.constant 0 : i32
      %dma_wait3A_139 = tpu.memref_slice %arg12[%dma_wait3A_134, %dma_wait3A_138] : memref<16x128xi32, #tpu.memory_space<vmem>> -> memref<1x128xi32, #tpu.memory_space<vmem>>
      %dma_wait3A_140 = tpu.memref_squeeze %dma_wait3A_139 : memref<1x128xi32, #tpu.memory_space<vmem>> -> memref<128xi32, #tpu.memory_space<vmem>>
      %dma_wait3A_141 = arith.constant 0 : i32
      %dma_wait3A_142 = arith.constant 0 : i32
      %dma_wait3A_143 = tpu.memref_slice %arg10[%dma_wait3A_141, %dma_wait3A_142] : memref<102400x8xf32, #tpu.memory_space<vmem_shared>> -> memref<102400x8xf32, #tpu.memory_space<vmem_shared>>
      tpu.wait_indirect_dma semaphore(%arg19 : memref<!tpu.dma_semaphore, #tpu.memory_space<semaphore_mem>>) src(%dma_wait3A_137 : memref<128x8xf32, #tpu.memory_space<vmem>>) dst(%dma_wait3A_143 : memref<102400x8xf32, #tpu.memory_space<vmem_shared>>)
      %dma_wait3A_144 = arith.constant 0 : i32
      %dma_wait3A_145 = arith.constant 0 : i32
      %dma_wait3A_146 = arith.constant 0 : i32
      %dma_wait3A_147 = tpu.memref_slice %arg13[%dma_wait3A_145, %dma_wait3A_146] : memref<2048x8xf32, #tpu.memory_space<vmem>> -> memref<128x8xf32, #tpu.memory_space<vmem>>
      %dma_wait3A_148 = arith.constant 0 : i32
      %dma_wait3A_149 = tpu.memref_slice %arg12[%dma_wait3A_144, %dma_wait3A_148] : memref<16x128xi32, #tpu.memory_space<vmem>> -> memref<1x128xi32, #tpu.memory_space<vmem>>
      %dma_wait3A_150 = tpu.memref_squeeze %dma_wait3A_149 : memref<1x128xi32, #tpu.memory_space<vmem>> -> memref<128xi32, #tpu.memory_space<vmem>>
      %dma_wait3A_151 = arith.constant 0 : i32
      %dma_wait3A_152 = arith.constant 0 : i32
      %dma_wait3A_153 = tpu.memref_slice %arg10[%dma_wait3A_151, %dma_wait3A_152] : memref<102400x8xf32, #tpu.memory_space<vmem_shared>> -> memref<102400x8xf32, #tpu.memory_space<vmem_shared>>
      tpu.wait_indirect_dma semaphore(%arg19 : memref<!tpu.dma_semaphore, #tpu.memory_space<semaphore_mem>>) src(%dma_wait3A_147 : memref<128x8xf32, #tpu.memory_space<vmem>>) dst(%dma_wait3A_153 : memref<102400x8xf32, #tpu.memory_space<vmem_shared>>)
      %dma_wait3A_154 = arith.constant 0 : i32
      %dma_wait3A_155 = arith.constant 0 : i32
      %dma_wait3A_156 = arith.constant 0 : i32
      %dma_wait3A_157 = tpu.memref_slice %arg13[%dma_wait3A_155, %dma_wait3A_156] : memref<2048x8xf32, #tpu.memory_space<vmem>> -> memref<128x8xf32, #tpu.memory_space<vmem>>
      %dma_wait3A_158 = arith.constant 0 : i32
      %dma_wait3A_159 = tpu.memref_slice %arg12[%dma_wait3A_154, %dma_wait3A_158] : memref<16x128xi32, #tpu.memory_space<vmem>> -> memref<1x128xi32, #tpu.memory_space<vmem>>
      %dma_wait3A_160 = tpu.memref_squeeze %dma_wait3A_159 : memref<1x128xi32, #tpu.memory_space<vmem>> -> memref<128xi32, #tpu.memory_space<vmem>>
      %dma_wait3A_161 = arith.constant 0 : i32
      %dma_wait3A_162 = arith.constant 0 : i32
      %dma_wait3A_163 = tpu.memref_slice %arg10[%dma_wait3A_161, %dma_wait3A_162] : memref<102400x8xf32, #tpu.memory_space<vmem_shared>> -> memref<102400x8xf32, #tpu.memory_space<vmem_shared>>
      tpu.wait_indirect_dma semaphore(%arg19 : memref<!tpu.dma_semaphore, #tpu.memory_space<semaphore_mem>>) src(%dma_wait3A_157 : memref<128x8xf32, #tpu.memory_space<vmem>>) dst(%dma_wait3A_163 : memref<102400x8xf32, #tpu.memory_space<vmem_shared>>)
      %dma_wait3A_164 = arith.constant 0 : i32
      %dma_wait3A_165 = arith.constant 0 : i32
      %dma_wait3A_166 = arith.constant 0 : i32
      %dma_wait3A_167 = tpu.memref_slice %arg13[%dma_wait3A_165, %dma_wait3A_166] : memref<2048x8xf32, #tpu.memory_space<vmem>> -> memref<128x8xf32, #tpu.memory_space<vmem>>
      %dma_wait3A_168 = arith.constant 0 : i32
      %dma_wait3A_169 = tpu.memref_slice %arg12[%dma_wait3A_164, %dma_wait3A_168] : memref<16x128xi32, #tpu.memory_space<vmem>> -> memref<1x128xi32, #tpu.memory_space<vmem>>
      %dma_wait3A_170 = tpu.memref_squeeze %dma_wait3A_169 : memref<1x128xi32, #tpu.memory_space<vmem>> -> memref<128xi32, #tpu.memory_space<vmem>>
      %dma_wait3A_171 = arith.constant 0 : i32
      %dma_wait3A_172 = arith.constant 0 : i32
      %dma_wait3A_173 = tpu.memref_slice %arg10[%dma_wait3A_171, %dma_wait3A_172] : memref<102400x8xf32, #tpu.memory_space<vmem_shared>> -> memref<102400x8xf32, #tpu.memory_space<vmem_shared>>
      tpu.wait_indirect_dma semaphore(%arg19 : memref<!tpu.dma_semaphore, #tpu.memory_space<semaphore_mem>>) src(%dma_wait3A_167 : memref<128x8xf32, #tpu.memory_space<vmem>>) dst(%dma_wait3A_173 : memref<102400x8xf32, #tpu.memory_space<vmem_shared>>)
      %dma_wait3A_174 = arith.constant 0 : i32
      %dma_wait3A_175 = arith.constant 0 : i32
      %dma_wait3A_176 = arith.constant 0 : i32
      %dma_wait3A_177 = tpu.memref_slice %arg13[%dma_wait3A_175, %dma_wait3A_176] : memref<2048x8xf32, #tpu.memory_space<vmem>> -> memref<128x8xf32, #tpu.memory_space<vmem>>
      %dma_wait3A_178 = arith.constant 0 : i32
      %dma_wait3A_179 = tpu.memref_slice %arg12[%dma_wait3A_174, %dma_wait3A_178] : memref<16x128xi32, #tpu.memory_space<vmem>> -> memref<1x128xi32, #tpu.memory_space<vmem>>
      %dma_wait3A_180 = tpu.memref_squeeze %dma_wait3A_179 : memref<1x128xi32, #tpu.memory_space<vmem>> -> memref<128xi32, #tpu.memory_space<vmem>>
      %dma_wait3A_181 = arith.constant 0 : i32
      %dma_wait3A_182 = arith.constant 0 : i32
      %dma_wait3A_183 = tpu.memref_slice %arg10[%dma_wait3A_181, %dma_wait3A_182] : memref<102400x8xf32, #tpu.memory_space<vmem_shared>> -> memref<102400x8xf32, #tpu.memory_space<vmem_shared>>
      tpu.wait_indirect_dma semaphore(%arg19 : memref<!tpu.dma_semaphore, #tpu.memory_space<semaphore_mem>>) src(%dma_wait3A_177 : memref<128x8xf32, #tpu.memory_space<vmem>>) dst(%dma_wait3A_183 : memref<102400x8xf32, #tpu.memory_space<vmem_shared>>)
      %dma_wait3A_184 = arith.constant 0 : i32
      %dma_wait3A_185 = arith.constant 0 : i32
      %dma_wait3A_186 = arith.constant 0 : i32
      %dma_wait3A_187 = tpu.memref_slice %arg13[%dma_wait3A_185, %dma_wait3A_186] : memref<2048x8xf32, #tpu.memory_space<vmem>> -> memref<128x8xf32, #tpu.memory_space<vmem>>
      %dma_wait3A_188 = arith.constant 0 : i32
      %dma_wait3A_189 = tpu.memref_slice %arg12[%dma_wait3A_184, %dma_wait3A_188] : memref<16x128xi32, #tpu.memory_space<vmem>> -> memref<1x128xi32, #tpu.memory_space<vmem>>
      %dma_wait3A_190 = tpu.memref_squeeze %dma_wait3A_189 : memref<1x128xi32, #tpu.memory_space<vmem>> -> memref<128xi32, #tpu.memory_space<vmem>>
      %dma_wait3A_191 = arith.constant 0 : i32
      %dma_wait3A_192 = arith.constant 0 : i32
      %dma_wait3A_193 = tpu.memref_slice %arg10[%dma_wait3A_191, %dma_wait3A_192] : memref<102400x8xf32, #tpu.memory_space<vmem_shared>> -> memref<102400x8xf32, #tpu.memory_space<vmem_shared>>
      tpu.wait_indirect_dma semaphore(%arg19 : memref<!tpu.dma_semaphore, #tpu.memory_space<semaphore_mem>>) src(%dma_wait3A_187 : memref<128x8xf32, #tpu.memory_space<vmem>>) dst(%dma_wait3A_193 : memref<102400x8xf32, #tpu.memory_space<vmem_shared>>)
      %dma_wait3A_194 = arith.constant 0 : i32
      %dma_wait3A_195 = arith.constant 0 : i32
      %dma_wait3A_196 = arith.constant 0 : i32
      %dma_wait3A_197 = tpu.memref_slice %arg13[%dma_wait3A_195, %dma_wait3A_196] : memref<2048x8xf32, #tpu.memory_space<vmem>> -> memref<128x8xf32, #tpu.memory_space<vmem>>
      %dma_wait3A_198 = arith.constant 0 : i32
      %dma_wait3A_199 = tpu.memref_slice %arg12[%dma_wait3A_194, %dma_wait3A_198] : memref<16x128xi32, #tpu.memory_space<vmem>> -> memref<1x128xi32, #tpu.memory_space<vmem>>
      %dma_wait3A_200 = tpu.memref_squeeze %dma_wait3A_199 : memref<1x128xi32, #tpu.memory_space<vmem>> -> memref<128xi32, #tpu.memory_space<vmem>>
      %dma_wait3A_201 = arith.constant 0 : i32
      %dma_wait3A_202 = arith.constant 0 : i32
      %dma_wait3A_203 = tpu.memref_slice %arg10[%dma_wait3A_201, %dma_wait3A_202] : memref<102400x8xf32, #tpu.memory_space<vmem_shared>> -> memref<102400x8xf32, #tpu.memory_space<vmem_shared>>
      tpu.wait_indirect_dma semaphore(%arg19 : memref<!tpu.dma_semaphore, #tpu.memory_space<semaphore_mem>>) src(%dma_wait3A_197 : memref<128x8xf32, #tpu.memory_space<vmem>>) dst(%dma_wait3A_203 : memref<102400x8xf32, #tpu.memory_space<vmem_shared>>)
      %dma_wait3A_204 = arith.constant 0 : i32
      %dma_wait3A_205 = arith.constant 0 : i32
      %dma_wait3A_206 = arith.constant 0 : i32
      %dma_wait3A_207 = tpu.memref_slice %arg13[%dma_wait3A_205, %dma_wait3A_206] : memref<2048x8xf32, #tpu.memory_space<vmem>> -> memref<128x8xf32, #tpu.memory_space<vmem>>
      %dma_wait3A_208 = arith.constant 0 : i32
      %dma_wait3A_209 = tpu.memref_slice %arg12[%dma_wait3A_204, %dma_wait3A_208] : memref<16x128xi32, #tpu.memory_space<vmem>> -> memref<1x128xi32, #tpu.memory_space<vmem>>
      %dma_wait3A_210 = tpu.memref_squeeze %dma_wait3A_209 : memref<1x128xi32, #tpu.memory_space<vmem>> -> memref<128xi32, #tpu.memory_space<vmem>>
      %dma_wait3A_211 = arith.constant 0 : i32
      %dma_wait3A_212 = arith.constant 0 : i32
      %dma_wait3A_213 = tpu.memref_slice %arg10[%dma_wait3A_211, %dma_wait3A_212] : memref<102400x8xf32, #tpu.memory_space<vmem_shared>> -> memref<102400x8xf32, #tpu.memory_space<vmem_shared>>
      tpu.wait_indirect_dma semaphore(%arg19 : memref<!tpu.dma_semaphore, #tpu.memory_space<semaphore_mem>>) src(%dma_wait3A_207 : memref<128x8xf32, #tpu.memory_space<vmem>>) dst(%dma_wait3A_213 : memref<102400x8xf32, #tpu.memory_space<vmem_shared>>)
      %dma_wait3A_214 = arith.constant 0 : i32
      %dma_wait3A_215 = arith.constant 0 : i32
      %dma_wait3A_216 = arith.constant 0 : i32
      %dma_wait3A_217 = tpu.memref_slice %arg13[%dma_wait3A_215, %dma_wait3A_216] : memref<2048x8xf32, #tpu.memory_space<vmem>> -> memref<128x8xf32, #tpu.memory_space<vmem>>
      %dma_wait3A_218 = arith.constant 0 : i32
      %dma_wait3A_219 = tpu.memref_slice %arg12[%dma_wait3A_214, %dma_wait3A_218] : memref<16x128xi32, #tpu.memory_space<vmem>> -> memref<1x128xi32, #tpu.memory_space<vmem>>
      %dma_wait3A_220 = tpu.memref_squeeze %dma_wait3A_219 : memref<1x128xi32, #tpu.memory_space<vmem>> -> memref<128xi32, #tpu.memory_space<vmem>>
      %dma_wait3A_221 = arith.constant 0 : i32
      %dma_wait3A_222 = arith.constant 0 : i32
      %dma_wait3A_223 = tpu.memref_slice %arg10[%dma_wait3A_221, %dma_wait3A_222] : memref<102400x8xf32, #tpu.memory_space<vmem_shared>> -> memref<102400x8xf32, #tpu.memory_space<vmem_shared>>
      tpu.wait_indirect_dma semaphore(%arg19 : memref<!tpu.dma_semaphore, #tpu.memory_space<semaphore_mem>>) src(%dma_wait3A_217 : memref<128x8xf32, #tpu.memory_space<vmem>>) dst(%dma_wait3A_223 : memref<102400x8xf32, #tpu.memory_space<vmem_shared>>)
      %dma_wait3A_224 = arith.constant 0 : i32
      %dma_wait3A_225 = arith.constant 0 : i32
      %dma_wait3A_226 = arith.constant 0 : i32
      %dma_wait3A_227 = tpu.memref_slice %arg13[%dma_wait3A_225, %dma_wait3A_226] : memref<2048x8xf32, #tpu.memory_space<vmem>> -> memref<128x8xf32, #tpu.memory_space<vmem>>
      %dma_wait3A_228 = arith.constant 0 : i32
      %dma_wait3A_229 = tpu.memref_slice %arg12[%dma_wait3A_224, %dma_wait3A_228] : memref<16x128xi32, #tpu.memory_space<vmem>> -> memref<1x128xi32, #tpu.memory_space<vmem>>
      %dma_wait3A_230 = tpu.memref_squeeze %dma_wait3A_229 : memref<1x128xi32, #tpu.memory_space<vmem>> -> memref<128xi32, #tpu.memory_space<vmem>>
      %dma_wait3A_231 = arith.constant 0 : i32
      %dma_wait3A_232 = arith.constant 0 : i32
      %dma_wait3A_233 = tpu.memref_slice %arg10[%dma_wait3A_231, %dma_wait3A_232] : memref<102400x8xf32, #tpu.memory_space<vmem_shared>> -> memref<102400x8xf32, #tpu.memory_space<vmem_shared>>
      tpu.wait_indirect_dma semaphore(%arg19 : memref<!tpu.dma_semaphore, #tpu.memory_space<semaphore_mem>>) src(%dma_wait3A_227 : memref<128x8xf32, #tpu.memory_space<vmem>>) dst(%dma_wait3A_233 : memref<102400x8xf32, #tpu.memory_space<vmem_shared>>)
    } else {
    }
    %eq3A_60 = arith.constant 1 : i32
    %eq3A_61 = arith.cmpi eq, %arg0, %eq3A_60 : i32
    %convert_element_type3A_62 = arith.extui %eq3A_61 : i1 to i32
    %cond3A_63 = arith.constant 0 : i32
    %cond3A_64 = arith.cmpi ne, %convert_element_type3A_62, %cond3A_63 : i32
    scf.if %cond3A_64 {
      %scan3A = arith.constant 0 : i32
      %scan3A_65 = arith.constant 4 : i32
      %scan3A_66 = arith.addi %scan3A, %scan3A_65 : i32
      %scan3A_67 = arith.constant 1 : i32
      scf.for %scan3A_234 = %scan3A to %scan3A_66 step %scan3A_67  : i32 {
        %mul3A_235 = arith.constant 1 : i32
        %mul3A_236 = arith.muli %scan3A_234, %mul3A_235 : i32
        %add3A_237 = arith.constant 0 : i32
        %add3A_238 = arith.addi %add3A_237, %mul3A_236 : i32
        %mul3A_239 = arith.constant 1600 : i32
        %mul3A_240 = arith.muli %add3A_238, %mul3A_239 : i32
        %add3A_241 = arith.addi %mul3A_2, %mul3A_240 : i32
        %run_scoped3A = arith.constant 0 : i32
        %run_scoped3A_242 = arith.constant 0 : i32
        "tpu.region"() ({
          %run_scoped3A_257 = tpu.sem_alloc : memref<!tpu.dma_semaphore, #tpu.memory_space<semaphore_mem>>
          %dma_start3A = arith.constant 0 : i32
          %dma_start3A_258 = tpu.memref_slice %arg14[%run_scoped3A_242, %dma_start3A] : memref<2x1600xf32, #tpu.memory_space<vmem>> -> memref<1x1600xf32, #tpu.memory_space<vmem>>
          %dma_start3A_259 = tpu.memref_squeeze %dma_start3A_258 : memref<1x1600xf32, #tpu.memory_space<vmem>> -> memref<1600xf32, #tpu.memory_space<vmem>>
          %dma_start3A_260 = tpu.memref_slice %arg2[%run_scoped3A, %add3A_241] : memref<2x102400xf32, #tpu.memory_space<hbm>> -> memref<1x1600xf32, #tpu.memory_space<hbm>>
          %dma_start3A_261 = tpu.memref_squeeze %dma_start3A_260 : memref<1x1600xf32, #tpu.memory_space<hbm>> -> memref<1600xf32, #tpu.memory_space<hbm>>
          %dma_start3A_262 = arith.constant 0 : i32
          %dma_start3A_263 = tpu.memref_slice %arg14[%run_scoped3A_242, %dma_start3A_262] : memref<2x1600xf32, #tpu.memory_space<vmem>> -> memref<1x1600xf32, #tpu.memory_space<vmem>>
          %dma_start3A_264 = tpu.memref_squeeze %dma_start3A_263 : memref<1x1600xf32, #tpu.memory_space<vmem>> -> memref<1600xf32, #tpu.memory_space<vmem>>
          %dma_start3A_265 = tpu.memref_slice %arg2[%run_scoped3A, %add3A_241] : memref<2x102400xf32, #tpu.memory_space<hbm>> -> memref<1x1600xf32, #tpu.memory_space<hbm>>
          %dma_start3A_266 = tpu.memref_squeeze %dma_start3A_265 : memref<1x1600xf32, #tpu.memory_space<hbm>> -> memref<1600xf32, #tpu.memory_space<hbm>>
          tpu.enqueue_dma source(%dma_start3A_266 : memref<1600xf32, #tpu.memory_space<hbm>>) target(%dma_start3A_264 : memref<1600xf32, #tpu.memory_space<vmem>>) target_semaphore(%run_scoped3A_257 : memref<!tpu.dma_semaphore, #tpu.memory_space<semaphore_mem>>)
          %dma_wait3A_267 = arith.constant 0 : i32
          %dma_wait3A_268 = tpu.memref_slice %arg14[%run_scoped3A_242, %dma_wait3A_267] : memref<2x1600xf32, #tpu.memory_space<vmem>> -> memref<1x1600xf32, #tpu.memory_space<vmem>>
          %dma_wait3A_269 = tpu.memref_squeeze %dma_wait3A_268 : memref<1x1600xf32, #tpu.memory_space<vmem>> -> memref<1600xf32, #tpu.memory_space<vmem>>
          %dma_wait3A_270 = tpu.memref_slice %arg2[%run_scoped3A, %add3A_241] : memref<2x102400xf32, #tpu.memory_space<hbm>> -> memref<1x1600xf32, #tpu.memory_space<hbm>>
          %dma_wait3A_271 = tpu.memref_squeeze %dma_wait3A_270 : memref<1x1600xf32, #tpu.memory_space<hbm>> -> memref<1600xf32, #tpu.memory_space<hbm>>
          %dma_wait3A_272 = arith.constant 0 : i32
          %dma_wait3A_273 = tpu.memref_slice %arg14[%run_scoped3A_242, %dma_wait3A_272] : memref<2x1600xf32, #tpu.memory_space<vmem>> -> memref<1x1600xf32, #tpu.memory_space<vmem>>
          %dma_wait3A_274 = tpu.memref_squeeze %dma_wait3A_273 : memref<1x1600xf32, #tpu.memory_space<vmem>> -> memref<1600xf32, #tpu.memory_space<vmem>>
          %dma_wait3A_275 = tpu.memref_slice %arg2[%run_scoped3A, %add3A_241] : memref<2x102400xf32, #tpu.memory_space<hbm>> -> memref<1x1600xf32, #tpu.memory_space<hbm>>
          %dma_wait3A_276 = tpu.memref_squeeze %dma_wait3A_275 : memref<1x1600xf32, #tpu.memory_space<hbm>> -> memref<1600xf32, #tpu.memory_space<hbm>>
          tpu.wait_dma2 semaphore(%run_scoped3A_257 : memref<!tpu.dma_semaphore, #tpu.memory_space<semaphore_mem>>) src(%dma_wait3A_276 : memref<1600xf32, #tpu.memory_space<hbm>>) dst(%dma_wait3A_274 : memref<1600xf32, #tpu.memory_space<vmem>>)
          tpu.yield
        }) : () -> ()
        %run_scoped3A_243 = arith.constant 1 : i32
        %run_scoped3A_244 = arith.constant 1 : i32
        "tpu.region"() ({
          %run_scoped3A_257 = tpu.sem_alloc : memref<!tpu.dma_semaphore, #tpu.memory_space<semaphore_mem>>
          %dma_start3A = arith.constant 0 : i32
          %dma_start3A_258 = tpu.memref_slice %arg14[%run_scoped3A_244, %dma_start3A] : memref<2x1600xf32, #tpu.memory_space<vmem>> -> memref<1x1600xf32, #tpu.memory_space<vmem>>
          %dma_start3A_259 = tpu.memref_squeeze %dma_start3A_258 : memref<1x1600xf32, #tpu.memory_space<vmem>> -> memref<1600xf32, #tpu.memory_space<vmem>>
          %dma_start3A_260 = tpu.memref_slice %arg2[%run_scoped3A_243, %add3A_241] : memref<2x102400xf32, #tpu.memory_space<hbm>> -> memref<1x1600xf32, #tpu.memory_space<hbm>>
          %dma_start3A_261 = tpu.memref_squeeze %dma_start3A_260 : memref<1x1600xf32, #tpu.memory_space<hbm>> -> memref<1600xf32, #tpu.memory_space<hbm>>
          %dma_start3A_262 = arith.constant 0 : i32
          %dma_start3A_263 = tpu.memref_slice %arg14[%run_scoped3A_244, %dma_start3A_262] : memref<2x1600xf32, #tpu.memory_space<vmem>> -> memref<1x1600xf32, #tpu.memory_space<vmem>>
          %dma_start3A_264 = tpu.memref_squeeze %dma_start3A_263 : memref<1x1600xf32, #tpu.memory_space<vmem>> -> memref<1600xf32, #tpu.memory_space<vmem>>
          %dma_start3A_265 = tpu.memref_slice %arg2[%run_scoped3A_243, %add3A_241] : memref<2x102400xf32, #tpu.memory_space<hbm>> -> memref<1x1600xf32, #tpu.memory_space<hbm>>
          %dma_start3A_266 = tpu.memref_squeeze %dma_start3A_265 : memref<1x1600xf32, #tpu.memory_space<hbm>> -> memref<1600xf32, #tpu.memory_space<hbm>>
          tpu.enqueue_dma source(%dma_start3A_266 : memref<1600xf32, #tpu.memory_space<hbm>>) target(%dma_start3A_264 : memref<1600xf32, #tpu.memory_space<vmem>>) target_semaphore(%run_scoped3A_257 : memref<!tpu.dma_semaphore, #tpu.memory_space<semaphore_mem>>)
          %dma_wait3A_267 = arith.constant 0 : i32
          %dma_wait3A_268 = tpu.memref_slice %arg14[%run_scoped3A_244, %dma_wait3A_267] : memref<2x1600xf32, #tpu.memory_space<vmem>> -> memref<1x1600xf32, #tpu.memory_space<vmem>>
          %dma_wait3A_269 = tpu.memref_squeeze %dma_wait3A_268 : memref<1x1600xf32, #tpu.memory_space<vmem>> -> memref<1600xf32, #tpu.memory_space<vmem>>
          %dma_wait3A_270 = tpu.memref_slice %arg2[%run_scoped3A_243, %add3A_241] : memref<2x102400xf32, #tpu.memory_space<hbm>> -> memref<1x1600xf32, #tpu.memory_space<hbm>>
          %dma_wait3A_271 = tpu.memref_squeeze %dma_wait3A_270 : memref<1x1600xf32, #tpu.memory_space<hbm>> -> memref<1600xf32, #tpu.memory_space<hbm>>
          %dma_wait3A_272 = arith.constant 0 : i32
          %dma_wait3A_273 = tpu.memref_slice %arg14[%run_scoped3A_244, %dma_wait3A_272] : memref<2x1600xf32, #tpu.memory_space<vmem>> -> memref<1x1600xf32, #tpu.memory_space<vmem>>
          %dma_wait3A_274 = tpu.memref_squeeze %dma_wait3A_273 : memref<1x1600xf32, #tpu.memory_space<vmem>> -> memref<1600xf32, #tpu.memory_space<vmem>>
          %dma_wait3A_275 = tpu.memref_slice %arg2[%run_scoped3A_243, %add3A_241] : memref<2x102400xf32, #tpu.memory_space<hbm>> -> memref<1x1600xf32, #tpu.memory_space<hbm>>
          %dma_wait3A_276 = tpu.memref_squeeze %dma_wait3A_275 : memref<1x1600xf32, #tpu.memory_space<hbm>> -> memref<1600xf32, #tpu.memory_space<hbm>>
          tpu.wait_dma2 semaphore(%run_scoped3A_257 : memref<!tpu.dma_semaphore, #tpu.memory_space<semaphore_mem>>) src(%dma_wait3A_276 : memref<1600xf32, #tpu.memory_space<hbm>>) dst(%dma_wait3A_274 : memref<1600xf32, #tpu.memory_space<vmem>>)
          tpu.yield
        }) : () -> ()
        %mul3A_245 = arith.constant 4 : i32
        %mul3A_246 = arith.muli %add3A_241, %mul3A_245 : i32
        "tpu.region"() ({
          %run_scoped3A_257 = tpu.sem_alloc : memref<!tpu.dma_semaphore, #tpu.memory_space<semaphore_mem>>
          %dma_start3A = tpu.memref_slice %arg3[%mul3A_246] : memref<409600xf32, #tpu.memory_space<hbm>> -> memref<6400xf32, #tpu.memory_space<hbm>>
          %dma_start3A_258 = tpu.memref_slice %arg3[%mul3A_246] : memref<409600xf32, #tpu.memory_space<hbm>> -> memref<6400xf32, #tpu.memory_space<hbm>>
          tpu.enqueue_dma source(%dma_start3A_258 : memref<6400xf32, #tpu.memory_space<hbm>>) target(%arg15 : memref<6400xf32, #tpu.memory_space<vmem>>) target_semaphore(%run_scoped3A_257 : memref<!tpu.dma_semaphore, #tpu.memory_space<semaphore_mem>>)
          %dma_wait3A_259 = tpu.memref_slice %arg3[%mul3A_246] : memref<409600xf32, #tpu.memory_space<hbm>> -> memref<6400xf32, #tpu.memory_space<hbm>>
          %dma_wait3A_260 = tpu.memref_slice %arg3[%mul3A_246] : memref<409600xf32, #tpu.memory_space<hbm>> -> memref<6400xf32, #tpu.memory_space<hbm>>
          tpu.wait_dma2 semaphore(%run_scoped3A_257 : memref<!tpu.dma_semaphore, #tpu.memory_space<semaphore_mem>>) src(%dma_wait3A_260 : memref<6400xf32, #tpu.memory_space<hbm>>) dst(%arg15 : memref<6400xf32, #tpu.memory_space<vmem>>)
          tpu.yield
        }) : () -> ()
        %scan3A_247 = arith.constant 0 : i32
        %scan3A_248 = arith.constant 100 : i32
        %scan3A_249 = arith.addi %scan3A_247, %scan3A_248 : i32
        %scan3A_250 = arith.constant 1 : i32
        scf.for %scan3A_257 = %scan3A_247 to %scan3A_249 step %scan3A_250  : i32 {
          %mul3A_258 = arith.constant 1 : i32
          %mul3A_259 = arith.muli %scan3A_257, %mul3A_258 : i32
          %add3A_260 = arith.constant 0 : i32
          %add3A_261 = arith.addi %add3A_260, %mul3A_259 : i32
          %mul3A_262 = arith.constant 16 : i32
          %mul3A_263 = arith.muli %add3A_261, %mul3A_262 : i32
          %get3A = arith.constant 0 : i32
          %get3A_264 = arith.index_cast %get3A : i32 to index
          %get3A_265 = arith.index_cast %mul3A_263 : i32 to index
          %get3A_266 = tpu.vector_load %arg14[%get3A_264, %get3A_265] {strides = array<i32>} : memref<2x1600xf32, #tpu.memory_space<vmem>>, vector<16xf32>,
          %mul3A_267 = arith.constant 16 : i32
          %mul3A_268 = arith.muli %add3A_261, %mul3A_267 : i32
          %get3A_269 = arith.constant 1 : i32
          %get3A_270 = arith.index_cast %get3A_269 : i32 to index
          %get3A_271 = arith.index_cast %mul3A_268 : i32 to index
          %get3A_272 = tpu.vector_load %arg14[%get3A_270, %get3A_271] {strides = array<i32>} : memref<2x1600xf32, #tpu.memory_space<vmem>>, vector<16xf32>,
          %add3A_273 = arith.addf %get3A_266, %get3A_272 : vector<16xf32>
          %add3A_274 = arith.constant 1.000000e+00 : f32
          %add3A_275 = vector.broadcast %add3A_274 : f32 to vector<16xf32>
          %add3A_276 = arith.addf %add3A_273, %add3A_275 : vector<16xf32>
          %bitcast3A = vector.bitcast %add3A_276 : vector<16xf32> to vector<16xi32>
          %shift_right_arithmetic3A = arith.constant 1 : i32
          %shift_right_arithmetic3A_277 = vector.broadcast %shift_right_arithmetic3A : i32 to vector<16xi32>
          %shift_right_arithmetic3A_278 = arith.shrsi %bitcast3A, %shift_right_arithmetic3A_277 : vector<16xi32>
          %sub3A_279 = arith.constant 1597463007 : i32
          %sub3A_280 = vector.broadcast %sub3A_279 : i32 to vector<16xi32>
          %sub3A_281 = arith.subi %sub3A_280, %shift_right_arithmetic3A_278 : vector<16xi32>
          %bitcast3A_282 = vector.bitcast %sub3A_281 : vector<16xi32> to vector<16xf32>
          %mul3A_283 = arith.constant 5.000000e-01 : f32
          %mul3A_284 = vector.broadcast %mul3A_283 : f32 to vector<16xf32>
          %mul3A_285 = arith.mulf %mul3A_284, %add3A_276 : vector<16xf32>
          %mul3A_286 = arith.mulf %mul3A_285, %bitcast3A_282 : vector<16xf32>
          %mul3A_287 = arith.mulf %mul3A_286, %bitcast3A_282 : vector<16xf32>
          %sub3A_288 = arith.constant 1.500000e+00 : f32
          %sub3A_289 = vector.broadcast %sub3A_288 : f32 to vector<16xf32>
          %sub3A_290 = arith.subf %sub3A_289, %mul3A_287 : vector<16xf32>
          %mul3A_291 = arith.mulf %bitcast3A_282, %sub3A_290 : vector<16xf32>
          %mul3A_292 = arith.constant 5.000000e-01 : f32
          %mul3A_293 = vector.broadcast %mul3A_292 : f32 to vector<16xf32>
          %mul3A_294 = arith.mulf %mul3A_293, %add3A_276 : vector<16xf32>
          %mul3A_295 = arith.mulf %mul3A_294, %mul3A_291 : vector<16xf32>
          %mul3A_296 = arith.mulf %mul3A_295, %mul3A_291 : vector<16xf32>
          %sub3A_297 = arith.constant 1.500000e+00 : f32
          %sub3A_298 = vector.broadcast %sub3A_297 : f32 to vector<16xf32>
          %sub3A_299 = arith.subf %sub3A_298, %mul3A_296 : vector<16xf32>
          %mul3A_300 = arith.mulf %mul3A_291, %sub3A_299 : vector<16xf32>
          %mul3A_301 = arith.constant 5.000000e-01 : f32
          %mul3A_302 = vector.broadcast %mul3A_301 : f32 to vector<16xf32>
          %mul3A_303 = arith.mulf %mul3A_302, %add3A_276 : vector<16xf32>
          %mul3A_304 = arith.mulf %mul3A_303, %mul3A_300 : vector<16xf32>
          %mul3A_305 = arith.mulf %mul3A_304, %mul3A_300 : vector<16xf32>
          %sub3A_306 = arith.constant 1.500000e+00 : f32
          %sub3A_307 = vector.broadcast %sub3A_306 : f32 to vector<16xf32>
          %sub3A_308 = arith.subf %sub3A_307, %mul3A_305 : vector<16xf32>
          %mul3A_309 = arith.mulf %mul3A_300, %sub3A_308 : vector<16xf32>
          %mul3A_310 = arith.constant 16 : i32
          %mul3A_311 = arith.muli %add3A_261, %mul3A_310 : i32
          %swap3A = arith.index_cast %mul3A_311 : i32 to index
          %swap3A_312 = tpu.vector_load %arg17[%swap3A] {strides = array<i32>} : memref<1600xf32, #tpu.memory_space<vmem>>, vector<16xf32>,
          tpu.vector_store %arg17[%swap3A], %mul3A_309 {strides = array<i32>} : memref<1600xf32, #tpu.memory_space<vmem>>, vector<16xf32>,
        }
        %scan3A_251 = arith.constant 100 : i32
        %scan3A_252 = arith.constant 0 : i32
        %scan3A_253 = arith.constant 800 : i32
        %scan3A_254 = arith.addi %scan3A_252, %scan3A_253 : i32
        %scan3A_255 = arith.constant 1 : i32
        scf.for %scan3A_257 = %scan3A_252 to %scan3A_254 step %scan3A_255  : i32 {
          %mul3A_258 = arith.constant 1 : i32
          %mul3A_259 = arith.muli %scan3A_257, %mul3A_258 : i32
          %add3A_260 = arith.constant 0 : i32
          %add3A_261 = arith.addi %add3A_260, %mul3A_259 : i32
          %mul3A_262 = arith.constant 2 : i32
          %mul3A_263 = arith.muli %mul3A_262, %add3A_261 : i32
          %add3A_264 = vector.broadcast %mul3A_263 : i32 to vector<16xi32>
          %add3A_265 = arith.addi %add3A_264, %select_n3A : vector<16xi32>
          %gather3A = tpu.vector_load_idx %arg17[%add3A_265] : memref<1600xf32, #tpu.memory_space<vmem>>[vector<16xi32>], vector<16xf32>,
          %mul3A_266 = arith.constant 4 : i32
          %mul3A_267 = vector.broadcast %mul3A_266 : i32 to vector<16xi32>
          %mul3A_268 = arith.muli %add3A_265, %mul3A_267 : vector<16xi32>
          %add3A_269 = arith.addi %mul3A_268, %min3A_54 : vector<16xi32>
          %gather3A_270 = tpu.vector_load_idx %arg15[%add3A_269] : memref<6400xf32, #tpu.memory_space<vmem>>[vector<16xi32>], vector<16xf32>,
          %mul3A_271 = arith.mulf %gather3A_270, %gather3A : vector<16xf32>
          %select_n3A_272 = arith.select %eq3A_51, %gather3A, %broadcast_in_dim3A_52 : vector<16xi1>, vector<16xf32>
          %select_n3A_273 = arith.select %lt3A_48, %mul3A_271, %select_n3A_272 : vector<16xi1>, vector<16xf32>
          tpu.vector_store_idx %arg16[%add3A_265, %select_n3A_45], %select_n3A_273 : memref<1600x8xf32, #tpu.memory_space<vmem>>[vector<16xi32>, vector<16xi32>], vector<16xf32>,
        }
        %scan3A_256 = arith.constant 800 : i32
        "tpu.region"() ({
          %run_scoped3A_257 = tpu.sem_alloc : memref<!tpu.dma_semaphore, #tpu.memory_space<semaphore_mem>>
          %dma_start3A = arith.constant 0 : i32
          %dma_start3A_258 = tpu.memref_slice %arg8[%add3A_241, %dma_start3A] : memref<102400x8xf32, #tpu.memory_space<hbm>> -> memref<1600x8xf32, #tpu.memory_space<hbm>>
          %dma_start3A_259 = arith.constant 0 : i32
          %dma_start3A_260 = tpu.memref_slice %arg8[%add3A_241, %dma_start3A_259] : memref<102400x8xf32, #tpu.memory_space<hbm>> -> memref<1600x8xf32, #tpu.memory_space<hbm>>
          tpu.enqueue_dma source(%arg16 : memref<1600x8xf32, #tpu.memory_space<vmem>>) target(%dma_start3A_260 : memref<1600x8xf32, #tpu.memory_space<hbm>>) target_semaphore(%run_scoped3A_257 : memref<!tpu.dma_semaphore, #tpu.memory_space<semaphore_mem>>)
          %dma_wait3A_261 = arith.constant 0 : i32
          %dma_wait3A_262 = tpu.memref_slice %arg8[%add3A_241, %dma_wait3A_261] : memref<102400x8xf32, #tpu.memory_space<hbm>> -> memref<1600x8xf32, #tpu.memory_space<hbm>>
          %dma_wait3A_263 = arith.constant 0 : i32
          %dma_wait3A_264 = tpu.memref_slice %arg8[%add3A_241, %dma_wait3A_263] : memref<102400x8xf32, #tpu.memory_space<hbm>> -> memref<1600x8xf32, #tpu.memory_space<hbm>>
          tpu.wait_dma2 semaphore(%run_scoped3A_257 : memref<!tpu.dma_semaphore, #tpu.memory_space<semaphore_mem>>) src(%arg16 : memref<1600x8xf32, #tpu.memory_space<vmem>>) dst(%dma_wait3A_264 : memref<1600x8xf32, #tpu.memory_space<hbm>>)
          tpu.yield
        }) : () -> ()
      }
      %scan3A_68 = arith.constant 4 : i32
      %barrier3A_69 = arith.constant 0 : index
      tpu.barrier barrier_id(%barrier3A_69)
      %scan3A_70 = arith.constant 0 : i32
      %scan3A_71 = arith.constant 49 : i32
      %scan3A_72 = arith.addi %scan3A_70, %scan3A_71 : i32
      %scan3A_73 = arith.constant 1 : i32
      scf.for %scan3A_234 = %scan3A_70 to %scan3A_72 step %scan3A_73  : i32 {
        %mul3A_235 = arith.constant 1 : i32
        %mul3A_236 = arith.muli %scan3A_234, %mul3A_235 : i32
        %add3A_237 = arith.constant 0 : i32
        %add3A_238 = arith.addi %add3A_237, %mul3A_236 : i32
        %rem3A_239 = arith.constant 2 : i32
        %rem3A_240 = arith.remsi %add3A_238, %rem3A_239 : i32
        %mul3A_241 = arith.constant 1024 : i32
        %mul3A_242 = arith.muli %rem3A_240, %mul3A_241 : i32
        %mul3A_243 = arith.constant 8 : i32
        %mul3A_244 = arith.muli %rem3A_240, %mul3A_243 : i32
        %ge3A = arith.constant 2 : i32
        %ge3A_245 = arith.cmpi sge, %add3A_238, %ge3A : i32
        %convert_element_type3A_246 = arith.extui %ge3A_245 : i1 to i32
        %cond3A_247 = arith.constant 0 : i32
        %cond3A_248 = arith.cmpi ne, %convert_element_type3A_246, %cond3A_247 : i32
        scf.if %cond3A_248 {
          %add3A_507 = arith.constant 0 : i32
          %add3A_508 = arith.addi %mul3A_242, %add3A_507 : i32
          %add3A_509 = arith.constant 0 : i32
          %add3A_510 = arith.addi %mul3A_244, %add3A_509 : i32
          %dma_wait3A_511 = arith.constant 0 : i32
          %dma_wait3A_512 = tpu.memref_slice %arg13[%add3A_508, %dma_wait3A_511] : memref<2048x8xf32, #tpu.memory_space<vmem>> -> memref<128x8xf32, #tpu.memory_space<vmem>>
          %dma_wait3A_513 = arith.constant 0 : i32
          %dma_wait3A_514 = tpu.memref_slice %arg12[%add3A_510, %dma_wait3A_513] : memref<16x128xi32, #tpu.memory_space<vmem>> -> memref<1x128xi32, #tpu.memory_space<vmem>>
          %dma_wait3A_515 = tpu.memref_squeeze %dma_wait3A_514 : memref<1x128xi32, #tpu.memory_space<vmem>> -> memref<128xi32, #tpu.memory_space<vmem>>
          %dma_wait3A_516 = arith.constant 0 : i32
          %dma_wait3A_517 = arith.constant 0 : i32
          %dma_wait3A_518 = tpu.memref_slice %arg10[%dma_wait3A_516, %dma_wait3A_517] : memref<102400x8xf32, #tpu.memory_space<vmem_shared>> -> memref<102400x8xf32, #tpu.memory_space<vmem_shared>>
          tpu.wait_indirect_dma semaphore(%arg19 : memref<!tpu.dma_semaphore, #tpu.memory_space<semaphore_mem>>) src(%dma_wait3A_512 : memref<128x8xf32, #tpu.memory_space<vmem>>) dst(%dma_wait3A_518 : memref<102400x8xf32, #tpu.memory_space<vmem_shared>>)
          %add3A_519 = arith.constant 128 : i32
          %add3A_520 = arith.addi %mul3A_242, %add3A_519 : i32
          %add3A_521 = arith.constant 1 : i32
          %add3A_522 = arith.addi %mul3A_244, %add3A_521 : i32
          %dma_wait3A_523 = arith.constant 0 : i32
          %dma_wait3A_524 = tpu.memref_slice %arg13[%add3A_520, %dma_wait3A_523] : memref<2048x8xf32, #tpu.memory_space<vmem>> -> memref<128x8xf32, #tpu.memory_space<vmem>>
          %dma_wait3A_525 = arith.constant 0 : i32
          %dma_wait3A_526 = tpu.memref_slice %arg12[%add3A_522, %dma_wait3A_525] : memref<16x128xi32, #tpu.memory_space<vmem>> -> memref<1x128xi32, #tpu.memory_space<vmem>>
          %dma_wait3A_527 = tpu.memref_squeeze %dma_wait3A_526 : memref<1x128xi32, #tpu.memory_space<vmem>> -> memref<128xi32, #tpu.memory_space<vmem>>
          %dma_wait3A_528 = arith.constant 0 : i32
          %dma_wait3A_529 = arith.constant 0 : i32
          %dma_wait3A_530 = tpu.memref_slice %arg10[%dma_wait3A_528, %dma_wait3A_529] : memref<102400x8xf32, #tpu.memory_space<vmem_shared>> -> memref<102400x8xf32, #tpu.memory_space<vmem_shared>>
          tpu.wait_indirect_dma semaphore(%arg19 : memref<!tpu.dma_semaphore, #tpu.memory_space<semaphore_mem>>) src(%dma_wait3A_524 : memref<128x8xf32, #tpu.memory_space<vmem>>) dst(%dma_wait3A_530 : memref<102400x8xf32, #tpu.memory_space<vmem_shared>>)
          %add3A_531 = arith.constant 256 : i32
          %add3A_532 = arith.addi %mul3A_242, %add3A_531 : i32
          %add3A_533 = arith.constant 2 : i32
          %add3A_534 = arith.addi %mul3A_244, %add3A_533 : i32
          %dma_wait3A_535 = arith.constant 0 : i32
          %dma_wait3A_536 = tpu.memref_slice %arg13[%add3A_532, %dma_wait3A_535] : memref<2048x8xf32, #tpu.memory_space<vmem>> -> memref<128x8xf32, #tpu.memory_space<vmem>>
          %dma_wait3A_537 = arith.constant 0 : i32
          %dma_wait3A_538 = tpu.memref_slice %arg12[%add3A_534, %dma_wait3A_537] : memref<16x128xi32, #tpu.memory_space<vmem>> -> memref<1x128xi32, #tpu.memory_space<vmem>>
          %dma_wait3A_539 = tpu.memref_squeeze %dma_wait3A_538 : memref<1x128xi32, #tpu.memory_space<vmem>> -> memref<128xi32, #tpu.memory_space<vmem>>
          %dma_wait3A_540 = arith.constant 0 : i32
          %dma_wait3A_541 = arith.constant 0 : i32
          %dma_wait3A_542 = tpu.memref_slice %arg10[%dma_wait3A_540, %dma_wait3A_541] : memref<102400x8xf32, #tpu.memory_space<vmem_shared>> -> memref<102400x8xf32, #tpu.memory_space<vmem_shared>>
          tpu.wait_indirect_dma semaphore(%arg19 : memref<!tpu.dma_semaphore, #tpu.memory_space<semaphore_mem>>) src(%dma_wait3A_536 : memref<128x8xf32, #tpu.memory_space<vmem>>) dst(%dma_wait3A_542 : memref<102400x8xf32, #tpu.memory_space<vmem_shared>>)
          %add3A_543 = arith.constant 384 : i32
          %add3A_544 = arith.addi %mul3A_242, %add3A_543 : i32
          %add3A_545 = arith.constant 3 : i32
          %add3A_546 = arith.addi %mul3A_244, %add3A_545 : i32
          %dma_wait3A_547 = arith.constant 0 : i32
          %dma_wait3A_548 = tpu.memref_slice %arg13[%add3A_544, %dma_wait3A_547] : memref<2048x8xf32, #tpu.memory_space<vmem>> -> memref<128x8xf32, #tpu.memory_space<vmem>>
          %dma_wait3A_549 = arith.constant 0 : i32
          %dma_wait3A_550 = tpu.memref_slice %arg12[%add3A_546, %dma_wait3A_549] : memref<16x128xi32, #tpu.memory_space<vmem>> -> memref<1x128xi32, #tpu.memory_space<vmem>>
          %dma_wait3A_551 = tpu.memref_squeeze %dma_wait3A_550 : memref<1x128xi32, #tpu.memory_space<vmem>> -> memref<128xi32, #tpu.memory_space<vmem>>
          %dma_wait3A_552 = arith.constant 0 : i32
          %dma_wait3A_553 = arith.constant 0 : i32
          %dma_wait3A_554 = tpu.memref_slice %arg10[%dma_wait3A_552, %dma_wait3A_553] : memref<102400x8xf32, #tpu.memory_space<vmem_shared>> -> memref<102400x8xf32, #tpu.memory_space<vmem_shared>>
          tpu.wait_indirect_dma semaphore(%arg19 : memref<!tpu.dma_semaphore, #tpu.memory_space<semaphore_mem>>) src(%dma_wait3A_548 : memref<128x8xf32, #tpu.memory_space<vmem>>) dst(%dma_wait3A_554 : memref<102400x8xf32, #tpu.memory_space<vmem_shared>>)
          %add3A_555 = arith.constant 512 : i32
          %add3A_556 = arith.addi %mul3A_242, %add3A_555 : i32
          %add3A_557 = arith.constant 4 : i32
          %add3A_558 = arith.addi %mul3A_244, %add3A_557 : i32
          %dma_wait3A_559 = arith.constant 0 : i32
          %dma_wait3A_560 = tpu.memref_slice %arg13[%add3A_556, %dma_wait3A_559] : memref<2048x8xf32, #tpu.memory_space<vmem>> -> memref<128x8xf32, #tpu.memory_space<vmem>>
          %dma_wait3A_561 = arith.constant 0 : i32
          %dma_wait3A_562 = tpu.memref_slice %arg12[%add3A_558, %dma_wait3A_561] : memref<16x128xi32, #tpu.memory_space<vmem>> -> memref<1x128xi32, #tpu.memory_space<vmem>>
          %dma_wait3A_563 = tpu.memref_squeeze %dma_wait3A_562 : memref<1x128xi32, #tpu.memory_space<vmem>> -> memref<128xi32, #tpu.memory_space<vmem>>
          %dma_wait3A_564 = arith.constant 0 : i32
          %dma_wait3A_565 = arith.constant 0 : i32
          %dma_wait3A_566 = tpu.memref_slice %arg10[%dma_wait3A_564, %dma_wait3A_565] : memref<102400x8xf32, #tpu.memory_space<vmem_shared>> -> memref<102400x8xf32, #tpu.memory_space<vmem_shared>>
          tpu.wait_indirect_dma semaphore(%arg19 : memref<!tpu.dma_semaphore, #tpu.memory_space<semaphore_mem>>) src(%dma_wait3A_560 : memref<128x8xf32, #tpu.memory_space<vmem>>) dst(%dma_wait3A_566 : memref<102400x8xf32, #tpu.memory_space<vmem_shared>>)
          %add3A_567 = arith.constant 640 : i32
          %add3A_568 = arith.addi %mul3A_242, %add3A_567 : i32
          %add3A_569 = arith.constant 5 : i32
          %add3A_570 = arith.addi %mul3A_244, %add3A_569 : i32
          %dma_wait3A_571 = arith.constant 0 : i32
          %dma_wait3A_572 = tpu.memref_slice %arg13[%add3A_568, %dma_wait3A_571] : memref<2048x8xf32, #tpu.memory_space<vmem>> -> memref<128x8xf32, #tpu.memory_space<vmem>>
          %dma_wait3A_573 = arith.constant 0 : i32
          %dma_wait3A_574 = tpu.memref_slice %arg12[%add3A_570, %dma_wait3A_573] : memref<16x128xi32, #tpu.memory_space<vmem>> -> memref<1x128xi32, #tpu.memory_space<vmem>>
          %dma_wait3A_575 = tpu.memref_squeeze %dma_wait3A_574 : memref<1x128xi32, #tpu.memory_space<vmem>> -> memref<128xi32, #tpu.memory_space<vmem>>
          %dma_wait3A_576 = arith.constant 0 : i32
          %dma_wait3A_577 = arith.constant 0 : i32
          %dma_wait3A_578 = tpu.memref_slice %arg10[%dma_wait3A_576, %dma_wait3A_577] : memref<102400x8xf32, #tpu.memory_space<vmem_shared>> -> memref<102400x8xf32, #tpu.memory_space<vmem_shared>>
          tpu.wait_indirect_dma semaphore(%arg19 : memref<!tpu.dma_semaphore, #tpu.memory_space<semaphore_mem>>) src(%dma_wait3A_572 : memref<128x8xf32, #tpu.memory_space<vmem>>) dst(%dma_wait3A_578 : memref<102400x8xf32, #tpu.memory_space<vmem_shared>>)
          %add3A_579 = arith.constant 768 : i32
          %add3A_580 = arith.addi %mul3A_242, %add3A_579 : i32
          %add3A_581 = arith.constant 6 : i32
          %add3A_582 = arith.addi %mul3A_244, %add3A_581 : i32
          %dma_wait3A_583 = arith.constant 0 : i32
          %dma_wait3A_584 = tpu.memref_slice %arg13[%add3A_580, %dma_wait3A_583] : memref<2048x8xf32, #tpu.memory_space<vmem>> -> memref<128x8xf32, #tpu.memory_space<vmem>>
          %dma_wait3A_585 = arith.constant 0 : i32
          %dma_wait3A_586 = tpu.memref_slice %arg12[%add3A_582, %dma_wait3A_585] : memref<16x128xi32, #tpu.memory_space<vmem>> -> memref<1x128xi32, #tpu.memory_space<vmem>>
          %dma_wait3A_587 = tpu.memref_squeeze %dma_wait3A_586 : memref<1x128xi32, #tpu.memory_space<vmem>> -> memref<128xi32, #tpu.memory_space<vmem>>
          %dma_wait3A_588 = arith.constant 0 : i32
          %dma_wait3A_589 = arith.constant 0 : i32
          %dma_wait3A_590 = tpu.memref_slice %arg10[%dma_wait3A_588, %dma_wait3A_589] : memref<102400x8xf32, #tpu.memory_space<vmem_shared>> -> memref<102400x8xf32, #tpu.memory_space<vmem_shared>>
          tpu.wait_indirect_dma semaphore(%arg19 : memref<!tpu.dma_semaphore, #tpu.memory_space<semaphore_mem>>) src(%dma_wait3A_584 : memref<128x8xf32, #tpu.memory_space<vmem>>) dst(%dma_wait3A_590 : memref<102400x8xf32, #tpu.memory_space<vmem_shared>>)
          %add3A_591 = arith.constant 896 : i32
          %add3A_592 = arith.addi %mul3A_242, %add3A_591 : i32
          %add3A_593 = arith.constant 7 : i32
          %add3A_594 = arith.addi %mul3A_244, %add3A_593 : i32
          %dma_wait3A_595 = arith.constant 0 : i32
          %dma_wait3A_596 = tpu.memref_slice %arg13[%add3A_592, %dma_wait3A_595] : memref<2048x8xf32, #tpu.memory_space<vmem>> -> memref<128x8xf32, #tpu.memory_space<vmem>>
          %dma_wait3A_597 = arith.constant 0 : i32
          %dma_wait3A_598 = tpu.memref_slice %arg12[%add3A_594, %dma_wait3A_597] : memref<16x128xi32, #tpu.memory_space<vmem>> -> memref<1x128xi32, #tpu.memory_space<vmem>>
          %dma_wait3A_599 = tpu.memref_squeeze %dma_wait3A_598 : memref<1x128xi32, #tpu.memory_space<vmem>> -> memref<128xi32, #tpu.memory_space<vmem>>
          %dma_wait3A_600 = arith.constant 0 : i32
          %dma_wait3A_601 = arith.constant 0 : i32
          %dma_wait3A_602 = tpu.memref_slice %arg10[%dma_wait3A_600, %dma_wait3A_601] : memref<102400x8xf32, #tpu.memory_space<vmem_shared>> -> memref<102400x8xf32, #tpu.memory_space<vmem_shared>>
          tpu.wait_indirect_dma semaphore(%arg19 : memref<!tpu.dma_semaphore, #tpu.memory_space<semaphore_mem>>) src(%dma_wait3A_596 : memref<128x8xf32, #tpu.memory_space<vmem>>) dst(%dma_wait3A_602 : memref<102400x8xf32, #tpu.memory_space<vmem_shared>>)
        } else {
        }
        %mul3A_249 = arith.constant 8 : i32
        %mul3A_250 = arith.muli %add3A_238, %mul3A_249 : i32
        %add3A_251 = arith.addi %mul3A_56, %mul3A_250 : i32
        "tpu.region"() ({
          %run_scoped3A = tpu.sem_alloc : memref<!tpu.dma_semaphore, #tpu.memory_space<semaphore_mem>>
          %dma_start3A_507 = arith.constant 0 : i32
          %dma_start3A_508 = tpu.memref_slice %arg4[%add3A_251, %dma_start3A_507] : memref<12544x128xi32, #tpu.memory_space<hbm>> -> memref<8x128xi32, #tpu.memory_space<hbm>>
          %dma_start3A_509 = arith.constant 0 : i32
          %dma_start3A_510 = tpu.memref_slice %arg4[%add3A_251, %dma_start3A_509] : memref<12544x128xi32, #tpu.memory_space<hbm>> -> memref<8x128xi32, #tpu.memory_space<hbm>>
          tpu.enqueue_dma source(%dma_start3A_510 : memref<8x128xi32, #tpu.memory_space<hbm>>) target(%arg11 : memref<8x128xi32, #tpu.memory_space<vmem>>) target_semaphore(%run_scoped3A : memref<!tpu.dma_semaphore, #tpu.memory_space<semaphore_mem>>)
          %dma_wait3A_511 = arith.constant 0 : i32
          %dma_wait3A_512 = tpu.memref_slice %arg4[%add3A_251, %dma_wait3A_511] : memref<12544x128xi32, #tpu.memory_space<hbm>> -> memref<8x128xi32, #tpu.memory_space<hbm>>
          %dma_wait3A_513 = arith.constant 0 : i32
          %dma_wait3A_514 = tpu.memref_slice %arg4[%add3A_251, %dma_wait3A_513] : memref<12544x128xi32, #tpu.memory_space<hbm>> -> memref<8x128xi32, #tpu.memory_space<hbm>>
          tpu.wait_dma2 semaphore(%run_scoped3A : memref<!tpu.dma_semaphore, #tpu.memory_space<semaphore_mem>>) src(%dma_wait3A_514 : memref<8x128xi32, #tpu.memory_space<hbm>>) dst(%arg11 : memref<8x128xi32, #tpu.memory_space<vmem>>)
          tpu.yield
        }) : () -> ()
        "tpu.region"() ({
          %run_scoped3A = tpu.sem_alloc : memref<!tpu.dma_semaphore, #tpu.memory_space<semaphore_mem>>
          %dma_start3A_507 = arith.constant 0 : i32
          %dma_start3A_508 = tpu.memref_slice %arg12[%mul3A_244, %dma_start3A_507] : memref<16x128xi32, #tpu.memory_space<vmem>> -> memref<8x128xi32, #tpu.memory_space<vmem>>
          %dma_start3A_509 = arith.constant 0 : i32
          %dma_start3A_510 = tpu.memref_slice %arg5[%add3A_251, %dma_start3A_509] : memref<12544x128xi32, #tpu.memory_space<hbm>> -> memref<8x128xi32, #tpu.memory_space<hbm>>
          %dma_start3A_511 = arith.constant 0 : i32
          %dma_start3A_512 = tpu.memref_slice %arg12[%mul3A_244, %dma_start3A_511] : memref<16x128xi32, #tpu.memory_space<vmem>> -> memref<8x128xi32, #tpu.memory_space<vmem>>
          %dma_start3A_513 = arith.constant 0 : i32
          %dma_start3A_514 = tpu.memref_slice %arg5[%add3A_251, %dma_start3A_513] : memref<12544x128xi32, #tpu.memory_space<hbm>> -> memref<8x128xi32, #tpu.memory_space<hbm>>
          tpu.enqueue_dma source(%dma_start3A_514 : memref<8x128xi32, #tpu.memory_space<hbm>>) target(%dma_start3A_512 : memref<8x128xi32, #tpu.memory_space<vmem>>) target_semaphore(%run_scoped3A : memref<!tpu.dma_semaphore, #tpu.memory_space<semaphore_mem>>)
          %dma_wait3A_515 = arith.constant 0 : i32
          %dma_wait3A_516 = tpu.memref_slice %arg12[%mul3A_244, %dma_wait3A_515] : memref<16x128xi32, #tpu.memory_space<vmem>> -> memref<8x128xi32, #tpu.memory_space<vmem>>
          %dma_wait3A_517 = arith.constant 0 : i32
          %dma_wait3A_518 = tpu.memref_slice %arg5[%add3A_251, %dma_wait3A_517] : memref<12544x128xi32, #tpu.memory_space<hbm>> -> memref<8x128xi32, #tpu.memory_space<hbm>>
          %dma_wait3A_519 = arith.constant 0 : i32
          %dma_wait3A_520 = tpu.memref_slice %arg12[%mul3A_244, %dma_wait3A_519] : memref<16x128xi32, #tpu.memory_space<vmem>> -> memref<8x128xi32, #tpu.memory_space<vmem>>
          %dma_wait3A_521 = arith.constant 0 : i32
          %dma_wait3A_522 = tpu.memref_slice %arg5[%add3A_251, %dma_wait3A_521] : memref<12544x128xi32, #tpu.memory_space<hbm>> -> memref<8x128xi32, #tpu.memory_space<hbm>>
          tpu.wait_dma2 semaphore(%run_scoped3A : memref<!tpu.dma_semaphore, #tpu.memory_space<semaphore_mem>>) src(%dma_wait3A_522 : memref<8x128xi32, #tpu.memory_space<hbm>>) dst(%dma_wait3A_520 : memref<8x128xi32, #tpu.memory_space<vmem>>)
          tpu.yield
        }) : () -> ()
        %add3A_252 = arith.constant 0 : i32
        %add3A_253 = arith.addi %mul3A_242, %add3A_252 : i32
        %dma_start3A = arith.constant 0 : i32
        %dma_start3A_254 = arith.constant 0 : i32
        %dma_start3A_255 = tpu.memref_slice %arg13[%add3A_253, %dma_start3A_254] : memref<2048x8xf32, #tpu.memory_space<vmem>> -> memref<128x8xf32, #tpu.memory_space<vmem>>
        %dma_start3A_256 = arith.constant 0 : i32
        %dma_start3A_257 = tpu.memref_slice %arg11[%dma_start3A, %dma_start3A_256] : memref<8x128xi32, #tpu.memory_space<vmem>> -> memref<1x128xi32, #tpu.memory_space<vmem>>
        %dma_start3A_258 = tpu.memref_squeeze %dma_start3A_257 : memref<1x128xi32, #tpu.memory_space<vmem>> -> memref<128xi32, #tpu.memory_space<vmem>>
        %dma_start3A_259 = arith.constant 0 : i32
        %dma_start3A_260 = arith.constant 0 : i32
        %dma_start3A_261 = tpu.memref_slice %arg8[%dma_start3A_259, %dma_start3A_260] : memref<102400x8xf32, #tpu.memory_space<hbm>> -> memref<102400x8xf32, #tpu.memory_space<hbm>>
        tpu.enqueue_indirect_dma source(%dma_start3A_261 : memref<102400x8xf32, #tpu.memory_space<hbm>>) target(%dma_start3A_255 : memref<128x8xf32, #tpu.memory_space<vmem>>) offsets(%dma_start3A_258 : memref<128xi32, #tpu.memory_space<vmem>>) semaphore(%arg18 : memref<!tpu.dma_semaphore, #tpu.memory_space<semaphore_mem>>)
        %add3A_262 = arith.constant 128 : i32
        %add3A_263 = arith.addi %mul3A_242, %add3A_262 : i32
        %dma_start3A_264 = arith.constant 1 : i32
        %dma_start3A_265 = arith.constant 0 : i32
        %dma_start3A_266 = tpu.memref_slice %arg13[%add3A_263, %dma_start3A_265] : memref<2048x8xf32, #tpu.memory_space<vmem>> -> memref<128x8xf32, #tpu.memory_space<vmem>>
        %dma_start3A_267 = arith.constant 0 : i32
        %dma_start3A_268 = tpu.memref_slice %arg11[%dma_start3A_264, %dma_start3A_267] : memref<8x128xi32, #tpu.memory_space<vmem>> -> memref<1x128xi32, #tpu.memory_space<vmem>>
        %dma_start3A_269 = tpu.memref_squeeze %dma_start3A_268 : memref<1x128xi32, #tpu.memory_space<vmem>> -> memref<128xi32, #tpu.memory_space<vmem>>
        %dma_start3A_270 = arith.constant 0 : i32
        %dma_start3A_271 = arith.constant 0 : i32
        %dma_start3A_272 = tpu.memref_slice %arg8[%dma_start3A_270, %dma_start3A_271] : memref<102400x8xf32, #tpu.memory_space<hbm>> -> memref<102400x8xf32, #tpu.memory_space<hbm>>
        tpu.enqueue_indirect_dma source(%dma_start3A_272 : memref<102400x8xf32, #tpu.memory_space<hbm>>) target(%dma_start3A_266 : memref<128x8xf32, #tpu.memory_space<vmem>>) offsets(%dma_start3A_269 : memref<128xi32, #tpu.memory_space<vmem>>) semaphore(%arg18 : memref<!tpu.dma_semaphore, #tpu.memory_space<semaphore_mem>>)
        %add3A_273 = arith.constant 256 : i32
        %add3A_274 = arith.addi %mul3A_242, %add3A_273 : i32
        %dma_start3A_275 = arith.constant 2 : i32
        %dma_start3A_276 = arith.constant 0 : i32
        %dma_start3A_277 = tpu.memref_slice %arg13[%add3A_274, %dma_start3A_276] : memref<2048x8xf32, #tpu.memory_space<vmem>> -> memref<128x8xf32, #tpu.memory_space<vmem>>
        %dma_start3A_278 = arith.constant 0 : i32
        %dma_start3A_279 = tpu.memref_slice %arg11[%dma_start3A_275, %dma_start3A_278] : memref<8x128xi32, #tpu.memory_space<vmem>> -> memref<1x128xi32, #tpu.memory_space<vmem>>
        %dma_start3A_280 = tpu.memref_squeeze %dma_start3A_279 : memref<1x128xi32, #tpu.memory_space<vmem>> -> memref<128xi32, #tpu.memory_space<vmem>>
        %dma_start3A_281 = arith.constant 0 : i32
        %dma_start3A_282 = arith.constant 0 : i32
        %dma_start3A_283 = tpu.memref_slice %arg8[%dma_start3A_281, %dma_start3A_282] : memref<102400x8xf32, #tpu.memory_space<hbm>> -> memref<102400x8xf32, #tpu.memory_space<hbm>>
        tpu.enqueue_indirect_dma source(%dma_start3A_283 : memref<102400x8xf32, #tpu.memory_space<hbm>>) target(%dma_start3A_277 : memref<128x8xf32, #tpu.memory_space<vmem>>) offsets(%dma_start3A_280 : memref<128xi32, #tpu.memory_space<vmem>>) semaphore(%arg18 : memref<!tpu.dma_semaphore, #tpu.memory_space<semaphore_mem>>)
        %add3A_284 = arith.constant 384 : i32
        %add3A_285 = arith.addi %mul3A_242, %add3A_284 : i32
        %dma_start3A_286 = arith.constant 3 : i32
        %dma_start3A_287 = arith.constant 0 : i32
        %dma_start3A_288 = tpu.memref_slice %arg13[%add3A_285, %dma_start3A_287] : memref<2048x8xf32, #tpu.memory_space<vmem>> -> memref<128x8xf32, #tpu.memory_space<vmem>>
        %dma_start3A_289 = arith.constant 0 : i32
        %dma_start3A_290 = tpu.memref_slice %arg11[%dma_start3A_286, %dma_start3A_289] : memref<8x128xi32, #tpu.memory_space<vmem>> -> memref<1x128xi32, #tpu.memory_space<vmem>>
        %dma_start3A_291 = tpu.memref_squeeze %dma_start3A_290 : memref<1x128xi32, #tpu.memory_space<vmem>> -> memref<128xi32, #tpu.memory_space<vmem>>
        %dma_start3A_292 = arith.constant 0 : i32
        %dma_start3A_293 = arith.constant 0 : i32
        %dma_start3A_294 = tpu.memref_slice %arg8[%dma_start3A_292, %dma_start3A_293] : memref<102400x8xf32, #tpu.memory_space<hbm>> -> memref<102400x8xf32, #tpu.memory_space<hbm>>
        tpu.enqueue_indirect_dma source(%dma_start3A_294 : memref<102400x8xf32, #tpu.memory_space<hbm>>) target(%dma_start3A_288 : memref<128x8xf32, #tpu.memory_space<vmem>>) offsets(%dma_start3A_291 : memref<128xi32, #tpu.memory_space<vmem>>) semaphore(%arg18 : memref<!tpu.dma_semaphore, #tpu.memory_space<semaphore_mem>>)
        %add3A_295 = arith.constant 512 : i32
        %add3A_296 = arith.addi %mul3A_242, %add3A_295 : i32
        %dma_start3A_297 = arith.constant 4 : i32
        %dma_start3A_298 = arith.constant 0 : i32
        %dma_start3A_299 = tpu.memref_slice %arg13[%add3A_296, %dma_start3A_298] : memref<2048x8xf32, #tpu.memory_space<vmem>> -> memref<128x8xf32, #tpu.memory_space<vmem>>
        %dma_start3A_300 = arith.constant 0 : i32
        %dma_start3A_301 = tpu.memref_slice %arg11[%dma_start3A_297, %dma_start3A_300] : memref<8x128xi32, #tpu.memory_space<vmem>> -> memref<1x128xi32, #tpu.memory_space<vmem>>
        %dma_start3A_302 = tpu.memref_squeeze %dma_start3A_301 : memref<1x128xi32, #tpu.memory_space<vmem>> -> memref<128xi32, #tpu.memory_space<vmem>>
        %dma_start3A_303 = arith.constant 0 : i32
        %dma_start3A_304 = arith.constant 0 : i32
        %dma_start3A_305 = tpu.memref_slice %arg8[%dma_start3A_303, %dma_start3A_304] : memref<102400x8xf32, #tpu.memory_space<hbm>> -> memref<102400x8xf32, #tpu.memory_space<hbm>>
        tpu.enqueue_indirect_dma source(%dma_start3A_305 : memref<102400x8xf32, #tpu.memory_space<hbm>>) target(%dma_start3A_299 : memref<128x8xf32, #tpu.memory_space<vmem>>) offsets(%dma_start3A_302 : memref<128xi32, #tpu.memory_space<vmem>>) semaphore(%arg18 : memref<!tpu.dma_semaphore, #tpu.memory_space<semaphore_mem>>)
        %add3A_306 = arith.constant 640 : i32
        %add3A_307 = arith.addi %mul3A_242, %add3A_306 : i32
        %dma_start3A_308 = arith.constant 5 : i32
        %dma_start3A_309 = arith.constant 0 : i32
        %dma_start3A_310 = tpu.memref_slice %arg13[%add3A_307, %dma_start3A_309] : memref<2048x8xf32, #tpu.memory_space<vmem>> -> memref<128x8xf32, #tpu.memory_space<vmem>>
        %dma_start3A_311 = arith.constant 0 : i32
        %dma_start3A_312 = tpu.memref_slice %arg11[%dma_start3A_308, %dma_start3A_311] : memref<8x128xi32, #tpu.memory_space<vmem>> -> memref<1x128xi32, #tpu.memory_space<vmem>>
        %dma_start3A_313 = tpu.memref_squeeze %dma_start3A_312 : memref<1x128xi32, #tpu.memory_space<vmem>> -> memref<128xi32, #tpu.memory_space<vmem>>
        %dma_start3A_314 = arith.constant 0 : i32
        %dma_start3A_315 = arith.constant 0 : i32
        %dma_start3A_316 = tpu.memref_slice %arg8[%dma_start3A_314, %dma_start3A_315] : memref<102400x8xf32, #tpu.memory_space<hbm>> -> memref<102400x8xf32, #tpu.memory_space<hbm>>
        tpu.enqueue_indirect_dma source(%dma_start3A_316 : memref<102400x8xf32, #tpu.memory_space<hbm>>) target(%dma_start3A_310 : memref<128x8xf32, #tpu.memory_space<vmem>>) offsets(%dma_start3A_313 : memref<128xi32, #tpu.memory_space<vmem>>) semaphore(%arg18 : memref<!tpu.dma_semaphore, #tpu.memory_space<semaphore_mem>>)
        %add3A_317 = arith.constant 768 : i32
        %add3A_318 = arith.addi %mul3A_242, %add3A_317 : i32
        %dma_start3A_319 = arith.constant 6 : i32
        %dma_start3A_320 = arith.constant 0 : i32
        %dma_start3A_321 = tpu.memref_slice %arg13[%add3A_318, %dma_start3A_320] : memref<2048x8xf32, #tpu.memory_space<vmem>> -> memref<128x8xf32, #tpu.memory_space<vmem>>
        %dma_start3A_322 = arith.constant 0 : i32
        %dma_start3A_323 = tpu.memref_slice %arg11[%dma_start3A_319, %dma_start3A_322] : memref<8x128xi32, #tpu.memory_space<vmem>> -> memref<1x128xi32, #tpu.memory_space<vmem>>
        %dma_start3A_324 = tpu.memref_squeeze %dma_start3A_323 : memref<1x128xi32, #tpu.memory_space<vmem>> -> memref<128xi32, #tpu.memory_space<vmem>>
        %dma_start3A_325 = arith.constant 0 : i32
        %dma_start3A_326 = arith.constant 0 : i32
        %dma_start3A_327 = tpu.memref_slice %arg8[%dma_start3A_325, %dma_start3A_326] : memref<102400x8xf32, #tpu.memory_space<hbm>> -> memref<102400x8xf32, #tpu.memory_space<hbm>>
        tpu.enqueue_indirect_dma source(%dma_start3A_327 : memref<102400x8xf32, #tpu.memory_space<hbm>>) target(%dma_start3A_321 : memref<128x8xf32, #tpu.memory_space<vmem>>) offsets(%dma_start3A_324 : memref<128xi32, #tpu.memory_space<vmem>>) semaphore(%arg18 : memref<!tpu.dma_semaphore, #tpu.memory_space<semaphore_mem>>)
        %add3A_328 = arith.constant 896 : i32
        %add3A_329 = arith.addi %mul3A_242, %add3A_328 : i32
        %dma_start3A_330 = arith.constant 7 : i32
        %dma_start3A_331 = arith.constant 0 : i32
        %dma_start3A_332 = tpu.memref_slice %arg13[%add3A_329, %dma_start3A_331] : memref<2048x8xf32, #tpu.memory_space<vmem>> -> memref<128x8xf32, #tpu.memory_space<vmem>>
        %dma_start3A_333 = arith.constant 0 : i32
        %dma_start3A_334 = tpu.memref_slice %arg11[%dma_start3A_330, %dma_start3A_333] : memref<8x128xi32, #tpu.memory_space<vmem>> -> memref<1x128xi32, #tpu.memory_space<vmem>>
        %dma_start3A_335 = tpu.memref_squeeze %dma_start3A_334 : memref<1x128xi32, #tpu.memory_space<vmem>> -> memref<128xi32, #tpu.memory_space<vmem>>
        %dma_start3A_336 = arith.constant 0 : i32
        %dma_start3A_337 = arith.constant 0 : i32
        %dma_start3A_338 = tpu.memref_slice %arg8[%dma_start3A_336, %dma_start3A_337] : memref<102400x8xf32, #tpu.memory_space<hbm>> -> memref<102400x8xf32, #tpu.memory_space<hbm>>
        tpu.enqueue_indirect_dma source(%dma_start3A_338 : memref<102400x8xf32, #tpu.memory_space<hbm>>) target(%dma_start3A_332 : memref<128x8xf32, #tpu.memory_space<vmem>>) offsets(%dma_start3A_335 : memref<128xi32, #tpu.memory_space<vmem>>) semaphore(%arg18 : memref<!tpu.dma_semaphore, #tpu.memory_space<semaphore_mem>>)
        %dma_wait3A_339 = arith.constant 0 : i32
        %dma_wait3A_340 = arith.constant 0 : i32
        %dma_wait3A_341 = tpu.memref_slice %arg13[%add3A_253, %dma_wait3A_340] : memref<2048x8xf32, #tpu.memory_space<vmem>> -> memref<128x8xf32, #tpu.memory_space<vmem>>
        %dma_wait3A_342 = arith.constant 0 : i32
        %dma_wait3A_343 = tpu.memref_slice %arg11[%dma_wait3A_339, %dma_wait3A_342] : memref<8x128xi32, #tpu.memory_space<vmem>> -> memref<1x128xi32, #tpu.memory_space<vmem>>
        %dma_wait3A_344 = tpu.memref_squeeze %dma_wait3A_343 : memref<1x128xi32, #tpu.memory_space<vmem>> -> memref<128xi32, #tpu.memory_space<vmem>>
        %dma_wait3A_345 = arith.constant 0 : i32
        %dma_wait3A_346 = arith.constant 0 : i32
        %dma_wait3A_347 = tpu.memref_slice %arg8[%dma_wait3A_345, %dma_wait3A_346] : memref<102400x8xf32, #tpu.memory_space<hbm>> -> memref<102400x8xf32, #tpu.memory_space<hbm>>
        tpu.wait_indirect_dma semaphore(%arg18 : memref<!tpu.dma_semaphore, #tpu.memory_space<semaphore_mem>>) src(%dma_wait3A_347 : memref<102400x8xf32, #tpu.memory_space<hbm>>) dst(%dma_wait3A_341 : memref<128x8xf32, #tpu.memory_space<vmem>>)
        %dma_wait3A_348 = arith.constant 1 : i32
        %dma_wait3A_349 = arith.constant 0 : i32
        %dma_wait3A_350 = tpu.memref_slice %arg13[%add3A_263, %dma_wait3A_349] : memref<2048x8xf32, #tpu.memory_space<vmem>> -> memref<128x8xf32, #tpu.memory_space<vmem>>
        %dma_wait3A_351 = arith.constant 0 : i32
        %dma_wait3A_352 = tpu.memref_slice %arg11[%dma_wait3A_348, %dma_wait3A_351] : memref<8x128xi32, #tpu.memory_space<vmem>> -> memref<1x128xi32, #tpu.memory_space<vmem>>
        %dma_wait3A_353 = tpu.memref_squeeze %dma_wait3A_352 : memref<1x128xi32, #tpu.memory_space<vmem>> -> memref<128xi32, #tpu.memory_space<vmem>>
        %dma_wait3A_354 = arith.constant 0 : i32
        %dma_wait3A_355 = arith.constant 0 : i32
        %dma_wait3A_356 = tpu.memref_slice %arg8[%dma_wait3A_354, %dma_wait3A_355] : memref<102400x8xf32, #tpu.memory_space<hbm>> -> memref<102400x8xf32, #tpu.memory_space<hbm>>
        tpu.wait_indirect_dma semaphore(%arg18 : memref<!tpu.dma_semaphore, #tpu.memory_space<semaphore_mem>>) src(%dma_wait3A_356 : memref<102400x8xf32, #tpu.memory_space<hbm>>) dst(%dma_wait3A_350 : memref<128x8xf32, #tpu.memory_space<vmem>>)
        %dma_wait3A_357 = arith.constant 2 : i32
        %dma_wait3A_358 = arith.constant 0 : i32
        %dma_wait3A_359 = tpu.memref_slice %arg13[%add3A_274, %dma_wait3A_358] : memref<2048x8xf32, #tpu.memory_space<vmem>> -> memref<128x8xf32, #tpu.memory_space<vmem>>
        %dma_wait3A_360 = arith.constant 0 : i32
        %dma_wait3A_361 = tpu.memref_slice %arg11[%dma_wait3A_357, %dma_wait3A_360] : memref<8x128xi32, #tpu.memory_space<vmem>> -> memref<1x128xi32, #tpu.memory_space<vmem>>
        %dma_wait3A_362 = tpu.memref_squeeze %dma_wait3A_361 : memref<1x128xi32, #tpu.memory_space<vmem>> -> memref<128xi32, #tpu.memory_space<vmem>>
        %dma_wait3A_363 = arith.constant 0 : i32
        %dma_wait3A_364 = arith.constant 0 : i32
        %dma_wait3A_365 = tpu.memref_slice %arg8[%dma_wait3A_363, %dma_wait3A_364] : memref<102400x8xf32, #tpu.memory_space<hbm>> -> memref<102400x8xf32, #tpu.memory_space<hbm>>
        tpu.wait_indirect_dma semaphore(%arg18 : memref<!tpu.dma_semaphore, #tpu.memory_space<semaphore_mem>>) src(%dma_wait3A_365 : memref<102400x8xf32, #tpu.memory_space<hbm>>) dst(%dma_wait3A_359 : memref<128x8xf32, #tpu.memory_space<vmem>>)
        %dma_wait3A_366 = arith.constant 3 : i32
        %dma_wait3A_367 = arith.constant 0 : i32
        %dma_wait3A_368 = tpu.memref_slice %arg13[%add3A_285, %dma_wait3A_367] : memref<2048x8xf32, #tpu.memory_space<vmem>> -> memref<128x8xf32, #tpu.memory_space<vmem>>
        %dma_wait3A_369 = arith.constant 0 : i32
        %dma_wait3A_370 = tpu.memref_slice %arg11[%dma_wait3A_366, %dma_wait3A_369] : memref<8x128xi32, #tpu.memory_space<vmem>> -> memref<1x128xi32, #tpu.memory_space<vmem>>
        %dma_wait3A_371 = tpu.memref_squeeze %dma_wait3A_370 : memref<1x128xi32, #tpu.memory_space<vmem>> -> memref<128xi32, #tpu.memory_space<vmem>>
        %dma_wait3A_372 = arith.constant 0 : i32
        %dma_wait3A_373 = arith.constant 0 : i32
        %dma_wait3A_374 = tpu.memref_slice %arg8[%dma_wait3A_372, %dma_wait3A_373] : memref<102400x8xf32, #tpu.memory_space<hbm>> -> memref<102400x8xf32, #tpu.memory_space<hbm>>
        tpu.wait_indirect_dma semaphore(%arg18 : memref<!tpu.dma_semaphore, #tpu.memory_space<semaphore_mem>>) src(%dma_wait3A_374 : memref<102400x8xf32, #tpu.memory_space<hbm>>) dst(%dma_wait3A_368 : memref<128x8xf32, #tpu.memory_space<vmem>>)
        %dma_wait3A_375 = arith.constant 4 : i32
        %dma_wait3A_376 = arith.constant 0 : i32
        %dma_wait3A_377 = tpu.memref_slice %arg13[%add3A_296, %dma_wait3A_376] : memref<2048x8xf32, #tpu.memory_space<vmem>> -> memref<128x8xf32, #tpu.memory_space<vmem>>
        %dma_wait3A_378 = arith.constant 0 : i32
        %dma_wait3A_379 = tpu.memref_slice %arg11[%dma_wait3A_375, %dma_wait3A_378] : memref<8x128xi32, #tpu.memory_space<vmem>> -> memref<1x128xi32, #tpu.memory_space<vmem>>
        %dma_wait3A_380 = tpu.memref_squeeze %dma_wait3A_379 : memref<1x128xi32, #tpu.memory_space<vmem>> -> memref<128xi32, #tpu.memory_space<vmem>>
        %dma_wait3A_381 = arith.constant 0 : i32
        %dma_wait3A_382 = arith.constant 0 : i32
        %dma_wait3A_383 = tpu.memref_slice %arg8[%dma_wait3A_381, %dma_wait3A_382] : memref<102400x8xf32, #tpu.memory_space<hbm>> -> memref<102400x8xf32, #tpu.memory_space<hbm>>
        tpu.wait_indirect_dma semaphore(%arg18 : memref<!tpu.dma_semaphore, #tpu.memory_space<semaphore_mem>>) src(%dma_wait3A_383 : memref<102400x8xf32, #tpu.memory_space<hbm>>) dst(%dma_wait3A_377 : memref<128x8xf32, #tpu.memory_space<vmem>>)
        %dma_wait3A_384 = arith.constant 5 : i32
        %dma_wait3A_385 = arith.constant 0 : i32
        %dma_wait3A_386 = tpu.memref_slice %arg13[%add3A_307, %dma_wait3A_385] : memref<2048x8xf32, #tpu.memory_space<vmem>> -> memref<128x8xf32, #tpu.memory_space<vmem>>
        %dma_wait3A_387 = arith.constant 0 : i32
        %dma_wait3A_388 = tpu.memref_slice %arg11[%dma_wait3A_384, %dma_wait3A_387] : memref<8x128xi32, #tpu.memory_space<vmem>> -> memref<1x128xi32, #tpu.memory_space<vmem>>
        %dma_wait3A_389 = tpu.memref_squeeze %dma_wait3A_388 : memref<1x128xi32, #tpu.memory_space<vmem>> -> memref<128xi32, #tpu.memory_space<vmem>>
        %dma_wait3A_390 = arith.constant 0 : i32
        %dma_wait3A_391 = arith.constant 0 : i32
        %dma_wait3A_392 = tpu.memref_slice %arg8[%dma_wait3A_390, %dma_wait3A_391] : memref<102400x8xf32, #tpu.memory_space<hbm>> -> memref<102400x8xf32, #tpu.memory_space<hbm>>
        tpu.wait_indirect_dma semaphore(%arg18 : memref<!tpu.dma_semaphore, #tpu.memory_space<semaphore_mem>>) src(%dma_wait3A_392 : memref<102400x8xf32, #tpu.memory_space<hbm>>) dst(%dma_wait3A_386 : memref<128x8xf32, #tpu.memory_space<vmem>>)
        %dma_wait3A_393 = arith.constant 6 : i32
        %dma_wait3A_394 = arith.constant 0 : i32
        %dma_wait3A_395 = tpu.memref_slice %arg13[%add3A_318, %dma_wait3A_394] : memref<2048x8xf32, #tpu.memory_space<vmem>> -> memref<128x8xf32, #tpu.memory_space<vmem>>
        %dma_wait3A_396 = arith.constant 0 : i32
        %dma_wait3A_397 = tpu.memref_slice %arg11[%dma_wait3A_393, %dma_wait3A_396] : memref<8x128xi32, #tpu.memory_space<vmem>> -> memref<1x128xi32, #tpu.memory_space<vmem>>
        %dma_wait3A_398 = tpu.memref_squeeze %dma_wait3A_397 : memref<1x128xi32, #tpu.memory_space<vmem>> -> memref<128xi32, #tpu.memory_space<vmem>>
        %dma_wait3A_399 = arith.constant 0 : i32
        %dma_wait3A_400 = arith.constant 0 : i32
        %dma_wait3A_401 = tpu.memref_slice %arg8[%dma_wait3A_399, %dma_wait3A_400] : memref<102400x8xf32, #tpu.memory_space<hbm>> -> memref<102400x8xf32, #tpu.memory_space<hbm>>
        tpu.wait_indirect_dma semaphore(%arg18 : memref<!tpu.dma_semaphore, #tpu.memory_space<semaphore_mem>>) src(%dma_wait3A_401 : memref<102400x8xf32, #tpu.memory_space<hbm>>) dst(%dma_wait3A_395 : memref<128x8xf32, #tpu.memory_space<vmem>>)
        %dma_wait3A_402 = arith.constant 7 : i32
        %dma_wait3A_403 = arith.constant 0 : i32
        %dma_wait3A_404 = tpu.memref_slice %arg13[%add3A_329, %dma_wait3A_403] : memref<2048x8xf32, #tpu.memory_space<vmem>> -> memref<128x8xf32, #tpu.memory_space<vmem>>
        %dma_wait3A_405 = arith.constant 0 : i32
        %dma_wait3A_406 = tpu.memref_slice %arg11[%dma_wait3A_402, %dma_wait3A_405] : memref<8x128xi32, #tpu.memory_space<vmem>> -> memref<1x128xi32, #tpu.memory_space<vmem>>
        %dma_wait3A_407 = tpu.memref_squeeze %dma_wait3A_406 : memref<1x128xi32, #tpu.memory_space<vmem>> -> memref<128xi32, #tpu.memory_space<vmem>>
        %dma_wait3A_408 = arith.constant 0 : i32
        %dma_wait3A_409 = arith.constant 0 : i32
        %dma_wait3A_410 = tpu.memref_slice %arg8[%dma_wait3A_408, %dma_wait3A_409] : memref<102400x8xf32, #tpu.memory_space<hbm>> -> memref<102400x8xf32, #tpu.memory_space<hbm>>
        tpu.wait_indirect_dma semaphore(%arg18 : memref<!tpu.dma_semaphore, #tpu.memory_space<semaphore_mem>>) src(%dma_wait3A_410 : memref<102400x8xf32, #tpu.memory_space<hbm>>) dst(%dma_wait3A_404 : memref<128x8xf32, #tpu.memory_space<vmem>>)
        %add3A_411 = arith.constant 0 : i32
        %add3A_412 = arith.addi %mul3A_242, %add3A_411 : i32
        %add3A_413 = arith.constant 0 : i32
        %add3A_414 = arith.addi %mul3A_244, %add3A_413 : i32
        %dma_start3A_415 = arith.constant 0 : i32
        %dma_start3A_416 = tpu.memref_slice %arg13[%add3A_412, %dma_start3A_415] : memref<2048x8xf32, #tpu.memory_space<vmem>> -> memref<128x8xf32, #tpu.memory_space<vmem>>
        %dma_start3A_417 = arith.constant 0 : i32
        %dma_start3A_418 = tpu.memref_slice %arg12[%add3A_414, %dma_start3A_417] : memref<16x128xi32, #tpu.memory_space<vmem>> -> memref<1x128xi32, #tpu.memory_space<vmem>>
        %dma_start3A_419 = tpu.memref_squeeze %dma_start3A_418 : memref<1x128xi32, #tpu.memory_space<vmem>> -> memref<128xi32, #tpu.memory_space<vmem>>
        %dma_start3A_420 = arith.constant 0 : i32
        %dma_start3A_421 = arith.constant 0 : i32
        %dma_start3A_422 = tpu.memref_slice %arg10[%dma_start3A_420, %dma_start3A_421] : memref<102400x8xf32, #tpu.memory_space<vmem_shared>> -> memref<102400x8xf32, #tpu.memory_space<vmem_shared>>
        tpu.enqueue_indirect_dma source(%dma_start3A_416 : memref<128x8xf32, #tpu.memory_space<vmem>>) target(%dma_start3A_422 : memref<102400x8xf32, #tpu.memory_space<vmem_shared>>) offsets(%dma_start3A_419 : memref<128xi32, #tpu.memory_space<vmem>>) semaphore(%arg19 : memref<!tpu.dma_semaphore, #tpu.memory_space<semaphore_mem>>) {add = true}
        %add3A_423 = arith.constant 128 : i32
        %add3A_424 = arith.addi %mul3A_242, %add3A_423 : i32
        %add3A_425 = arith.constant 1 : i32
        %add3A_426 = arith.addi %mul3A_244, %add3A_425 : i32
        %dma_start3A_427 = arith.constant 0 : i32
        %dma_start3A_428 = tpu.memref_slice %arg13[%add3A_424, %dma_start3A_427] : memref<2048x8xf32, #tpu.memory_space<vmem>> -> memref<128x8xf32, #tpu.memory_space<vmem>>
        %dma_start3A_429 = arith.constant 0 : i32
        %dma_start3A_430 = tpu.memref_slice %arg12[%add3A_426, %dma_start3A_429] : memref<16x128xi32, #tpu.memory_space<vmem>> -> memref<1x128xi32, #tpu.memory_space<vmem>>
        %dma_start3A_431 = tpu.memref_squeeze %dma_start3A_430 : memref<1x128xi32, #tpu.memory_space<vmem>> -> memref<128xi32, #tpu.memory_space<vmem>>
        %dma_start3A_432 = arith.constant 0 : i32
        %dma_start3A_433 = arith.constant 0 : i32
        %dma_start3A_434 = tpu.memref_slice %arg10[%dma_start3A_432, %dma_start3A_433] : memref<102400x8xf32, #tpu.memory_space<vmem_shared>> -> memref<102400x8xf32, #tpu.memory_space<vmem_shared>>
        tpu.enqueue_indirect_dma source(%dma_start3A_428 : memref<128x8xf32, #tpu.memory_space<vmem>>) target(%dma_start3A_434 : memref<102400x8xf32, #tpu.memory_space<vmem_shared>>) offsets(%dma_start3A_431 : memref<128xi32, #tpu.memory_space<vmem>>) semaphore(%arg19 : memref<!tpu.dma_semaphore, #tpu.memory_space<semaphore_mem>>) {add = true}
        %add3A_435 = arith.constant 256 : i32
        %add3A_436 = arith.addi %mul3A_242, %add3A_435 : i32
        %add3A_437 = arith.constant 2 : i32
        %add3A_438 = arith.addi %mul3A_244, %add3A_437 : i32
        %dma_start3A_439 = arith.constant 0 : i32
        %dma_start3A_440 = tpu.memref_slice %arg13[%add3A_436, %dma_start3A_439] : memref<2048x8xf32, #tpu.memory_space<vmem>> -> memref<128x8xf32, #tpu.memory_space<vmem>>
        %dma_start3A_441 = arith.constant 0 : i32
        %dma_start3A_442 = tpu.memref_slice %arg12[%add3A_438, %dma_start3A_441] : memref<16x128xi32, #tpu.memory_space<vmem>> -> memref<1x128xi32, #tpu.memory_space<vmem>>
        %dma_start3A_443 = tpu.memref_squeeze %dma_start3A_442 : memref<1x128xi32, #tpu.memory_space<vmem>> -> memref<128xi32, #tpu.memory_space<vmem>>
        %dma_start3A_444 = arith.constant 0 : i32
        %dma_start3A_445 = arith.constant 0 : i32
        %dma_start3A_446 = tpu.memref_slice %arg10[%dma_start3A_444, %dma_start3A_445] : memref<102400x8xf32, #tpu.memory_space<vmem_shared>> -> memref<102400x8xf32, #tpu.memory_space<vmem_shared>>
        tpu.enqueue_indirect_dma source(%dma_start3A_440 : memref<128x8xf32, #tpu.memory_space<vmem>>) target(%dma_start3A_446 : memref<102400x8xf32, #tpu.memory_space<vmem_shared>>) offsets(%dma_start3A_443 : memref<128xi32, #tpu.memory_space<vmem>>) semaphore(%arg19 : memref<!tpu.dma_semaphore, #tpu.memory_space<semaphore_mem>>) {add = true}
        %add3A_447 = arith.constant 384 : i32
        %add3A_448 = arith.addi %mul3A_242, %add3A_447 : i32
        %add3A_449 = arith.constant 3 : i32
        %add3A_450 = arith.addi %mul3A_244, %add3A_449 : i32
        %dma_start3A_451 = arith.constant 0 : i32
        %dma_start3A_452 = tpu.memref_slice %arg13[%add3A_448, %dma_start3A_451] : memref<2048x8xf32, #tpu.memory_space<vmem>> -> memref<128x8xf32, #tpu.memory_space<vmem>>
        %dma_start3A_453 = arith.constant 0 : i32
        %dma_start3A_454 = tpu.memref_slice %arg12[%add3A_450, %dma_start3A_453] : memref<16x128xi32, #tpu.memory_space<vmem>> -> memref<1x128xi32, #tpu.memory_space<vmem>>
        %dma_start3A_455 = tpu.memref_squeeze %dma_start3A_454 : memref<1x128xi32, #tpu.memory_space<vmem>> -> memref<128xi32, #tpu.memory_space<vmem>>
        %dma_start3A_456 = arith.constant 0 : i32
        %dma_start3A_457 = arith.constant 0 : i32
        %dma_start3A_458 = tpu.memref_slice %arg10[%dma_start3A_456, %dma_start3A_457] : memref<102400x8xf32, #tpu.memory_space<vmem_shared>> -> memref<102400x8xf32, #tpu.memory_space<vmem_shared>>
        tpu.enqueue_indirect_dma source(%dma_start3A_452 : memref<128x8xf32, #tpu.memory_space<vmem>>) target(%dma_start3A_458 : memref<102400x8xf32, #tpu.memory_space<vmem_shared>>) offsets(%dma_start3A_455 : memref<128xi32, #tpu.memory_space<vmem>>) semaphore(%arg19 : memref<!tpu.dma_semaphore, #tpu.memory_space<semaphore_mem>>) {add = true}
        %add3A_459 = arith.constant 512 : i32
        %add3A_460 = arith.addi %mul3A_242, %add3A_459 : i32
        %add3A_461 = arith.constant 4 : i32
        %add3A_462 = arith.addi %mul3A_244, %add3A_461 : i32
        %dma_start3A_463 = arith.constant 0 : i32
        %dma_start3A_464 = tpu.memref_slice %arg13[%add3A_460, %dma_start3A_463] : memref<2048x8xf32, #tpu.memory_space<vmem>> -> memref<128x8xf32, #tpu.memory_space<vmem>>
        %dma_start3A_465 = arith.constant 0 : i32
        %dma_start3A_466 = tpu.memref_slice %arg12[%add3A_462, %dma_start3A_465] : memref<16x128xi32, #tpu.memory_space<vmem>> -> memref<1x128xi32, #tpu.memory_space<vmem>>
        %dma_start3A_467 = tpu.memref_squeeze %dma_start3A_466 : memref<1x128xi32, #tpu.memory_space<vmem>> -> memref<128xi32, #tpu.memory_space<vmem>>
        %dma_start3A_468 = arith.constant 0 : i32
        %dma_start3A_469 = arith.constant 0 : i32
        %dma_start3A_470 = tpu.memref_slice %arg10[%dma_start3A_468, %dma_start3A_469] : memref<102400x8xf32, #tpu.memory_space<vmem_shared>> -> memref<102400x8xf32, #tpu.memory_space<vmem_shared>>
        tpu.enqueue_indirect_dma source(%dma_start3A_464 : memref<128x8xf32, #tpu.memory_space<vmem>>) target(%dma_start3A_470 : memref<102400x8xf32, #tpu.memory_space<vmem_shared>>) offsets(%dma_start3A_467 : memref<128xi32, #tpu.memory_space<vmem>>) semaphore(%arg19 : memref<!tpu.dma_semaphore, #tpu.memory_space<semaphore_mem>>) {add = true}
        %add3A_471 = arith.constant 640 : i32
        %add3A_472 = arith.addi %mul3A_242, %add3A_471 : i32
        %add3A_473 = arith.constant 5 : i32
        %add3A_474 = arith.addi %mul3A_244, %add3A_473 : i32
        %dma_start3A_475 = arith.constant 0 : i32
        %dma_start3A_476 = tpu.memref_slice %arg13[%add3A_472, %dma_start3A_475] : memref<2048x8xf32, #tpu.memory_space<vmem>> -> memref<128x8xf32, #tpu.memory_space<vmem>>
        %dma_start3A_477 = arith.constant 0 : i32
        %dma_start3A_478 = tpu.memref_slice %arg12[%add3A_474, %dma_start3A_477] : memref<16x128xi32, #tpu.memory_space<vmem>> -> memref<1x128xi32, #tpu.memory_space<vmem>>
        %dma_start3A_479 = tpu.memref_squeeze %dma_start3A_478 : memref<1x128xi32, #tpu.memory_space<vmem>> -> memref<128xi32, #tpu.memory_space<vmem>>
        %dma_start3A_480 = arith.constant 0 : i32
        %dma_start3A_481 = arith.constant 0 : i32
        %dma_start3A_482 = tpu.memref_slice %arg10[%dma_start3A_480, %dma_start3A_481] : memref<102400x8xf32, #tpu.memory_space<vmem_shared>> -> memref<102400x8xf32, #tpu.memory_space<vmem_shared>>
        tpu.enqueue_indirect_dma source(%dma_start3A_476 : memref<128x8xf32, #tpu.memory_space<vmem>>) target(%dma_start3A_482 : memref<102400x8xf32, #tpu.memory_space<vmem_shared>>) offsets(%dma_start3A_479 : memref<128xi32, #tpu.memory_space<vmem>>) semaphore(%arg19 : memref<!tpu.dma_semaphore, #tpu.memory_space<semaphore_mem>>) {add = true}
        %add3A_483 = arith.constant 768 : i32
        %add3A_484 = arith.addi %mul3A_242, %add3A_483 : i32
        %add3A_485 = arith.constant 6 : i32
        %add3A_486 = arith.addi %mul3A_244, %add3A_485 : i32
        %dma_start3A_487 = arith.constant 0 : i32
        %dma_start3A_488 = tpu.memref_slice %arg13[%add3A_484, %dma_start3A_487] : memref<2048x8xf32, #tpu.memory_space<vmem>> -> memref<128x8xf32, #tpu.memory_space<vmem>>
        %dma_start3A_489 = arith.constant 0 : i32
        %dma_start3A_490 = tpu.memref_slice %arg12[%add3A_486, %dma_start3A_489] : memref<16x128xi32, #tpu.memory_space<vmem>> -> memref<1x128xi32, #tpu.memory_space<vmem>>
        %dma_start3A_491 = tpu.memref_squeeze %dma_start3A_490 : memref<1x128xi32, #tpu.memory_space<vmem>> -> memref<128xi32, #tpu.memory_space<vmem>>
        %dma_start3A_492 = arith.constant 0 : i32
        %dma_start3A_493 = arith.constant 0 : i32
        %dma_start3A_494 = tpu.memref_slice %arg10[%dma_start3A_492, %dma_start3A_493] : memref<102400x8xf32, #tpu.memory_space<vmem_shared>> -> memref<102400x8xf32, #tpu.memory_space<vmem_shared>>
        tpu.enqueue_indirect_dma source(%dma_start3A_488 : memref<128x8xf32, #tpu.memory_space<vmem>>) target(%dma_start3A_494 : memref<102400x8xf32, #tpu.memory_space<vmem_shared>>) offsets(%dma_start3A_491 : memref<128xi32, #tpu.memory_space<vmem>>) semaphore(%arg19 : memref<!tpu.dma_semaphore, #tpu.memory_space<semaphore_mem>>) {add = true}
        %add3A_495 = arith.constant 896 : i32
        %add3A_496 = arith.addi %mul3A_242, %add3A_495 : i32
        %add3A_497 = arith.constant 7 : i32
        %add3A_498 = arith.addi %mul3A_244, %add3A_497 : i32
        %dma_start3A_499 = arith.constant 0 : i32
        %dma_start3A_500 = tpu.memref_slice %arg13[%add3A_496, %dma_start3A_499] : memref<2048x8xf32, #tpu.memory_space<vmem>> -> memref<128x8xf32, #tpu.memory_space<vmem>>
        %dma_start3A_501 = arith.constant 0 : i32
        %dma_start3A_502 = tpu.memref_slice %arg12[%add3A_498, %dma_start3A_501] : memref<16x128xi32, #tpu.memory_space<vmem>> -> memref<1x128xi32, #tpu.memory_space<vmem>>
        %dma_start3A_503 = tpu.memref_squeeze %dma_start3A_502 : memref<1x128xi32, #tpu.memory_space<vmem>> -> memref<128xi32, #tpu.memory_space<vmem>>
        %dma_start3A_504 = arith.constant 0 : i32
        %dma_start3A_505 = arith.constant 0 : i32
        %dma_start3A_506 = tpu.memref_slice %arg10[%dma_start3A_504, %dma_start3A_505] : memref<102400x8xf32, #tpu.memory_space<vmem_shared>> -> memref<102400x8xf32, #tpu.memory_space<vmem_shared>>
        tpu.enqueue_indirect_dma source(%dma_start3A_500 : memref<128x8xf32, #tpu.memory_space<vmem>>) target(%dma_start3A_506 : memref<102400x8xf32, #tpu.memory_space<vmem_shared>>) offsets(%dma_start3A_503 : memref<128xi32, #tpu.memory_space<vmem>>) semaphore(%arg19 : memref<!tpu.dma_semaphore, #tpu.memory_space<semaphore_mem>>) {add = true}
      }
      %scan3A_74 = arith.constant 49 : i32
      %dma_wait3A = arith.constant 0 : i32
      %dma_wait3A_75 = arith.constant 0 : i32
      %dma_wait3A_76 = arith.constant 0 : i32
      %dma_wait3A_77 = tpu.memref_slice %arg13[%dma_wait3A_75, %dma_wait3A_76] : memref<2048x8xf32, #tpu.memory_space<vmem>> -> memref<128x8xf32, #tpu.memory_space<vmem>>
      %dma_wait3A_78 = arith.constant 0 : i32
      %dma_wait3A_79 = tpu.memref_slice %arg12[%dma_wait3A, %dma_wait3A_78] : memref<16x128xi32, #tpu.memory_space<vmem>> -> memref<1x128xi32, #tpu.memory_space<vmem>>
      %dma_wait3A_80 = tpu.memref_squeeze %dma_wait3A_79 : memref<1x128xi32, #tpu.memory_space<vmem>> -> memref<128xi32, #tpu.memory_space<vmem>>
      %dma_wait3A_81 = arith.constant 0 : i32
      %dma_wait3A_82 = arith.constant 0 : i32
      %dma_wait3A_83 = tpu.memref_slice %arg10[%dma_wait3A_81, %dma_wait3A_82] : memref<102400x8xf32, #tpu.memory_space<vmem_shared>> -> memref<102400x8xf32, #tpu.memory_space<vmem_shared>>
      tpu.wait_indirect_dma semaphore(%arg19 : memref<!tpu.dma_semaphore, #tpu.memory_space<semaphore_mem>>) src(%dma_wait3A_77 : memref<128x8xf32, #tpu.memory_space<vmem>>) dst(%dma_wait3A_83 : memref<102400x8xf32, #tpu.memory_space<vmem_shared>>)
      %dma_wait3A_84 = arith.constant 0 : i32
      %dma_wait3A_85 = arith.constant 0 : i32
      %dma_wait3A_86 = arith.constant 0 : i32
      %dma_wait3A_87 = tpu.memref_slice %arg13[%dma_wait3A_85, %dma_wait3A_86] : memref<2048x8xf32, #tpu.memory_space<vmem>> -> memref<128x8xf32, #tpu.memory_space<vmem>>
      %dma_wait3A_88 = arith.constant 0 : i32
      %dma_wait3A_89 = tpu.memref_slice %arg12[%dma_wait3A_84, %dma_wait3A_88] : memref<16x128xi32, #tpu.memory_space<vmem>> -> memref<1x128xi32, #tpu.memory_space<vmem>>
      %dma_wait3A_90 = tpu.memref_squeeze %dma_wait3A_89 : memref<1x128xi32, #tpu.memory_space<vmem>> -> memref<128xi32, #tpu.memory_space<vmem>>
      %dma_wait3A_91 = arith.constant 0 : i32
      %dma_wait3A_92 = arith.constant 0 : i32
      %dma_wait3A_93 = tpu.memref_slice %arg10[%dma_wait3A_91, %dma_wait3A_92] : memref<102400x8xf32, #tpu.memory_space<vmem_shared>> -> memref<102400x8xf32, #tpu.memory_space<vmem_shared>>
      tpu.wait_indirect_dma semaphore(%arg19 : memref<!tpu.dma_semaphore, #tpu.memory_space<semaphore_mem>>) src(%dma_wait3A_87 : memref<128x8xf32, #tpu.memory_space<vmem>>) dst(%dma_wait3A_93 : memref<102400x8xf32, #tpu.memory_space<vmem_shared>>)
      %dma_wait3A_94 = arith.constant 0 : i32
      %dma_wait3A_95 = arith.constant 0 : i32
      %dma_wait3A_96 = arith.constant 0 : i32
      %dma_wait3A_97 = tpu.memref_slice %arg13[%dma_wait3A_95, %dma_wait3A_96] : memref<2048x8xf32, #tpu.memory_space<vmem>> -> memref<128x8xf32, #tpu.memory_space<vmem>>
      %dma_wait3A_98 = arith.constant 0 : i32
      %dma_wait3A_99 = tpu.memref_slice %arg12[%dma_wait3A_94, %dma_wait3A_98] : memref<16x128xi32, #tpu.memory_space<vmem>> -> memref<1x128xi32, #tpu.memory_space<vmem>>
      %dma_wait3A_100 = tpu.memref_squeeze %dma_wait3A_99 : memref<1x128xi32, #tpu.memory_space<vmem>> -> memref<128xi32, #tpu.memory_space<vmem>>
      %dma_wait3A_101 = arith.constant 0 : i32
      %dma_wait3A_102 = arith.constant 0 : i32
      %dma_wait3A_103 = tpu.memref_slice %arg10[%dma_wait3A_101, %dma_wait3A_102] : memref<102400x8xf32, #tpu.memory_space<vmem_shared>> -> memref<102400x8xf32, #tpu.memory_space<vmem_shared>>
      tpu.wait_indirect_dma semaphore(%arg19 : memref<!tpu.dma_semaphore, #tpu.memory_space<semaphore_mem>>) src(%dma_wait3A_97 : memref<128x8xf32, #tpu.memory_space<vmem>>) dst(%dma_wait3A_103 : memref<102400x8xf32, #tpu.memory_space<vmem_shared>>)
      %dma_wait3A_104 = arith.constant 0 : i32
      %dma_wait3A_105 = arith.constant 0 : i32
      %dma_wait3A_106 = arith.constant 0 : i32
      %dma_wait3A_107 = tpu.memref_slice %arg13[%dma_wait3A_105, %dma_wait3A_106] : memref<2048x8xf32, #tpu.memory_space<vmem>> -> memref<128x8xf32, #tpu.memory_space<vmem>>
      %dma_wait3A_108 = arith.constant 0 : i32
      %dma_wait3A_109 = tpu.memref_slice %arg12[%dma_wait3A_104, %dma_wait3A_108] : memref<16x128xi32, #tpu.memory_space<vmem>> -> memref<1x128xi32, #tpu.memory_space<vmem>>
      %dma_wait3A_110 = tpu.memref_squeeze %dma_wait3A_109 : memref<1x128xi32, #tpu.memory_space<vmem>> -> memref<128xi32, #tpu.memory_space<vmem>>
      %dma_wait3A_111 = arith.constant 0 : i32
      %dma_wait3A_112 = arith.constant 0 : i32
      %dma_wait3A_113 = tpu.memref_slice %arg10[%dma_wait3A_111, %dma_wait3A_112] : memref<102400x8xf32, #tpu.memory_space<vmem_shared>> -> memref<102400x8xf32, #tpu.memory_space<vmem_shared>>
      tpu.wait_indirect_dma semaphore(%arg19 : memref<!tpu.dma_semaphore, #tpu.memory_space<semaphore_mem>>) src(%dma_wait3A_107 : memref<128x8xf32, #tpu.memory_space<vmem>>) dst(%dma_wait3A_113 : memref<102400x8xf32, #tpu.memory_space<vmem_shared>>)
      %dma_wait3A_114 = arith.constant 0 : i32
      %dma_wait3A_115 = arith.constant 0 : i32
      %dma_wait3A_116 = arith.constant 0 : i32
      %dma_wait3A_117 = tpu.memref_slice %arg13[%dma_wait3A_115, %dma_wait3A_116] : memref<2048x8xf32, #tpu.memory_space<vmem>> -> memref<128x8xf32, #tpu.memory_space<vmem>>
      %dma_wait3A_118 = arith.constant 0 : i32
      %dma_wait3A_119 = tpu.memref_slice %arg12[%dma_wait3A_114, %dma_wait3A_118] : memref<16x128xi32, #tpu.memory_space<vmem>> -> memref<1x128xi32, #tpu.memory_space<vmem>>
      %dma_wait3A_120 = tpu.memref_squeeze %dma_wait3A_119 : memref<1x128xi32, #tpu.memory_space<vmem>> -> memref<128xi32, #tpu.memory_space<vmem>>
      %dma_wait3A_121 = arith.constant 0 : i32
      %dma_wait3A_122 = arith.constant 0 : i32
      %dma_wait3A_123 = tpu.memref_slice %arg10[%dma_wait3A_121, %dma_wait3A_122] : memref<102400x8xf32, #tpu.memory_space<vmem_shared>> -> memref<102400x8xf32, #tpu.memory_space<vmem_shared>>
      tpu.wait_indirect_dma semaphore(%arg19 : memref<!tpu.dma_semaphore, #tpu.memory_space<semaphore_mem>>) src(%dma_wait3A_117 : memref<128x8xf32, #tpu.memory_space<vmem>>) dst(%dma_wait3A_123 : memref<102400x8xf32, #tpu.memory_space<vmem_shared>>)
      %dma_wait3A_124 = arith.constant 0 : i32
      %dma_wait3A_125 = arith.constant 0 : i32
      %dma_wait3A_126 = arith.constant 0 : i32
      %dma_wait3A_127 = tpu.memref_slice %arg13[%dma_wait3A_125, %dma_wait3A_126] : memref<2048x8xf32, #tpu.memory_space<vmem>> -> memref<128x8xf32, #tpu.memory_space<vmem>>
      %dma_wait3A_128 = arith.constant 0 : i32
      %dma_wait3A_129 = tpu.memref_slice %arg12[%dma_wait3A_124, %dma_wait3A_128] : memref<16x128xi32, #tpu.memory_space<vmem>> -> memref<1x128xi32, #tpu.memory_space<vmem>>
      %dma_wait3A_130 = tpu.memref_squeeze %dma_wait3A_129 : memref<1x128xi32, #tpu.memory_space<vmem>> -> memref<128xi32, #tpu.memory_space<vmem>>
      %dma_wait3A_131 = arith.constant 0 : i32
      %dma_wait3A_132 = arith.constant 0 : i32
      %dma_wait3A_133 = tpu.memref_slice %arg10[%dma_wait3A_131, %dma_wait3A_132] : memref<102400x8xf32, #tpu.memory_space<vmem_shared>> -> memref<102400x8xf32, #tpu.memory_space<vmem_shared>>
      tpu.wait_indirect_dma semaphore(%arg19 : memref<!tpu.dma_semaphore, #tpu.memory_space<semaphore_mem>>) src(%dma_wait3A_127 : memref<128x8xf32, #tpu.memory_space<vmem>>) dst(%dma_wait3A_133 : memref<102400x8xf32, #tpu.memory_space<vmem_shared>>)
      %dma_wait3A_134 = arith.constant 0 : i32
      %dma_wait3A_135 = arith.constant 0 : i32
      %dma_wait3A_136 = arith.constant 0 : i32
      %dma_wait3A_137 = tpu.memref_slice %arg13[%dma_wait3A_135, %dma_wait3A_136] : memref<2048x8xf32, #tpu.memory_space<vmem>> -> memref<128x8xf32, #tpu.memory_space<vmem>>
      %dma_wait3A_138 = arith.constant 0 : i32
      %dma_wait3A_139 = tpu.memref_slice %arg12[%dma_wait3A_134, %dma_wait3A_138] : memref<16x128xi32, #tpu.memory_space<vmem>> -> memref<1x128xi32, #tpu.memory_space<vmem>>
      %dma_wait3A_140 = tpu.memref_squeeze %dma_wait3A_139 : memref<1x128xi32, #tpu.memory_space<vmem>> -> memref<128xi32, #tpu.memory_space<vmem>>
      %dma_wait3A_141 = arith.constant 0 : i32
      %dma_wait3A_142 = arith.constant 0 : i32
      %dma_wait3A_143 = tpu.memref_slice %arg10[%dma_wait3A_141, %dma_wait3A_142] : memref<102400x8xf32, #tpu.memory_space<vmem_shared>> -> memref<102400x8xf32, #tpu.memory_space<vmem_shared>>
      tpu.wait_indirect_dma semaphore(%arg19 : memref<!tpu.dma_semaphore, #tpu.memory_space<semaphore_mem>>) src(%dma_wait3A_137 : memref<128x8xf32, #tpu.memory_space<vmem>>) dst(%dma_wait3A_143 : memref<102400x8xf32, #tpu.memory_space<vmem_shared>>)
      %dma_wait3A_144 = arith.constant 0 : i32
      %dma_wait3A_145 = arith.constant 0 : i32
      %dma_wait3A_146 = arith.constant 0 : i32
      %dma_wait3A_147 = tpu.memref_slice %arg13[%dma_wait3A_145, %dma_wait3A_146] : memref<2048x8xf32, #tpu.memory_space<vmem>> -> memref<128x8xf32, #tpu.memory_space<vmem>>
      %dma_wait3A_148 = arith.constant 0 : i32
      %dma_wait3A_149 = tpu.memref_slice %arg12[%dma_wait3A_144, %dma_wait3A_148] : memref<16x128xi32, #tpu.memory_space<vmem>> -> memref<1x128xi32, #tpu.memory_space<vmem>>
      %dma_wait3A_150 = tpu.memref_squeeze %dma_wait3A_149 : memref<1x128xi32, #tpu.memory_space<vmem>> -> memref<128xi32, #tpu.memory_space<vmem>>
      %dma_wait3A_151 = arith.constant 0 : i32
      %dma_wait3A_152 = arith.constant 0 : i32
      %dma_wait3A_153 = tpu.memref_slice %arg10[%dma_wait3A_151, %dma_wait3A_152] : memref<102400x8xf32, #tpu.memory_space<vmem_shared>> -> memref<102400x8xf32, #tpu.memory_space<vmem_shared>>
      tpu.wait_indirect_dma semaphore(%arg19 : memref<!tpu.dma_semaphore, #tpu.memory_space<semaphore_mem>>) src(%dma_wait3A_147 : memref<128x8xf32, #tpu.memory_space<vmem>>) dst(%dma_wait3A_153 : memref<102400x8xf32, #tpu.memory_space<vmem_shared>>)
      %dma_wait3A_154 = arith.constant 0 : i32
      %dma_wait3A_155 = arith.constant 0 : i32
      %dma_wait3A_156 = arith.constant 0 : i32
      %dma_wait3A_157 = tpu.memref_slice %arg13[%dma_wait3A_155, %dma_wait3A_156] : memref<2048x8xf32, #tpu.memory_space<vmem>> -> memref<128x8xf32, #tpu.memory_space<vmem>>
      %dma_wait3A_158 = arith.constant 0 : i32
      %dma_wait3A_159 = tpu.memref_slice %arg12[%dma_wait3A_154, %dma_wait3A_158] : memref<16x128xi32, #tpu.memory_space<vmem>> -> memref<1x128xi32, #tpu.memory_space<vmem>>
      %dma_wait3A_160 = tpu.memref_squeeze %dma_wait3A_159 : memref<1x128xi32, #tpu.memory_space<vmem>> -> memref<128xi32, #tpu.memory_space<vmem>>
      %dma_wait3A_161 = arith.constant 0 : i32
      %dma_wait3A_162 = arith.constant 0 : i32
      %dma_wait3A_163 = tpu.memref_slice %arg10[%dma_wait3A_161, %dma_wait3A_162] : memref<102400x8xf32, #tpu.memory_space<vmem_shared>> -> memref<102400x8xf32, #tpu.memory_space<vmem_shared>>
      tpu.wait_indirect_dma semaphore(%arg19 : memref<!tpu.dma_semaphore, #tpu.memory_space<semaphore_mem>>) src(%dma_wait3A_157 : memref<128x8xf32, #tpu.memory_space<vmem>>) dst(%dma_wait3A_163 : memref<102400x8xf32, #tpu.memory_space<vmem_shared>>)
      %dma_wait3A_164 = arith.constant 0 : i32
      %dma_wait3A_165 = arith.constant 0 : i32
      %dma_wait3A_166 = arith.constant 0 : i32
      %dma_wait3A_167 = tpu.memref_slice %arg13[%dma_wait3A_165, %dma_wait3A_166] : memref<2048x8xf32, #tpu.memory_space<vmem>> -> memref<128x8xf32, #tpu.memory_space<vmem>>
      %dma_wait3A_168 = arith.constant 0 : i32
      %dma_wait3A_169 = tpu.memref_slice %arg12[%dma_wait3A_164, %dma_wait3A_168] : memref<16x128xi32, #tpu.memory_space<vmem>> -> memref<1x128xi32, #tpu.memory_space<vmem>>
      %dma_wait3A_170 = tpu.memref_squeeze %dma_wait3A_169 : memref<1x128xi32, #tpu.memory_space<vmem>> -> memref<128xi32, #tpu.memory_space<vmem>>
      %dma_wait3A_171 = arith.constant 0 : i32
      %dma_wait3A_172 = arith.constant 0 : i32
      %dma_wait3A_173 = tpu.memref_slice %arg10[%dma_wait3A_171, %dma_wait3A_172] : memref<102400x8xf32, #tpu.memory_space<vmem_shared>> -> memref<102400x8xf32, #tpu.memory_space<vmem_shared>>
      tpu.wait_indirect_dma semaphore(%arg19 : memref<!tpu.dma_semaphore, #tpu.memory_space<semaphore_mem>>) src(%dma_wait3A_167 : memref<128x8xf32, #tpu.memory_space<vmem>>) dst(%dma_wait3A_173 : memref<102400x8xf32, #tpu.memory_space<vmem_shared>>)
      %dma_wait3A_174 = arith.constant 0 : i32
      %dma_wait3A_175 = arith.constant 0 : i32
      %dma_wait3A_176 = arith.constant 0 : i32
      %dma_wait3A_177 = tpu.memref_slice %arg13[%dma_wait3A_175, %dma_wait3A_176] : memref<2048x8xf32, #tpu.memory_space<vmem>> -> memref<128x8xf32, #tpu.memory_space<vmem>>
      %dma_wait3A_178 = arith.constant 0 : i32
      %dma_wait3A_179 = tpu.memref_slice %arg12[%dma_wait3A_174, %dma_wait3A_178] : memref<16x128xi32, #tpu.memory_space<vmem>> -> memref<1x128xi32, #tpu.memory_space<vmem>>
      %dma_wait3A_180 = tpu.memref_squeeze %dma_wait3A_179 : memref<1x128xi32, #tpu.memory_space<vmem>> -> memref<128xi32, #tpu.memory_space<vmem>>
      %dma_wait3A_181 = arith.constant 0 : i32
      %dma_wait3A_182 = arith.constant 0 : i32
      %dma_wait3A_183 = tpu.memref_slice %arg10[%dma_wait3A_181, %dma_wait3A_182] : memref<102400x8xf32, #tpu.memory_space<vmem_shared>> -> memref<102400x8xf32, #tpu.memory_space<vmem_shared>>
      tpu.wait_indirect_dma semaphore(%arg19 : memref<!tpu.dma_semaphore, #tpu.memory_space<semaphore_mem>>) src(%dma_wait3A_177 : memref<128x8xf32, #tpu.memory_space<vmem>>) dst(%dma_wait3A_183 : memref<102400x8xf32, #tpu.memory_space<vmem_shared>>)
      %dma_wait3A_184 = arith.constant 0 : i32
      %dma_wait3A_185 = arith.constant 0 : i32
      %dma_wait3A_186 = arith.constant 0 : i32
      %dma_wait3A_187 = tpu.memref_slice %arg13[%dma_wait3A_185, %dma_wait3A_186] : memref<2048x8xf32, #tpu.memory_space<vmem>> -> memref<128x8xf32, #tpu.memory_space<vmem>>
      %dma_wait3A_188 = arith.constant 0 : i32
      %dma_wait3A_189 = tpu.memref_slice %arg12[%dma_wait3A_184, %dma_wait3A_188] : memref<16x128xi32, #tpu.memory_space<vmem>> -> memref<1x128xi32, #tpu.memory_space<vmem>>
      %dma_wait3A_190 = tpu.memref_squeeze %dma_wait3A_189 : memref<1x128xi32, #tpu.memory_space<vmem>> -> memref<128xi32, #tpu.memory_space<vmem>>
      %dma_wait3A_191 = arith.constant 0 : i32
      %dma_wait3A_192 = arith.constant 0 : i32
      %dma_wait3A_193 = tpu.memref_slice %arg10[%dma_wait3A_191, %dma_wait3A_192] : memref<102400x8xf32, #tpu.memory_space<vmem_shared>> -> memref<102400x8xf32, #tpu.memory_space<vmem_shared>>
      tpu.wait_indirect_dma semaphore(%arg19 : memref<!tpu.dma_semaphore, #tpu.memory_space<semaphore_mem>>) src(%dma_wait3A_187 : memref<128x8xf32, #tpu.memory_space<vmem>>) dst(%dma_wait3A_193 : memref<102400x8xf32, #tpu.memory_space<vmem_shared>>)
      %dma_wait3A_194 = arith.constant 0 : i32
      %dma_wait3A_195 = arith.constant 0 : i32
      %dma_wait3A_196 = arith.constant 0 : i32
      %dma_wait3A_197 = tpu.memref_slice %arg13[%dma_wait3A_195, %dma_wait3A_196] : memref<2048x8xf32, #tpu.memory_space<vmem>> -> memref<128x8xf32, #tpu.memory_space<vmem>>
      %dma_wait3A_198 = arith.constant 0 : i32
      %dma_wait3A_199 = tpu.memref_slice %arg12[%dma_wait3A_194, %dma_wait3A_198] : memref<16x128xi32, #tpu.memory_space<vmem>> -> memref<1x128xi32, #tpu.memory_space<vmem>>
      %dma_wait3A_200 = tpu.memref_squeeze %dma_wait3A_199 : memref<1x128xi32, #tpu.memory_space<vmem>> -> memref<128xi32, #tpu.memory_space<vmem>>
      %dma_wait3A_201 = arith.constant 0 : i32
      %dma_wait3A_202 = arith.constant 0 : i32
      %dma_wait3A_203 = tpu.memref_slice %arg10[%dma_wait3A_201, %dma_wait3A_202] : memref<102400x8xf32, #tpu.memory_space<vmem_shared>> -> memref<102400x8xf32, #tpu.memory_space<vmem_shared>>
      tpu.wait_indirect_dma semaphore(%arg19 : memref<!tpu.dma_semaphore, #tpu.memory_space<semaphore_mem>>) src(%dma_wait3A_197 : memref<128x8xf32, #tpu.memory_space<vmem>>) dst(%dma_wait3A_203 : memref<102400x8xf32, #tpu.memory_space<vmem_shared>>)
      %dma_wait3A_204 = arith.constant 0 : i32
      %dma_wait3A_205 = arith.constant 0 : i32
      %dma_wait3A_206 = arith.constant 0 : i32
      %dma_wait3A_207 = tpu.memref_slice %arg13[%dma_wait3A_205, %dma_wait3A_206] : memref<2048x8xf32, #tpu.memory_space<vmem>> -> memref<128x8xf32, #tpu.memory_space<vmem>>
      %dma_wait3A_208 = arith.constant 0 : i32
      %dma_wait3A_209 = tpu.memref_slice %arg12[%dma_wait3A_204, %dma_wait3A_208] : memref<16x128xi32, #tpu.memory_space<vmem>> -> memref<1x128xi32, #tpu.memory_space<vmem>>
      %dma_wait3A_210 = tpu.memref_squeeze %dma_wait3A_209 : memref<1x128xi32, #tpu.memory_space<vmem>> -> memref<128xi32, #tpu.memory_space<vmem>>
      %dma_wait3A_211 = arith.constant 0 : i32
      %dma_wait3A_212 = arith.constant 0 : i32
      %dma_wait3A_213 = tpu.memref_slice %arg10[%dma_wait3A_211, %dma_wait3A_212] : memref<102400x8xf32, #tpu.memory_space<vmem_shared>> -> memref<102400x8xf32, #tpu.memory_space<vmem_shared>>
      tpu.wait_indirect_dma semaphore(%arg19 : memref<!tpu.dma_semaphore, #tpu.memory_space<semaphore_mem>>) src(%dma_wait3A_207 : memref<128x8xf32, #tpu.memory_space<vmem>>) dst(%dma_wait3A_213 : memref<102400x8xf32, #tpu.memory_space<vmem_shared>>)
      %dma_wait3A_214 = arith.constant 0 : i32
      %dma_wait3A_215 = arith.constant 0 : i32
      %dma_wait3A_216 = arith.constant 0 : i32
      %dma_wait3A_217 = tpu.memref_slice %arg13[%dma_wait3A_215, %dma_wait3A_216] : memref<2048x8xf32, #tpu.memory_space<vmem>> -> memref<128x8xf32, #tpu.memory_space<vmem>>
      %dma_wait3A_218 = arith.constant 0 : i32
      %dma_wait3A_219 = tpu.memref_slice %arg12[%dma_wait3A_214, %dma_wait3A_218] : memref<16x128xi32, #tpu.memory_space<vmem>> -> memref<1x128xi32, #tpu.memory_space<vmem>>
      %dma_wait3A_220 = tpu.memref_squeeze %dma_wait3A_219 : memref<1x128xi32, #tpu.memory_space<vmem>> -> memref<128xi32, #tpu.memory_space<vmem>>
      %dma_wait3A_221 = arith.constant 0 : i32
      %dma_wait3A_222 = arith.constant 0 : i32
      %dma_wait3A_223 = tpu.memref_slice %arg10[%dma_wait3A_221, %dma_wait3A_222] : memref<102400x8xf32, #tpu.memory_space<vmem_shared>> -> memref<102400x8xf32, #tpu.memory_space<vmem_shared>>
      tpu.wait_indirect_dma semaphore(%arg19 : memref<!tpu.dma_semaphore, #tpu.memory_space<semaphore_mem>>) src(%dma_wait3A_217 : memref<128x8xf32, #tpu.memory_space<vmem>>) dst(%dma_wait3A_223 : memref<102400x8xf32, #tpu.memory_space<vmem_shared>>)
      %dma_wait3A_224 = arith.constant 0 : i32
      %dma_wait3A_225 = arith.constant 0 : i32
      %dma_wait3A_226 = arith.constant 0 : i32
      %dma_wait3A_227 = tpu.memref_slice %arg13[%dma_wait3A_225, %dma_wait3A_226] : memref<2048x8xf32, #tpu.memory_space<vmem>> -> memref<128x8xf32, #tpu.memory_space<vmem>>
      %dma_wait3A_228 = arith.constant 0 : i32
      %dma_wait3A_229 = tpu.memref_slice %arg12[%dma_wait3A_224, %dma_wait3A_228] : memref<16x128xi32, #tpu.memory_space<vmem>> -> memref<1x128xi32, #tpu.memory_space<vmem>>
      %dma_wait3A_230 = tpu.memref_squeeze %dma_wait3A_229 : memref<1x128xi32, #tpu.memory_space<vmem>> -> memref<128xi32, #tpu.memory_space<vmem>>
      %dma_wait3A_231 = arith.constant 0 : i32
      %dma_wait3A_232 = arith.constant 0 : i32
      %dma_wait3A_233 = tpu.memref_slice %arg10[%dma_wait3A_231, %dma_wait3A_232] : memref<102400x8xf32, #tpu.memory_space<vmem_shared>> -> memref<102400x8xf32, #tpu.memory_space<vmem_shared>>
      tpu.wait_indirect_dma semaphore(%arg19 : memref<!tpu.dma_semaphore, #tpu.memory_space<semaphore_mem>>) src(%dma_wait3A_227 : memref<128x8xf32, #tpu.memory_space<vmem>>) dst(%dma_wait3A_233 : memref<102400x8xf32, #tpu.memory_space<vmem_shared>>)
    } else {
    }
    %barrier3A = arith.constant 0 : index
    tpu.barrier barrier_id(%barrier3A)
    "tpu.region"() ({
      %run_scoped3A = tpu.sem_alloc : memref<!tpu.dma_semaphore, #tpu.memory_space<semaphore_mem>>
      %dma_start3A = arith.constant 0 : i32
      %dma_start3A_65 = tpu.memref_slice %arg9[%arg0, %mul3A_2, %dma_start3A] : memref<2x102400x8xf32, #tpu.memory_space<hbm>> -> memref<1x6400x8xf32, #tpu.memory_space<hbm>>
      %dma_start3A_66 = tpu.memref_squeeze %dma_start3A_65 : memref<1x6400x8xf32, #tpu.memory_space<hbm>> -> memref<6400x8xf32, #tpu.memory_space<hbm>>
      %dma_start3A_67 = arith.constant 0 : i32
      %dma_start3A_68 = tpu.memref_slice %arg10[%mul3A_2, %dma_start3A_67] : memref<102400x8xf32, #tpu.memory_space<vmem_shared>> -> memref<6400x8xf32, #tpu.memory_space<vmem_shared>>
      tpu.enqueue_dma source(%dma_start3A_68 : memref<6400x8xf32, #tpu.memory_space<vmem_shared>>) target(%dma_start3A_66 : memref<6400x8xf32, #tpu.memory_space<hbm>>) target_semaphore(%run_scoped3A : memref<!tpu.dma_semaphore, #tpu.memory_space<semaphore_mem>>)
      %dma_wait3A = arith.constant 0 : i32
      %dma_wait3A_69 = tpu.memref_slice %arg9[%arg0, %mul3A_2, %dma_wait3A] : memref<2x102400x8xf32, #tpu.memory_space<hbm>> -> memref<1x6400x8xf32, #tpu.memory_space<hbm>>
      %dma_wait3A_70 = tpu.memref_squeeze %dma_wait3A_69 : memref<1x6400x8xf32, #tpu.memory_space<hbm>> -> memref<6400x8xf32, #tpu.memory_space<hbm>>
      %dma_wait3A_71 = arith.constant 0 : i32
      %dma_wait3A_72 = tpu.memref_slice %arg10[%mul3A_2, %dma_wait3A_71] : memref<102400x8xf32, #tpu.memory_space<vmem_shared>> -> memref<6400x8xf32, #tpu.memory_space<vmem_shared>>
      tpu.wait_dma2 semaphore(%run_scoped3A : memref<!tpu.dma_semaphore, #tpu.memory_space<semaphore_mem>>) src(%dma_wait3A_72 : memref<6400x8xf32, #tpu.memory_space<vmem_shared>>) dst(%dma_wait3A_70 : memref<6400x8xf32, #tpu.memory_space<hbm>>)
      tpu.yield
    }) : () -> ()
    return
  }
}

module attributes {stable_mosaic.version = 14 : i64} {
  func.func @_tc_b(%arg0: i32, %arg1: memref<2x4096x8xf32, #tpu.memory_space<vmem>>, %arg2: memref<4096x8xf32, #tpu.memory_space<vmem>>, %arg3: memref<8x128xf32, #tpu.memory_space<vmem>>, %arg4: memref<128x128xf32, #tpu.memory_space<vmem>>, %arg5: memref<2x128xf32, #tpu.memory_space<vmem>>, %arg6: memref<4096x8xf32, #tpu.memory_space<vmem>>) attributes {dimension_semantics = [#tpu.dimension_semantics<arbitrary>], iteration_bounds = array<i64: 25>, scalar_prefetch = 0 : i64, scratch_operands = 0 : i64, tpu.core_type = #tpu.core_type<tc>, window_params = [{transform_indices = @transform_0, window_bounds = array<i64: 2, 4096, 8>}, {transform_indices = @transform_1, window_bounds = array<i64: 4096, 8>}, {pipeline_mode = #tpu.pipeline_mode<synchronous>, transform_indices = @transform_2, window_bounds = array<i64: 8, 128>}, {pipeline_mode = #tpu.pipeline_mode<synchronous>, transform_indices = @transform_3, window_bounds = array<i64: 128, 128>}, {pipeline_mode = #tpu.pipeline_mode<synchronous>, transform_indices = @transform_4, window_bounds = array<i64: 2, 128>}, {transform_indices = @transform_5, window_bounds = array<i64: 4096, 8>}]} {
    %get3A = arith.constant 0 : index
    %get3A_0 = arith.constant 0 : index
    %get3A_1 = vector.load %arg2[%get3A, %get3A_0] : memref<4096x8xf32, #tpu.memory_space<vmem>>, vector<4096x8xf32>
    %get3A_2 = arith.constant 0 : index
    %get3A_3 = arith.constant 0 : index
    %get3A_4 = arith.constant 0 : index
    %get3A_5 = vector.load %arg1[%get3A_2, %get3A_3, %get3A_4] : memref<2x4096x8xf32, #tpu.memory_space<vmem>>, vector<1x4096x8xf32>
    %get3A_6 = vector.shape_cast %get3A_5 : vector<1x4096x8xf32> to vector<4096x8xf32>
    %get3A_7 = arith.constant 1 : index
    %get3A_8 = arith.constant 0 : index
    %get3A_9 = arith.constant 0 : index
    %get3A_10 = vector.load %arg1[%get3A_7, %get3A_8, %get3A_9] : memref<2x4096x8xf32, #tpu.memory_space<vmem>>, vector<1x4096x8xf32>
    %get3A_11 = vector.shape_cast %get3A_10 : vector<1x4096x8xf32> to vector<4096x8xf32>
    %add3A = arith.addf %get3A_6, %get3A_11 : vector<4096x8xf32>
    %add3A_12 = arith.addf %add3A, %get3A_1 : vector<4096x8xf32>
    %slice3A = vector.extract_strided_slice %get3A_1 {offsets = [0, 4], sizes = [4096, 1], strides = [1, 1]} : vector<4096x8xf32> to vector<4096x1xf32>
    %slice3A_13 = vector.extract_strided_slice %add3A_12 {offsets = [0, 4], sizes = [4096, 1], strides = [1, 1]} : vector<4096x8xf32> to vector<4096x1xf32>
    %mul3A = arith.mulf %slice3A, %slice3A_13 : vector<4096x1xf32>
    %get3A_14 = arith.constant 0 : index
    %get3A_15 = arith.constant 0 : index
    %get3A_16 = vector.load %arg3[%get3A_14, %get3A_15] : memref<8x128xf32, #tpu.memory_space<vmem>>, vector<8x128xf32>
    %dot_general3A = arith.constant dense<0.000000e+00> : vector<4096x128xf32>
    %dot_general3A_17 = tpu.matmul %add3A_12, %get3A_16, %dot_general3A {dimension_numbers = #tpu.dot_dimension_numbers<[1], [0], [0], [1], [0, 0, 1, 1], [], []>, transpose_lhs_hint = false} : vector<4096x8xf32>, vector<8x128xf32>, vector<4096x128xf32> -> vector<4096x128xf32>
    %mul3A_18 = vector.broadcast %slice3A : vector<4096x1xf32> to vector<4096x128xf32>
    %mul3A_19 = arith.mulf %mul3A_18, %dot_general3A_17 : vector<4096x128xf32>
    %max3A = arith.constant 0.000000e+00 : f32
    %max3A_20 = vector.broadcast %max3A : f32 to vector<4096x128xf32>
    %max3A_21 = arith.maximumf %mul3A_19, %max3A_20 : vector<4096x128xf32>
    %get3A_22 = arith.constant 0 : index
    %get3A_23 = arith.constant 0 : index
    %get3A_24 = vector.load %arg4[%get3A_22, %get3A_23] : memref<128x128xf32, #tpu.memory_space<vmem>>, vector<128x128xf32>
    %dot_general3A_25 = arith.constant dense<0.000000e+00> : vector<4096x128xf32>
    %dot_general3A_26 = tpu.matmul %max3A_21, %get3A_24, %dot_general3A_25 {dimension_numbers = #tpu.dot_dimension_numbers<[1], [1], [0], [0], [0, 0, 1, 0], [], []>, transpose_lhs_hint = false} : vector<4096x128xf32>, vector<128x128xf32>, vector<4096x128xf32> -> vector<4096x128xf32>
    %get3A_27 = arith.constant 0 : index
    %get3A_28 = arith.constant 0 : index
    %get3A_29 = vector.load %arg5[%get3A_27, %get3A_28] : memref<2x128xf32, #tpu.memory_space<vmem>>, vector<2x128xf32>
    %dot_general3A_30 = arith.constant dense<0.000000e+00> : vector<4096x2xf32>
    %dot_general3A_31 = tpu.matmul %dot_general3A_26, %get3A_29, %dot_general3A_30 {dimension_numbers = #tpu.dot_dimension_numbers<[1], [1], [0], [0], [0, 0, 1, 0], [], []>, transpose_lhs_hint = false} : vector<4096x128xf32>, vector<2x128xf32>, vector<4096x2xf32> -> vector<4096x2xf32>
    %broadcast_in_dim3A = arith.constant 0.000000e+00 : f32
    %broadcast_in_dim3A_32 = vector.broadcast %broadcast_in_dim3A : f32 to vector<4096x4xf32>
    %mul3A_33 = vector.broadcast %slice3A : vector<4096x1xf32> to vector<4096x2xf32>
    %mul3A_34 = arith.mulf %mul3A_33, %dot_general3A_31 : vector<4096x2xf32>
    %concatenate3A = tpu.concatenate %mul3A_34, %mul3A, %slice3A, %broadcast_in_dim3A_32 in 1 : vector<4096x2xf32>, vector<4096x1xf32>, vector<4096x1xf32>, vector<4096x4xf32> -> vector<4096x8xf32>
    %swap3A = arith.constant 0 : index
    %swap3A_35 = arith.constant 0 : index
    %swap3A_36 = vector.load %arg6[%swap3A, %swap3A_35] : memref<4096x8xf32, #tpu.memory_space<vmem>>, vector<4096x8xf32>
    tpu.vector_store %arg6[%swap3A, %swap3A_35], %concatenate3A {strides = array<i32>} : memref<4096x8xf32, #tpu.memory_space<vmem>>, vector<4096x8xf32>,
    return
  }
  func.func @transform_0(%arg0: i32) -> (i32, i32, i32) {
    %c0_i32 = arith.constant 0 : i32
    %c0_i32_0 = arith.constant 0 : i32
    %c0_i32_1 = arith.constant 0 : i32
    return %c0_i32, %arg0, %c0_i32_0 : i32, i32, i32
  }
  func.func @transform_1(%arg0: i32) -> (i32, i32) {
    %c0_i32 = arith.constant 0 : i32
    %c0_i32_0 = arith.constant 0 : i32
    return %arg0, %c0_i32 : i32, i32
  }
  func.func @transform_2(%arg0: i32) -> (i32, i32) {
    %c0_i32 = arith.constant 0 : i32
    %c0_i32_0 = arith.constant 0 : i32
    %c0_i32_1 = arith.constant 0 : i32
    return %c0_i32, %c0_i32_0 : i32, i32
  }
  func.func @transform_3(%arg0: i32) -> (i32, i32) {
    %c0_i32 = arith.constant 0 : i32
    %c0_i32_0 = arith.constant 0 : i32
    %c0_i32_1 = arith.constant 0 : i32
    return %c0_i32, %c0_i32_0 : i32, i32
  }
  func.func @transform_4(%arg0: i32) -> (i32, i32) {
    %c0_i32 = arith.constant 0 : i32
    %c0_i32_0 = arith.constant 0 : i32
    %c0_i32_1 = arith.constant 0 : i32
    return %c0_i32, %c0_i32_0 : i32, i32
  }
  func.func @transform_5(%arg0: i32) -> (i32, i32) {
    %c0_i32 = arith.constant 0 : i32
    %c0_i32_0 = arith.constant 0 : i32
    return %arg0, %c0_i32 : i32, i32
  }
}

module attributes {stable_mosaic.version = 14 : i64} {
  func.func @_tc_c(%arg0: i32, %arg1: memref<2x4096x8xf32, #tpu.memory_space<vmem>>, %arg2: memref<4096x8xf32, #tpu.memory_space<vmem>>, %arg3: memref<2x128xf32, #tpu.memory_space<vmem>>, %arg4: memref<1x128xf32, #tpu.memory_space<vmem>>, %arg5: memref<1x2xf32, #tpu.memory_space<vmem>>, %arg6: memref<4096x2xf32, #tpu.memory_space<vmem>>) attributes {dimension_semantics = [#tpu.dimension_semantics<arbitrary>], iteration_bounds = array<i64: 25>, scalar_prefetch = 0 : i64, scratch_operands = 0 : i64, tpu.core_type = #tpu.core_type<tc>, window_params = [{transform_indices = @transform_0, window_bounds = array<i64: 2, 4096, 8>}, {transform_indices = @transform_1, window_bounds = array<i64: 4096, 8>}, {pipeline_mode = #tpu.pipeline_mode<synchronous>, transform_indices = @transform_2, window_bounds = array<i64: 2, 128>}, {pipeline_mode = #tpu.pipeline_mode<synchronous>, transform_indices = @transform_3, window_bounds = array<i64: 1, 128>}, {pipeline_mode = #tpu.pipeline_mode<synchronous>, transform_indices = @transform_4, window_bounds = array<i64: 1, 2>}, {transform_indices = @transform_5, window_bounds = array<i64: 4096, 2>}]} {
    %get3A = arith.constant 0 : index
    %get3A_0 = arith.constant 0 : index
    %get3A_1 = vector.load %arg2[%get3A, %get3A_0] : memref<4096x8xf32, #tpu.memory_space<vmem>>, vector<4096x8xf32>
    %slice3A = vector.extract_strided_slice %get3A_1 {offsets = [0, 3], sizes = [4096, 1], strides = [1, 1]} : vector<4096x8xf32> to vector<4096x1xf32>
    %slice3A_2 = vector.extract_strided_slice %get3A_1 {offsets = [0, 2], sizes = [4096, 1], strides = [1, 1]} : vector<4096x8xf32> to vector<4096x1xf32>
    %get3A_3 = arith.constant 0 : index
    %get3A_4 = arith.constant 0 : index
    %get3A_5 = arith.constant 0 : index
    %get3A_6 = vector.load %arg1[%get3A_3, %get3A_4, %get3A_5] : memref<2x4096x8xf32, #tpu.memory_space<vmem>>, vector<1x4096x8xf32>
    %get3A_7 = vector.shape_cast %get3A_6 : vector<1x4096x8xf32> to vector<4096x8xf32>
    %slice3A_8 = vector.extract_strided_slice %get3A_7 {offsets = [0, 0], sizes = [4096, 2], strides = [1, 1]} : vector<4096x8xf32> to vector<4096x2xf32>
    %get3A_9 = arith.constant 1 : index
    %get3A_10 = arith.constant 0 : index
    %get3A_11 = arith.constant 0 : index
    %get3A_12 = vector.load %arg1[%get3A_9, %get3A_10, %get3A_11] : memref<2x4096x8xf32, #tpu.memory_space<vmem>>, vector<1x4096x8xf32>
    %get3A_13 = vector.shape_cast %get3A_12 : vector<1x4096x8xf32> to vector<4096x8xf32>
    %slice3A_14 = vector.extract_strided_slice %get3A_13 {offsets = [0, 0], sizes = [4096, 2], strides = [1, 1]} : vector<4096x8xf32> to vector<4096x2xf32>
    %add3A = arith.addf %slice3A_8, %slice3A_14 : vector<4096x2xf32>
    %slice3A_15 = vector.extract_strided_slice %get3A_1 {offsets = [0, 0], sizes = [4096, 2], strides = [1, 1]} : vector<4096x8xf32> to vector<4096x2xf32>
    %add3A_16 = arith.addf %add3A, %slice3A_15 : vector<4096x2xf32>
    %get3A_17 = arith.constant 0 : index
    %get3A_18 = arith.constant 0 : index
    %get3A_19 = vector.load %arg4[%get3A_17, %get3A_18] : memref<1x128xf32, #tpu.memory_space<vmem>>, vector<1x128xf32>
    %get3A_20 = arith.constant 0 : index
    %get3A_21 = arith.constant 0 : index
    %get3A_22 = vector.load %arg3[%get3A_20, %get3A_21] : memref<2x128xf32, #tpu.memory_space<vmem>>, vector<2x128xf32>
    %dot_general3A = arith.constant dense<0.000000e+00> : vector<1x2xf32>
    %dot_general3A_23 = tpu.matmul %get3A_19, %get3A_22, %dot_general3A {dimension_numbers = #tpu.dot_dimension_numbers<[1], [1], [0], [0], [0, 0, 1, 0], [], []>, transpose_lhs_hint = false} : vector<1x128xf32>, vector<2x128xf32>, vector<1x2xf32> -> vector<1x2xf32>
    %mul3A = vector.broadcast %slice3A : vector<4096x1xf32> to vector<4096x2xf32>
    %mul3A_24 = arith.mulf %mul3A, %add3A_16 : vector<4096x2xf32>
    %mul3A_25 = vector.broadcast %slice3A_2 : vector<4096x1xf32> to vector<4096x2xf32>
    %mul3A_26 = vector.broadcast %dot_general3A_23 : vector<1x2xf32> to vector<4096x2xf32>
    %mul3A_27 = arith.mulf %mul3A_25, %mul3A_26 : vector<4096x2xf32>
    %add3A_28 = arith.addf %mul3A_24, %mul3A_27 : vector<4096x2xf32>
    %get3A_29 = arith.constant 0 : index
    %get3A_30 = arith.constant 0 : index
    %get3A_31 = vector.load %arg5[%get3A_29, %get3A_30] : memref<1x2xf32, #tpu.memory_space<vmem>>, vector<1x2xf32>
    %add3A_32 = vector.broadcast %get3A_31 : vector<1x2xf32> to vector<4096x2xf32>
    %add3A_33 = arith.addf %add3A_28, %add3A_32 : vector<4096x2xf32>
    %swap3A = arith.constant 0 : index
    %swap3A_34 = arith.constant 0 : index
    %swap3A_35 = vector.load %arg6[%swap3A, %swap3A_34] : memref<4096x2xf32, #tpu.memory_space<vmem>>, vector<4096x2xf32>
    tpu.vector_store %arg6[%swap3A, %swap3A_34], %add3A_33 {strides = array<i32>} : memref<4096x2xf32, #tpu.memory_space<vmem>>, vector<4096x2xf32>,
    return
  }
  func.func @transform_0(%arg0: i32) -> (i32, i32, i32) {
    %c0_i32 = arith.constant 0 : i32
    %c0_i32_0 = arith.constant 0 : i32
    %c0_i32_1 = arith.constant 0 : i32
    return %c0_i32, %arg0, %c0_i32_0 : i32, i32, i32
  }
  func.func @transform_1(%arg0: i32) -> (i32, i32) {
    %c0_i32 = arith.constant 0 : i32
    %c0_i32_0 = arith.constant 0 : i32
    return %arg0, %c0_i32 : i32, i32
  }
  func.func @transform_2(%arg0: i32) -> (i32, i32) {
    %c0_i32 = arith.constant 0 : i32
    %c0_i32_0 = arith.constant 0 : i32
    %c0_i32_1 = arith.constant 0 : i32
    return %c0_i32, %c0_i32_0 : i32, i32
  }
  func.func @transform_3(%arg0: i32) -> (i32, i32) {
    %c0_i32 = arith.constant 0 : i32
    %c0_i32_0 = arith.constant 0 : i32
    %c0_i32_1 = arith.constant 0 : i32
    return %c0_i32, %c0_i32_0 : i32, i32
  }
  func.func @transform_4(%arg0: i32) -> (i32, i32) {
    %c0_i32 = arith.constant 0 : i32
    %c0_i32_0 = arith.constant 0 : i32
    %c0_i32_1 = arith.constant 0 : i32
    return %c0_i32, %c0_i32_0 : i32, i32
  }
  func.func @transform_5(%arg0: i32) -> (i32, i32) {
    %c0_i32 = arith.constant 0 : i32
    %c0_i32_0 = arith.constant 0 : i32
    return %arg0, %c0_i32 : i32, i32
  }
}

</mosaic_0001>

<sc_bundles>
// kernel: kernel.10.cloned.1.call-start
scs
__scs_entry_jumppad:
0x0: {  	(pc) =	sbr.rel $0x88, $3  }
0x1: {  	(tag) =	ssettag $0x0;
	lr =	simm.s32 $0x1  }
0x2: {  	[smem:$0x3F99] =	sst lr;
	_ =	strace $0xD0000000  }
0x3: {  	_ = 	snop  }
0x4: {  	_ = 	snop  }
0x5: {  	_ = 	snop  }
0x6: {  	_ = 	snop  }
0x7: {  	_ = 	snop  }
__scs_overlays_trampoline_lowered:
0x8: {  	[smem:$0x3FA8] =	sst s0  }
0x9: {  	[smem:$0x3FA9] =	sst s1  }
0xa: {  	[smem:$0x3FAA] =	sst s2  }
0xb: {  	[smem:$0x3FAB] =	sst s3  }
0xc: {  	[smem:$0x3FAC] =	sst s4  }
0xd: {  	[smem:$0x3FAD] =	sst s5  }
0xe: {  	[smem:$0x3FAE] =	sst s6  }
0xf: {  	[smem:$0x3FAF] =	sst s7  }
0x10: {  	[smem:$0x3FB0] =	sst s8  }
0x11: {  	[smem:$0x3FB1] =	sst s9;
	s0 =	simm.s32 @!p0 $0x0  }
0x12: {  	s1 =	sld [smem:$0x3F97];
	s0 =	simm.s32 @p0 $0x1  }
0x13: {  	[smem:$0x3FB2] =	sst s0;
	s0 =	simm.s32 @!p1 $0x0  }
0x14: {  	s2 =	sld [smem:$0x3F96];
	s0 =	simm.s32 @p1 $0x1  }
0x15: {  	[smem:$0x3FB3] =	sst s0;
	s0 =	simm.s32 @!p2 $0x0  }
0x16: {  	s3 =	sld [smem:$0x3FDB];
	s0 =	simm.s32 @p2 $0x1  }
0x17: {  	s4 =	simm.s32 $0x1BF5;
	[smem:$0x3FB5] =	sst s0  }
0x18: {  	s0 =	sld [smem:$0x3F98];
	_ =	swait.ge [sflag:s4], $0x0  }
0x19: {  	s7 =	sld [smem:$0x3F99]  }
0x1a: {  	s8 =	sadd.s32 $0xFFFFE003, lr  }
0x1b: {  	s9 =	sadd.s32 $0xFFFFFEF7, lr;
	s5 =	simm.s32 $0xFFFFFFFF;
	p2 =	slt.u32 s8, $0xFFFFF086  }
0x1c: {  	p1 =	slt.u32 s9, $0xF7A;
	s5 =	simm.s32 @!p2 $0x0  }
0x1d: {  	s5 =	simm.s32 @p1 $0x1;
	p0 =	seq.s32 s7, s2  }
0x1e: {  	s7 =	smul.u32 @!p0 $0xF7A, s2;
	p2 =	seq.s32 @!p0 s5, $0x0  }
0x1f: {  	s9 =	smul.u32 $0xF7A, s1;
	s8 =	simm.s32 @!p0 $0x1BF5;
	p2 =	por !p2, p0  }
0x20: {  	[sflag:s8] =	ssyncset.s32 @!p0 $0xFFFFF086;
	s6 =	sadd.s32 @!p0 s3, s7;
	s7 =	simm.s32 @!p0 $0x108  }
0x21: {  	s3 =	sadd.s32 s3, s9;
	s6 =	sadd.s32 @!p0 $0x88, s6;
	s7 =	simm.s32 @p2 $0x1082  }
0x22: {  	[simem:s7], [sflag:s8] =	dma.local @!p0 [hbm:s6], $0xF7A  }
0x23: {  	s9 =	sor.u32 $0xD0000000, s2;
	s6 =	simm.s32 $0x108;
	_ =	swait.ge @!p0 [sflag:s8], $0x0  }
0x24: {  	s3 =	sadd.s32 $0x88, s3;
	s6 =	simm.s32 @!p1 $0x1082;
	[sflag:s4] =	ssyncset.s32 $0xFFFFF086  }
0x25: {  	[simem:s6], [sflag:s4] =	dma.local [hbm:s3], $0xF7A  }
0x26: {  	[smem:$0x3F99] =	sst s1;
	(tag) =	ssettag s2;
	_ =	strace s9  }
0x27: {  	s1 =	sld [smem:$0x3FA9]  }
0x28: {  	s2 =	sld [smem:$0x3FAA]  }
0x29: {  	s4 =	sld [smem:$0x3FAC]  }
0x2a: {  	p0 =	seq.s32 s5, $0x0;
	s5 =	sld [smem:$0x3FAD]  }
0x2b: {  	s6 =	sld [smem:$0x3FAE]  }
0x2c: {  	s7 =	sld [smem:$0x3FAF]  }
0x2d: {  	s3 =	simm.s32 $0x108;
	s8 =	sld [smem:$0x3FB0]  }
0x2e: {  	s3 =	simm.s32 @!p0 $0x1082;
	s9 =	sld [smem:$0x3FB1]  }
0x2f: {  	lr =	sadd.s32 s0, s3;
	s0 =	sld [smem:$0x3FA8]  }
0x30: {  	s3 =	sld [smem:$0x3FAB]  }
0x31: {  	[smem:$0x3FB4] =	sst s10  }
0x32: {  	s10 =	sld [smem:$0x3FB2];
	_ =	sdelay $0x3  }
0x33: {  	p0 =	seq.s32 s10, $0x1;
	s10 =	sld [smem:$0x3FB4];
	_ =	sdelay $0x3  }
0x34: {  	[smem:$0x3FB4] =	sst s10  }
0x35: {  	s10 =	sld [smem:$0x3FB3];
	_ =	sdelay $0x3  }
0x36: {  	p1 =	seq.s32 s10, $0x1;
	s10 =	sld [smem:$0x3FB4];
	_ =	sdelay $0x3  }
0x37: {  	[smem:$0x3FB4] =	sst s10  }
0x38: {  	s10 =	sld [smem:$0x3FB5]  }
0x39: {  	_ = 	snop;
	(pc) =	sbr.ind lr, $3  }
0x3a: {  	_ = 	snop  }
0x3b: {  	_ = 	snop  }
0x3c: {  	p2 =	seq.s32 s10, $0x1;
	s10 =	sld [smem:$0x3FB4]  }
0x3d: {  	_ =	shalt  }
0x3e: {  	_ =	shalt  }
0x3f: {  	_ =	shalt  }
0x40: {  	_ =	shalt  }
0x41: {  	_ =	shalt  }
0x42: {  	_ =	shalt  }
0x43: {  	_ =	shalt  }
0x44: {  	_ =	shalt  }
0x45: {  	_ =	shalt  }
0x46: {  	_ =	shalt  }
0x47: {  	_ =	shalt  }
0x48: {  	_ =	shalt  }
0x49: {  	_ =	shalt  }
0x4a: {  	_ =	shalt  }
0x4b: {  	_ =	shalt  }
0x4c: {  	_ =	shalt  }
0x4d: {  	_ =	shalt  }
0x4e: {  	_ =	shalt  }
0x4f: {  	_ =	shalt  }
0x50: {  	_ =	shalt  }
0x51: {  	_ =	shalt  }
0x52: {  	_ =	shalt  }
0x53: {  	_ =	shalt  }
0x54: {  	_ =	shalt  }
0x55: {  	_ =	shalt  }
0x56: {  	_ =	shalt  }
0x57: {  	_ =	shalt  }
0x58: {  	_ =	shalt  }
0x59: {  	_ =	shalt  }
0x5a: {  	_ =	shalt  }
0x5b: {  	_ =	shalt  }
0x5c: {  	_ =	shalt  }
0x5d: {  	_ =	shalt  }
0x5e: {  	_ =	shalt  }
0x5f: {  	_ =	shalt  }
0x60: {  	_ =	shalt  }
0x61: {  	_ =	shalt  }
0x62: {  	_ =	shalt  }
0x63: {  	_ =	shalt  }
0x64: {  	_ =	shalt  }
0x65: {  	_ =	shalt  }
0x66: {  	_ =	shalt  }
0x67: {  	_ =	shalt  }
0x68: {  	_ =	shalt  }
0x69: {  	_ =	shalt  }
0x6a: {  	_ =	shalt  }
0x6b: {  	_ =	shalt  }
0x6c: {  	_ =	shalt  }
0x6d: {  	_ =	shalt  }
0x6e: {  	_ =	shalt  }
0x6f: {  	_ =	shalt  }
0x70: {  	_ =	shalt  }
0x71: {  	_ =	shalt  }
0x72: {  	_ =	shalt  }
0x73: {  	_ =	shalt  }
0x74: {  	_ =	shalt  }
0x75: {  	_ =	shalt  }
0x76: {  	_ =	shalt  }
0x77: {  	_ =	shalt  }
0x78: {  	_ =	shalt  }
0x79: {  	_ =	shalt  }
0x7a: {  	_ =	shalt  }
0x7b: {  	_ =	shalt  }
0x7c: {  	_ =	shalt  }
0x7d: {  	_ =	shalt  }
0x7e: {  	_ =	shalt  }
0x7f: {  	_ =	shalt  }
0x80: {  	_ =	shalt  }
0x81: {  	_ =	shalt  }
0x82: {  	_ =	shalt  }
0x83: {  	_ =	shalt  }
0x84: {  	_ =	shalt  }
0x85: {  	_ =	shalt  }
0x86: {  	_ =	shalt  }
0x87: {  	_ =	shalt  }
.Lfunc_end0:
.L_simem_size_0:
called_computation.1_lowered:
.L_overlay_start_0:
0x88: {  	s2 =	sld [smem:$0x3FD9]  }
0x89: {  	s3 =	sld [smem:$0x3FFE];
	_ =	sdelay $0x1  }
0x8a: {  	s1 =	srdreg.scid  }
0x8b: {  	s0 =	sand.u32 $0x1, s1  }
0x8c: {  	s16 =	sshll.u32 s0, $0xA;
	s2 =	sadd.s32 s3, s2  }
0x8d: {  	s2 =	sadd.s32 s2, s16  }
0x8e: {  	[smem:$0x3FC0] =	sst s2  }
0x8f: {  	_ = 	snop  }
0x90: {  	(tm) =	ssettm $0x1  }
0x91: {  	s17 =	sld [smem:$0x3FFB];
	_ =	sdelay $0x3  }
0x92: {  	_ =	strace s17  }
0x93: {  	s2 =	sld [smem:$0x3FFC];
	_ =	sdelay $0x3  }
0x94: {  	_ =	strace s2  }
0x95: {  	s2 =	sld [smem:$0x3FFD];
	_ =	sdelay $0x3  }
0x96: {  	_ =	strace s2  }
0x97: {  	_ =	strace $0x8FFFFFFF  }
0x98: {  	s18 =	sld [smem:$0x3FDB];
	_ =	sdelay $0x1  }
0x99: {  	s19 =	simm.s32 $_scs_section_size  }
0x9a: {  	s4 =	simm.s32 $_size__tile_overlayer_lowered;
	s5 =	simm.s32 $_tile_overlayer_lowered  }
0x9b: {  	s22 =	simm.s32 $0x1BFF;
	s21 =	sshll.u32 s5, $0x1;
	s2 =	sadd.s32 s19, s18  }
0x9c: {  	s6 =	simm.s32 $0x0;
	s20 =	sshll.u32 s4, $0x1;
	s4 =	sadd.s32 s21, s2  }
0x9d: {  	[timem:s6], [sflag:s22] =	dma.local [hbm:s4], s20  }
0x9e: {  	_ =	swait.ge [sflag:s22], s20  }
0x9f: {  	s3 =	ssub.s32 $0x0, s20;
	[sflag:s22] =	ssyncset.done $0x0  }
0xa0: {  	[sflag:s22] =	ssyncadd.s32 s3;
	_ =	sdelay $0x1  }
0xa1: {  	s23 =	simm.s32 $0x1B8B  }
0xa2: {  	_ =	swait.ge [sflag:s23], $0x1  }
0xa3: {  	[sflag:s23] =	ssyncset.done $0x0  }
0xa4: {  	s25 =	simm.s32 $0x1B8E;
	s24 =	sld [smem:$0x3FFE];
	[sflag:s23] =	ssyncadd.s32 $0xFFFFFFFF  }
0xa5: {  	s26 =	simm.s32 $execute0_lowered;
	[smem:$0x3FD2] =	sst s25  }
0xa6: {  	s4 =	sshll.u32 s26, $0x1;
	_ =	strace $0x80000049;
	[dreg:$0x1] =	wrdreg $0xFFFFFFFF  }
0xa7: {  	s28 =	simm.s32 $_size_execute0_lowered;
	s2 =	sadd.s32 s2, s4;
	[dreg:$0x0] =	wrdreg $0x0  }
0xa8: {  	s4 =	sshll.u32 s28, $0x1;
	[dreg:$0x2] =	wrdreg s2  }
0xa9: {  	[dreg:$0x3] =	wrdreg s4  }
0xaa: {  	[dreg:$0x4] =	wrdreg $0xC0  }
0xab: {  	_ =	task [dreg:s6], $0x5FFFF  }
0xac: {  	[dreg:$0x1] =	wrdreg $0xFFFFFFFF  }
0xad: {  	[dreg:$0x0] =	wrdreg $0x60  }
0xae: {  	[dreg:$0x2] =	wrdreg s24  }
0xaf: {  	[dreg:$0x3] =	wrdreg $0x0  }
0xb0: {  	[dreg:$0x4] =	wrdreg $0x9  }
0xb1: {  	_ =	task.clear_ibuf [dreg:s6], $0x5FFFF;
	_ =	strace $0x90000049  }
0xb2: {  	s29 =	simm.s32 $0x9;
	_ =	strace $0x8000004B  }
0xb3: {  	_ =	swait.ge [sflag:s29], $0x1  }
0xb4: {  	[sflag:s29] =	ssyncadd.s32 $0xFFFFFFFF  }
0xb5: {  	_ =	strace $0x9000004B  }
0xb6: {  	_ =	sfence  }
0xb7: {  	s30 =	sld [smem:$0x0];
	_ =	sdelay $0x2  }
0xb8: {  	s31 =	sshll.u32 s1, $0xD;
	s1 =	sshrl.u32 s1, $0x2  }
0xb9: {  	s3 =	sand.u32 $0x4000, s31;
	s1 =	sadd.s32 s1, s30  }
0xba: {  	s0 =	sor.u32 s3, s0;
	s1 =	sshll.u32 s1, $0x11  }
0xbb: {  	s0 =	sor.u32 s1, s0  }
0xbc: {  	s0 =	sadd.s32 $0x8F2B, s0  }
0xbd: {  	[sflag:s0] =	ssyncadd.remote.s32 $0x1  }
0xbe: {  	_ =	sfence.sel $0xFFFF  }
0xbf: {  	[dreg:$0x0] =	wrdreg $0xFFFFFFFF;
	(pc) =	sbr.abs _section_cstart, $3  }
0xc0: {  	[dreg:$0x1] =	wrdreg $0xFFFFFFFF  }
0xc1: {  	_ =	task.clear_ibuf [dreg:s6], $0x2FFFF;
	_ =	strace $0x9FFFFFFF  }
0xc2: {  	(tm) =	ssettm $0x7FFFFFFF  }
0xc3: {  	_ =	shalt  }
tec
execute0_lowered:
.L_overlay_start_1:
0x0: {  	(tag) =	ssettag $0x1  }
0x1: {  	s0 =	rddreg [dreg:$0x0]  }
0x2: {  	s1 =	rddreg [dreg:$0x1];
	s2 =	srdreg.scid;
	s3 =	simm.s32 $0x0  }
0x3: {  	s11 =	stileid.u32;
	s16 =	simm.s32 $0x3;
	s28 =	simm.s32 $0xCA00  }
0x4: {  	s29 =	simm.s32 $0xCA80;
	s30 =	simm.s32 $0xCB00;
	s5 =	smul.u32 $0xC400, s11  }
0x5: {  	s31 =	simm.s32 $0xCB80;
	s2 =	sand.u32 $0x1, s2;
	s8 =	smul.u32 $0xC800, s11  }
0x6: {  	[smem:$0x7FF] =	sst s3;
	s24 =	sadd.s32 $0x32800, s0;
	s21 =	smul.u32 $0x1900, s11  }
0x7: {  	s12 =	sadd.s32 $0x69C00, s0;
	s7 =	sadd.s32 $0x8F400, s0;
	s4 =	smul.u32 $0xC4000, s2  }
0x8: {  	s22 =	sshll.u32 s11, $0x6;
	_ =	strace $0x8000004A;
	s19 =	smul.u32 $0xC8000, s2  }
0x9: {  	s10 =	ssub.s32 $0x2, s2;
	p0 =	seq.s32 s2, $0x1;
	[dreg:$0x3] =	wrdreg s24  }
0xa: {  	s6 =	sshrl.u32 s8, $0x3;
	s20 =	sshrl.u32 s10, $0x1;
	[dreg:$0x5] =	wrdreg s21  }
0xb: {  	s21 =	simm.s32 $0x13980;
	s4 =	sadd.s32 s5, s4;
	s9 =	sadd.s32 s6, s0  }
0xc: {  	s5 =	sadd.s32 s8, s19;
	s6 =	sadd.s32 $0xA8400, s0;
	s8 =	sadd.s32 s8, s1  }
0xd: {  	s19 =	simm.s32 $0x12080;
	s4 =	sshrl.u32 s4, $0x3;
	s5 =	sshrl.u32 s5, $0x3  }
0xe: {  	s9 =	sadd.s32 $0x76400, s9;
	s4 =	sadd.s32 s4, s0;
	s0 =	sadd.s32 s5, s0  }
0xf: {  	s5 =	ssub.s32 s10, s20;
	[dreg:$0x6] =	wrdreg s9;
	s9 =	sor.u32 $0x1C03, s22  }
0x10: {  	s20 =	simm.s32 $0x16B80;
	s0 =	sadd.s32 $0xC1400, s0;
	[dreg:$0x7] =	wrdreg s9  }
0x11: {  	s22 =	simm.s32 $0xC800;
	s23 =	smax.u32 s5, $0x1;
	[dreg:$0x8] =	wrdreg s0  }
.Ltmp0:
0x12: {  	v1 =	vimm.s32 $0x33333210;
	s25 =	sadd.s32 $0x38C00, s4;
	[dreg:$0x9] =	wrdreg s23;
	(pc) =	sbr.rel .LBB2_1-.Ltmp0, $4  }
0x13: {  	v2 =	vlaneseq.u32;
	v1 =	vunpack.c.l.s4.s8 v1;
	s26 =	sadd.s32 $0x1800, s4;
	s4 =	sshrl.u32 s8, $0x3;
	[dreg:$0xa] =	wrdreg s25  }
0x14: {  	vm0 =	vcmask $0x3F34;
	vm1 =	vcmask $0x1F14;
	vm2 =	vcmask $0xF00;
	s8 =	smov.u32 s12;
	s5 =	simm.s32 $0x0;
	[dreg:$0xb] =	wrdreg s26  }
0x15: {  	vm0 =	vmor vm1, vm0;
	vm1 =	vcmask $0x2F20;
	v1 =	vunpack.c.0.s8.s32 v1;
	s23 =	simm.s32 $0x80;
	s25 =	simm.s32 $0xC900;
	[dreg:$0x4] =	wrdreg s8  }
0x16: {  	v0 =	vshrl.u32 v2, $0x3;
	v2 =	vand.u32 $0x7, v2;
	vm1 =	vmor vm2, vm1;
	s26 =	simm.s32 $0xC980;
	s0 =	simm.s32 $0x1;
	[dreg:$0xc] =	wrdreg s4  }
.LBB2_18:
0x17: {  	s2 =	simm.s32 $0x2  }
0x18: {  	_ =	swait.ge [sflag:s2], $0x400  }
0x19: {  	[sflag:s2] =	ssyncset.done $0x0  }
0x1a: {  	[sflag:s2] =	ssyncadd.s32 $0xFFFFFC00  }
0x1b: {  	_ =	swait.ge [sflag:s2], $0x400  }
0x1c: {  	[sflag:s2] =	ssyncset.done $0x0  }
0x1d: {  	[sflag:s2] =	ssyncadd.s32 $0xFFFFFC00  }
0x1e: {  	_ =	swait.ge [sflag:s2], $0x400  }
0x1f: {  	[sflag:s2] =	ssyncset.done $0x0  }
0x20: {  	[sflag:s2] =	ssyncadd.s32 $0xFFFFFC00  }
0x21: {  	_ =	swait.ge [sflag:s2], $0x400  }
0x22: {  	[sflag:s2] =	ssyncset.done $0x0  }
0x23: {  	[sflag:s2] =	ssyncadd.s32 $0xFFFFFC00  }
0x24: {  	_ =	swait.ge [sflag:s2], $0x400  }
0x25: {  	[sflag:s2] =	ssyncset.done $0x0  }
0x26: {  	[sflag:s2] =	ssyncadd.s32 $0xFFFFFC00  }
0x27: {  	_ =	swait.ge [sflag:s2], $0x400  }
0x28: {  	[sflag:s2] =	ssyncset.done $0x0  }
0x29: {  	[sflag:s2] =	ssyncadd.s32 $0xFFFFFC00  }
0x2a: {  	_ =	swait.ge [sflag:s2], $0x400  }
0x2b: {  	[sflag:s2] =	ssyncset.done $0x0  }
0x2c: {  	[sflag:s2] =	ssyncadd.s32 $0xFFFFFC00  }
0x2d: {  	_ =	swait.ge [sflag:s2], $0x400  }
0x2e: {  	[sflag:s2] =	ssyncset.done $0x0  }
0x2f: {  	[sflag:s2] =	ssyncadd.s32 $0xFFFFFC00  }
0x30: {  	_ =	swait.ge [sflag:s2], $0x400  }
0x31: {  	[sflag:s2] =	ssyncset.done $0x0  }
0x32: {  	[sflag:s2] =	ssyncadd.s32 $0xFFFFFC00  }
0x33: {  	_ =	swait.ge [sflag:s2], $0x400  }
0x34: {  	[sflag:s2] =	ssyncset.done $0x0  }
0x35: {  	[sflag:s2] =	ssyncadd.s32 $0xFFFFFC00  }
0x36: {  	_ =	swait.ge [sflag:s2], $0x400  }
0x37: {  	[sflag:s2] =	ssyncset.done $0x0  }
0x38: {  	[sflag:s2] =	ssyncadd.s32 $0xFFFFFC00  }
0x39: {  	_ =	swait.ge [sflag:s2], $0x400  }
0x3a: {  	[sflag:s2] =	ssyncset.done $0x0  }
0x3b: {  	[sflag:s2] =	ssyncadd.s32 $0xFFFFFC00  }
0x3c: {  	_ =	swait.ge [sflag:s2], $0x400  }
0x3d: {  	[sflag:s2] =	ssyncset.done $0x0  }
0x3e: {  	[sflag:s2] =	ssyncadd.s32 $0xFFFFFC00  }
0x3f: {  	_ =	swait.ge [sflag:s2], $0x400  }
0x40: {  	[sflag:s2] =	ssyncset.done $0x0  }
0x41: {  	[sflag:s2] =	ssyncadd.s32 $0xFFFFFC00  }
0x42: {  	_ =	swait.ge [sflag:s2], $0x400  }
0x43: {  	[sflag:s2] =	ssyncset.done $0x0  }
0x44: {  	[sflag:s2] =	ssyncadd.s32 $0xFFFFFC00  }
0x45: {  	_ =	swait.ge [sflag:s2], $0x400  }
0x46: {  	[sflag:s2] =	ssyncset.done $0x0  }
0x47: {  	[sflag:s2] =	ssyncadd.s32 $0xFFFFFC00  }
0x48: {  	[bflag:$0x0] =	sbarrier.arrive $0xFFFF  }
0x49: {  	s9 =	rddreg [dreg:$0x7]  }
0x4a: {  	s18 =	rddreg [dreg:$0x8]  }
0x4b: {  	s4 =	rddreg [dreg:$0xc]  }
0x4c: {  	[hbm:s18], [sflag:s9] =	dma.local [spmem:s4], $0x1900  }
0x4d: {  	_ =	swait.ge [sflag:s16], $0x1900  }
0x4e: {  	s5 =	sadd.s32 $0x1, s5;
	s24 =	rddreg [dreg:$0x9]  }
0x4f: {  	p1 =	sne.s32 s5, s24  }
.Ltmp1:
0x50: {  	_ = 	snop;
	(pc) =	sbr.rel @!p1 .LBB2_19-.Ltmp1, $3  }
0x51: {  	_ =	sdelay $0x1  }
0x52: {  	[sflag:s16] =	ssyncset.done $0x0;
	s8 =	rddreg [dreg:$0x4]  }
0x53: {  	[sflag:s16] =	ssyncadd.s32 $0xFFFFE700;
	s24 =	rddreg [dreg:$0x3]  }
.LBB2_1:
0x54: {  	[dreg:$0xd] =	wrdreg s5  }
.Ltmp2:
0x55: {  	s2 =	rddreg [dreg:$0x6];
	(pc) =	sbr.rel @!p0 .LBB2_2-.Ltmp2, $4  }
0x56: {  	[spmem:s4], [sflag:s9] =	dma.local [hbm:s2], $0x1900  }
0x57: {  	_ =	swait.ge [sflag:s16], $0x1900  }
0x58: {  	[sflag:s16] =	ssyncset.done $0x0  }
0x59: {  	s11 =	simm.s32 $0x0;
	s12 =	simm.s32 $0x0;
	[sflag:s16] =	ssyncadd.s32 $0xFFFFE700  }
.LBB2_10:
0x5a: {  	s2 =	smul.u32 $0x640, s12  }
0x5b: {  	s4 =	rddreg [dreg:$0x5]  }
0x5c: {  	s11 =	sadd.s32 s4, s2  }
0x5d: {  	s2 =	sshrl.u32 s11, $0x3  }
0x5e: {  	s10 =	simm.s32 $0x0;
	s15 =	simm.s32 $0x11400;
	s2 =	sadd.s32 s24, s2  }
0x5f: {  	[tilespmem:s15], [sflag:$0x3] =	stream.linear.gather [hbm4b:s2+s10], $0x640, $0x38;
	[tilespmem:$0x171C0] =	vst v63  }
0x60: {  	_ =	swait.ge [sflag:s16], $0x640  }
0x61: {  	[sflag:s16] =	ssyncset.done $0x0  }
0x62: {  	s17 =	simm.s32 $0x11A40;
	s2 =	sadd.s32 $0x3200, s2;
	[sflag:s16] =	ssyncadd.s32 $0xFFFFF9C0  }
0x63: {  	[tilespmem:s17], [sflag:$0x3] =	stream.linear.gather [hbm4b:s2+s10], $0x640, $0x38;
	[tilespmem:$0x171C0] =	vst v63  }
0x64: {  	_ =	swait.ge [sflag:s16], $0x640  }
0x65: {  	s18 =	sshrl.u32 s11, $0x1;
	[sflag:s16] =	ssyncset.done $0x0  }
0x66: {  	s2 =	sadd.s32 s8, s18;
	[sflag:s16] =	ssyncadd.s32 $0xFFFFF9C0  }
0x67: {  	[tilespmem:s19], [sflag:$0x3] =	stream.linear.gather [hbm4b:s2+s10], $0x1900, $0x38;
	[tilespmem:$0x171C0] =	vst v63  }
0x68: {  	_ =	swait.ge [sflag:s16], $0x1900  }
0x69: {  	[sflag:s16] =	ssyncset.done $0x0  }
0x6a: {  	s15 =	simm.s32 $0x0;
	[sflag:s16] =	ssyncadd.s32 $0xFFFFE700  }
0x6b: {  	v3 =	vld [tilespmem:s15+$0x11A40]  }
0x6c: {  	v4 =	vld [tilespmem:s15+$0x11400];
	_ =	sdelay $0x2  }
0x6d: {  	s13 =	simm.s32 $0x10  }
0x6e: {  	v5 =	vld [tilespmem:s13+$0x11A40]  }
0x6f: {  	v3 =	vadd.f32 v3, v4;
	v4 =	vld [tilespmem:s13+$0x11400];
	_ =	sdelay $0x1  }
0x70: {  	v3 =	vadd.f32 $1.000000000e+00, v3;
	_ =	sdelay $0x1  }
0x71: {  	s14 =	simm.s32 $0x20;
	v6 =	vshra.s32 v3, $0x1;
	v7 =	vmul.f32 $5.000000000e-01, v3  }
0x72: {  	v8 =	vld [tilespmem:s14+$0x11400];
	v3 =	vsub.s32 $0x5F3759DF, v6;
	v4 =	vadd.f32 v5, v4  }
0x73: {  	v6 =	vld [tilespmem:s14+$0x11A40];
	v5 =	vmul.f32 v3, v7  }
0x74: {  	v4 =	vadd.f32 $1.000000000e+00, v4  }
0x75: {  	v5 =	vmul.f32 v3, v5  }
0x76: {  	s9 =	simm.s32 $0x30;
	v9 =	vshra.s32 v4, $0x1;
	v16 =	vmul.f32 $5.000000000e-01, v4  }
0x77: {  	v10 =	vld [tilespmem:s9+$0x11400];
	v4 =	vsub.f32 $1.500000000e+00, v5;
	v5 =	vsub.s32 $0x5F3759DF, v9  }
0x78: {  	v9 =	vld [tilespmem:s9+$0x11A40];
	v6 =	vadd.f32 v6, v8;
	v8 =	vmul.f32 v5, v16  }
0x79: {  	v4 =	vmul.f32 v3, v4  }
0x7a: {  	v3 =	vadd.f32 $1.000000000e+00, v6;
	v6 =	vmul.f32 v5, v8  }
0x7b: {  	v8 =	vmul.f32 v4, v7  }
0x7c: {  	s17 =	simm.s32 $0x40;
	v11 =	vshra.s32 v3, $0x1;
	v3 =	vmul.f32 $5.000000000e-01, v3;
	v6 =	vsub.f32 $1.500000000e+00, v6  }
0x7d: {  	v12 =	vld [tilespmem:s17+$0x11A40];
	v11 =	vsub.s32 $0x5F3759DF, v11;
	v9 =	vadd.f32 v9, v10;
	v8 =	vmul.f32 v8, v4  }
0x7e: {  	v13 =	vld [tilespmem:s17+$0x11400];
	v10 =	vmul.f32 v11, v3  }
0x7f: {  	v5 =	vmul.f32 v5, v6;
	v6 =	vsub.f32 $1.500000000e+00, v8;
	v8 =	vadd.f32 $1.000000000e+00, v9  }
0x80: {  	v9 =	vmul.f32 v11, v10  }
0x81: {  	v6 =	vmul.f32 v6, v4;
	v14 =	vshra.s32 v8, $0x1;
	v4 =	vmul.f32 $5.000000000e-01, v8  }
0x82: {  	v10 =	vmul.f32 v5, v16;
	v8 =	vsub.f32 $1.500000000e+00, v9;
	v9 =	vsub.s32 $0x5F3759DF, v14  }
0x83: {  	v12 =	vadd.f32 v12, v13;
	v13 =	vmul.f32 v9, v4  }
0x84: {  	v10 =	vmul.f32 v10, v5  }
0x85: {  	s18 =	simm.s32 $0x50;
	v14 =	vmul.f32 v6, v7;
	v13 =	vmul.f32 v9, v13  }
0x86: {  	v12 =	vadd.f32 $1.000000000e+00, v12;
	v7 =	vmul.f32 v11, v8;
	v11 =	vld [tilespmem:s18+$0x11A40]  }
0x87: {  	v8 =	vsub.f32 $1.500000000e+00, v10;
	v10 =	vmul.f32 v14, v6;
	v14 =	vsub.f32 $1.500000000e+00, v13;
	v13 =	vld [tilespmem:s18+$0x11400];
	_ =	sdelay $0x1  }
0x88: {  	v17 =	vshra.s32 v12, $0x1;
	v15 =	vmul.f32 v7, v3;
	v5 =	vmul.f32 v8, v5  }
0x89: {  	v8 =	vmul.f32 $5.000000000e-01, v12;
	v12 =	vsub.s32 $0x5F3759DF, v17  }
0x8a: {  	s4 =	simm.s32 $0x1C0;
	s2 =	simm.s32 $0x60;
	v10 =	vsub.f32 $1.500000000e+00, v10;
	v15 =	vmul.f32 v15, v7;
	v16 =	vmul.f32 v5, v16  }
.LBB2_11:
0x8b: {  	s5 =	sshra.s32 s4, $0x2;
	p1 =	sne.s32 s4, $0x18C0;
	s4 =	sadd.s32 $0x40, s4;
	v17 =	vadd.f32 v11, v13;
	v11 =	vld [tilespmem:s2+$0x11A40];
	v18 =	vmul.f32 v12, v8;
	v14 =	vmul.f32 v9, v14;
	v19 =	vmovc v8  }
.Ltmp3:
0x8c: {  	v9 =	vmovc v12;
	v13 =	vld [tilespmem:s2+$0x11400];
	v8 =	vsub.f32 $1.500000000e+00, v15;
	v15 =	vmul.f32 v16, v5;
	v16 =	vmul.f32 v10, v6;
	v6 =	vmovc v5;
	(pc) =	sbr.rel @p1 .LBB2_11-.Ltmp3, $4  }
0x8d: {  	v12 =	vadd.f32 $1.000000000e+00, v17;
	v17 =	vmul.f32 v9, v18;
	v18 =	vmul.f32 v14, v4  }
0x8e: {  	v5 =	vmul.f32 v8, v7;
	v10 =	vsub.f32 $1.500000000e+00, v15;
	[tilespmem:s15+$0x16B80] =	vst v16;
	v7 =	vmov v14;
	s15 =	smov.u32 s13;
	s13 =	smov.u32 s14;
	s14 =	smov.u32 s9  }
0x8f: {  	s9 =	smov.u32 s17;
	s17 =	smov.u32 s18;
	s18 =	smov.u32 s2;
	v15 =	vshra.s32 v12, $0x1;
	v8 =	vmul.f32 $5.000000000e-01, v12;
	v14 =	vsub.f32 $1.500000000e+00, v17  }
0x90: {  	s2 =	smov.u32 s5;
	v12 =	vsub.s32 $0x5F3759DF, v15;
	v15 =	vmul.f32 v18, v7;
	v16 =	vmul.f32 v5, v3;
	v3 =	vmovc v4;
	v4 =	vmovc v19  }
0x91: {  	v17 =	vld [tilespmem:s2+$0x11A40]  }
0x92: {  	v18 =	vld [tilespmem:s2+$0x11400];
	_ =	sdelay $0x3  }
0x93: {  	v11 =	vadd.f32 v11, v13  }
0x94: {  	v52 =	vadd.f32 v17, v18  }
0x95: {  	v11 =	vadd.f32 $1.000000000e+00, v11  }
0x96: {  	v13 =	vadd.f32 $1.000000000e+00, v52  }
0x97: {  	v53 =	vmul.f32 v12, v8;
	v54 =	vshra.s32 v11, $0x1;
	v11 =	vmul.f32 $5.000000000e-01, v11  }
0x98: {  	v18 =	vsub.s32 $0x5F3759DF, v54;
	v19 =	vshra.s32 v13, $0x1;
	v13 =	vmul.f32 $5.000000000e-01, v13  }
0x99: {  	v20 =	vmul.f32 v18, v11;
	v19 =	vsub.s32 $0x5F3759DF, v19  }
0x9a: {  	v17 =	vmul.f32 v12, v53;
	v21 =	vmul.f32 v19, v13  }
0x9b: {  	v9 =	vmul.f32 v9, v14;
	v55 =	vmul.f32 v18, v20  }
0x9c: {  	v6 =	vmul.f32 v10, v6;
	v56 =	vsub.f32 $1.500000000e+00, v17;
	v57 =	vmul.f32 v19, v21  }
0x9d: {  	v15 =	vsub.f32 $1.500000000e+00, v15;
	v16 =	vmul.f32 v16, v5;
	v14 =	vsub.f32 $1.500000000e+00, v55  }
0x9e: {  	v58 =	vmul.f32 v9, v4;
	v10 =	vmul.f32 v12, v56;
	v17 =	vsub.f32 $1.500000000e+00, v57  }
0x9f: {  	v7 =	vmul.f32 v15, v7;
	v14 =	vmul.f32 v18, v14  }
0xa0: {  	v59 =	vmul.f32 v10, v8;
	v17 =	vmul.f32 v19, v17  }
0xa1: {  	v12 =	vmul.f32 v58, v9;
	v18 =	vmul.f32 v14, v11  }
0xa2: {  	v15 =	vmul.f32 v59, v10;
	v19 =	vmul.f32 v17, v13  }
0xa3: {  	v16 =	vsub.f32 $1.500000000e+00, v16;
	v12 =	vsub.f32 $1.500000000e+00, v12;
	v18 =	vmul.f32 v18, v14  }
0xa4: {  	v3 =	vmul.f32 v7, v3;
	v15 =	vsub.f32 $1.500000000e+00, v15;
	v19 =	vmul.f32 v19, v17  }
0xa5: {  	v5 =	vmul.f32 v16, v5;
	v9 =	vmul.f32 v12, v9;
	v60 =	vsub.f32 $1.500000000e+00, v18  }
0xa6: {  	v3 =	vmul.f32 v3, v7;
	v10 =	vmul.f32 v15, v10;
	v61 =	vsub.f32 $1.500000000e+00, v19  }
0xa7: {  	v4 =	vmul.f32 v9, v4;
	v12 =	vmul.f32 v60, v14  }
0xa8: {  	v8 =	vmul.f32 v10, v8;
	v62 =	vmul.f32 v61, v17  }
0xa9: {  	v3 =	vsub.f32 $1.500000000e+00, v3;
	v4 =	vmul.f32 v4, v9;
	v11 =	vmul.f32 v12, v11  }
0xaa: {  	v8 =	vmul.f32 v8, v10;
	v13 =	vmul.f32 v62, v13  }
0xab: {  	v3 =	vmul.f32 v3, v7;
	v4 =	vsub.f32 $1.500000000e+00, v4;
	v7 =	vmul.f32 v11, v12  }
0xac: {  	v63 =	vor.u32 s10, v0;
	[tilespmem:s15+$0x16B80] =	vst v6;
	v6 =	vsub.f32 $1.500000000e+00, v8;
	v8 =	vmul.f32 v13, v62  }
0xad: {  	[tilespmem:s13+$0x16B80] =	vst v5;
	v4 =	vmul.f32 v4, v9;
	v5 =	vsub.f32 $1.500000000e+00, v7;
	v7 =	vshll.u32 v63, $0x2  }
0xae: {  	[tilespmem:s14+$0x16B80] =	vst v3;
	v3 =	vmul.f32 v6, v10;
	v7 =	vor.u32 v1, v7;
	v6 =	vsub.f32 $1.500000000e+00, v8  }
0xaf: {  	[tilespmem:s9+$0x16B80] =	vst v4;
	v4 =	vmul.f32 v5, v12  }
0xb0: {  	[tilespmem:s17+$0x16B80] =	vst v3;
	v3 =	vmul.f32 v6, v62  }
0xb1: {  	[tilespmem:s18+$0x16B80] =	vst v4  }
0xb2: {  	[tilespmem:s2+$0x16B80] =	vst v3  }
0xb3: {  	v4 =	vld.idx.msk [tilespmem:v7+s19+$0x0], $0xffff  }
0xb4: {  	v5 =	vld.idx.msk [tilespmem:v63+s20+$0x0], $0xffff  }
0xb5: {  	s18 =	simm.s32 $0x2  }
0xb6: {  	v6 =	vshll.u32 v63, $0x3;
	v3 =	vor.u32 s18, v0  }
0xb7: {  	v6 =	vor.u32 v2, v6;
	s2 =	simm.s32 $0x4;
	v7 =	vshll.u32 v3, $0x2  }
.LBB2_13:
0xb8: {  	p1 =	sne.s32 s2, $0x63E;
	v7 =	vor.u32 v1, v7  }
0xb9: {  	v4 =	vmul.f32 v4, v5  }
0xba: {  	v5 =	vsel vm0, $0x0, v5  }
0xbb: {  	v4 =	vsel vm1, v4, v5  }
0xbc: {  	[tilespmem:v6+s21+$0x0] =	vst.idx.msk $0xffff, v4  }
0xbd: {  	v4 =	vld.idx.msk [tilespmem:v7+s19+$0x0], $0xffff  }
.Ltmp4:
0xbe: {  	v5 =	vld.idx.msk [tilespmem:v3+s20+$0x0], $0xffff;
	(pc) =	sbr.rel @p1 .LBB2_13-.Ltmp4, $3  }
0xbf: {  	_ =	sdelay $0x1  }
0xc0: {  	v6 =	vshll.u32 v3, $0x3;
	v3 =	vor.u32 s2, v0  }
0xc1: {  	v6 =	vor.u32 v2, v6;
	s2 =	sadd.s32 $0x2, s2;
	v7 =	vshll.u32 v3, $0x2  }
0xc2: {  	_ = 	snop  }
0xc3: {  	v7 =	vor.u32 v1, v7;
	v4 =	vmul.f32 v4, v5  }
0xc4: {  	v62 =	vsel vm0, $0x0, v5  }
0xc5: {  	v4 =	vsel vm1, v4, v62  }
0xc6: {  	[tilespmem:v6+s21+$0x0] =	vst.idx.msk $0xffff, v4  }
0xc7: {  	v63 =	vld.idx.msk [tilespmem:v3+s20+$0x0], $0xffff  }
0xc8: {  	v4 =	vld.idx.msk [tilespmem:v7+s19+$0x0], $0xffff;
	_ =	sdelay $0x1  }
0xc9: {  	v3 =	vshll.u32 v3, $0x3  }
0xca: {  	v3 =	vor.u32 v2, v3;
	_ =	sdelay $0x1  }
0xcb: {  	v4 =	vmul.f32 v4, v63  }
0xcc: {  	s12 =	sadd.s32 $0x1, s12;
	v5 =	vsel vm0, $0x0, v63  }
0xcd: {  	p1 =	sne.s32 s12, $0x4;
	v4 =	vsel vm1, v4, v5  }
.Ltmp5:
0xce: {  	s2 =	sadd.s32 s7, s11;
	[tilespmem:v3+s21+$0x0] =	vst.idx.msk $0xffff, v4;
	(pc) =	sbr.rel @p1 .LBB2_10-.Ltmp5, $4  }
0xcf: {  	[hbm4b:s2+s3] =	stream.linear.scatter [tilespmem:s21], [sflag:$0x3], $0x3200, $0x38;
	[tilespmem:$0x171C0] =	vst v63  }
0xd0: {  	_ =	swait.ge [sflag:s16], $0x3200  }
0xd1: {  	[sflag:s16] =	ssyncset.done $0x0  }
0xd2: {  	[sflag:s16] =	ssyncadd.s32 $0xFFFFCE00  }
0xd3: {  	p1 =	por $0x1, $0x1  }
0xd4: {  	p1 =	por p1, p1  }
0xd5: {  	[bflag:$0x0] =	sbarrier.arrive $0xFFFF;
	s2 =	simm.s32 @!p1 $0x2  }
0xd6: {  	_ =	swait.ge @!p1 [sflag:s2], $0x400  }
0xd7: {  	[sflag:s2] =	ssyncset.done @!p1 $0x0  }
0xd8: {  	[sflag:s2] =	ssyncadd.s32 @!p1 $0xFFFFFC00  }
0xd9: {  	_ =	swait.ge @!p1 [sflag:s2], $0x400  }
0xda: {  	[sflag:s2] =	ssyncset.done @!p1 $0x0  }
0xdb: {  	[sflag:s2] =	ssyncadd.s32 @!p1 $0xFFFFFC00  }
0xdc: {  	_ =	swait.ge @!p1 [sflag:s2], $0x400  }
0xdd: {  	[sflag:s2] =	ssyncset.done @!p1 $0x0  }
0xde: {  	[sflag:s2] =	ssyncadd.s32 @!p1 $0xFFFFFC00  }
0xdf: {  	_ =	swait.ge @!p1 [sflag:s2], $0x400  }
0xe0: {  	[sflag:s2] =	ssyncset.done @!p1 $0x0  }
0xe1: {  	[sflag:s2] =	ssyncadd.s32 @!p1 $0xFFFFFC00  }
0xe2: {  	_ =	swait.ge @!p1 [sflag:s2], $0x400  }
0xe3: {  	[sflag:s2] =	ssyncset.done @!p1 $0x0  }
0xe4: {  	[sflag:s2] =	ssyncadd.s32 @!p1 $0xFFFFFC00  }
0xe5: {  	_ =	swait.ge @!p1 [sflag:s2], $0x400  }
0xe6: {  	[sflag:s2] =	ssyncset.done @!p1 $0x0  }
0xe7: {  	[sflag:s2] =	ssyncadd.s32 @!p1 $0xFFFFFC00  }
0xe8: {  	_ =	swait.ge @!p1 [sflag:s2], $0x400  }
0xe9: {  	[sflag:s2] =	ssyncset.done @!p1 $0x0  }
0xea: {  	[sflag:s2] =	ssyncadd.s32 @!p1 $0xFFFFFC00  }
0xeb: {  	_ =	swait.ge @!p1 [sflag:s2], $0x400  }
0xec: {  	[sflag:s2] =	ssyncset.done @!p1 $0x0  }
0xed: {  	s4 =	simm.s32 $0x0;
	s18 =	rddreg [dreg:$0xb];
	[sflag:s2] =	ssyncadd.s32 @!p1 $0xFFFFFC00  }
0xee: {  	[tilespmem:s22], [sflag:$0x3] =	stream.linear.gather [hbm4b:s18+s3], $0x400, $0x38;
	[tilespmem:$0x171C0] =	vst v63  }
0xef: {  	s4 =	sand.u32 $0x1, s4;
	_ =	swait.ge [sflag:s16], $0x400  }
0xf0: {  	s2 =	sshll.u32 s4, $0xA;
	[sflag:s16] =	ssyncset.done $0x0  }
0xf1: {  	s5 =	sadd.s32 $0xCC00, s2;
	s17 =	rddreg [dreg:$0xa];
	[sflag:s16] =	ssyncadd.s32 $0xFFFFFC00  }
0xf2: {  	[tilespmem:s5], [sflag:$0x3] =	stream.linear.gather [hbm4b:s17+s3], $0x400, $0x38;
	[tilespmem:$0x171C0] =	vst v63  }
0xf3: {  	_ =	swait.ge [sflag:s16], $0x400  }
0xf4: {  	s4 =	sshll.u32 s4, $0xD;
	[sflag:s16] =	ssyncset.done $0x0  }
0xf5: {  	s8 =	sor.u32 $0xD400, s4;
	[sflag:s16] =	ssyncadd.s32 $0xFFFFFC00  }
0xf6: {  	[tilespmem:s8], [sflag:$0x1] =	stream.indirect.gather [hbm4b:s7+s23], $0x8, s22, s23, $0xb8;
	[tilespmem:$0x171C0] =	vst v63  }
0xf7: {  	s24 =	simm.s32 $0xC880;
	s10 =	sor.u32 $0xD800, s4  }
0xf8: {  	[tilespmem:s10], [sflag:$0x1] =	stream.indirect.gather [hbm4b:s7+s23], $0x8, s24, s23, $0xb8;
	[tilespmem:$0x171C0] =	vst v63  }
0xf9: {  	s11 =	sor.u32 $0xDC00, s4  }
0xfa: {  	[tilespmem:s11], [sflag:$0x1] =	stream.indirect.gather [hbm4b:s7+s23], $0x8, s25, s23, $0xb8;
	[tilespmem:$0x171C0] =	vst v63  }
0xfb: {  	s12 =	sadd.s32 $0xE000, s4  }
0xfc: {  	[tilespmem:s12], [sflag:$0x1] =	stream.indirect.gather [hbm4b:s7+s23], $0x8, s26, s23, $0xb8;
	[tilespmem:$0x171C0] =	vst v63  }
0xfd: {  	s13 =	sadd.s32 $0xE400, s4  }
0xfe: {  	[tilespmem:s13], [sflag:$0x1] =	stream.indirect.gather [hbm4b:s7+s23], $0x8, s28, s23, $0xb8;
	[tilespmem:$0x171C0] =	vst v63  }
0xff: {  	s14 =	sadd.s32 $0xE800, s4  }
0x100: {  	[tilespmem:s14], [sflag:$0x1] =	stream.indirect.gather [hbm4b:s7+s23], $0x8, s29, s23, $0xb8;
	[tilespmem:$0x171C0] =	vst v63  }
0x101: {  	s15 =	sadd.s32 $0xEC00, s4  }
0x102: {  	[tilespmem:s15], [sflag:$0x1] =	stream.indirect.gather [hbm4b:s7+s23], $0x8, s30, s23, $0xb8;
	[tilespmem:$0x171C0] =	vst v63  }
0x103: {  	s9 =	sadd.s32 $0xF000, s4  }
0x104: {  	[tilespmem:s9], [sflag:$0x1] =	stream.indirect.gather [hbm4b:s7+s23], $0x8, s31, s23, $0xb8;
	[tilespmem:$0x171C0] =	vst v63  }
0x105: {  	_ =	swait.ge [sflag:s0], $0x400  }
0x106: {  	[sflag:s0] =	ssyncset.done $0x0  }
0x107: {  	[sflag:s0] =	ssyncadd.s32 $0xFFFFFC00  }
0x108: {  	_ =	swait.ge [sflag:s0], $0x400  }
0x109: {  	[sflag:s0] =	ssyncset.done $0x0  }
0x10a: {  	[sflag:s0] =	ssyncadd.s32 $0xFFFFFC00  }
0x10b: {  	_ =	swait.ge [sflag:s0], $0x400  }
0x10c: {  	[sflag:s0] =	ssyncset.done $0x0  }
0x10d: {  	[sflag:s0] =	ssyncadd.s32 $0xFFFFFC00  }
0x10e: {  	_ =	swait.ge [sflag:s0], $0x400  }
0x10f: {  	[sflag:s0] =	ssyncset.done $0x0  }
0x110: {  	[sflag:s0] =	ssyncadd.s32 $0xFFFFFC00  }
0x111: {  	_ =	swait.ge [sflag:s0], $0x400  }
0x112: {  	[sflag:s0] =	ssyncset.done $0x0  }
0x113: {  	[sflag:s0] =	ssyncadd.s32 $0xFFFFFC00  }
0x114: {  	_ =	swait.ge [sflag:s0], $0x400  }
0x115: {  	[sflag:s0] =	ssyncset.done $0x0  }
0x116: {  	[sflag:s0] =	ssyncadd.s32 $0xFFFFFC00  }
0x117: {  	_ =	swait.ge [sflag:s0], $0x400  }
0x118: {  	[sflag:s0] =	ssyncset.done $0x0  }
0x119: {  	[sflag:s0] =	ssyncadd.s32 $0xFFFFFC00  }
0x11a: {  	_ =	swait.ge [sflag:s0], $0x400  }
0x11b: {  	[sflag:s0] =	ssyncset.done $0x0  }
0x11c: {  	[sflag:s0] =	ssyncadd.s32 $0xFFFFFC00  }
0x11d: {  	[spmem:s1] =	stream.indirect.scatter.add.f32 [tilespmem:s8], [sflag:$0x2], $0x8, s5, s23, $0xb8;
	[tilespmem:$0x171C0] =	vst v63  }
0x11e: {  	s8 =	sadd.s32 $0xCC80, s2  }
0x11f: {  	[spmem:s1] =	stream.indirect.scatter.add.f32 [tilespmem:s10], [sflag:$0x2], $0x8, s8, s23, $0xb8;
	[tilespmem:$0x171C0] =	vst v63  }
0x120: {  	s10 =	sadd.s32 $0xCD00, s2  }
0x121: {  	[spmem:s1] =	stream.indirect.scatter.add.f32 [tilespmem:s11], [sflag:$0x2], $0x8, s10, s23, $0xb8;
	[tilespmem:$0x171C0] =	vst v63  }
0x122: {  	p6 =	por $0x1, $0x1;
	s11 =	sadd.s32 $0xCD80, s2  }
0x123: {  	[spmem:s1] =	stream.indirect.scatter.add.f32 [tilespmem:s12], [sflag:$0x2], $0x8, s11, s23, $0xb8;
	[tilespmem:$0x171C0] =	vst v63  }
0x124: {  	p1 =	por p6, p6;
	s10 =	sadd.s32 $0x80, s18;
	s12 =	sadd.s32 $0xCE00, s2  }
0x125: {  	[spmem:s1] =	stream.indirect.scatter.add.f32 [tilespmem:s13], [sflag:$0x2], $0x8, s12, s23, $0xb8;
	[tilespmem:$0x171C0] =	vst v63  }
0x126: {  	s11 =	sadd.s32 $0x80, s17;
	s13 =	sadd.s32 $0xCE80, s2;
	s12 =	simm.s32 $0x1  }
0x127: {  	[spmem:s1] =	stream.indirect.scatter.add.f32 [tilespmem:s14], [sflag:$0x2], $0x8, s13, s23, $0xb8;
	[tilespmem:$0x171C0] =	vst v63  }
0x128: {  	s14 =	sadd.s32 $0xCF00, s2;
	s13 =	simm.s32 $0x2;
	s2 =	sadd.s32 $0xCF80, s2  }
0x129: {  	[spmem:s1] =	stream.indirect.scatter.add.f32 [tilespmem:s15], [sflag:$0x2], $0x8, s14, s23, $0xb8;
	[tilespmem:$0x171C0] =	vst v63  }
.LBB2_16:
0x12a: {  	[spmem:s1] =	stream.indirect.scatter.add.f32 [tilespmem:s9], [sflag:$0x2], $0x8, s2, s23, $0xb8;
	[tilespmem:$0x171C0] =	vst v63  }
0x12b: {  	s2 =	smov.u32 s13  }
0x12c: {  	s13 =	sadd.s32 $0x1, s13;
	s4 =	simm.s32 @!p1 $0x2;
	p3 =	slt.u32 s2, $0x2  }
0x12d: {  	p2 =	sne.s32 s13, $0x31;
	_ =	swait.ge @!p1 [sflag:s4], $0x400  }
0x12e: {  	[sflag:s4] =	ssyncset.done @!p1 $0x0  }
0x12f: {  	[sflag:s4] =	ssyncadd.s32 @!p1 $0xFFFFFC00  }
0x130: {  	_ =	swait.ge @!p1 [sflag:s4], $0x400  }
0x131: {  	[sflag:s4] =	ssyncset.done @!p1 $0x0  }
0x132: {  	[sflag:s4] =	ssyncadd.s32 @!p1 $0xFFFFFC00  }
0x133: {  	_ =	swait.ge @!p1 [sflag:s4], $0x400  }
0x134: {  	[sflag:s4] =	ssyncset.done @!p1 $0x0  }
0x135: {  	[sflag:s4] =	ssyncadd.s32 @!p1 $0xFFFFFC00  }
0x136: {  	_ =	swait.ge @!p1 [sflag:s4], $0x400  }
0x137: {  	[sflag:s4] =	ssyncset.done @!p1 $0x0  }
0x138: {  	[sflag:s4] =	ssyncadd.s32 @!p1 $0xFFFFFC00  }
0x139: {  	_ =	swait.ge @!p1 [sflag:s4], $0x400  }
0x13a: {  	[sflag:s4] =	ssyncset.done @!p1 $0x0  }
0x13b: {  	[sflag:s4] =	ssyncadd.s32 @!p1 $0xFFFFFC00  }
0x13c: {  	_ =	swait.ge @!p1 [sflag:s4], $0x400  }
0x13d: {  	[sflag:s4] =	ssyncset.done @!p1 $0x0  }
0x13e: {  	[sflag:s4] =	ssyncadd.s32 @!p1 $0xFFFFFC00  }
0x13f: {  	_ =	swait.ge @!p1 [sflag:s4], $0x400  }
0x140: {  	[sflag:s4] =	ssyncset.done @!p1 $0x0  }
0x141: {  	[sflag:s4] =	ssyncadd.s32 @!p1 $0xFFFFFC00  }
0x142: {  	_ =	swait.ge @!p1 [sflag:s4], $0x400  }
0x143: {  	[sflag:s4] =	ssyncset.done @!p1 $0x0  }
0x144: {  	[sflag:s4] =	ssyncadd.s32 @!p1 $0xFFFFFC00;
	p1 =	por p3, p3  }
0x145: {  	[tilespmem:s22], [sflag:$0x3] =	stream.linear.gather [hbm4b:s10+s3], $0x400, $0x38;
	[tilespmem:$0x171C0] =	vst v63  }
0x146: {  	s4 =	sand.u32 $0x1, s12;
	s12 =	smov.u32 s2;
	_ =	swait.ge [sflag:s16], $0x400  }
0x147: {  	s2 =	sshll.u32 s4, $0xA;
	s9 =	sshll.u32 s4, $0xD;
	[sflag:s16] =	ssyncset.done $0x0  }
0x148: {  	s14 =	sadd.s32 $0xCC00, s2;
	[sflag:s16] =	ssyncadd.s32 $0xFFFFFC00  }
0x149: {  	[tilespmem:s14], [sflag:$0x3] =	stream.linear.gather [hbm4b:s11+s3], $0x400, $0x38;
	[tilespmem:$0x171C0] =	vst v63  }
0x14a: {  	_ =	swait.ge [sflag:s16], $0x400  }
0x14b: {  	[sflag:s16] =	ssyncset.done $0x0  }
0x14c: {  	s4 =	sor.u32 $0xD400, s9;
	[sflag:s16] =	ssyncadd.s32 $0xFFFFFC00  }
0x14d: {  	[tilespmem:s4], [sflag:$0x1] =	stream.indirect.gather [hbm4b:s7+s23], $0x8, s22, s23, $0xb8;
	[tilespmem:$0x171C0] =	vst v63  }
0x14e: {  	s5 =	sor.u32 $0xD800, s9  }
0x14f: {  	[tilespmem:s5], [sflag:$0x1] =	stream.indirect.gather [hbm4b:s7+s23], $0x8, s24, s23, $0xb8;
	[tilespmem:$0x171C0] =	vst v63  }
0x150: {  	s8 =	sor.u32 $0xDC00, s9  }
0x151: {  	[tilespmem:s8], [sflag:$0x1] =	stream.indirect.gather [hbm4b:s7+s23], $0x8, s25, s23, $0xb8;
	[tilespmem:$0x171C0] =	vst v63  }
0x152: {  	s15 =	sadd.s32 $0xE000, s9  }
0x153: {  	[tilespmem:s15], [sflag:$0x1] =	stream.indirect.gather [hbm4b:s7+s23], $0x8, s26, s23, $0xb8;
	[tilespmem:$0x171C0] =	vst v63  }
0x154: {  	s17 =	sadd.s32 $0xE400, s9  }
0x155: {  	[tilespmem:s17], [sflag:$0x1] =	stream.indirect.gather [hbm4b:s7+s23], $0x8, s28, s23, $0xb8;
	[tilespmem:$0x171C0] =	vst v63  }
0x156: {  	s18 =	sadd.s32 $0xE800, s9  }
0x157: {  	[tilespmem:s18], [sflag:$0x1] =	stream.indirect.gather [hbm4b:s7+s23], $0x8, s29, s23, $0xb8;
	[tilespmem:$0x171C0] =	vst v63  }
0x158: {  	s24 =	sadd.s32 $0xEC00, s9  }
0x159: {  	[tilespmem:s24], [sflag:$0x1] =	stream.indirect.gather [hbm4b:s7+s23], $0x8, s30, s23, $0xb8;
	[tilespmem:$0x171C0] =	vst v63  }
0x15a: {  	s9 =	sadd.s32 $0xF000, s9  }
0x15b: {  	[tilespmem:s9], [sflag:$0x1] =	stream.indirect.gather [hbm4b:s7+s23], $0x8, s31, s23, $0xb8;
	[tilespmem:$0x171C0] =	vst v63  }
0x15c: {  	_ =	swait.ge [sflag:s0], $0x400  }
0x15d: {  	[sflag:s0] =	ssyncset.done $0x0  }
0x15e: {  	[sflag:s0] =	ssyncadd.s32 $0xFFFFFC00  }
0x15f: {  	_ =	swait.ge [sflag:s0], $0x400  }
0x160: {  	[sflag:s0] =	ssyncset.done $0x0  }
0x161: {  	[sflag:s0] =	ssyncadd.s32 $0xFFFFFC00  }
0x162: {  	_ =	swait.ge [sflag:s0], $0x400  }
0x163: {  	[sflag:s0] =	ssyncset.done $0x0  }
0x164: {  	[sflag:s0] =	ssyncadd.s32 $0xFFFFFC00  }
0x165: {  	_ =	swait.ge [sflag:s0], $0x400  }
0x166: {  	[sflag:s0] =	ssyncset.done $0x0  }
0x167: {  	[sflag:s0] =	ssyncadd.s32 $0xFFFFFC00  }
0x168: {  	_ =	swait.ge [sflag:s0], $0x400  }
0x169: {  	[sflag:s0] =	ssyncset.done $0x0  }
0x16a: {  	[sflag:s0] =	ssyncadd.s32 $0xFFFFFC00  }
0x16b: {  	_ =	swait.ge [sflag:s0], $0x400  }
0x16c: {  	[sflag:s0] =	ssyncset.done $0x0  }
0x16d: {  	[sflag:s0] =	ssyncadd.s32 $0xFFFFFC00  }
0x16e: {  	_ =	swait.ge [sflag:s0], $0x400  }
0x16f: {  	[sflag:s0] =	ssyncset.done $0x0  }
0x170: {  	[sflag:s0] =	ssyncadd.s32 $0xFFFFFC00  }
0x171: {  	_ =	swait.ge [sflag:s0], $0x400  }
0x172: {  	[sflag:s0] =	ssyncset.done $0x0  }
0x173: {  	[sflag:s0] =	ssyncadd.s32 $0xFFFFFC00  }
0x174: {  	[spmem:s1] =	stream.indirect.scatter.add.f32 [tilespmem:s4], [sflag:$0x2], $0x8, s14, s23, $0xb8;
	[tilespmem:$0x171C0] =	vst v63  }
0x175: {  	s4 =	sadd.s32 $0xCC80, s2  }
0x176: {  	[spmem:s1] =	stream.indirect.scatter.add.f32 [tilespmem:s5], [sflag:$0x2], $0x8, s4, s23, $0xb8;
	[tilespmem:$0x171C0] =	vst v63  }
0x177: {  	s4 =	sadd.s32 $0xCD00, s2  }
0x178: {  	[spmem:s1] =	stream.indirect.scatter.add.f32 [tilespmem:s8], [sflag:$0x2], $0x8, s4, s23, $0xb8;
	[tilespmem:$0x171C0] =	vst v63  }
0x179: {  	s4 =	sadd.s32 $0xCD80, s2  }
0x17a: {  	[spmem:s1] =	stream.indirect.scatter.add.f32 [tilespmem:s15], [sflag:$0x2], $0x8, s4, s23, $0xb8;
	[tilespmem:$0x171C0] =	vst v63  }
0x17b: {  	s4 =	sadd.s32 $0xCE00, s2  }
0x17c: {  	[spmem:s1] =	stream.indirect.scatter.add.f32 [tilespmem:s17], [sflag:$0x2], $0x8, s4, s23, $0xb8;
	[tilespmem:$0x171C0] =	vst v63  }
0x17d: {  	s4 =	sadd.s32 $0xCE80, s2  }
0x17e: {  	[spmem:s1] =	stream.indirect.scatter.add.f32 [tilespmem:s18], [sflag:$0x2], $0x8, s4, s23, $0xb8;
	[tilespmem:$0x171C0] =	vst v63  }
.Ltmp6:
0x17f: {  	_ = 	snop;
	(pc) =	sbr.rel @p2 .LBB2_16-.Ltmp6, $4  }
0x180: {  	s4 =	sadd.s32 $0xCF00, s2  }
0x181: {  	[spmem:s1] =	stream.indirect.scatter.add.f32 [tilespmem:s24], [sflag:$0x2], $0x8, s4, s23, $0xb8;
	[tilespmem:$0x171C0] =	vst v63  }
0x182: {  	s24 =	simm.s32 $0xC880  }
0x183: {  	s10 =	sadd.s32 $0x80, s10;
	s11 =	sadd.s32 $0x80, s11;
	s2 =	sadd.s32 $0xCF80, s2  }
0x184: {  	[spmem:s1] =	stream.indirect.scatter.add.f32 [tilespmem:s9], [sflag:$0x2], $0x8, s2, s23, $0xb8;
	[tilespmem:$0x171C0] =	vst v63  }
0x185: {  	s2 =	simm.s32 @!p1 $0x2  }
0x186: {  	_ =	swait.ge @!p1 [sflag:s2], $0x400  }
0x187: {  	[sflag:s2] =	ssyncset.done @!p1 $0x0  }
0x188: {  	[sflag:s2] =	ssyncadd.s32 @!p1 $0xFFFFFC00  }
0x189: {  	_ =	swait.ge @!p1 [sflag:s2], $0x400  }
0x18a: {  	[sflag:s2] =	ssyncset.done @!p1 $0x0  }
0x18b: {  	[sflag:s2] =	ssyncadd.s32 @!p1 $0xFFFFFC00  }
0x18c: {  	_ =	swait.ge @!p1 [sflag:s2], $0x400  }
0x18d: {  	[sflag:s2] =	ssyncset.done @!p1 $0x0  }
0x18e: {  	[sflag:s2] =	ssyncadd.s32 @!p1 $0xFFFFFC00  }
0x18f: {  	_ =	swait.ge @!p1 [sflag:s2], $0x400  }
0x190: {  	[sflag:s2] =	ssyncset.done @!p1 $0x0  }
0x191: {  	[sflag:s2] =	ssyncadd.s32 @!p1 $0xFFFFFC00  }
0x192: {  	_ =	swait.ge @!p1 [sflag:s2], $0x400  }
0x193: {  	[sflag:s2] =	ssyncset.done @!p1 $0x0  }
0x194: {  	[sflag:s2] =	ssyncadd.s32 @!p1 $0xFFFFFC00  }
0x195: {  	_ =	swait.ge @!p1 [sflag:s2], $0x400  }
0x196: {  	[sflag:s2] =	ssyncset.done @!p1 $0x0  }
0x197: {  	[sflag:s2] =	ssyncadd.s32 @!p1 $0xFFFFFC00  }
0x198: {  	_ =	swait.ge @!p1 [sflag:s2], $0x400  }
0x199: {  	[sflag:s2] =	ssyncset.done @!p1 $0x0  }
0x19a: {  	[sflag:s2] =	ssyncadd.s32 @!p1 $0xFFFFFC00  }
0x19b: {  	_ =	swait.ge @!p1 [sflag:s2], $0x400  }
0x19c: {  	[sflag:s2] =	ssyncset.done @!p1 $0x0  }
0x19d: {  	[sflag:s2] =	ssyncadd.s32 @!p1 $0xFFFFFC00  }
0x19e: {  	[tilespmem:s22], [sflag:$0x3] =	stream.linear.gather [hbm4b:s10+s3], $0x400, $0x38;
	[tilespmem:$0x171C0] =	vst v63  }
0x19f: {  	s14 =	sand.u32 $0x1, s12;
	_ =	swait.ge [sflag:s16], $0x400  }
0x1a0: {  	s4 =	sshll.u32 s14, $0xA;
	[sflag:s16] =	ssyncset.done $0x0  }
0x1a1: {  	s5 =	sadd.s32 $0xCC00, s4;
	[sflag:s16] =	ssyncadd.s32 $0xFFFFFC00  }
0x1a2: {  	[tilespmem:s5], [sflag:$0x3] =	stream.linear.gather [hbm4b:s11+s3], $0x400, $0x38;
	[tilespmem:$0x171C0] =	vst v63  }
0x1a3: {  	_ =	swait.ge [sflag:s16], $0x400  }
0x1a4: {  	s2 =	sshll.u32 s14, $0xD;
	[sflag:s16] =	ssyncset.done $0x0  }
0x1a5: {  	s8 =	sor.u32 $0xD400, s2;
	[sflag:s16] =	ssyncadd.s32 $0xFFFFFC00  }
0x1a6: {  	[tilespmem:s8], [sflag:$0x1] =	stream.indirect.gather [hbm4b:s7+s23], $0x8, s22, s23, $0xb8;
	[tilespmem:$0x171C0] =	vst v63  }
0x1a7: {  	s15 =	sor.u32 $0xD800, s2  }
0x1a8: {  	[tilespmem:s15], [sflag:$0x1] =	stream.indirect.gather [hbm4b:s7+s23], $0x8, s24, s23, $0xb8;
	[tilespmem:$0x171C0] =	vst v63  }
0x1a9: {  	s17 =	sor.u32 $0xDC00, s2  }
0x1aa: {  	[tilespmem:s17], [sflag:$0x1] =	stream.indirect.gather [hbm4b:s7+s23], $0x8, s25, s23, $0xb8;
	[tilespmem:$0x171C0] =	vst v63  }
0x1ab: {  	s18 =	sadd.s32 $0xE000, s2  }
0x1ac: {  	[tilespmem:s18], [sflag:$0x1] =	stream.indirect.gather [hbm4b:s7+s23], $0x8, s26, s23, $0xb8;
	[tilespmem:$0x171C0] =	vst v63  }
0x1ad: {  	s24 =	sadd.s32 $0xE400, s2  }
0x1ae: {  	[tilespmem:s24], [sflag:$0x1] =	stream.indirect.gather [hbm4b:s7+s23], $0x8, s28, s23, $0xb8;
	[tilespmem:$0x171C0] =	vst v63  }
0x1af: {  	s13 =	sadd.s32 $0xE800, s2  }
0x1b0: {  	[tilespmem:s13], [sflag:$0x1] =	stream.indirect.gather [hbm4b:s7+s23], $0x8, s29, s23, $0xb8;
	[tilespmem:$0x171C0] =	vst v63  }
0x1b1: {  	s14 =	sadd.s32 $0xEC00, s2  }
0x1b2: {  	[tilespmem:s14], [sflag:$0x1] =	stream.indirect.gather [hbm4b:s7+s23], $0x8, s30, s23, $0xb8;
	[tilespmem:$0x171C0] =	vst v63  }
0x1b3: {  	s2 =	sadd.s32 $0xF000, s2  }
0x1b4: {  	[tilespmem:s2], [sflag:$0x1] =	stream.indirect.gather [hbm4b:s7+s23], $0x8, s31, s23, $0xb8;
	[tilespmem:$0x171C0] =	vst v63  }
0x1b5: {  	_ =	swait.ge [sflag:s0], $0x400  }
0x1b6: {  	[sflag:s0] =	ssyncset.done $0x0  }
0x1b7: {  	[sflag:s0] =	ssyncadd.s32 $0xFFFFFC00  }
0x1b8: {  	_ =	swait.ge [sflag:s0], $0x400  }
0x1b9: {  	[sflag:s0] =	ssyncset.done $0x0  }
0x1ba: {  	[sflag:s0] =	ssyncadd.s32 $0xFFFFFC00  }
0x1bb: {  	_ =	swait.ge [sflag:s0], $0x400  }
0x1bc: {  	[sflag:s0] =	ssyncset.done $0x0  }
0x1bd: {  	[sflag:s0] =	ssyncadd.s32 $0xFFFFFC00  }
0x1be: {  	_ =	swait.ge [sflag:s0], $0x400  }
0x1bf: {  	[sflag:s0] =	ssyncset.done $0x0  }
0x1c0: {  	[sflag:s0] =	ssyncadd.s32 $0xFFFFFC00  }
0x1c1: {  	_ =	swait.ge [sflag:s0], $0x400  }
0x1c2: {  	[sflag:s0] =	ssyncset.done $0x0  }
0x1c3: {  	[sflag:s0] =	ssyncadd.s32 $0xFFFFFC00  }
0x1c4: {  	_ =	swait.ge [sflag:s0], $0x400  }
0x1c5: {  	[sflag:s0] =	ssyncset.done $0x0  }
0x1c6: {  	[sflag:s0] =	ssyncadd.s32 $0xFFFFFC00  }
0x1c7: {  	_ =	swait.ge [sflag:s0], $0x400  }
0x1c8: {  	[sflag:s0] =	ssyncset.done $0x0  }
0x1c9: {  	[sflag:s0] =	ssyncadd.s32 $0xFFFFFC00  }
0x1ca: {  	_ =	swait.ge [sflag:s0], $0x400  }
0x1cb: {  	[sflag:s0] =	ssyncset.done $0x0  }
0x1cc: {  	[sflag:s0] =	ssyncadd.s32 $0xFFFFFC00  }
0x1cd: {  	[spmem:s1] =	stream.indirect.scatter.add.f32 [tilespmem:s8], [sflag:$0x2], $0x8, s5, s23, $0xb8;
	[tilespmem:$0x171C0] =	vst v63  }
0x1ce: {  	s8 =	sadd.s32 $0xCC80, s4  }
0x1cf: {  	[spmem:s1] =	stream.indirect.scatter.add.f32 [tilespmem:s15], [sflag:$0x2], $0x8, s8, s23, $0xb8;
	[tilespmem:$0x171C0] =	vst v63  }
0x1d0: {  	s9 =	sadd.s32 $0xCD00, s4  }
0x1d1: {  	[spmem:s1] =	stream.indirect.scatter.add.f32 [tilespmem:s17], [sflag:$0x2], $0x8, s9, s23, $0xb8;
	[tilespmem:$0x171C0] =	vst v63  }
0x1d2: {  	s15 =	sadd.s32 $0xCD80, s4  }
0x1d3: {  	[spmem:s1] =	stream.indirect.scatter.add.f32 [tilespmem:s18], [sflag:$0x2], $0x8, s15, s23, $0xb8;
	[tilespmem:$0x171C0] =	vst v63  }
0x1d4: {  	s17 =	sadd.s32 $0xCE00, s4  }
0x1d5: {  	[spmem:s1] =	stream.indirect.scatter.add.f32 [tilespmem:s24], [sflag:$0x2], $0x8, s17, s23, $0xb8;
	[tilespmem:$0x171C0] =	vst v63  }
0x1d6: {  	s18 =	sadd.s32 $0xCE80, s4  }
0x1d7: {  	[spmem:s1] =	stream.indirect.scatter.add.f32 [tilespmem:s13], [sflag:$0x2], $0x8, s18, s23, $0xb8;
	[tilespmem:$0x171C0] =	vst v63  }
.Ltmp7:
0x1d8: {  	_ = 	snop;
	(pc) =	sbr.rel .LBB2_18-.Ltmp7, $4  }
0x1d9: {  	s24 =	sadd.s32 $0xCF00, s4  }
0x1da: {  	[spmem:s1] =	stream.indirect.scatter.add.f32 [tilespmem:s14], [sflag:$0x2], $0x8, s24, s23, $0xb8;
	[tilespmem:$0x171C0] =	vst v63  }
0x1db: {  	s5 =	rddreg [dreg:$0xd];
	s4 =	sadd.s32 $0xCF80, s4  }
0x1dc: {  	[spmem:s1] =	stream.indirect.scatter.add.f32 [tilespmem:s2], [sflag:$0x2], $0x8, s4, s23, $0xb8;
	[tilespmem:$0x171C0] =	vst v63  }
.LBB2_2:
0x1dd: {  	s2 =	smul.u32 $0x640, s11  }
0x1de: {  	s4 =	rddreg [dreg:$0x5]  }
0x1df: {  	s12 =	sadd.s32 s4, s2  }
0x1e0: {  	s2 =	sshrl.u32 s12, $0x3  }
0x1e1: {  	s10 =	simm.s32 $0x0;
	s15 =	simm.s32 $0x11400;
	s2 =	sadd.s32 s24, s2  }
0x1e2: {  	[tilespmem:s15], [sflag:$0x3] =	stream.linear.gather [hbm4b:s2+s10], $0x640, $0x38;
	[tilespmem:$0x171C0] =	vst v63  }
0x1e3: {  	_ =	swait.ge [sflag:s16], $0x640  }
0x1e4: {  	[sflag:s16] =	ssyncset.done $0x0  }
0x1e5: {  	s17 =	simm.s32 $0x11A40;
	s2 =	sadd.s32 $0x3200, s2;
	[sflag:s16] =	ssyncadd.s32 $0xFFFFF9C0  }
0x1e6: {  	[tilespmem:s17], [sflag:$0x3] =	stream.linear.gather [hbm4b:s2+s10], $0x640, $0x38;
	[tilespmem:$0x171C0] =	vst v63  }
0x1e7: {  	_ =	swait.ge [sflag:s16], $0x640  }
0x1e8: {  	s18 =	sshrl.u32 s12, $0x1;
	[sflag:s16] =	ssyncset.done $0x0  }
0x1e9: {  	s2 =	sadd.s32 s8, s18;
	[sflag:s16] =	ssyncadd.s32 $0xFFFFF9C0  }
0x1ea: {  	[tilespmem:s19], [sflag:$0x3] =	stream.linear.gather [hbm4b:s2+s10], $0x1900, $0x38;
	[tilespmem:$0x171C0] =	vst v63  }
0x1eb: {  	_ =	swait.ge [sflag:s16], $0x1900  }
0x1ec: {  	[sflag:s16] =	ssyncset.done $0x0  }
0x1ed: {  	s15 =	simm.s32 $0x0;
	[sflag:s16] =	ssyncadd.s32 $0xFFFFE700  }
0x1ee: {  	v3 =	vld [tilespmem:s15+$0x11A40]  }
0x1ef: {  	v4 =	vld [tilespmem:s15+$0x11400];
	_ =	sdelay $0x2  }
0x1f0: {  	s13 =	simm.s32 $0x10  }
0x1f1: {  	v5 =	vld [tilespmem:s13+$0x11A40]  }
0x1f2: {  	v3 =	vadd.f32 v3, v4;
	v4 =	vld [tilespmem:s13+$0x11400];
	_ =	sdelay $0x1  }
0x1f3: {  	v3 =	vadd.f32 $1.000000000e+00, v3;
	_ =	sdelay $0x1  }
0x1f4: {  	s14 =	simm.s32 $0x20;
	v6 =	vshra.s32 v3, $0x1;
	v7 =	vmul.f32 $5.000000000e-01, v3  }
0x1f5: {  	v8 =	vld [tilespmem:s14+$0x11400];
	v3 =	vsub.s32 $0x5F3759DF, v6;
	v4 =	vadd.f32 v5, v4  }
0x1f6: {  	v6 =	vld [tilespmem:s14+$0x11A40];
	v5 =	vmul.f32 v3, v7  }
0x1f7: {  	v4 =	vadd.f32 $1.000000000e+00, v4  }
0x1f8: {  	v5 =	vmul.f32 v3, v5  }
0x1f9: {  	s9 =	simm.s32 $0x30;
	v9 =	vshra.s32 v4, $0x1;
	v16 =	vmul.f32 $5.000000000e-01, v4  }
0x1fa: {  	v10 =	vld [tilespmem:s9+$0x11400];
	v4 =	vsub.f32 $1.500000000e+00, v5;
	v5 =	vsub.s32 $0x5F3759DF, v9  }
0x1fb: {  	v9 =	vld [tilespmem:s9+$0x11A40];
	v6 =	vadd.f32 v6, v8;
	v8 =	vmul.f32 v5, v16  }
0x1fc: {  	v4 =	vmul.f32 v3, v4  }
0x1fd: {  	v3 =	vadd.f32 $1.000000000e+00, v6;
	v6 =	vmul.f32 v5, v8  }
0x1fe: {  	v8 =	vmul.f32 v4, v7  }
0x1ff: {  	s17 =	simm.s32 $0x40;
	v11 =	vshra.s32 v3, $0x1;
	v3 =	vmul.f32 $5.000000000e-01, v3;
	v6 =	vsub.f32 $1.500000000e+00, v6  }
0x200: {  	v12 =	vld [tilespmem:s17+$0x11A40];
	v11 =	vsub.s32 $0x5F3759DF, v11;
	v9 =	vadd.f32 v9, v10;
	v8 =	vmul.f32 v8, v4  }
0x201: {  	v13 =	vld [tilespmem:s17+$0x11400];
	v10 =	vmul.f32 v11, v3  }
0x202: {  	v5 =	vmul.f32 v5, v6;
	v6 =	vsub.f32 $1.500000000e+00, v8;
	v8 =	vadd.f32 $1.000000000e+00, v9  }
0x203: {  	v9 =	vmul.f32 v11, v10  }
0x204: {  	v6 =	vmul.f32 v6, v4;
	v14 =	vshra.s32 v8, $0x1;
	v4 =	vmul.f32 $5.000000000e-01, v8  }
0x205: {  	v10 =	vmul.f32 v5, v16;
	v8 =	vsub.f32 $1.500000000e+00, v9;
	v9 =	vsub.s32 $0x5F3759DF, v14  }
0x206: {  	v12 =	vadd.f32 v12, v13;
	v13 =	vmul.f32 v9, v4  }
0x207: {  	v10 =	vmul.f32 v10, v5  }
0x208: {  	s18 =	simm.s32 $0x50;
	v14 =	vmul.f32 v6, v7;
	v13 =	vmul.f32 v9, v13  }
0x209: {  	v12 =	vadd.f32 $1.000000000e+00, v12;
	v7 =	vmul.f32 v11, v8;
	v11 =	vld [tilespmem:s18+$0x11A40]  }
0x20a: {  	v8 =	vsub.f32 $1.500000000e+00, v10;
	v10 =	vmul.f32 v14, v6;
	v14 =	vsub.f32 $1.500000000e+00, v13;
	v13 =	vld [tilespmem:s18+$0x11400];
	_ =	sdelay $0x1  }
0x20b: {  	v17 =	vshra.s32 v12, $0x1;
	v15 =	vmul.f32 v7, v3;
	v5 =	vmul.f32 v8, v5  }
0x20c: {  	v8 =	vmul.f32 $5.000000000e-01, v12;
	v12 =	vsub.s32 $0x5F3759DF, v17  }
0x20d: {  	s4 =	simm.s32 $0x1C0;
	s2 =	simm.s32 $0x60;
	v10 =	vsub.f32 $1.500000000e+00, v10;
	v15 =	vmul.f32 v15, v7;
	v16 =	vmul.f32 v5, v16  }
.LBB2_3:
0x20e: {  	s5 =	sshra.s32 s4, $0x2;
	p1 =	sne.s32 s4, $0x18C0;
	s4 =	sadd.s32 $0x40, s4;
	v17 =	vadd.f32 v11, v13;
	v11 =	vld [tilespmem:s2+$0x11A40];
	v18 =	vmul.f32 v12, v8;
	v14 =	vmul.f32 v9, v14;
	v19 =	vmovc v8  }
.Ltmp8:
0x20f: {  	v9 =	vmovc v12;
	v13 =	vld [tilespmem:s2+$0x11400];
	v8 =	vsub.f32 $1.500000000e+00, v15;
	v15 =	vmul.f32 v16, v5;
	v16 =	vmul.f32 v10, v6;
	v6 =	vmovc v5;
	(pc) =	sbr.rel @p1 .LBB2_3-.Ltmp8, $4  }
0x210: {  	v12 =	vadd.f32 $1.000000000e+00, v17;
	v17 =	vmul.f32 v9, v18;
	v18 =	vmul.f32 v14, v4  }
0x211: {  	v5 =	vmul.f32 v8, v7;
	v10 =	vsub.f32 $1.500000000e+00, v15;
	[tilespmem:s15+$0x16B80] =	vst v16;
	v7 =	vmov v14;
	s15 =	smov.u32 s13;
	s13 =	smov.u32 s14;
	s14 =	smov.u32 s9  }
0x212: {  	s9 =	smov.u32 s17;
	s17 =	smov.u32 s18;
	s18 =	smov.u32 s2;
	v15 =	vshra.s32 v12, $0x1;
	v8 =	vmul.f32 $5.000000000e-01, v12;
	v14 =	vsub.f32 $1.500000000e+00, v17  }
0x213: {  	s2 =	smov.u32 s5;
	v12 =	vsub.s32 $0x5F3759DF, v15;
	v15 =	vmul.f32 v18, v7;
	v16 =	vmul.f32 v5, v3;
	v3 =	vmovc v4;
	v4 =	vmovc v19  }
0x214: {  	v17 =	vld [tilespmem:s2+$0x11A40]  }
0x215: {  	v18 =	vld [tilespmem:s2+$0x11400];
	_ =	sdelay $0x3  }
0x216: {  	v11 =	vadd.f32 v11, v13  }
0x217: {  	v52 =	vadd.f32 v17, v18  }
0x218: {  	v11 =	vadd.f32 $1.000000000e+00, v11  }
0x219: {  	v13 =	vadd.f32 $1.000000000e+00, v52  }
0x21a: {  	v53 =	vmul.f32 v12, v8;
	v54 =	vshra.s32 v11, $0x1;
	v11 =	vmul.f32 $5.000000000e-01, v11  }
0x21b: {  	v18 =	vsub.s32 $0x5F3759DF, v54;
	v19 =	vshra.s32 v13, $0x1;
	v13 =	vmul.f32 $5.000000000e-01, v13  }
0x21c: {  	v20 =	vmul.f32 v18, v11;
	v19 =	vsub.s32 $0x5F3759DF, v19  }
0x21d: {  	v17 =	vmul.f32 v12, v53;
	v21 =	vmul.f32 v19, v13  }
0x21e: {  	v9 =	vmul.f32 v9, v14;
	v55 =	vmul.f32 v18, v20  }
0x21f: {  	v6 =	vmul.f32 v10, v6;
	v56 =	vsub.f32 $1.500000000e+00, v17;
	v57 =	vmul.f32 v19, v21  }
0x220: {  	v15 =	vsub.f32 $1.500000000e+00, v15;
	v16 =	vmul.f32 v16, v5;
	v14 =	vsub.f32 $1.500000000e+00, v55  }
0x221: {  	v58 =	vmul.f32 v9, v4;
	v10 =	vmul.f32 v12, v56;
	v17 =	vsub.f32 $1.500000000e+00, v57  }
0x222: {  	v7 =	vmul.f32 v15, v7;
	v14 =	vmul.f32 v18, v14  }
0x223: {  	v59 =	vmul.f32 v10, v8;
	v17 =	vmul.f32 v19, v17  }
0x224: {  	v12 =	vmul.f32 v58, v9;
	v18 =	vmul.f32 v14, v11  }
0x225: {  	v15 =	vmul.f32 v59, v10;
	v19 =	vmul.f32 v17, v13  }
0x226: {  	v16 =	vsub.f32 $1.500000000e+00, v16;
	v12 =	vsub.f32 $1.500000000e+00, v12;
	v18 =	vmul.f32 v18, v14  }
0x227: {  	v3 =	vmul.f32 v7, v3;
	v15 =	vsub.f32 $1.500000000e+00, v15;
	v19 =	vmul.f32 v19, v17  }
0x228: {  	v5 =	vmul.f32 v16, v5;
	v9 =	vmul.f32 v12, v9;
	v60 =	vsub.f32 $1.500000000e+00, v18  }
0x229: {  	v3 =	vmul.f32 v3, v7;
	v10 =	vmul.f32 v15, v10;
	v61 =	vsub.f32 $1.500000000e+00, v19  }
0x22a: {  	v4 =	vmul.f32 v9, v4;
	v12 =	vmul.f32 v60, v14  }
0x22b: {  	v8 =	vmul.f32 v10, v8;
	v62 =	vmul.f32 v61, v17  }
0x22c: {  	v3 =	vsub.f32 $1.500000000e+00, v3;
	v4 =	vmul.f32 v4, v9;
	v11 =	vmul.f32 v12, v11  }
0x22d: {  	v8 =	vmul.f32 v8, v10;
	v13 =	vmul.f32 v62, v13  }
0x22e: {  	v3 =	vmul.f32 v3, v7;
	v4 =	vsub.f32 $1.500000000e+00, v4;
	v7 =	vmul.f32 v11, v12  }
0x22f: {  	v63 =	vor.u32 s10, v0;
	[tilespmem:s15+$0x16B80] =	vst v6;
	v6 =	vsub.f32 $1.500000000e+00, v8;
	v8 =	vmul.f32 v13, v62  }
0x230: {  	[tilespmem:s13+$0x16B80] =	vst v5;
	v4 =	vmul.f32 v4, v9;
	v5 =	vsub.f32 $1.500000000e+00, v7;
	v7 =	vshll.u32 v63, $0x2  }
0x231: {  	[tilespmem:s14+$0x16B80] =	vst v3;
	v3 =	vmul.f32 v6, v10;
	v7 =	vor.u32 v1, v7;
	v6 =	vsub.f32 $1.500000000e+00, v8  }
0x232: {  	[tilespmem:s9+$0x16B80] =	vst v4;
	v4 =	vmul.f32 v5, v12  }
0x233: {  	[tilespmem:s17+$0x16B80] =	vst v3;
	v3 =	vmul.f32 v6, v62  }
0x234: {  	[tilespmem:s18+$0x16B80] =	vst v4  }
0x235: {  	[tilespmem:s2+$0x16B80] =	vst v3  }
0x236: {  	v4 =	vld.idx.msk [tilespmem:v7+s19+$0x0], $0xffff  }
0x237: {  	v5 =	vld.idx.msk [tilespmem:v63+s20+$0x0], $0xffff  }
0x238: {  	s18 =	simm.s32 $0x2  }
0x239: {  	v6 =	vshll.u32 v63, $0x3;
	v3 =	vor.u32 s18, v0  }
0x23a: {  	v6 =	vor.u32 v2, v6;
	s2 =	simm.s32 $0x4;
	v7 =	vshll.u32 v3, $0x2  }
.LBB2_5:
0x23b: {  	p1 =	sne.s32 s2, $0x63E;
	v7 =	vor.u32 v1, v7  }
0x23c: {  	v4 =	vmul.f32 v4, v5  }
0x23d: {  	v5 =	vsel vm0, $0x0, v5  }
0x23e: {  	v4 =	vsel vm1, v4, v5  }
0x23f: {  	[tilespmem:v6+s21+$0x0] =	vst.idx.msk $0xffff, v4  }
0x240: {  	v4 =	vld.idx.msk [tilespmem:v7+s19+$0x0], $0xffff  }
.Ltmp9:
0x241: {  	v5 =	vld.idx.msk [tilespmem:v3+s20+$0x0], $0xffff;
	(pc) =	sbr.rel @p1 .LBB2_5-.Ltmp9, $3  }
0x242: {  	_ =	sdelay $0x1  }
0x243: {  	v6 =	vshll.u32 v3, $0x3;
	v3 =	vor.u32 s2, v0  }
0x244: {  	v6 =	vor.u32 v2, v6;
	s2 =	sadd.s32 $0x2, s2;
	v7 =	vshll.u32 v3, $0x2  }
0x245: {  	_ = 	snop  }
0x246: {  	v7 =	vor.u32 v1, v7;
	v4 =	vmul.f32 v4, v5  }
0x247: {  	v62 =	vsel vm0, $0x0, v5  }
0x248: {  	v4 =	vsel vm1, v4, v62  }
0x249: {  	[tilespmem:v6+s21+$0x0] =	vst.idx.msk $0xffff, v4  }
0x24a: {  	v63 =	vld.idx.msk [tilespmem:v3+s20+$0x0], $0xffff  }
0x24b: {  	v4 =	vld.idx.msk [tilespmem:v7+s19+$0x0], $0xffff;
	_ =	sdelay $0x1  }
0x24c: {  	v3 =	vshll.u32 v3, $0x3  }
0x24d: {  	v3 =	vor.u32 v2, v3;
	_ =	sdelay $0x1  }
0x24e: {  	v4 =	vmul.f32 v4, v63  }
0x24f: {  	s11 =	sadd.s32 $0x1, s11;
	v5 =	vsel vm0, $0x0, v63  }
0x250: {  	p1 =	sne.s32 s11, $0x4;
	v4 =	vsel vm1, v4, v5  }
.Ltmp10:
0x251: {  	s2 =	sadd.s32 s6, s12;
	[tilespmem:v3+s21+$0x0] =	vst.idx.msk $0xffff, v4;
	(pc) =	sbr.rel @p1 .LBB2_2-.Ltmp10, $4  }
0x252: {  	[hbm4b:s2+s3] =	stream.linear.scatter [tilespmem:s21], [sflag:$0x3], $0x3200, $0x38;
	[tilespmem:$0x171C0] =	vst v63  }
0x253: {  	_ =	swait.ge [sflag:s16], $0x3200  }
0x254: {  	[sflag:s16] =	ssyncset.done $0x0  }
0x255: {  	[sflag:s16] =	ssyncadd.s32 $0xFFFFCE00  }
0x256: {  	p1 =	por $0x1, $0x1  }
0x257: {  	p1 =	por p1, p1  }
0x258: {  	[bflag:$0x0] =	sbarrier.arrive $0xFFFF;
	s2 =	simm.s32 @!p1 $0x2  }
0x259: {  	_ =	swait.ge @!p1 [sflag:s2], $0x400  }
0x25a: {  	[sflag:s2] =	ssyncset.done @!p1 $0x0  }
0x25b: {  	[sflag:s2] =	ssyncadd.s32 @!p1 $0xFFFFFC00  }
0x25c: {  	_ =	swait.ge @!p1 [sflag:s2], $0x400  }
0x25d: {  	[sflag:s2] =	ssyncset.done @!p1 $0x0  }
0x25e: {  	[sflag:s2] =	ssyncadd.s32 @!p1 $0xFFFFFC00  }
0x25f: {  	_ =	swait.ge @!p1 [sflag:s2], $0x400  }
0x260: {  	[sflag:s2] =	ssyncset.done @!p1 $0x0  }
0x261: {  	[sflag:s2] =	ssyncadd.s32 @!p1 $0xFFFFFC00  }
0x262: {  	_ =	swait.ge @!p1 [sflag:s2], $0x400  }
0x263: {  	[sflag:s2] =	ssyncset.done @!p1 $0x0  }
0x264: {  	[sflag:s2] =	ssyncadd.s32 @!p1 $0xFFFFFC00  }
0x265: {  	_ =	swait.ge @!p1 [sflag:s2], $0x400  }
0x266: {  	[sflag:s2] =	ssyncset.done @!p1 $0x0  }
0x267: {  	[sflag:s2] =	ssyncadd.s32 @!p1 $0xFFFFFC00  }
0x268: {  	_ =	swait.ge @!p1 [sflag:s2], $0x400  }
0x269: {  	[sflag:s2] =	ssyncset.done @!p1 $0x0  }
0x26a: {  	[sflag:s2] =	ssyncadd.s32 @!p1 $0xFFFFFC00  }
0x26b: {  	_ =	swait.ge @!p1 [sflag:s2], $0x400  }
0x26c: {  	[sflag:s2] =	ssyncset.done @!p1 $0x0  }
0x26d: {  	[sflag:s2] =	ssyncadd.s32 @!p1 $0xFFFFFC00  }
0x26e: {  	_ =	swait.ge @!p1 [sflag:s2], $0x400  }
0x26f: {  	[sflag:s2] =	ssyncset.done @!p1 $0x0  }
0x270: {  	s4 =	simm.s32 $0x0;
	s18 =	rddreg [dreg:$0xb];
	[sflag:s2] =	ssyncadd.s32 @!p1 $0xFFFFFC00  }
0x271: {  	[tilespmem:s22], [sflag:$0x3] =	stream.linear.gather [hbm4b:s18+s3], $0x400, $0x38;
	[tilespmem:$0x171C0] =	vst v63  }
0x272: {  	s4 =	sand.u32 $0x1, s4;
	_ =	swait.ge [sflag:s16], $0x400  }
0x273: {  	s2 =	sshll.u32 s4, $0xA;
	[sflag:s16] =	ssyncset.done $0x0  }
0x274: {  	s5 =	sadd.s32 $0xCC00, s2;
	s17 =	rddreg [dreg:$0xa];
	[sflag:s16] =	ssyncadd.s32 $0xFFFFFC00  }
0x275: {  	[tilespmem:s5], [sflag:$0x3] =	stream.linear.gather [hbm4b:s17+s3], $0x400, $0x38;
	[tilespmem:$0x171C0] =	vst v63  }
0x276: {  	_ =	swait.ge [sflag:s16], $0x400  }
0x277: {  	s4 =	sshll.u32 s4, $0xD;
	[sflag:s16] =	ssyncset.done $0x0  }
0x278: {  	s8 =	sor.u32 $0xD400, s4;
	[sflag:s16] =	ssyncadd.s32 $0xFFFFFC00  }
0x279: {  	[tilespmem:s8], [sflag:$0x1] =	stream.indirect.gather [hbm4b:s6+s23], $0x8, s22, s23, $0xb8;
	[tilespmem:$0x171C0] =	vst v63  }
0x27a: {  	s24 =	simm.s32 $0xC880;
	s10 =	sor.u32 $0xD800, s4  }
0x27b: {  	[tilespmem:s10], [sflag:$0x1] =	stream.indirect.gather [hbm4b:s6+s23], $0x8, s24, s23, $0xb8;
	[tilespmem:$0x171C0] =	vst v63  }
0x27c: {  	s11 =	sor.u32 $0xDC00, s4  }
0x27d: {  	[tilespmem:s11], [sflag:$0x1] =	stream.indirect.gather [hbm4b:s6+s23], $0x8, s25, s23, $0xb8;
	[tilespmem:$0x171C0] =	vst v63  }
0x27e: {  	s12 =	sadd.s32 $0xE000, s4  }
0x27f: {  	[tilespmem:s12], [sflag:$0x1] =	stream.indirect.gather [hbm4b:s6+s23], $0x8, s26, s23, $0xb8;
	[tilespmem:$0x171C0] =	vst v63  }
0x280: {  	s13 =	sadd.s32 $0xE400, s4  }
0x281: {  	[tilespmem:s13], [sflag:$0x1] =	stream.indirect.gather [hbm4b:s6+s23], $0x8, s28, s23, $0xb8;
	[tilespmem:$0x171C0] =	vst v63  }
0x282: {  	s14 =	sadd.s32 $0xE800, s4  }
0x283: {  	[tilespmem:s14], [sflag:$0x1] =	stream.indirect.gather [hbm4b:s6+s23], $0x8, s29, s23, $0xb8;
	[tilespmem:$0x171C0] =	vst v63  }
0x284: {  	s15 =	sadd.s32 $0xEC00, s4  }
0x285: {  	[tilespmem:s15], [sflag:$0x1] =	stream.indirect.gather [hbm4b:s6+s23], $0x8, s30, s23, $0xb8;
	[tilespmem:$0x171C0] =	vst v63  }
0x286: {  	s9 =	sadd.s32 $0xF000, s4  }
0x287: {  	[tilespmem:s9], [sflag:$0x1] =	stream.indirect.gather [hbm4b:s6+s23], $0x8, s31, s23, $0xb8;
	[tilespmem:$0x171C0] =	vst v63  }
0x288: {  	_ =	swait.ge [sflag:s0], $0x400  }
0x289: {  	[sflag:s0] =	ssyncset.done $0x0  }
0x28a: {  	[sflag:s0] =	ssyncadd.s32 $0xFFFFFC00  }
0x28b: {  	_ =	swait.ge [sflag:s0], $0x400  }
0x28c: {  	[sflag:s0] =	ssyncset.done $0x0  }
0x28d: {  	[sflag:s0] =	ssyncadd.s32 $0xFFFFFC00  }
0x28e: {  	_ =	swait.ge [sflag:s0], $0x400  }
0x28f: {  	[sflag:s0] =	ssyncset.done $0x0  }
0x290: {  	[sflag:s0] =	ssyncadd.s32 $0xFFFFFC00  }
0x291: {  	_ =	swait.ge [sflag:s0], $0x400  }
0x292: {  	[sflag:s0] =	ssyncset.done $0x0  }
0x293: {  	[sflag:s0] =	ssyncadd.s32 $0xFFFFFC00  }
0x294: {  	_ =	swait.ge [sflag:s0], $0x400  }
0x295: {  	[sflag:s0] =	ssyncset.done $0x0  }
0x296: {  	[sflag:s0] =	ssyncadd.s32 $0xFFFFFC00  }
0x297: {  	_ =	swait.ge [sflag:s0], $0x400  }
0x298: {  	[sflag:s0] =	ssyncset.done $0x0  }
0x299: {  	[sflag:s0] =	ssyncadd.s32 $0xFFFFFC00  }
0x29a: {  	_ =	swait.ge [sflag:s0], $0x400  }
0x29b: {  	[sflag:s0] =	ssyncset.done $0x0  }
0x29c: {  	[sflag:s0] =	ssyncadd.s32 $0xFFFFFC00  }
0x29d: {  	_ =	swait.ge [sflag:s0], $0x400  }
0x29e: {  	[sflag:s0] =	ssyncset.done $0x0  }
0x29f: {  	[sflag:s0] =	ssyncadd.s32 $0xFFFFFC00  }
0x2a0: {  	[spmem:s1] =	stream.indirect.scatter.add.f32 [tilespmem:s8], [sflag:$0x2], $0x8, s5, s23, $0xb8;
	[tilespmem:$0x171C0] =	vst v63  }
0x2a1: {  	s8 =	sadd.s32 $0xCC80, s2  }
0x2a2: {  	[spmem:s1] =	stream.indirect.scatter.add.f32 [tilespmem:s10], [sflag:$0x2], $0x8, s8, s23, $0xb8;
	[tilespmem:$0x171C0] =	vst v63  }
0x2a3: {  	s10 =	sadd.s32 $0xCD00, s2  }
0x2a4: {  	[spmem:s1] =	stream.indirect.scatter.add.f32 [tilespmem:s11], [sflag:$0x2], $0x8, s10, s23, $0xb8;
	[tilespmem:$0x171C0] =	vst v63  }
0x2a5: {  	p6 =	por $0x1, $0x1;
	s11 =	sadd.s32 $0xCD80, s2  }
0x2a6: {  	[spmem:s1] =	stream.indirect.scatter.add.f32 [tilespmem:s12], [sflag:$0x2], $0x8, s11, s23, $0xb8;
	[tilespmem:$0x171C0] =	vst v63  }
0x2a7: {  	p1 =	por p6, p6;
	s10 =	sadd.s32 $0x80, s18;
	s12 =	sadd.s32 $0xCE00, s2  }
0x2a8: {  	[spmem:s1] =	stream.indirect.scatter.add.f32 [tilespmem:s13], [sflag:$0x2], $0x8, s12, s23, $0xb8;
	[tilespmem:$0x171C0] =	vst v63  }
0x2a9: {  	s11 =	sadd.s32 $0x80, s17;
	s13 =	sadd.s32 $0xCE80, s2;
	s12 =	simm.s32 $0x1  }
0x2aa: {  	[spmem:s1] =	stream.indirect.scatter.add.f32 [tilespmem:s14], [sflag:$0x2], $0x8, s13, s23, $0xb8;
	[tilespmem:$0x171C0] =	vst v63  }
0x2ab: {  	s14 =	sadd.s32 $0xCF00, s2;
	s13 =	simm.s32 $0x2;
	s2 =	sadd.s32 $0xCF80, s2  }
0x2ac: {  	[spmem:s1] =	stream.indirect.scatter.add.f32 [tilespmem:s15], [sflag:$0x2], $0x8, s14, s23, $0xb8;
	[tilespmem:$0x171C0] =	vst v63  }
.LBB2_8:
0x2ad: {  	[spmem:s1] =	stream.indirect.scatter.add.f32 [tilespmem:s9], [sflag:$0x2], $0x8, s2, s23, $0xb8;
	[tilespmem:$0x171C0] =	vst v63  }
0x2ae: {  	s2 =	smov.u32 s13  }
0x2af: {  	s13 =	sadd.s32 $0x1, s13;
	s4 =	simm.s32 @!p1 $0x2;
	p3 =	slt.u32 s2, $0x2  }
0x2b0: {  	p2 =	seq.s32 s13, $0x31;
	_ =	swait.ge @!p1 [sflag:s4], $0x400  }
0x2b1: {  	[sflag:s4] =	ssyncset.done @!p1 $0x0  }
0x2b2: {  	[sflag:s4] =	ssyncadd.s32 @!p1 $0xFFFFFC00  }
0x2b3: {  	_ =	swait.ge @!p1 [sflag:s4], $0x400  }
0x2b4: {  	[sflag:s4] =	ssyncset.done @!p1 $0x0  }
0x2b5: {  	[sflag:s4] =	ssyncadd.s32 @!p1 $0xFFFFFC00  }
0x2b6: {  	_ =	swait.ge @!p1 [sflag:s4], $0x400  }
0x2b7: {  	[sflag:s4] =	ssyncset.done @!p1 $0x0  }
0x2b8: {  	[sflag:s4] =	ssyncadd.s32 @!p1 $0xFFFFFC00  }
0x2b9: {  	_ =	swait.ge @!p1 [sflag:s4], $0x400  }
0x2ba: {  	[sflag:s4] =	ssyncset.done @!p1 $0x0  }
0x2bb: {  	[sflag:s4] =	ssyncadd.s32 @!p1 $0xFFFFFC00  }
0x2bc: {  	_ =	swait.ge @!p1 [sflag:s4], $0x400  }
0x2bd: {  	[sflag:s4] =	ssyncset.done @!p1 $0x0  }
0x2be: {  	[sflag:s4] =	ssyncadd.s32 @!p1 $0xFFFFFC00  }
0x2bf: {  	_ =	swait.ge @!p1 [sflag:s4], $0x400  }
0x2c0: {  	[sflag:s4] =	ssyncset.done @!p1 $0x0  }
0x2c1: {  	[sflag:s4] =	ssyncadd.s32 @!p1 $0xFFFFFC00  }
0x2c2: {  	_ =	swait.ge @!p1 [sflag:s4], $0x400  }
0x2c3: {  	[sflag:s4] =	ssyncset.done @!p1 $0x0  }
0x2c4: {  	[sflag:s4] =	ssyncadd.s32 @!p1 $0xFFFFFC00  }
0x2c5: {  	_ =	swait.ge @!p1 [sflag:s4], $0x400  }
0x2c6: {  	[sflag:s4] =	ssyncset.done @!p1 $0x0  }
0x2c7: {  	[sflag:s4] =	ssyncadd.s32 @!p1 $0xFFFFFC00;
	p1 =	por p3, p3  }
0x2c8: {  	[tilespmem:s22], [sflag:$0x3] =	stream.linear.gather [hbm4b:s10+s3], $0x400, $0x38;
	[tilespmem:$0x171C0] =	vst v63  }
0x2c9: {  	s4 =	sand.u32 $0x1, s12;
	s12 =	smov.u32 s2;
	_ =	swait.ge [sflag:s16], $0x400  }
0x2ca: {  	s2 =	sshll.u32 s4, $0xA;
	s9 =	sshll.u32 s4, $0xD;
	[sflag:s16] =	ssyncset.done $0x0  }
0x2cb: {  	s14 =	sadd.s32 $0xCC00, s2;
	[sflag:s16] =	ssyncadd.s32 $0xFFFFFC00  }
0x2cc: {  	[tilespmem:s14], [sflag:$0x3] =	stream.linear.gather [hbm4b:s11+s3], $0x400, $0x38;
	[tilespmem:$0x171C0] =	vst v63  }
0x2cd: {  	_ =	swait.ge [sflag:s16], $0x400  }
0x2ce: {  	[sflag:s16] =	ssyncset.done $0x0  }
0x2cf: {  	s15 =	sor.u32 $0xD400, s9;
	[sflag:s16] =	ssyncadd.s32 $0xFFFFFC00  }
0x2d0: {  	[tilespmem:s15], [sflag:$0x1] =	stream.indirect.gather [hbm4b:s6+s23], $0x8, s22, s23, $0xb8;
	[tilespmem:$0x171C0] =	vst v63  }
0x2d1: {  	s17 =	sor.u32 $0xD800, s9  }
0x2d2: {  	[tilespmem:s17], [sflag:$0x1] =	stream.indirect.gather [hbm4b:s6+s23], $0x8, s24, s23, $0xb8;
	[tilespmem:$0x171C0] =	vst v63  }
0x2d3: {  	s18 =	sor.u32 $0xDC00, s9  }
0x2d4: {  	[tilespmem:s18], [sflag:$0x1] =	stream.indirect.gather [hbm4b:s6+s23], $0x8, s25, s23, $0xb8;
	[tilespmem:$0x171C0] =	vst v63  }
0x2d5: {  	s4 =	sadd.s32 $0xE000, s9  }
0x2d6: {  	[tilespmem:s4], [sflag:$0x1] =	stream.indirect.gather [hbm4b:s6+s23], $0x8, s26, s23, $0xb8;
	[tilespmem:$0x171C0] =	vst v63  }
0x2d7: {  	s5 =	sadd.s32 $0xE400, s9  }
0x2d8: {  	[tilespmem:s5], [sflag:$0x1] =	stream.indirect.gather [hbm4b:s6+s23], $0x8, s28, s23, $0xb8;
	[tilespmem:$0x171C0] =	vst v63  }
0x2d9: {  	s8 =	sadd.s32 $0xE800, s9  }
0x2da: {  	[tilespmem:s8], [sflag:$0x1] =	stream.indirect.gather [hbm4b:s6+s23], $0x8, s29, s23, $0xb8;
	[tilespmem:$0x171C0] =	vst v63  }
0x2db: {  	s24 =	sadd.s32 $0xEC00, s9  }
0x2dc: {  	[tilespmem:s24], [sflag:$0x1] =	stream.indirect.gather [hbm4b:s6+s23], $0x8, s30, s23, $0xb8;
	[tilespmem:$0x171C0] =	vst v63  }
0x2dd: {  	s9 =	sadd.s32 $0xF000, s9  }
0x2de: {  	[tilespmem:s9], [sflag:$0x1] =	stream.indirect.gather [hbm4b:s6+s23], $0x8, s31, s23, $0xb8;
	[tilespmem:$0x171C0] =	vst v63  }
0x2df: {  	_ =	swait.ge [sflag:s0], $0x400  }
0x2e0: {  	[sflag:s0] =	ssyncset.done $0x0  }
0x2e1: {  	[sflag:s0] =	ssyncadd.s32 $0xFFFFFC00  }
0x2e2: {  	_ =	swait.ge [sflag:s0], $0x400  }
0x2e3: {  	[sflag:s0] =	ssyncset.done $0x0  }
0x2e4: {  	[sflag:s0] =	ssyncadd.s32 $0xFFFFFC00  }
0x2e5: {  	_ =	swait.ge [sflag:s0], $0x400  }
0x2e6: {  	[sflag:s0] =	ssyncset.done $0x0  }
0x2e7: {  	[sflag:s0] =	ssyncadd.s32 $0xFFFFFC00  }
0x2e8: {  	_ =	swait.ge [sflag:s0], $0x400  }
0x2e9: {  	[sflag:s0] =	ssyncset.done $0x0  }
0x2ea: {  	[sflag:s0] =	ssyncadd.s32 $0xFFFFFC00  }
0x2eb: {  	_ =	swait.ge [sflag:s0], $0x400  }
0x2ec: {  	[sflag:s0] =	ssyncset.done $0x0  }
0x2ed: {  	[sflag:s0] =	ssyncadd.s32 $0xFFFFFC00  }
0x2ee: {  	_ =	swait.ge [sflag:s0], $0x400  }
0x2ef: {  	[sflag:s0] =	ssyncset.done $0x0  }
0x2f0: {  	[sflag:s0] =	ssyncadd.s32 $0xFFFFFC00  }
0x2f1: {  	_ =	swait.ge [sflag:s0], $0x400  }
0x2f2: {  	[sflag:s0] =	ssyncset.done $0x0  }
0x2f3: {  	[sflag:s0] =	ssyncadd.s32 $0xFFFFFC00  }
0x2f4: {  	_ =	swait.ge [sflag:s0], $0x400  }
0x2f5: {  	[sflag:s0] =	ssyncset.done $0x0  }
0x2f6: {  	[sflag:s0] =	ssyncadd.s32 $0xFFFFFC00  }
0x2f7: {  	[spmem:s1] =	stream.indirect.scatter.add.f32 [tilespmem:s15], [sflag:$0x2], $0x8, s14, s23, $0xb8;
	[tilespmem:$0x171C0] =	vst v63  }
0x2f8: {  	s14 =	sadd.s32 $0xCC80, s2  }
0x2f9: {  	[spmem:s1] =	stream.indirect.scatter.add.f32 [tilespmem:s17], [sflag:$0x2], $0x8, s14, s23, $0xb8;
	[tilespmem:$0x171C0] =	vst v63  }
0x2fa: {  	s14 =	sadd.s32 $0xCD00, s2  }
0x2fb: {  	[spmem:s1] =	stream.indirect.scatter.add.f32 [tilespmem:s18], [sflag:$0x2], $0x8, s14, s23, $0xb8;
	[tilespmem:$0x171C0] =	vst v63  }
0x2fc: {  	s14 =	sadd.s32 $0xCD80, s2  }
0x2fd: {  	[spmem:s1] =	stream.indirect.scatter.add.f32 [tilespmem:s4], [sflag:$0x2], $0x8, s14, s23, $0xb8;
	[tilespmem:$0x171C0] =	vst v63  }
0x2fe: {  	s4 =	sadd.s32 $0xCE00, s2  }
0x2ff: {  	[spmem:s1] =	stream.indirect.scatter.add.f32 [tilespmem:s5], [sflag:$0x2], $0x8, s4, s23, $0xb8;
	[tilespmem:$0x171C0] =	vst v63  }
0x300: {  	s4 =	sadd.s32 $0xCE80, s2  }
0x301: {  	[spmem:s1] =	stream.indirect.scatter.add.f32 [tilespmem:s8], [sflag:$0x2], $0x8, s4, s23, $0xb8;
	[tilespmem:$0x171C0] =	vst v63  }
.Ltmp11:
0x302: {  	_ = 	snop;
	(pc) =	sbr.rel @!p2 .LBB2_8-.Ltmp11, $4  }
0x303: {  	s4 =	sadd.s32 $0xCF00, s2  }
0x304: {  	[spmem:s1] =	stream.indirect.scatter.add.f32 [tilespmem:s24], [sflag:$0x2], $0x8, s4, s23, $0xb8;
	[tilespmem:$0x171C0] =	vst v63  }
0x305: {  	s24 =	simm.s32 $0xC880  }
0x306: {  	s10 =	sadd.s32 $0x80, s10;
	s11 =	sadd.s32 $0x80, s11;
	s2 =	sadd.s32 $0xCF80, s2  }
0x307: {  	[spmem:s1] =	stream.indirect.scatter.add.f32 [tilespmem:s9], [sflag:$0x2], $0x8, s2, s23, $0xb8;
	[tilespmem:$0x171C0] =	vst v63  }
0x308: {  	s2 =	simm.s32 @!p1 $0x2  }
0x309: {  	_ =	swait.ge @!p1 [sflag:s2], $0x400  }
0x30a: {  	[sflag:s2] =	ssyncset.done @!p1 $0x0  }
0x30b: {  	[sflag:s2] =	ssyncadd.s32 @!p1 $0xFFFFFC00  }
0x30c: {  	_ =	swait.ge @!p1 [sflag:s2], $0x400  }
0x30d: {  	[sflag:s2] =	ssyncset.done @!p1 $0x0  }
0x30e: {  	[sflag:s2] =	ssyncadd.s32 @!p1 $0xFFFFFC00  }
0x30f: {  	_ =	swait.ge @!p1 [sflag:s2], $0x400  }
0x310: {  	[sflag:s2] =	ssyncset.done @!p1 $0x0  }
0x311: {  	[sflag:s2] =	ssyncadd.s32 @!p1 $0xFFFFFC00  }
0x312: {  	_ =	swait.ge @!p1 [sflag:s2], $0x400  }
0x313: {  	[sflag:s2] =	ssyncset.done @!p1 $0x0  }
0x314: {  	[sflag:s2] =	ssyncadd.s32 @!p1 $0xFFFFFC00  }
0x315: {  	_ =	swait.ge @!p1 [sflag:s2], $0x400  }
0x316: {  	[sflag:s2] =	ssyncset.done @!p1 $0x0  }
0x317: {  	[sflag:s2] =	ssyncadd.s32 @!p1 $0xFFFFFC00  }
0x318: {  	_ =	swait.ge @!p1 [sflag:s2], $0x400  }
0x319: {  	[sflag:s2] =	ssyncset.done @!p1 $0x0  }
0x31a: {  	[sflag:s2] =	ssyncadd.s32 @!p1 $0xFFFFFC00  }
0x31b: {  	_ =	swait.ge @!p1 [sflag:s2], $0x400  }
0x31c: {  	[sflag:s2] =	ssyncset.done @!p1 $0x0  }
0x31d: {  	[sflag:s2] =	ssyncadd.s32 @!p1 $0xFFFFFC00  }
0x31e: {  	_ =	swait.ge @!p1 [sflag:s2], $0x400  }
0x31f: {  	[sflag:s2] =	ssyncset.done @!p1 $0x0  }
0x320: {  	[sflag:s2] =	ssyncadd.s32 @!p1 $0xFFFFFC00  }
0x321: {  	[tilespmem:s22], [sflag:$0x3] =	stream.linear.gather [hbm4b:s10+s3], $0x400, $0x38;
	[tilespmem:$0x171C0] =	vst v63  }
0x322: {  	s14 =	sand.u32 $0x1, s12;
	_ =	swait.ge [sflag:s16], $0x400  }
0x323: {  	s4 =	sshll.u32 s14, $0xA;
	[sflag:s16] =	ssyncset.done $0x0  }
0x324: {  	s5 =	sadd.s32 $0xCC00, s4;
	[sflag:s16] =	ssyncadd.s32 $0xFFFFFC00  }
0x325: {  	[tilespmem:s5], [sflag:$0x3] =	stream.linear.gather [hbm4b:s11+s3], $0x400, $0x38;
	[tilespmem:$0x171C0] =	vst v63  }
0x326: {  	_ =	swait.ge [sflag:s16], $0x400  }
0x327: {  	s2 =	sshll.u32 s14, $0xD;
	[sflag:s16] =	ssyncset.done $0x0  }
0x328: {  	s8 =	sor.u32 $0xD400, s2;
	[sflag:s16] =	ssyncadd.s32 $0xFFFFFC00  }
0x329: {  	[tilespmem:s8], [sflag:$0x1] =	stream.indirect.gather [hbm4b:s6+s23], $0x8, s22, s23, $0xb8;
	[tilespmem:$0x171C0] =	vst v63  }
0x32a: {  	s15 =	sor.u32 $0xD800, s2  }
0x32b: {  	[tilespmem:s15], [sflag:$0x1] =	stream.indirect.gather [hbm4b:s6+s23], $0x8, s24, s23, $0xb8;
	[tilespmem:$0x171C0] =	vst v63  }
0x32c: {  	s17 =	sor.u32 $0xDC00, s2  }
0x32d: {  	[tilespmem:s17], [sflag:$0x1] =	stream.indirect.gather [hbm4b:s6+s23], $0x8, s25, s23, $0xb8;
	[tilespmem:$0x171C0] =	vst v63  }
0x32e: {  	s18 =	sadd.s32 $0xE000, s2  }
0x32f: {  	[tilespmem:s18], [sflag:$0x1] =	stream.indirect.gather [hbm4b:s6+s23], $0x8, s26, s23, $0xb8;
	[tilespmem:$0x171C0] =	vst v63  }
0x330: {  	s24 =	sadd.s32 $0xE400, s2  }
0x331: {  	[tilespmem:s24], [sflag:$0x1] =	stream.indirect.gather [hbm4b:s6+s23], $0x8, s28, s23, $0xb8;
	[tilespmem:$0x171C0] =	vst v63  }
0x332: {  	s13 =	sadd.s32 $0xE800, s2  }
0x333: {  	[tilespmem:s13], [sflag:$0x1] =	stream.indirect.gather [hbm4b:s6+s23], $0x8, s29, s23, $0xb8;
	[tilespmem:$0x171C0] =	vst v63  }
0x334: {  	s14 =	sadd.s32 $0xEC00, s2  }
0x335: {  	[tilespmem:s14], [sflag:$0x1] =	stream.indirect.gather [hbm4b:s6+s23], $0x8, s30, s23, $0xb8;
	[tilespmem:$0x171C0] =	vst v63  }
0x336: {  	s2 =	sadd.s32 $0xF000, s2  }
0x337: {  	[tilespmem:s2], [sflag:$0x1] =	stream.indirect.gather [hbm4b:s6+s23], $0x8, s31, s23, $0xb8;
	[tilespmem:$0x171C0] =	vst v63  }
0x338: {  	_ =	swait.ge [sflag:s0], $0x400  }
0x339: {  	[sflag:s0] =	ssyncset.done $0x0  }
0x33a: {  	[sflag:s0] =	ssyncadd.s32 $0xFFFFFC00  }
0x33b: {  	_ =	swait.ge [sflag:s0], $0x400  }
0x33c: {  	[sflag:s0] =	ssyncset.done $0x0  }
0x33d: {  	[sflag:s0] =	ssyncadd.s32 $0xFFFFFC00  }
0x33e: {  	_ =	swait.ge [sflag:s0], $0x400  }
0x33f: {  	[sflag:s0] =	ssyncset.done $0x0  }
0x340: {  	[sflag:s0] =	ssyncadd.s32 $0xFFFFFC00  }
0x341: {  	_ =	swait.ge [sflag:s0], $0x400  }
0x342: {  	[sflag:s0] =	ssyncset.done $0x0  }
0x343: {  	[sflag:s0] =	ssyncadd.s32 $0xFFFFFC00  }
0x344: {  	_ =	swait.ge [sflag:s0], $0x400  }
0x345: {  	[sflag:s0] =	ssyncset.done $0x0  }
0x346: {  	[sflag:s0] =	ssyncadd.s32 $0xFFFFFC00  }
0x347: {  	_ =	swait.ge [sflag:s0], $0x400  }
0x348: {  	[sflag:s0] =	ssyncset.done $0x0  }
0x349: {  	[sflag:s0] =	ssyncadd.s32 $0xFFFFFC00  }
0x34a: {  	_ =	swait.ge [sflag:s0], $0x400  }
0x34b: {  	[sflag:s0] =	ssyncset.done $0x0  }
0x34c: {  	[sflag:s0] =	ssyncadd.s32 $0xFFFFFC00  }
0x34d: {  	_ =	swait.ge [sflag:s0], $0x400  }
0x34e: {  	[sflag:s0] =	ssyncset.done $0x0  }
0x34f: {  	[sflag:s0] =	ssyncadd.s32 $0xFFFFFC00  }
0x350: {  	[spmem:s1] =	stream.indirect.scatter.add.f32 [tilespmem:s8], [sflag:$0x2], $0x8, s5, s23, $0xb8;
	[tilespmem:$0x171C0] =	vst v63  }
0x351: {  	s8 =	sadd.s32 $0xCC80, s4  }
0x352: {  	[spmem:s1] =	stream.indirect.scatter.add.f32 [tilespmem:s15], [sflag:$0x2], $0x8, s8, s23, $0xb8;
	[tilespmem:$0x171C0] =	vst v63  }
0x353: {  	s9 =	sadd.s32 $0xCD00, s4  }
0x354: {  	[spmem:s1] =	stream.indirect.scatter.add.f32 [tilespmem:s17], [sflag:$0x2], $0x8, s9, s23, $0xb8;
	[tilespmem:$0x171C0] =	vst v63  }
0x355: {  	s15 =	sadd.s32 $0xCD80, s4  }
0x356: {  	[spmem:s1] =	stream.indirect.scatter.add.f32 [tilespmem:s18], [sflag:$0x2], $0x8, s15, s23, $0xb8;
	[tilespmem:$0x171C0] =	vst v63  }
0x357: {  	s17 =	sadd.s32 $0xCE00, s4  }
0x358: {  	[spmem:s1] =	stream.indirect.scatter.add.f32 [tilespmem:s24], [sflag:$0x2], $0x8, s17, s23, $0xb8;
	[tilespmem:$0x171C0] =	vst v63  }
0x359: {  	s18 =	sadd.s32 $0xCE80, s4  }
0x35a: {  	[spmem:s1] =	stream.indirect.scatter.add.f32 [tilespmem:s13], [sflag:$0x2], $0x8, s18, s23, $0xb8;
	[tilespmem:$0x171C0] =	vst v63  }
.Ltmp12:
0x35b: {  	_ = 	snop;
	(pc) =	sbr.rel .LBB2_18-.Ltmp12, $4  }
0x35c: {  	s24 =	sadd.s32 $0xCF00, s4  }
0x35d: {  	[spmem:s1] =	stream.indirect.scatter.add.f32 [tilespmem:s14], [sflag:$0x2], $0x8, s24, s23, $0xb8;
	[tilespmem:$0x171C0] =	vst v63  }
0x35e: {  	s5 =	rddreg [dreg:$0xd];
	s4 =	sadd.s32 $0xCF80, s4  }
0x35f: {  	[spmem:s1] =	stream.indirect.scatter.add.f32 [tilespmem:s2], [sflag:$0x2], $0x8, s4, s23, $0xb8;
	[tilespmem:$0x171C0] =	vst v63  }
.LBB2_19:
0x360: {  	_ =	sfence.sel $0x180000  }
0x361: {  	[bflag:$0x0] =	sbarrier.arrive $0xFFFF  }
0x362: {  	_ =	strace $0x9000004A  }
0x363: {  	s0 =	stileid.u32;
	[bflag:$0x2] =	sbarrier.arrive $0xFFFF  }
0x364: {  	p0 =	sne.s32 s0, $0x0;
	s0 =	rddreg [dreg:$0x2]  }
0x365: {  	s0 =	sadd.s32 @!p0 $0x100000, s0  }
0x366: {  	[sflag:s0] =	ssyncadd.tile.s32 @!p0 $0x1;
	_ =	shalt  }
.Lfunc_end2:
_tile_overlayer_lowered:
.L_overlay_start_2:
0x367: {  	(tag) =	ssettag $0x2  }
0x368: {  	s0 =	rddreg [dreg:$0x0];
	s2 =	stileid.u32  }
0x369: {  	s1 =	rddreg [dreg:$0x1];
	p0 =	sne.s32 s2, $0x0  }
0x36a: {  	s3 =	rddreg [dreg:$0x2];
	[bflag:$0x3] =	sbarrier.arrive $0xFFFF;
	s2 =	simm.s32 @!p0 $0x1C03  }
0x36b: {  	[timem:s3], [sflag:s2] =	dma.local @!p0 [hbm:s0], s1  }
0x36c: {  	s0 =	simm.s32 @!p0 $0x3  }
0x36d: {  	_ =	swait.ge @!p0 [sflag:s0], s1  }
0x36e: {  	s1 =	ssub.s32 @!p0 $0x0, s1;
	[sflag:s0] =	ssyncset.done @!p0 $0x0  }
0x36f: {  	[sflag:s0] =	ssyncadd.s32 @!p0 s1  }
0x370: {  	[bflag:$0x3] =	sbarrier.arrive $0xFFFF  }
0x371: {  	_ =	shalt  }

// kernel: kernel.13.cloned.1.call-start
scs
__scs_entry_jumppad:
0x0: {  	(pc) =	sbr.rel $0x88, $3  }
0x1: {  	(tag) =	ssettag $0x0;
	lr =	simm.s32 $0x1  }
0x2: {  	[smem:$0x3F99] =	sst lr;
	_ =	strace $0xD0000000  }
0x3: {  	_ = 	snop  }
0x4: {  	_ = 	snop  }
0x5: {  	_ = 	snop  }
0x6: {  	_ = 	snop  }
0x7: {  	_ = 	snop  }
__scs_overlays_trampoline_lowered:
0x8: {  	[smem:$0x3FA8] =	sst s0  }
0x9: {  	[smem:$0x3FA9] =	sst s1  }
0xa: {  	[smem:$0x3FAA] =	sst s2  }
0xb: {  	[smem:$0x3FAB] =	sst s3  }
0xc: {  	[smem:$0x3FAC] =	sst s4  }
0xd: {  	[smem:$0x3FAD] =	sst s5  }
0xe: {  	[smem:$0x3FAE] =	sst s6  }
0xf: {  	[smem:$0x3FAF] =	sst s7  }
0x10: {  	[smem:$0x3FB0] =	sst s8  }
0x11: {  	[smem:$0x3FB1] =	sst s9;
	s0 =	simm.s32 @!p0 $0x0  }
0x12: {  	s1 =	sld [smem:$0x3F97];
	s0 =	simm.s32 @p0 $0x1  }
0x13: {  	[smem:$0x3FB2] =	sst s0;
	s0 =	simm.s32 @!p1 $0x0  }
0x14: {  	s2 =	sld [smem:$0x3F96];
	s0 =	simm.s32 @p1 $0x1  }
0x15: {  	[smem:$0x3FB3] =	sst s0;
	s0 =	simm.s32 @!p2 $0x0  }
0x16: {  	s3 =	sld [smem:$0x3FDB];
	s0 =	simm.s32 @p2 $0x1  }
0x17: {  	s4 =	simm.s32 $0x1BF5;
	[smem:$0x3FB5] =	sst s0  }
0x18: {  	s0 =	sld [smem:$0x3F98];
	_ =	swait.ge [sflag:s4], $0x0  }
0x19: {  	s7 =	sld [smem:$0x3F99]  }
0x1a: {  	s8 =	sadd.s32 $0xFFFFE003, lr  }
0x1b: {  	s9 =	sadd.s32 $0xFFFFFEF7, lr;
	s5 =	simm.s32 $0xFFFFFFFF;
	p2 =	slt.u32 s8, $0xFFFFF086  }
0x1c: {  	p1 =	slt.u32 s9, $0xF7A;
	s5 =	simm.s32 @!p2 $0x0  }
0x1d: {  	s5 =	simm.s32 @p1 $0x1;
	p0 =	seq.s32 s7, s2  }
0x1e: {  	s7 =	smul.u32 @!p0 $0xF7A, s2;
	p2 =	seq.s32 @!p0 s5, $0x0  }
0x1f: {  	s9 =	smul.u32 $0xF7A, s1;
	s8 =	simm.s32 @!p0 $0x1BF5;
	p2 =	por !p2, p0  }
0x20: {  	[sflag:s8] =	ssyncset.s32 @!p0 $0xFFFFF086;
	s6 =	sadd.s32 @!p0 s3, s7;
	s7 =	simm.s32 @!p0 $0x108  }
0x21: {  	s3 =	sadd.s32 s3, s9;
	s6 =	sadd.s32 @!p0 $0x88, s6;
	s7 =	simm.s32 @p2 $0x1082  }
0x22: {  	[simem:s7], [sflag:s8] =	dma.local @!p0 [hbm:s6], $0xF7A  }
0x23: {  	s9 =	sor.u32 $0xD0000000, s2;
	s6 =	simm.s32 $0x108;
	_ =	swait.ge @!p0 [sflag:s8], $0x0  }
0x24: {  	s3 =	sadd.s32 $0x88, s3;
	s6 =	simm.s32 @!p1 $0x1082;
	[sflag:s4] =	ssyncset.s32 $0xFFFFF086  }
0x25: {  	[simem:s6], [sflag:s4] =	dma.local [hbm:s3], $0xF7A  }
0x26: {  	[smem:$0x3F99] =	sst s1;
	(tag) =	ssettag s2;
	_ =	strace s9  }
0x27: {  	s1 =	sld [smem:$0x3FA9]  }
0x28: {  	s2 =	sld [smem:$0x3FAA]  }
0x29: {  	s4 =	sld [smem:$0x3FAC]  }
0x2a: {  	p0 =	seq.s32 s5, $0x0;
	s5 =	sld [smem:$0x3FAD]  }
0x2b: {  	s6 =	sld [smem:$0x3FAE]  }
0x2c: {  	s7 =	sld [smem:$0x3FAF]  }
0x2d: {  	s3 =	simm.s32 $0x108;
	s8 =	sld [smem:$0x3FB0]  }
0x2e: {  	s3 =	simm.s32 @!p0 $0x1082;
	s9 =	sld [smem:$0x3FB1]  }
0x2f: {  	lr =	sadd.s32 s0, s3;
	s0 =	sld [smem:$0x3FA8]  }
0x30: {  	s3 =	sld [smem:$0x3FAB]  }
0x31: {  	[smem:$0x3FB4] =	sst s10  }
0x32: {  	s10 =	sld [smem:$0x3FB2];
	_ =	sdelay $0x3  }
0x33: {  	p0 =	seq.s32 s10, $0x1;
	s10 =	sld [smem:$0x3FB4];
	_ =	sdelay $0x3  }
0x34: {  	[smem:$0x3FB4] =	sst s10  }
0x35: {  	s10 =	sld [smem:$0x3FB3];
	_ =	sdelay $0x3  }
0x36: {  	p1 =	seq.s32 s10, $0x1;
	s10 =	sld [smem:$0x3FB4];
	_ =	sdelay $0x3  }
0x37: {  	[smem:$0x3FB4] =	sst s10  }
0x38: {  	s10 =	sld [smem:$0x3FB5]  }
0x39: {  	_ = 	snop;
	(pc) =	sbr.ind lr, $3  }
0x3a: {  	_ = 	snop  }
0x3b: {  	_ = 	snop  }
0x3c: {  	p2 =	seq.s32 s10, $0x1;
	s10 =	sld [smem:$0x3FB4]  }
0x3d: {  	_ =	shalt  }
0x3e: {  	_ =	shalt  }
0x3f: {  	_ =	shalt  }
0x40: {  	_ =	shalt  }
0x41: {  	_ =	shalt  }
0x42: {  	_ =	shalt  }
0x43: {  	_ =	shalt  }
0x44: {  	_ =	shalt  }
0x45: {  	_ =	shalt  }
0x46: {  	_ =	shalt  }
0x47: {  	_ =	shalt  }
0x48: {  	_ =	shalt  }
0x49: {  	_ =	shalt  }
0x4a: {  	_ =	shalt  }
0x4b: {  	_ =	shalt  }
0x4c: {  	_ =	shalt  }
0x4d: {  	_ =	shalt  }
0x4e: {  	_ =	shalt  }
0x4f: {  	_ =	shalt  }
0x50: {  	_ =	shalt  }
0x51: {  	_ =	shalt  }
0x52: {  	_ =	shalt  }
0x53: {  	_ =	shalt  }
0x54: {  	_ =	shalt  }
0x55: {  	_ =	shalt  }
0x56: {  	_ =	shalt  }
0x57: {  	_ =	shalt  }
0x58: {  	_ =	shalt  }
0x59: {  	_ =	shalt  }
0x5a: {  	_ =	shalt  }
0x5b: {  	_ =	shalt  }
0x5c: {  	_ =	shalt  }
0x5d: {  	_ =	shalt  }
0x5e: {  	_ =	shalt  }
0x5f: {  	_ =	shalt  }
0x60: {  	_ =	shalt  }
0x61: {  	_ =	shalt  }
0x62: {  	_ =	shalt  }
0x63: {  	_ =	shalt  }
0x64: {  	_ =	shalt  }
0x65: {  	_ =	shalt  }
0x66: {  	_ =	shalt  }
0x67: {  	_ =	shalt  }
0x68: {  	_ =	shalt  }
0x69: {  	_ =	shalt  }
0x6a: {  	_ =	shalt  }
0x6b: {  	_ =	shalt  }
0x6c: {  	_ =	shalt  }
0x6d: {  	_ =	shalt  }
0x6e: {  	_ =	shalt  }
0x6f: {  	_ =	shalt  }
0x70: {  	_ =	shalt  }
0x71: {  	_ =	shalt  }
0x72: {  	_ =	shalt  }
0x73: {  	_ =	shalt  }
0x74: {  	_ =	shalt  }
0x75: {  	_ =	shalt  }
0x76: {  	_ =	shalt  }
0x77: {  	_ =	shalt  }
0x78: {  	_ =	shalt  }
0x79: {  	_ =	shalt  }
0x7a: {  	_ =	shalt  }
0x7b: {  	_ =	shalt  }
0x7c: {  	_ =	shalt  }
0x7d: {  	_ =	shalt  }
0x7e: {  	_ =	shalt  }
0x7f: {  	_ =	shalt  }
0x80: {  	_ =	shalt  }
0x81: {  	_ =	shalt  }
0x82: {  	_ =	shalt  }
0x83: {  	_ =	shalt  }
0x84: {  	_ =	shalt  }
0x85: {  	_ =	shalt  }
0x86: {  	_ =	shalt  }
0x87: {  	_ =	shalt  }
.Lfunc_end0:
.L_simem_size_0:
called_computation.2_lowered:
.L_overlay_start_0:
0x88: {  	s2 =	sld [smem:$0x3FD9]  }
0x89: {  	s3 =	sld [smem:$0x3FFE];
	_ =	sdelay $0x1  }
0x8a: {  	s1 =	srdreg.scid  }
0x8b: {  	s0 =	sand.u32 $0x1, s1  }
0x8c: {  	s16 =	sshll.u32 s0, $0xA;
	s2 =	sadd.s32 s3, s2  }
0x8d: {  	s2 =	sadd.s32 s2, s16  }
0x8e: {  	[smem:$0x3FC0] =	sst s2  }
0x8f: {  	_ = 	snop  }
0x90: {  	(tm) =	ssettm $0x1  }
0x91: {  	s17 =	sld [smem:$0x3FFB];
	_ =	sdelay $0x3  }
0x92: {  	_ =	strace s17  }
0x93: {  	s2 =	sld [smem:$0x3FFC];
	_ =	sdelay $0x3  }
0x94: {  	_ =	strace s2  }
0x95: {  	s2 =	sld [smem:$0x3FFD];
	_ =	sdelay $0x3  }
0x96: {  	_ =	strace s2  }
0x97: {  	_ =	strace $0x8FFFFFFF  }
0x98: {  	s18 =	sld [smem:$0x3FDB];
	_ =	sdelay $0x1  }
0x99: {  	s19 =	simm.s32 $_scs_section_size  }
0x9a: {  	s4 =	simm.s32 $_size__tile_overlayer_lowered;
	s5 =	simm.s32 $_tile_overlayer_lowered  }
0x9b: {  	s22 =	simm.s32 $0x1BFF;
	s21 =	sshll.u32 s5, $0x1;
	s2 =	sadd.s32 s19, s18  }
0x9c: {  	s6 =	simm.s32 $0x0;
	s20 =	sshll.u32 s4, $0x1;
	s4 =	sadd.s32 s21, s2  }
0x9d: {  	[timem:s6], [sflag:s22] =	dma.local [hbm:s4], s20  }
0x9e: {  	_ =	swait.ge [sflag:s22], s20  }
0x9f: {  	s3 =	ssub.s32 $0x0, s20;
	[sflag:s22] =	ssyncset.done $0x0  }
0xa0: {  	[sflag:s22] =	ssyncadd.s32 s3;
	_ =	sdelay $0x1  }
0xa1: {  	s23 =	simm.s32 $0x1B8B  }
0xa2: {  	_ =	swait.ge [sflag:s23], $0x1  }
0xa3: {  	[sflag:s23] =	ssyncset.done $0x0  }
0xa4: {  	s25 =	simm.s32 $0x1B8E;
	s24 =	sld [smem:$0x3FFE];
	[sflag:s23] =	ssyncadd.s32 $0xFFFFFFFF  }
0xa5: {  	s26 =	simm.s32 $execute0_lowered;
	[smem:$0x3FD2] =	sst s25  }
0xa6: {  	s4 =	sshll.u32 s26, $0x1;
	_ =	strace $0x8000004C;
	[dreg:$0x1] =	wrdreg $0xFFFFFFFF  }
0xa7: {  	s28 =	simm.s32 $_size_execute0_lowered;
	s2 =	sadd.s32 s2, s4;
	[dreg:$0x0] =	wrdreg $0x0  }
0xa8: {  	s4 =	sshll.u32 s28, $0x1;
	[dreg:$0x2] =	wrdreg s2  }
0xa9: {  	[dreg:$0x3] =	wrdreg s4  }
0xaa: {  	[dreg:$0x4] =	wrdreg $0xC0  }
0xab: {  	_ =	task [dreg:s6], $0x5FFFF  }
0xac: {  	[dreg:$0x1] =	wrdreg $0xFFFFFFFF  }
0xad: {  	[dreg:$0x0] =	wrdreg $0x60  }
0xae: {  	[dreg:$0x2] =	wrdreg s24  }
0xaf: {  	[dreg:$0x3] =	wrdreg $0x0  }
0xb0: {  	[dreg:$0x4] =	wrdreg $0x9  }
0xb1: {  	_ =	task.clear_ibuf [dreg:s6], $0x5FFFF;
	_ =	strace $0x9000004C  }
0xb2: {  	s29 =	simm.s32 $0x9;
	_ =	strace $0x8000004E  }
0xb3: {  	_ =	swait.ge [sflag:s29], $0x1  }
0xb4: {  	[sflag:s29] =	ssyncadd.s32 $0xFFFFFFFF  }
0xb5: {  	_ =	strace $0x9000004E  }
0xb6: {  	_ =	sfence  }
0xb7: {  	s30 =	sld [smem:$0x0];
	_ =	sdelay $0x2  }
0xb8: {  	s31 =	sshll.u32 s1, $0xD;
	s1 =	sshrl.u32 s1, $0x2  }
0xb9: {  	s3 =	sand.u32 $0x4000, s31;
	s1 =	sadd.s32 s1, s30  }
0xba: {  	s0 =	sor.u32 s3, s0;
	s1 =	sshll.u32 s1, $0x11  }
0xbb: {  	s0 =	sor.u32 s1, s0  }
0xbc: {  	s0 =	sadd.s32 $0x8F2B, s0  }
0xbd: {  	[sflag:s0] =	ssyncadd.remote.s32 $0x1  }
0xbe: {  	_ =	sfence.sel $0xFFFF  }
0xbf: {  	[dreg:$0x0] =	wrdreg $0xFFFFFFFF;
	(pc) =	sbr.abs _section_cstart, $3  }
0xc0: {  	[dreg:$0x1] =	wrdreg $0xFFFFFFFF  }
0xc1: {  	_ =	task.clear_ibuf [dreg:s6], $0x2FFFF;
	_ =	strace $0x9FFFFFFF  }
0xc2: {  	(tm) =	ssettm $0x7FFFFFFF  }
0xc3: {  	_ =	shalt  }
tec
execute0_lowered:
.L_overlay_start_1:
0x0: {  	(tag) =	ssettag $0x1  }
0x1: {  	s0 =	srdreg.scid;
	s1 =	rddreg [dreg:$0x0]  }
0x2: {  	s10 =	stileid.u32;
	s2 =	rddreg [dreg:$0x1];
	s3 =	simm.s32 $0x0  }
0x3: {  	s26 =	simm.s32 $0xC880;
	s28 =	simm.s32 $0xC900;
	s12 =	simm.s32 $0x3  }
0x4: {  	s29 =	simm.s32 $0xC980;
	s13 =	simm.s32 $0xC800;
	s30 =	simm.s32 $0xCA00  }
0x5: {  	s14 =	simm.s32 $0x80;
	s31 =	simm.s32 $0xCA80;
	s15 =	simm.s32 $0xCB00  }
0x6: {  	s16 =	simm.s32 $0xCB80;
	s17 =	simm.s32 $0x1;
	[smem:$0x7FF] =	sst s3  }
0x7: {  	s18 =	simm.s32 $0x2;
	_ =	strace $0x8000004D;
	[dreg:$0x3] =	wrdreg s26  }
0x8: {  	s19 =	simm.s32 $0x0;
	s5 =	smul.u32 $0xC400, s10;
	[dreg:$0x4] =	wrdreg s28  }
0x9: {  	s0 =	sand.u32 $0x1, s0;
	s6 =	smul.u32 $0xC800, s10;
	[dreg:$0x5] =	wrdreg s29  }
0xa: {  	s25 =	sshll.u32 s10, $0x6;
	s4 =	smul.u32 $0xC4000, s0;
	[dreg:$0x6] =	wrdreg s30  }
0xb: {  	s7 =	smul.u32 $0xC8000, s0;
	s0 =	ssub.s32 $0x2, s0;
	[dreg:$0x7] =	wrdreg s31  }
0xc: {  	s8 =	sshrl.u32 s6, $0x3;
	s9 =	sshrl.u32 s0, $0x1;
	s11 =	sadd.s32 s6, s2  }
0xd: {  	s5 =	sadd.s32 s5, s4;
	s4 =	sadd.s32 $0x8F400, s1;
	s7 =	sadd.s32 s6, s7  }
0xe: {  	s8 =	sadd.s32 s8, s1;
	s0 =	ssub.s32 s0, s9;
	s6 =	sor.u32 $0x1C03, s25  }
0xf: {  	s11 =	sshrl.u32 s11, $0x3;
	s5 =	sshrl.u32 s5, $0x3;
	s7 =	sshrl.u32 s7, $0x3  }
0x10: {  	s24 =	sadd.s32 $0x76400, s8;
	s5 =	sadd.s32 s5, s1;
	s1 =	sadd.s32 s7, s1  }
0x11: {  	s8 =	smax.u32 s0, $0x1;
	[dreg:$0x8] =	wrdreg s24;
	s1 =	sadd.s32 $0xA8400, s1  }
0x12: {  	s9 =	sadd.s32 $0x38C00, s5;
	s10 =	sadd.s32 $0x1800, s5;
	[dreg:$0x9] =	wrdreg s1  }
.LBB2_1:
0x13: {  	s0 =	rddreg [dreg:$0x8]  }
0x14: {  	[spmem:s11], [sflag:s6] =	dma.local [hbm:s0], $0x1900  }
0x15: {  	_ =	swait.ge [sflag:s12], $0x1900  }
0x16: {  	p0 =	por $0x1, $0x1;
	[sflag:s12] =	ssyncset.done $0x0  }
0x17: {  	p0 =	por p0, p0;
	[sflag:s12] =	ssyncadd.s32 $0xFFFFE700  }
0x18: {  	s0 =	simm.s32 @!p0 $0x2;
	[bflag:$0x0] =	sbarrier.arrive $0xFFFF  }
0x19: {  	_ =	swait.ge @!p0 [sflag:s0], $0x400  }
0x1a: {  	[sflag:s0] =	ssyncset.done @!p0 $0x0  }
0x1b: {  	[sflag:s0] =	ssyncadd.s32 @!p0 $0xFFFFFC00  }
0x1c: {  	_ =	swait.ge @!p0 [sflag:s0], $0x400  }
0x1d: {  	[sflag:s0] =	ssyncset.done @!p0 $0x0  }
0x1e: {  	[sflag:s0] =	ssyncadd.s32 @!p0 $0xFFFFFC00  }
0x1f: {  	_ =	swait.ge @!p0 [sflag:s0], $0x400  }
0x20: {  	[sflag:s0] =	ssyncset.done @!p0 $0x0  }
0x21: {  	[sflag:s0] =	ssyncadd.s32 @!p0 $0xFFFFFC00  }
0x22: {  	_ =	swait.ge @!p0 [sflag:s0], $0x400  }
0x23: {  	[sflag:s0] =	ssyncset.done @!p0 $0x0  }
0x24: {  	[sflag:s0] =	ssyncadd.s32 @!p0 $0xFFFFFC00  }
0x25: {  	_ =	swait.ge @!p0 [sflag:s0], $0x400  }
0x26: {  	[sflag:s0] =	ssyncset.done @!p0 $0x0  }
0x27: {  	[sflag:s0] =	ssyncadd.s32 @!p0 $0xFFFFFC00  }
0x28: {  	_ =	swait.ge @!p0 [sflag:s0], $0x400  }
0x29: {  	[sflag:s0] =	ssyncset.done @!p0 $0x0  }
0x2a: {  	[sflag:s0] =	ssyncadd.s32 @!p0 $0xFFFFFC00  }
0x2b: {  	_ =	swait.ge @!p0 [sflag:s0], $0x400  }
0x2c: {  	[sflag:s0] =	ssyncset.done @!p0 $0x0  }
0x2d: {  	[sflag:s0] =	ssyncadd.s32 @!p0 $0xFFFFFC00  }
0x2e: {  	_ =	swait.ge @!p0 [sflag:s0], $0x400  }
0x2f: {  	[sflag:s0] =	ssyncset.done @!p0 $0x0  }
0x30: {  	[sflag:s0] =	ssyncadd.s32 @!p0 $0xFFFFFC00  }
0x31: {  	[tilespmem:s13], [sflag:$0x3] =	stream.linear.gather [hbm4b:s10+s3], $0x400, $0x38;
	[tilespmem:$0x11400] =	vst v63  }
0x32: {  	s1 =	sand.u32 $0x1, s3;
	_ =	swait.ge [sflag:s12], $0x400  }
0x33: {  	s0 =	sshll.u32 s1, $0xA;
	[sflag:s12] =	ssyncset.done $0x0  }
0x34: {  	s5 =	sadd.s32 $0xCC00, s0;
	[sflag:s12] =	ssyncadd.s32 $0xFFFFFC00  }
0x35: {  	[tilespmem:s5], [sflag:$0x3] =	stream.linear.gather [hbm4b:s9+s3], $0x400, $0x38;
	[tilespmem:$0x11400] =	vst v63  }
0x36: {  	_ =	swait.ge [sflag:s12], $0x400  }
0x37: {  	s1 =	sshll.u32 s1, $0xD;
	[sflag:s12] =	ssyncset.done $0x0  }
0x38: {  	s20 =	sor.u32 $0xD400, s1;
	[sflag:s12] =	ssyncadd.s32 $0xFFFFFC00  }
0x39: {  	[tilespmem:s20], [sflag:$0x1] =	stream.indirect.gather [hbm4b:s4+s14], $0x8, s13, s14, $0xb8;
	[tilespmem:$0x11400] =	vst v63  }
0x3a: {  	s22 =	sor.u32 $0xD800, s1;
	s21 =	rddreg [dreg:$0x3]  }
0x3b: {  	[tilespmem:s22], [sflag:$0x1] =	stream.indirect.gather [hbm4b:s4+s14], $0x8, s21, s14, $0xb8;
	[tilespmem:$0x11400] =	vst v63  }
0x3c: {  	s23 =	rddreg [dreg:$0x4];
	s21 =	sor.u32 $0xDC00, s1  }
0x3d: {  	[tilespmem:s21], [sflag:$0x1] =	stream.indirect.gather [hbm4b:s4+s14], $0x8, s23, s14, $0xb8;
	[tilespmem:$0x11400] =	vst v63  }
0x3e: {  	s29 =	sadd.s32 $0xE000, s1;
	s24 =	rddreg [dreg:$0x5]  }
0x3f: {  	[tilespmem:s29], [sflag:$0x1] =	stream.indirect.gather [hbm4b:s4+s14], $0x8, s24, s14, $0xb8;
	[tilespmem:$0x11400] =	vst v63  }
0x40: {  	s26 =	sadd.s32 $0xE400, s1;
	s25 =	rddreg [dreg:$0x6]  }
0x41: {  	[tilespmem:s26], [sflag:$0x1] =	stream.indirect.gather [hbm4b:s4+s14], $0x8, s25, s14, $0xb8;
	[tilespmem:$0x11400] =	vst v63  }
0x42: {  	s31 =	sadd.s32 $0xE800, s1;
	s30 =	rddreg [dreg:$0x7]  }
0x43: {  	[tilespmem:s31], [sflag:$0x1] =	stream.indirect.gather [hbm4b:s4+s14], $0x8, s30, s14, $0xb8;
	[tilespmem:$0x11400] =	vst v63  }
0x44: {  	s28 =	sadd.s32 $0xEC00, s1  }
0x45: {  	[tilespmem:s28], [sflag:$0x1] =	stream.indirect.gather [hbm4b:s4+s14], $0x8, s15, s14, $0xb8;
	[tilespmem:$0x11400] =	vst v63  }
0x46: {  	s24 =	sadd.s32 $0xF000, s1  }
0x47: {  	[tilespmem:s24], [sflag:$0x1] =	stream.indirect.gather [hbm4b:s4+s14], $0x8, s16, s14, $0xb8;
	[tilespmem:$0x11400] =	vst v63  }
0x48: {  	_ =	swait.ge [sflag:s17], $0x400  }
0x49: {  	[sflag:s17] =	ssyncset.done $0x0  }
0x4a: {  	[sflag:s17] =	ssyncadd.s32 $0xFFFFFC00  }
0x4b: {  	_ =	swait.ge [sflag:s17], $0x400  }
0x4c: {  	[sflag:s17] =	ssyncset.done $0x0  }
0x4d: {  	[sflag:s17] =	ssyncadd.s32 $0xFFFFFC00  }
0x4e: {  	_ =	swait.ge [sflag:s17], $0x400  }
0x4f: {  	[sflag:s17] =	ssyncset.done $0x0  }
0x50: {  	[sflag:s17] =	ssyncadd.s32 $0xFFFFFC00  }
0x51: {  	_ =	swait.ge [sflag:s17], $0x400  }
0x52: {  	[sflag:s17] =	ssyncset.done $0x0  }
0x53: {  	[sflag:s17] =	ssyncadd.s32 $0xFFFFFC00  }
0x54: {  	_ =	swait.ge [sflag:s17], $0x400  }
0x55: {  	[sflag:s17] =	ssyncset.done $0x0  }
0x56: {  	[sflag:s17] =	ssyncadd.s32 $0xFFFFFC00  }
0x57: {  	_ =	swait.ge [sflag:s17], $0x400  }
0x58: {  	[sflag:s17] =	ssyncset.done $0x0  }
0x59: {  	[sflag:s17] =	ssyncadd.s32 $0xFFFFFC00  }
0x5a: {  	_ =	swait.ge [sflag:s17], $0x400  }
0x5b: {  	[sflag:s17] =	ssyncset.done $0x0  }
0x5c: {  	[sflag:s17] =	ssyncadd.s32 $0xFFFFFC00  }
0x5d: {  	_ =	swait.ge [sflag:s17], $0x400  }
0x5e: {  	[sflag:s17] =	ssyncset.done $0x0  }
0x5f: {  	[sflag:s17] =	ssyncadd.s32 $0xFFFFFC00  }
0x60: {  	[spmem:s2] =	stream.indirect.scatter.add.f32 [tilespmem:s20], [sflag:$0x2], $0x8, s5, s14, $0xb8;
	[tilespmem:$0x11400] =	vst v63  }
0x61: {  	s7 =	sadd.s32 $0xCC80, s0  }
0x62: {  	[spmem:s2] =	stream.indirect.scatter.add.f32 [tilespmem:s22], [sflag:$0x2], $0x8, s7, s14, $0xb8;
	[tilespmem:$0x11400] =	vst v63  }
0x63: {  	s20 =	sadd.s32 $0xCD00, s0  }
0x64: {  	[spmem:s2] =	stream.indirect.scatter.add.f32 [tilespmem:s21], [sflag:$0x2], $0x8, s20, s14, $0xb8;
	[tilespmem:$0x11400] =	vst v63  }
0x65: {  	p6 =	por $0x1, $0x1;
	s22 =	sadd.s32 $0xCD80, s0  }
0x66: {  	[spmem:s2] =	stream.indirect.scatter.add.f32 [tilespmem:s29], [sflag:$0x2], $0x8, s22, s14, $0xb8;
	[tilespmem:$0x11400] =	vst v63  }
0x67: {  	p0 =	por p6, p6;
	s23 =	simm.s32 $0x2;
	s29 =	sadd.s32 $0xCE00, s0  }
0x68: {  	[spmem:s2] =	stream.indirect.scatter.add.f32 [tilespmem:s26], [sflag:$0x2], $0x8, s29, s14, $0xb8;
	[tilespmem:$0x11400] =	vst v63  }
0x69: {  	s30 =	sadd.s32 $0xCE80, s0;
	s21 =	simm.s32 $0x1;
	s20 =	sadd.s32 $0x80, s9  }
0x6a: {  	[spmem:s2] =	stream.indirect.scatter.add.f32 [tilespmem:s31], [sflag:$0x2], $0x8, s30, s14, $0xb8;
	[tilespmem:$0x11400] =	vst v63  }
0x6b: {  	s22 =	sadd.s32 $0x80, s10;
	s31 =	sadd.s32 $0xCF00, s0;
	s0 =	sadd.s32 $0xCF80, s0  }
0x6c: {  	[spmem:s2] =	stream.indirect.scatter.add.f32 [tilespmem:s28], [sflag:$0x2], $0x8, s31, s14, $0xb8;
	[tilespmem:$0x11400] =	vst v63  }
.LBB2_2:
0x6d: {  	[spmem:s2] =	stream.indirect.scatter.add.f32 [tilespmem:s24], [sflag:$0x2], $0x8, s0, s14, $0xb8;
	[tilespmem:$0x11400] =	vst v63  }
0x6e: {  	s1 =	simm.s32 @!p0 $0x2  }
0x6f: {  	_ =	swait.ge @!p0 [sflag:s1], $0x400  }
0x70: {  	[sflag:s1] =	ssyncset.done @!p0 $0x0  }
0x71: {  	[sflag:s1] =	ssyncadd.s32 @!p0 $0xFFFFFC00  }
0x72: {  	_ =	swait.ge @!p0 [sflag:s1], $0x400  }
0x73: {  	[sflag:s1] =	ssyncset.done @!p0 $0x0  }
0x74: {  	[sflag:s1] =	ssyncadd.s32 @!p0 $0xFFFFFC00  }
0x75: {  	_ =	swait.ge @!p0 [sflag:s1], $0x400  }
0x76: {  	[sflag:s1] =	ssyncset.done @!p0 $0x0  }
0x77: {  	[sflag:s1] =	ssyncadd.s32 @!p0 $0xFFFFFC00  }
0x78: {  	_ =	swait.ge @!p0 [sflag:s1], $0x400  }
0x79: {  	[sflag:s1] =	ssyncset.done @!p0 $0x0  }
0x7a: {  	[sflag:s1] =	ssyncadd.s32 @!p0 $0xFFFFFC00  }
0x7b: {  	_ =	swait.ge @!p0 [sflag:s1], $0x400  }
0x7c: {  	[sflag:s1] =	ssyncset.done @!p0 $0x0  }
0x7d: {  	[sflag:s1] =	ssyncadd.s32 @!p0 $0xFFFFFC00  }
0x7e: {  	_ =	swait.ge @!p0 [sflag:s1], $0x400  }
0x7f: {  	[sflag:s1] =	ssyncset.done @!p0 $0x0  }
0x80: {  	[sflag:s1] =	ssyncadd.s32 @!p0 $0xFFFFFC00  }
0x81: {  	_ =	swait.ge @!p0 [sflag:s1], $0x400  }
0x82: {  	[sflag:s1] =	ssyncset.done @!p0 $0x0  }
0x83: {  	[sflag:s1] =	ssyncadd.s32 @!p0 $0xFFFFFC00  }
0x84: {  	_ =	swait.ge @!p0 [sflag:s1], $0x400  }
0x85: {  	[sflag:s1] =	ssyncset.done @!p0 $0x0  }
0x86: {  	[sflag:s1] =	ssyncadd.s32 @!p0 $0xFFFFFC00  }
0x87: {  	[tilespmem:s13], [sflag:$0x3] =	stream.linear.gather [hbm4b:s22+s3], $0x400, $0x38;
	[tilespmem:$0x11400] =	vst v63  }
0x88: {  	s31 =	sand.u32 $0x1, s21;
	_ =	swait.ge [sflag:s12], $0x400  }
0x89: {  	s25 =	sshll.u32 s31, $0xA;
	[sflag:s12] =	ssyncset.done $0x0  }
0x8a: {  	s26 =	sadd.s32 $0xCC00, s25;
	[sflag:s12] =	ssyncadd.s32 $0xFFFFFC00  }
0x8b: {  	[tilespmem:s26], [sflag:$0x3] =	stream.linear.gather [hbm4b:s20+s3], $0x400, $0x38;
	[tilespmem:$0x11400] =	vst v63  }
0x8c: {  	_ =	swait.ge [sflag:s12], $0x400  }
0x8d: {  	s24 =	sshll.u32 s31, $0xD;
	[sflag:s12] =	ssyncset.done $0x0  }
0x8e: {  	s30 =	smov.u32 s23;
	s28 =	sor.u32 $0xD400, s24;
	[sflag:s12] =	ssyncadd.s32 $0xFFFFFC00  }
0x8f: {  	[tilespmem:s28], [sflag:$0x1] =	stream.indirect.gather [hbm4b:s4+s14], $0x8, s13, s14, $0xb8;
	[tilespmem:$0x11400] =	vst v63  }
0x90: {  	p2 =	slt.u32 s30, $0x2;
	s29 =	sor.u32 $0xD800, s24;
	s1 =	rddreg [dreg:$0x3]  }
0x91: {  	[tilespmem:s29], [sflag:$0x1] =	stream.indirect.gather [hbm4b:s4+s14], $0x8, s1, s14, $0xb8;
	[tilespmem:$0x11400] =	vst v63  }
0x92: {  	s21 =	smov.u32 s30;
	s30 =	sor.u32 $0xDC00, s24;
	s5 =	rddreg [dreg:$0x4]  }
0x93: {  	[tilespmem:s30], [sflag:$0x1] =	stream.indirect.gather [hbm4b:s4+s14], $0x8, s5, s14, $0xb8;
	[tilespmem:$0x11400] =	vst v63  }
0x94: {  	s31 =	sadd.s32 $0xE000, s24;
	s7 =	rddreg [dreg:$0x5]  }
0x95: {  	[tilespmem:s31], [sflag:$0x1] =	stream.indirect.gather [hbm4b:s4+s14], $0x8, s7, s14, $0xb8;
	[tilespmem:$0x11400] =	vst v63  }
0x96: {  	s1 =	sadd.s32 $0xE400, s24;
	s5 =	rddreg [dreg:$0x6]  }
0x97: {  	[tilespmem:s1], [sflag:$0x1] =	stream.indirect.gather [hbm4b:s4+s14], $0x8, s5, s14, $0xb8;
	[tilespmem:$0x11400] =	vst v63  }
0x98: {  	s0 =	sadd.s32 $0xE800, s24;
	s7 =	rddreg [dreg:$0x7]  }
0x99: {  	[tilespmem:s0], [sflag:$0x1] =	stream.indirect.gather [hbm4b:s4+s14], $0x8, s7, s14, $0xb8;
	[tilespmem:$0x11400] =	vst v63  }
0x9a: {  	s5 =	sadd.s32 $0xEC00, s24  }
0x9b: {  	[tilespmem:s5], [sflag:$0x1] =	stream.indirect.gather [hbm4b:s4+s14], $0x8, s15, s14, $0xb8;
	[tilespmem:$0x11400] =	vst v63  }
0x9c: {  	s24 =	sadd.s32 $0xF000, s24  }
0x9d: {  	[tilespmem:s24], [sflag:$0x1] =	stream.indirect.gather [hbm4b:s4+s14], $0x8, s16, s14, $0xb8;
	[tilespmem:$0x11400] =	vst v63  }
0x9e: {  	_ =	swait.ge [sflag:s17], $0x400  }
0x9f: {  	[sflag:s17] =	ssyncset.done $0x0  }
0xa0: {  	[sflag:s17] =	ssyncadd.s32 $0xFFFFFC00  }
0xa1: {  	_ =	swait.ge [sflag:s17], $0x400  }
0xa2: {  	[sflag:s17] =	ssyncset.done $0x0  }
0xa3: {  	[sflag:s17] =	ssyncadd.s32 $0xFFFFFC00  }
0xa4: {  	_ =	swait.ge [sflag:s17], $0x400  }
0xa5: {  	[sflag:s17] =	ssyncset.done $0x0  }
0xa6: {  	[sflag:s17] =	ssyncadd.s32 $0xFFFFFC00  }
0xa7: {  	_ =	swait.ge [sflag:s17], $0x400  }
0xa8: {  	[sflag:s17] =	ssyncset.done $0x0  }
0xa9: {  	[sflag:s17] =	ssyncadd.s32 $0xFFFFFC00  }
0xaa: {  	_ =	swait.ge [sflag:s17], $0x400  }
0xab: {  	[sflag:s17] =	ssyncset.done $0x0  }
0xac: {  	[sflag:s17] =	ssyncadd.s32 $0xFFFFFC00  }
0xad: {  	_ =	swait.ge [sflag:s17], $0x400  }
0xae: {  	[sflag:s17] =	ssyncset.done $0x0  }
0xaf: {  	[sflag:s17] =	ssyncadd.s32 $0xFFFFFC00  }
0xb0: {  	_ =	swait.ge [sflag:s17], $0x400  }
0xb1: {  	[sflag:s17] =	ssyncset.done $0x0  }
0xb2: {  	[sflag:s17] =	ssyncadd.s32 $0xFFFFFC00  }
0xb3: {  	_ =	swait.ge [sflag:s17], $0x400  }
0xb4: {  	[sflag:s17] =	ssyncset.done $0x0  }
0xb5: {  	[sflag:s17] =	ssyncadd.s32 $0xFFFFFC00  }
0xb6: {  	[spmem:s2] =	stream.indirect.scatter.add.f32 [tilespmem:s28], [sflag:$0x2], $0x8, s26, s14, $0xb8;
	[tilespmem:$0x11400] =	vst v63  }
0xb7: {  	s28 =	sadd.s32 $0xCC80, s25  }
0xb8: {  	[spmem:s2] =	stream.indirect.scatter.add.f32 [tilespmem:s29], [sflag:$0x2], $0x8, s28, s14, $0xb8;
	[tilespmem:$0x11400] =	vst v63  }
0xb9: {  	s26 =	sadd.s32 $0xCD00, s25  }
0xba: {  	[spmem:s2] =	stream.indirect.scatter.add.f32 [tilespmem:s30], [sflag:$0x2], $0x8, s26, s14, $0xb8;
	[tilespmem:$0x11400] =	vst v63  }
0xbb: {  	s23 =	sadd.s32 $0x1, s23;
	s28 =	sadd.s32 $0xCD80, s25  }
0xbc: {  	[spmem:s2] =	stream.indirect.scatter.add.f32 [tilespmem:s31], [sflag:$0x2], $0x8, s28, s14, $0xb8;
	[tilespmem:$0x11400] =	vst v63  }
0xbd: {  	p1 =	sne.s32 s23, $0x31;
	s29 =	sadd.s32 $0xCE00, s25  }
0xbe: {  	[spmem:s2] =	stream.indirect.scatter.add.f32 [tilespmem:s1], [sflag:$0x2], $0x8, s29, s14, $0xb8;
	[tilespmem:$0x11400] =	vst v63  }
.Ltmp0:
0xbf: {  	_ = 	snop;
	(pc) =	sbr.rel @p1 .LBB2_2-.Ltmp0, $4  }
0xc0: {  	p0 =	por p2, p2;
	s22 =	sadd.s32 $0x80, s22;
	s30 =	sadd.s32 $0xCE80, s25  }
0xc1: {  	[spmem:s2] =	stream.indirect.scatter.add.f32 [tilespmem:s0], [sflag:$0x2], $0x8, s30, s14, $0xb8;
	[tilespmem:$0x11400] =	vst v63  }
0xc2: {  	s20 =	sadd.s32 $0x80, s20;
	s31 =	sadd.s32 $0xCF00, s25;
	s0 =	sadd.s32 $0xCF80, s25  }
0xc3: {  	[spmem:s2] =	stream.indirect.scatter.add.f32 [tilespmem:s5], [sflag:$0x2], $0x8, s31, s14, $0xb8;
	[tilespmem:$0x11400] =	vst v63  }
0xc4: {  	[spmem:s2] =	stream.indirect.scatter.add.f32 [tilespmem:s24], [sflag:$0x2], $0x8, s0, s14, $0xb8;
	[tilespmem:$0x11400] =	vst v63  }
0xc5: {  	s0 =	simm.s32 @!p0 $0x2  }
0xc6: {  	_ =	swait.ge @!p0 [sflag:s0], $0x400  }
0xc7: {  	[sflag:s0] =	ssyncset.done @!p0 $0x0  }
0xc8: {  	[sflag:s0] =	ssyncadd.s32 @!p0 $0xFFFFFC00  }
0xc9: {  	_ =	swait.ge @!p0 [sflag:s0], $0x400  }
0xca: {  	[sflag:s0] =	ssyncset.done @!p0 $0x0  }
0xcb: {  	[sflag:s0] =	ssyncadd.s32 @!p0 $0xFFFFFC00  }
0xcc: {  	_ =	swait.ge @!p0 [sflag:s0], $0x400  }
0xcd: {  	[sflag:s0] =	ssyncset.done @!p0 $0x0  }
0xce: {  	[sflag:s0] =	ssyncadd.s32 @!p0 $0xFFFFFC00  }
0xcf: {  	_ =	swait.ge @!p0 [sflag:s0], $0x400  }
0xd0: {  	[sflag:s0] =	ssyncset.done @!p0 $0x0  }
0xd1: {  	[sflag:s0] =	ssyncadd.s32 @!p0 $0xFFFFFC00  }
0xd2: {  	_ =	swait.ge @!p0 [sflag:s0], $0x400  }
0xd3: {  	[sflag:s0] =	ssyncset.done @!p0 $0x0  }
0xd4: {  	[sflag:s0] =	ssyncadd.s32 @!p0 $0xFFFFFC00  }
0xd5: {  	_ =	swait.ge @!p0 [sflag:s0], $0x400  }
0xd6: {  	[sflag:s0] =	ssyncset.done @!p0 $0x0  }
0xd7: {  	[sflag:s0] =	ssyncadd.s32 @!p0 $0xFFFFFC00  }
0xd8: {  	_ =	swait.ge @!p0 [sflag:s0], $0x400  }
0xd9: {  	[sflag:s0] =	ssyncset.done @!p0 $0x0  }
0xda: {  	[sflag:s0] =	ssyncadd.s32 @!p0 $0xFFFFFC00  }
0xdb: {  	_ =	swait.ge @!p0 [sflag:s0], $0x400  }
0xdc: {  	[sflag:s0] =	ssyncset.done @!p0 $0x0  }
0xdd: {  	[sflag:s0] =	ssyncadd.s32 @!p0 $0xFFFFFC00  }
0xde: {  	[tilespmem:s13], [sflag:$0x3] =	stream.linear.gather [hbm4b:s22+s3], $0x400, $0x38;
	[tilespmem:$0x11400] =	vst v63  }
0xdf: {  	s1 =	sand.u32 $0x1, s21;
	_ =	swait.ge [sflag:s12], $0x400  }
0xe0: {  	s0 =	sshll.u32 s1, $0xA;
	[sflag:s12] =	ssyncset.done $0x0  }
0xe1: {  	s5 =	sadd.s32 $0xCC00, s0;
	[sflag:s12] =	ssyncadd.s32 $0xFFFFFC00  }
0xe2: {  	[tilespmem:s5], [sflag:$0x3] =	stream.linear.gather [hbm4b:s20+s3], $0x400, $0x38;
	[tilespmem:$0x11400] =	vst v63  }
0xe3: {  	_ =	swait.ge [sflag:s12], $0x400  }
0xe4: {  	s1 =	sshll.u32 s1, $0xD;
	[sflag:s12] =	ssyncset.done $0x0  }
0xe5: {  	s7 =	sor.u32 $0xD400, s1;
	[sflag:s12] =	ssyncadd.s32 $0xFFFFFC00  }
0xe6: {  	[tilespmem:s7], [sflag:$0x1] =	stream.indirect.gather [hbm4b:s4+s14], $0x8, s13, s14, $0xb8;
	[tilespmem:$0x11400] =	vst v63  }
0xe7: {  	s21 =	sor.u32 $0xD800, s1;
	s24 =	rddreg [dreg:$0x3]  }
0xe8: {  	[tilespmem:s21], [sflag:$0x1] =	stream.indirect.gather [hbm4b:s4+s14], $0x8, s24, s14, $0xb8;
	[tilespmem:$0x11400] =	vst v63  }
0xe9: {  	s26 =	sor.u32 $0xDC00, s1;
	s25 =	rddreg [dreg:$0x4]  }
0xea: {  	[tilespmem:s26], [sflag:$0x1] =	stream.indirect.gather [hbm4b:s4+s14], $0x8, s25, s14, $0xb8;
	[tilespmem:$0x11400] =	vst v63  }
0xeb: {  	s22 =	sadd.s32 $0xE000, s1;
	s23 =	rddreg [dreg:$0x5]  }
0xec: {  	[tilespmem:s22], [sflag:$0x1] =	stream.indirect.gather [hbm4b:s4+s14], $0x8, s23, s14, $0xb8;
	[tilespmem:$0x11400] =	vst v63  }
0xed: {  	s29 =	sadd.s32 $0xE400, s1;
	s28 =	rddreg [dreg:$0x6]  }
0xee: {  	[tilespmem:s29], [sflag:$0x1] =	stream.indirect.gather [hbm4b:s4+s14], $0x8, s28, s14, $0xb8;
	[tilespmem:$0x11400] =	vst v63  }
0xef: {  	s30 =	sadd.s32 $0xE800, s1;
	s25 =	rddreg [dreg:$0x7]  }
0xf0: {  	[tilespmem:s30], [sflag:$0x1] =	stream.indirect.gather [hbm4b:s4+s14], $0x8, s25, s14, $0xb8;
	[tilespmem:$0x11400] =	vst v63  }
0xf1: {  	s31 =	sadd.s32 $0xEC00, s1  }
0xf2: {  	[tilespmem:s31], [sflag:$0x1] =	stream.indirect.gather [hbm4b:s4+s14], $0x8, s15, s14, $0xb8;
	[tilespmem:$0x11400] =	vst v63  }
0xf3: {  	s1 =	sadd.s32 $0xF000, s1  }
0xf4: {  	[tilespmem:s1], [sflag:$0x1] =	stream.indirect.gather [hbm4b:s4+s14], $0x8, s16, s14, $0xb8;
	[tilespmem:$0x11400] =	vst v63  }
0xf5: {  	_ =	swait.ge [sflag:s17], $0x400  }
0xf6: {  	[sflag:s17] =	ssyncset.done $0x0  }
0xf7: {  	[sflag:s17] =	ssyncadd.s32 $0xFFFFFC00  }
0xf8: {  	_ =	swait.ge [sflag:s17], $0x400  }
0xf9: {  	[sflag:s17] =	ssyncset.done $0x0  }
0xfa: {  	[sflag:s17] =	ssyncadd.s32 $0xFFFFFC00  }
0xfb: {  	_ =	swait.ge [sflag:s17], $0x400  }
0xfc: {  	[sflag:s17] =	ssyncset.done $0x0  }
0xfd: {  	[sflag:s17] =	ssyncadd.s32 $0xFFFFFC00  }
0xfe: {  	_ =	swait.ge [sflag:s17], $0x400  }
0xff: {  	[sflag:s17] =	ssyncset.done $0x0  }
0x100: {  	[sflag:s17] =	ssyncadd.s32 $0xFFFFFC00  }
0x101: {  	_ =	swait.ge [sflag:s17], $0x400  }
0x102: {  	[sflag:s17] =	ssyncset.done $0x0  }
0x103: {  	[sflag:s17] =	ssyncadd.s32 $0xFFFFFC00  }
0x104: {  	_ =	swait.ge [sflag:s17], $0x400  }
0x105: {  	[sflag:s17] =	ssyncset.done $0x0  }
0x106: {  	[sflag:s17] =	ssyncadd.s32 $0xFFFFFC00  }
0x107: {  	_ =	swait.ge [sflag:s17], $0x400  }
0x108: {  	[sflag:s17] =	ssyncset.done $0x0  }
0x109: {  	[sflag:s17] =	ssyncadd.s32 $0xFFFFFC00  }
0x10a: {  	_ =	swait.ge [sflag:s17], $0x400  }
0x10b: {  	[sflag:s17] =	ssyncset.done $0x0  }
0x10c: {  	[sflag:s17] =	ssyncadd.s32 $0xFFFFFC00  }
0x10d: {  	[spmem:s2] =	stream.indirect.scatter.add.f32 [tilespmem:s7], [sflag:$0x2], $0x8, s5, s14, $0xb8;
	[tilespmem:$0x11400] =	vst v63  }
0x10e: {  	s7 =	sadd.s32 $0xCC80, s0  }
0x10f: {  	[spmem:s2] =	stream.indirect.scatter.add.f32 [tilespmem:s21], [sflag:$0x2], $0x8, s7, s14, $0xb8;
	[tilespmem:$0x11400] =	vst v63  }
0x110: {  	s21 =	sadd.s32 $0xCD00, s0  }
0x111: {  	[spmem:s2] =	stream.indirect.scatter.add.f32 [tilespmem:s26], [sflag:$0x2], $0x8, s21, s14, $0xb8;
	[tilespmem:$0x11400] =	vst v63  }
0x112: {  	s26 =	sadd.s32 $0xCD80, s0  }
0x113: {  	[spmem:s2] =	stream.indirect.scatter.add.f32 [tilespmem:s22], [sflag:$0x2], $0x8, s26, s14, $0xb8;
	[tilespmem:$0x11400] =	vst v63  }
0x114: {  	s28 =	sadd.s32 $0xCE00, s0  }
0x115: {  	[spmem:s2] =	stream.indirect.scatter.add.f32 [tilespmem:s29], [sflag:$0x2], $0x8, s28, s14, $0xb8;
	[tilespmem:$0x11400] =	vst v63  }
0x116: {  	s29 =	sadd.s32 $0xCE80, s0  }
0x117: {  	[spmem:s2] =	stream.indirect.scatter.add.f32 [tilespmem:s30], [sflag:$0x2], $0x8, s29, s14, $0xb8;
	[tilespmem:$0x11400] =	vst v63  }
0x118: {  	s30 =	sadd.s32 $0xCF00, s0  }
0x119: {  	[spmem:s2] =	stream.indirect.scatter.add.f32 [tilespmem:s31], [sflag:$0x2], $0x8, s30, s14, $0xb8;
	[tilespmem:$0x11400] =	vst v63  }
0x11a: {  	s0 =	sadd.s32 $0xCF80, s0  }
0x11b: {  	[spmem:s2] =	stream.indirect.scatter.add.f32 [tilespmem:s1], [sflag:$0x2], $0x8, s0, s14, $0xb8;
	[tilespmem:$0x11400] =	vst v63  }
0x11c: {  	_ =	swait.ge [sflag:s18], $0x400  }
0x11d: {  	[sflag:s18] =	ssyncset.done $0x0  }
0x11e: {  	[sflag:s18] =	ssyncadd.s32 $0xFFFFFC00  }
0x11f: {  	_ =	swait.ge [sflag:s18], $0x400  }
0x120: {  	[sflag:s18] =	ssyncset.done $0x0  }
0x121: {  	[sflag:s18] =	ssyncadd.s32 $0xFFFFFC00  }
0x122: {  	_ =	swait.ge [sflag:s18], $0x400  }
0x123: {  	[sflag:s18] =	ssyncset.done $0x0  }
0x124: {  	[sflag:s18] =	ssyncadd.s32 $0xFFFFFC00  }
0x125: {  	_ =	swait.ge [sflag:s18], $0x400  }
0x126: {  	[sflag:s18] =	ssyncset.done $0x0  }
0x127: {  	[sflag:s18] =	ssyncadd.s32 $0xFFFFFC00  }
0x128: {  	_ =	swait.ge [sflag:s18], $0x400  }
0x129: {  	[sflag:s18] =	ssyncset.done $0x0  }
0x12a: {  	[sflag:s18] =	ssyncadd.s32 $0xFFFFFC00  }
0x12b: {  	_ =	swait.ge [sflag:s18], $0x400  }
0x12c: {  	[sflag:s18] =	ssyncset.done $0x0  }
0x12d: {  	[sflag:s18] =	ssyncadd.s32 $0xFFFFFC00  }
0x12e: {  	_ =	swait.ge [sflag:s18], $0x400  }
0x12f: {  	[sflag:s18] =	ssyncset.done $0x0  }
0x130: {  	[sflag:s18] =	ssyncadd.s32 $0xFFFFFC00  }
0x131: {  	_ =	swait.ge [sflag:s18], $0x400  }
0x132: {  	[sflag:s18] =	ssyncset.done $0x0  }
0x133: {  	[sflag:s18] =	ssyncadd.s32 $0xFFFFFC00  }
0x134: {  	_ =	swait.ge [sflag:s18], $0x400  }
0x135: {  	[sflag:s18] =	ssyncset.done $0x0  }
0x136: {  	[sflag:s18] =	ssyncadd.s32 $0xFFFFFC00  }
0x137: {  	_ =	swait.ge [sflag:s18], $0x400  }
0x138: {  	[sflag:s18] =	ssyncset.done $0x0  }
0x139: {  	[sflag:s18] =	ssyncadd.s32 $0xFFFFFC00  }
0x13a: {  	_ =	swait.ge [sflag:s18], $0x400  }
0x13b: {  	[sflag:s18] =	ssyncset.done $0x0  }
0x13c: {  	[sflag:s18] =	ssyncadd.s32 $0xFFFFFC00  }
0x13d: {  	_ =	swait.ge [sflag:s18], $0x400  }
0x13e: {  	[sflag:s18] =	ssyncset.done $0x0  }
0x13f: {  	[sflag:s18] =	ssyncadd.s32 $0xFFFFFC00  }
0x140: {  	_ =	swait.ge [sflag:s18], $0x400  }
0x141: {  	[sflag:s18] =	ssyncset.done $0x0  }
0x142: {  	[sflag:s18] =	ssyncadd.s32 $0xFFFFFC00  }
0x143: {  	_ =	swait.ge [sflag:s18], $0x400  }
0x144: {  	[sflag:s18] =	ssyncset.done $0x0  }
0x145: {  	[sflag:s18] =	ssyncadd.s32 $0xFFFFFC00  }
0x146: {  	_ =	swait.ge [sflag:s18], $0x400  }
0x147: {  	[sflag:s18] =	ssyncset.done $0x0  }
0x148: {  	[sflag:s18] =	ssyncadd.s32 $0xFFFFFC00  }
0x149: {  	_ =	swait.ge [sflag:s18], $0x400  }
0x14a: {  	[sflag:s18] =	ssyncset.done $0x0  }
0x14b: {  	s19 =	sadd.s32 $0x1, s19;
	[sflag:s18] =	ssyncadd.s32 $0xFFFFFC00  }
0x14c: {  	p0 =	sne.s32 s19, s8;
	[bflag:$0x0] =	sbarrier.arrive $0xFFFF  }
.Ltmp1:
0x14d: {  	s31 =	rddreg [dreg:$0x9];
	(pc) =	sbr.rel @p0 .LBB2_1-.Ltmp1, $4  }
0x14e: {  	[hbm:s31], [sflag:s6] =	dma.local [spmem:s11], $0x1900  }
0x14f: {  	_ =	swait.ge [sflag:s12], $0x1900  }
0x150: {  	[sflag:s12] =	ssyncset.done $0x0  }
0x151: {  	[sflag:s12] =	ssyncadd.s32 $0xFFFFE700  }
0x152: {  	_ =	sfence.sel $0x180000  }
0x153: {  	[bflag:$0x0] =	sbarrier.arrive $0xFFFF  }
0x154: {  	_ =	strace $0x9000004D  }
0x155: {  	s0 =	stileid.u32;
	[bflag:$0x2] =	sbarrier.arrive $0xFFFF  }
0x156: {  	p0 =	sne.s32 s0, $0x0;
	s0 =	rddreg [dreg:$0x2]  }
0x157: {  	s0 =	sadd.s32 @!p0 $0x100000, s0  }
0x158: {  	[sflag:s0] =	ssyncadd.tile.s32 @!p0 $0x1;
	_ =	shalt  }
.Lfunc_end2:
_tile_overlayer_lowered:
.L_overlay_start_2:
0x159: {  	(tag) =	ssettag $0x2  }
0x15a: {  	s0 =	rddreg [dreg:$0x0];
	s2 =	stileid.u32  }
0x15b: {  	s1 =	rddreg [dreg:$0x1];
	p0 =	sne.s32 s2, $0x0  }
0x15c: {  	s3 =	rddreg [dreg:$0x2];
	[bflag:$0x3] =	sbarrier.arrive $0xFFFF;
	s2 =	simm.s32 @!p0 $0x1C03  }
0x15d: {  	[timem:s3], [sflag:s2] =	dma.local @!p0 [hbm:s0], s1  }
0x15e: {  	s0 =	simm.s32 @!p0 $0x3  }
0x15f: {  	_ =	swait.ge @!p0 [sflag:s0], s1  }
0x160: {  	s1 =	ssub.s32 @!p0 $0x0, s1;
	[sflag:s0] =	ssyncset.done @!p0 $0x0  }
0x161: {  	[sflag:s0] =	ssyncadd.s32 @!p0 s1  }
0x162: {  	[bflag:$0x3] =	sbarrier.arrive $0xFFFF  }
0x163: {  	_ =	shalt  }

// kernel: kernel.7.cloned.1.call-start
scs
__scs_entry_jumppad:
0x0: {  	(pc) =	sbr.rel $0x88, $3  }
0x1: {  	(tag) =	ssettag $0x0;
	lr =	simm.s32 $0x1  }
0x2: {  	[smem:$0x3F99] =	sst lr;
	_ =	strace $0xD0000000  }
0x3: {  	_ = 	snop  }
0x4: {  	_ = 	snop  }
0x5: {  	_ = 	snop  }
0x6: {  	_ = 	snop  }
0x7: {  	_ = 	snop  }
__scs_overlays_trampoline_lowered:
0x8: {  	[smem:$0x3FA8] =	sst s0  }
0x9: {  	[smem:$0x3FA9] =	sst s1  }
0xa: {  	[smem:$0x3FAA] =	sst s2  }
0xb: {  	[smem:$0x3FAB] =	sst s3  }
0xc: {  	[smem:$0x3FAC] =	sst s4  }
0xd: {  	[smem:$0x3FAD] =	sst s5  }
0xe: {  	[smem:$0x3FAE] =	sst s6  }
0xf: {  	[smem:$0x3FAF] =	sst s7  }
0x10: {  	[smem:$0x3FB0] =	sst s8  }
0x11: {  	[smem:$0x3FB1] =	sst s9;
	s0 =	simm.s32 @!p0 $0x0  }
0x12: {  	s1 =	sld [smem:$0x3F97];
	s0 =	simm.s32 @p0 $0x1  }
0x13: {  	[smem:$0x3FB2] =	sst s0;
	s0 =	simm.s32 @!p1 $0x0  }
0x14: {  	s2 =	sld [smem:$0x3F96];
	s0 =	simm.s32 @p1 $0x1  }
0x15: {  	[smem:$0x3FB3] =	sst s0;
	s0 =	simm.s32 @!p2 $0x0  }
0x16: {  	s3 =	sld [smem:$0x3FDB];
	s0 =	simm.s32 @p2 $0x1  }
0x17: {  	s4 =	simm.s32 $0x1BF5;
	[smem:$0x3FB5] =	sst s0  }
0x18: {  	s0 =	sld [smem:$0x3F98];
	_ =	swait.ge [sflag:s4], $0x0  }
0x19: {  	s7 =	sld [smem:$0x3F99]  }
0x1a: {  	s8 =	sadd.s32 $0xFFFFE003, lr  }
0x1b: {  	s9 =	sadd.s32 $0xFFFFFEF7, lr;
	s5 =	simm.s32 $0xFFFFFFFF;
	p2 =	slt.u32 s8, $0xFFFFF086  }
0x1c: {  	p1 =	slt.u32 s9, $0xF7A;
	s5 =	simm.s32 @!p2 $0x0  }
0x1d: {  	s5 =	simm.s32 @p1 $0x1;
	p0 =	seq.s32 s7, s2  }
0x1e: {  	s7 =	smul.u32 @!p0 $0xF7A, s2;
	p2 =	seq.s32 @!p0 s5, $0x0  }
0x1f: {  	s9 =	smul.u32 $0xF7A, s1;
	s8 =	simm.s32 @!p0 $0x1BF5;
	p2 =	por !p2, p0  }
0x20: {  	[sflag:s8] =	ssyncset.s32 @!p0 $0xFFFFF086;
	s6 =	sadd.s32 @!p0 s3, s7;
	s7 =	simm.s32 @!p0 $0x108  }
0x21: {  	s3 =	sadd.s32 s3, s9;
	s6 =	sadd.s32 @!p0 $0x88, s6;
	s7 =	simm.s32 @p2 $0x1082  }
0x22: {  	[simem:s7], [sflag:s8] =	dma.local @!p0 [hbm:s6], $0xF7A  }
0x23: {  	s9 =	sor.u32 $0xD0000000, s2;
	s6 =	simm.s32 $0x108;
	_ =	swait.ge @!p0 [sflag:s8], $0x0  }
0x24: {  	s3 =	sadd.s32 $0x88, s3;
	s6 =	simm.s32 @!p1 $0x1082;
	[sflag:s4] =	ssyncset.s32 $0xFFFFF086  }
0x25: {  	[simem:s6], [sflag:s4] =	dma.local [hbm:s3], $0xF7A  }
0x26: {  	[smem:$0x3F99] =	sst s1;
	(tag) =	ssettag s2;
	_ =	strace s9  }
0x27: {  	s1 =	sld [smem:$0x3FA9]  }
0x28: {  	s2 =	sld [smem:$0x3FAA]  }
0x29: {  	s4 =	sld [smem:$0x3FAC]  }
0x2a: {  	p0 =	seq.s32 s5, $0x0;
	s5 =	sld [smem:$0x3FAD]  }
0x2b: {  	s6 =	sld [smem:$0x3FAE]  }
0x2c: {  	s7 =	sld [smem:$0x3FAF]  }
0x2d: {  	s3 =	simm.s32 $0x108;
	s8 =	sld [smem:$0x3FB0]  }
0x2e: {  	s3 =	simm.s32 @!p0 $0x1082;
	s9 =	sld [smem:$0x3FB1]  }
0x2f: {  	lr =	sadd.s32 s0, s3;
	s0 =	sld [smem:$0x3FA8]  }
0x30: {  	s3 =	sld [smem:$0x3FAB]  }
0x31: {  	[smem:$0x3FB4] =	sst s10  }
0x32: {  	s10 =	sld [smem:$0x3FB2];
	_ =	sdelay $0x3  }
0x33: {  	p0 =	seq.s32 s10, $0x1;
	s10 =	sld [smem:$0x3FB4];
	_ =	sdelay $0x3  }
0x34: {  	[smem:$0x3FB4] =	sst s10  }
0x35: {  	s10 =	sld [smem:$0x3FB3];
	_ =	sdelay $0x3  }
0x36: {  	p1 =	seq.s32 s10, $0x1;
	s10 =	sld [smem:$0x3FB4];
	_ =	sdelay $0x3  }
0x37: {  	[smem:$0x3FB4] =	sst s10  }
0x38: {  	s10 =	sld [smem:$0x3FB5]  }
0x39: {  	_ = 	snop;
	(pc) =	sbr.ind lr, $3  }
0x3a: {  	_ = 	snop  }
0x3b: {  	_ = 	snop  }
0x3c: {  	p2 =	seq.s32 s10, $0x1;
	s10 =	sld [smem:$0x3FB4]  }
0x3d: {  	_ =	shalt  }
0x3e: {  	_ =	shalt  }
0x3f: {  	_ =	shalt  }
0x40: {  	_ =	shalt  }
0x41: {  	_ =	shalt  }
0x42: {  	_ =	shalt  }
0x43: {  	_ =	shalt  }
0x44: {  	_ =	shalt  }
0x45: {  	_ =	shalt  }
0x46: {  	_ =	shalt  }
0x47: {  	_ =	shalt  }
0x48: {  	_ =	shalt  }
0x49: {  	_ =	shalt  }
0x4a: {  	_ =	shalt  }
0x4b: {  	_ =	shalt  }
0x4c: {  	_ =	shalt  }
0x4d: {  	_ =	shalt  }
0x4e: {  	_ =	shalt  }
0x4f: {  	_ =	shalt  }
0x50: {  	_ =	shalt  }
0x51: {  	_ =	shalt  }
0x52: {  	_ =	shalt  }
0x53: {  	_ =	shalt  }
0x54: {  	_ =	shalt  }
0x55: {  	_ =	shalt  }
0x56: {  	_ =	shalt  }
0x57: {  	_ =	shalt  }
0x58: {  	_ =	shalt  }
0x59: {  	_ =	shalt  }
0x5a: {  	_ =	shalt  }
0x5b: {  	_ =	shalt  }
0x5c: {  	_ =	shalt  }
0x5d: {  	_ =	shalt  }
0x5e: {  	_ =	shalt  }
0x5f: {  	_ =	shalt  }
0x60: {  	_ =	shalt  }
0x61: {  	_ =	shalt  }
0x62: {  	_ =	shalt  }
0x63: {  	_ =	shalt  }
0x64: {  	_ =	shalt  }
0x65: {  	_ =	shalt  }
0x66: {  	_ =	shalt  }
0x67: {  	_ =	shalt  }
0x68: {  	_ =	shalt  }
0x69: {  	_ =	shalt  }
0x6a: {  	_ =	shalt  }
0x6b: {  	_ =	shalt  }
0x6c: {  	_ =	shalt  }
0x6d: {  	_ =	shalt  }
0x6e: {  	_ =	shalt  }
0x6f: {  	_ =	shalt  }
0x70: {  	_ =	shalt  }
0x71: {  	_ =	shalt  }
0x72: {  	_ =	shalt  }
0x73: {  	_ =	shalt  }
0x74: {  	_ =	shalt  }
0x75: {  	_ =	shalt  }
0x76: {  	_ =	shalt  }
0x77: {  	_ =	shalt  }
0x78: {  	_ =	shalt  }
0x79: {  	_ =	shalt  }
0x7a: {  	_ =	shalt  }
0x7b: {  	_ =	shalt  }
0x7c: {  	_ =	shalt  }
0x7d: {  	_ =	shalt  }
0x7e: {  	_ =	shalt  }
0x7f: {  	_ =	shalt  }
0x80: {  	_ =	shalt  }
0x81: {  	_ =	shalt  }
0x82: {  	_ =	shalt  }
0x83: {  	_ =	shalt  }
0x84: {  	_ =	shalt  }
0x85: {  	_ =	shalt  }
0x86: {  	_ =	shalt  }
0x87: {  	_ =	shalt  }
.Lfunc_end0:
.L_simem_size_0:
called_computation_lowered:
.L_overlay_start_0:
0x88: {  	s2 =	sld [smem:$0x3FD9]  }
0x89: {  	s3 =	sld [smem:$0x3FFE];
	_ =	sdelay $0x1  }
0x8a: {  	s1 =	srdreg.scid  }
0x8b: {  	s0 =	sand.u32 $0x1, s1  }
0x8c: {  	s17 =	sshll.u32 s0, $0xA;
	s2 =	sadd.s32 s3, s2  }
0x8d: {  	s2 =	sadd.s32 s2, s17  }
0x8e: {  	[smem:$0x3FC0] =	sst s2  }
0x8f: {  	_ = 	snop  }
0x90: {  	s2 =	sld [smem:$0x3FD0];
	(tm) =	ssettm $0x1  }
0x91: {  	s18 =	sld [smem:$0x3FFB];
	_ =	sdelay $0x3  }
0x92: {  	_ =	strace s18  }
0x93: {  	s3 =	sld [smem:$0x3FFC];
	_ =	sdelay $0x3  }
0x94: {  	_ =	strace s3  }
0x95: {  	s3 =	sld [smem:$0x3FFD];
	_ =	sdelay $0x3  }
0x96: {  	_ =	strace s3  }
0x97: {  	_ =	strace $0x8FFFFFFF  }
0x98: {  	s19 =	sld [smem:$0x3FDB];
	_ =	sdelay $0x1  }
0x99: {  	s4 =	simm.s32 $_scs_section_size  }
0x9a: {  	s5 =	simm.s32 $_size__tile_overlayer_lowered;
	s6 =	simm.s32 $_tile_overlayer_lowered  }
0x9b: {  	s22 =	simm.s32 $0x1BFF;
	s21 =	sshll.u32 s6, $0x1;
	s3 =	sadd.s32 s4, s19  }
0x9c: {  	s7 =	simm.s32 $0x0;
	s20 =	sshll.u32 s5, $0x1;
	s5 =	sadd.s32 s21, s3  }
0x9d: {  	[timem:s7], [sflag:s22] =	dma.local [hbm:s5], s20  }
0x9e: {  	_ =	swait.ge [sflag:s22], s20  }
0x9f: {  	s4 =	ssub.s32 $0x0, s20;
	[sflag:s22] =	ssyncset.done $0x0  }
0xa0: {  	[sflag:s22] =	ssyncadd.s32 s4;
	_ =	sdelay $0x1  }
0xa1: {  	s23 =	simm.s32 $0x1B8B  }
0xa2: {  	_ =	swait.ge [sflag:s23], $0x1  }
0xa3: {  	[sflag:s23] =	ssyncset.done $0x0  }
0xa4: {  	s25 =	simm.s32 $0x1B8E;
	s24 =	sld [smem:$0x3FFE];
	[sflag:s23] =	ssyncadd.s32 $0xFFFFFFFF  }
0xa5: {  	s26 =	simm.s32 $execute0_lowered;
	[smem:$0x3FD2] =	sst s25  }
0xa6: {  	s5 =	sshll.u32 s26, $0x1;
	_ =	strace $0x80000046;
	[dreg:$0x1] =	wrdreg $0xFFFFFFFF  }
0xa7: {  	s28 =	simm.s32 $_size_execute0_lowered;
	s3 =	sadd.s32 s3, s5;
	[dreg:$0x0] =	wrdreg $0x0  }
0xa8: {  	s5 =	sshll.u32 s28, $0x1;
	[dreg:$0x2] =	wrdreg s3  }
0xa9: {  	[dreg:$0x3] =	wrdreg s5  }
0xaa: {  	[dreg:$0x4] =	wrdreg $0xC0  }
0xab: {  	_ =	task [dreg:s7], $0x5FFFF  }
0xac: {  	[dreg:$0x1] =	wrdreg $0xFFFFFFFF  }
0xad: {  	[dreg:$0x0] =	wrdreg $0x60  }
0xae: {  	[dreg:$0x2] =	wrdreg s24  }
0xaf: {  	[dreg:$0x3] =	wrdreg s2  }
0xb0: {  	[dreg:$0x4] =	wrdreg $0x0  }
0xb1: {  	[dreg:$0x5] =	wrdreg $0x9  }
0xb2: {  	_ =	task.clear_ibuf [dreg:s7], $0x6FFFF;
	_ =	strace $0x90000046  }
0xb3: {  	s29 =	simm.s32 $0x9;
	_ =	strace $0x80000048  }
0xb4: {  	_ =	swait.ge [sflag:s29], $0x1  }
0xb5: {  	[sflag:s29] =	ssyncadd.s32 $0xFFFFFFFF  }
0xb6: {  	_ =	strace $0x90000048  }
0xb7: {  	_ =	sfence  }
0xb8: {  	s30 =	sld [smem:$0x0];
	_ =	sdelay $0x2  }
0xb9: {  	s31 =	sshll.u32 s1, $0xD;
	s1 =	sshrl.u32 s1, $0x2  }
0xba: {  	s3 =	sand.u32 $0x4000, s31;
	s1 =	sadd.s32 s1, s30  }
0xbb: {  	s0 =	sor.u32 s3, s0;
	s1 =	sshll.u32 s1, $0x11  }
0xbc: {  	s0 =	sor.u32 s1, s0  }
0xbd: {  	s0 =	sadd.s32 $0x8F2B, s0  }
0xbe: {  	[sflag:s0] =	ssyncadd.remote.s32 $0x1  }
0xbf: {  	_ =	sfence.sel $0xFFFF  }
0xc0: {  	[dreg:$0x0] =	wrdreg $0xFFFFFFFF;
	(pc) =	sbr.abs _section_cstart, $3  }
0xc1: {  	[dreg:$0x1] =	wrdreg $0xFFFFFFFF  }
0xc2: {  	_ =	task.clear_ibuf [dreg:s7], $0x2FFFF;
	_ =	strace $0x9FFFFFFF  }
0xc3: {  	(tm) =	ssettm $0x7FFFFFFF  }
tec
execute0_lowered:
.L_overlay_start_1:
0x0: {  	(tag) =	ssettag $0x1  }
0x1: {  	s4 =	rddreg [dreg:$0x0]  }
0x2: {  	s5 =	rddreg [dreg:$0x1]  }
0x3: {  	s2 =	rddreg [dreg:$0x2]  }
0x4: {  	s0 =	srdreg.scid;
	s1 =	rddreg [dreg:$0x3];
	s3 =	simm.s32 $0x0  }
0x5: {  	s11 =	simm.s32 $0x1900;
	s12 =	simm.s32 $0x80;
	s13 =	simm.s32 $0x1D00  }
0x6: {  	s14 =	simm.s32 $0x1980;
	s15 =	simm.s32 $0x1A00;
	s16 =	simm.s32 $0x1A80  }
0x7: {  	s17 =	simm.s32 $0x1B00;
	s18 =	simm.s32 $0x1B80;
	s6 =	sand.u32 $0x1, s0  }
0x8: {  	s19 =	simm.s32 $0x1C00;
	s0 =	stileid.u32;
	s7 =	smul.u32 $0xC4000, s6  }
0x9: {  	s20 =	simm.s32 $0x1C80;
	s21 =	simm.s32 $0x1;
	s8 =	smul.u32 $0xC400, s0  }
0xa: {  	s22 =	simm.s32 $0x0;
	[smem:$0x7FF] =	sst s3;
	s9 =	smul.u32 $0x1900, s0  }
0xb: {  	s10 =	smul.u32 $0x19000, s6;
	_ =	strace $0x80000047;
	s6 =	ssub.s32 $0x2, s6  }
0xc: {  	s31 =	sshll.u32 s0, $0x6;
	s29 =	sshrl.u32 s6, $0x1;
	s7 =	sadd.s32 s8, s7  }
0xd: {  	s25 =	sadd.s32 s9, s10;
	s8 =	ssub.s32 s6, s29;
	s30 =	sshrl.u32 s9, $0x3  }
0xe: {  	s9 =	sadd.s32 s9, s2;
	s10 =	simm.s32 $0x2;
	s7 =	sshrl.u32 s7, $0x3  }
0xf: {  	s28 =	sshrl.u32 s25, $0x3;
	s9 =	sshrl.u32 s9, $0x3;
	s26 =	sadd.s32 s7, s4  }
0x10: {  	s7 =	sadd.s32 s28, s4;
	s4 =	sadd.s32 s5, s30;
	s5 =	sor.u32 $0x1C02, s31  }
0x11: {  	v0 =	vimm.f32 $1.000000000e+00;
	s6 =	sadd.s32 $0x32800, s7;
	s7 =	smax.u32 s8, $0x1;
	s8 =	sadd.s32 $0x1800, s26  }
.LBB2_1:
0x12: {  	[tilespmem:$0x1D00] =	vst v0  }
0x13: {  	[tilespmem:$0x1D10] =	vst v0  }
0x14: {  	[tilespmem:$0x1D20] =	vst v0  }
0x15: {  	[tilespmem:$0x1D30] =	vst v0  }
0x16: {  	[tilespmem:$0x1D40] =	vst v0  }
0x17: {  	[tilespmem:$0x1D50] =	vst v0  }
0x18: {  	[tilespmem:$0x1D60] =	vst v0  }
0x19: {  	[tilespmem:$0x1D70] =	vst v0  }
0x1a: {  	[spmem:s9], [sflag:s5] =	dma.local [hbm:s4], $0x320  }
0x1b: {  	_ =	swait.ge [sflag:s10], $0x320  }
0x1c: {  	[sflag:s10] =	ssyncset.done $0x0  }
0x1d: {  	[sflag:s10] =	ssyncadd.s32 $0xFFFFFCE0  }
0x1e: {  	s23 =	sadd.s32 $0x0, s8;
	[bflag:$0x0] =	sbarrier.arrive $0xFFFF  }
0x1f: {  	[tilespmem:s11], [sflag:$0x2] =	stream.linear.gather [hbm4b:s23+s3], $0x400, $0x38;
	[tilespmem:$0x1D80] =	vst v63  }
0x20: {  	_ =	swait.ge [sflag:s10], $0x400  }
0x21: {  	[sflag:s10] =	ssyncset.done $0x0  }
0x22: {  	[sflag:s10] =	ssyncadd.s32 $0xFFFFFC00  }
0x23: {  	[spmem:s2] =	stream.indirect.scatter.add.f32 [tilespmem:s13], [sflag:$0x1], $0x1, s11, s12, $0xb8;
	[tilespmem:$0x1D80] =	vst v63  }
0x24: {  	_ = 	snop  }
0x25: {  	[spmem:s2] =	stream.indirect.scatter.add.f32 [tilespmem:s13], [sflag:$0x1], $0x1, s14, s12, $0xb8;
	[tilespmem:$0x1D80] =	vst v63  }
0x26: {  	_ = 	snop  }
0x27: {  	[spmem:s2] =	stream.indirect.scatter.add.f32 [tilespmem:s13], [sflag:$0x1], $0x1, s15, s12, $0xb8;
	[tilespmem:$0x1D80] =	vst v63  }
0x28: {  	_ = 	snop  }
0x29: {  	[spmem:s2] =	stream.indirect.scatter.add.f32 [tilespmem:s13], [sflag:$0x1], $0x1, s16, s12, $0xb8;
	[tilespmem:$0x1D80] =	vst v63  }
0x2a: {  	_ = 	snop  }
0x2b: {  	[spmem:s2] =	stream.indirect.scatter.add.f32 [tilespmem:s13], [sflag:$0x1], $0x1, s17, s12, $0xb8;
	[tilespmem:$0x1D80] =	vst v63  }
0x2c: {  	_ = 	snop  }
0x2d: {  	[spmem:s2] =	stream.indirect.scatter.add.f32 [tilespmem:s13], [sflag:$0x1], $0x1, s18, s12, $0xb8;
	[tilespmem:$0x1D80] =	vst v63  }
0x2e: {  	_ = 	snop  }
0x2f: {  	[spmem:s2] =	stream.indirect.scatter.add.f32 [tilespmem:s13], [sflag:$0x1], $0x1, s19, s12, $0xb8;
	[tilespmem:$0x1D80] =	vst v63  }
0x30: {  	_ = 	snop  }
0x31: {  	[spmem:s2] =	stream.indirect.scatter.add.f32 [tilespmem:s13], [sflag:$0x1], $0x1, s20, s12, $0xb8;
	[tilespmem:$0x1D80] =	vst v63  }
0x32: {  	_ =	swait.ge [sflag:s21], $0x80  }
0x33: {  	[sflag:s21] =	ssyncset.done $0x0  }
0x34: {  	[sflag:s21] =	ssyncadd.s32 $0xFFFFFF80  }
0x35: {  	_ =	swait.ge [sflag:s21], $0x80  }
0x36: {  	[sflag:s21] =	ssyncset.done $0x0  }
0x37: {  	[sflag:s21] =	ssyncadd.s32 $0xFFFFFF80  }
0x38: {  	_ =	swait.ge [sflag:s21], $0x80  }
0x39: {  	[sflag:s21] =	ssyncset.done $0x0  }
0x3a: {  	[sflag:s21] =	ssyncadd.s32 $0xFFFFFF80  }
0x3b: {  	_ =	swait.ge [sflag:s21], $0x80  }
0x3c: {  	[sflag:s21] =	ssyncset.done $0x0  }
0x3d: {  	[sflag:s21] =	ssyncadd.s32 $0xFFFFFF80  }
0x3e: {  	_ =	swait.ge [sflag:s21], $0x80  }
0x3f: {  	[sflag:s21] =	ssyncset.done $0x0  }
0x40: {  	[sflag:s21] =	ssyncadd.s32 $0xFFFFFF80  }
0x41: {  	_ =	swait.ge [sflag:s21], $0x80  }
0x42: {  	[sflag:s21] =	ssyncset.done $0x0  }
0x43: {  	[sflag:s21] =	ssyncadd.s32 $0xFFFFFF80  }
0x44: {  	_ =	swait.ge [sflag:s21], $0x80  }
0x45: {  	[sflag:s21] =	ssyncset.done $0x0  }
0x46: {  	[sflag:s21] =	ssyncadd.s32 $0xFFFFFF80  }
0x47: {  	_ =	swait.ge [sflag:s21], $0x80  }
0x48: {  	s25 =	simm.s32 $0x100;
	s23 =	simm.s32 $0x80;
	[sflag:s21] =	ssyncset.done $0x0  }
.LBB2_2:
0x49: {  	s26 =	sadd.s32 s23, s8  }
0x4a: {  	[sflag:s21] =	ssyncadd.s32 $0xFFFFFF80;
	s23 =	smov.u32 s25;
	s24 =	sadd.s32 $0x80, s25  }
0x4b: {  	[tilespmem:s11], [sflag:$0x2] =	stream.linear.gather [hbm4b:s26+s3], $0x400, $0x38;
	[tilespmem:$0x1D80] =	vst v63  }
0x4c: {  	p0 =	sne.s32 s25, $0x1800;
	_ =	swait.ge [sflag:s10], $0x400  }
0x4d: {  	[sflag:s10] =	ssyncset.done $0x0  }
0x4e: {  	[sflag:s10] =	ssyncadd.s32 $0xFFFFFC00  }
0x4f: {  	[spmem:s2] =	stream.indirect.scatter.add.f32 [tilespmem:s13], [sflag:$0x1], $0x1, s11, s12, $0xb8;
	[tilespmem:$0x1D80] =	vst v63  }
0x50: {  	_ = 	snop  }
0x51: {  	[spmem:s2] =	stream.indirect.scatter.add.f32 [tilespmem:s13], [sflag:$0x1], $0x1, s14, s12, $0xb8;
	[tilespmem:$0x1D80] =	vst v63  }
0x52: {  	_ = 	snop  }
0x53: {  	[spmem:s2] =	stream.indirect.scatter.add.f32 [tilespmem:s13], [sflag:$0x1], $0x1, s15, s12, $0xb8;
	[tilespmem:$0x1D80] =	vst v63  }
0x54: {  	_ = 	snop  }
0x55: {  	[spmem:s2] =	stream.indirect.scatter.add.f32 [tilespmem:s13], [sflag:$0x1], $0x1, s16, s12, $0xb8;
	[tilespmem:$0x1D80] =	vst v63  }
0x56: {  	_ = 	snop  }
0x57: {  	[spmem:s2] =	stream.indirect.scatter.add.f32 [tilespmem:s13], [sflag:$0x1], $0x1, s17, s12, $0xb8;
	[tilespmem:$0x1D80] =	vst v63  }
0x58: {  	_ = 	snop  }
0x59: {  	[spmem:s2] =	stream.indirect.scatter.add.f32 [tilespmem:s13], [sflag:$0x1], $0x1, s18, s12, $0xb8;
	[tilespmem:$0x1D80] =	vst v63  }
0x5a: {  	_ = 	snop  }
0x5b: {  	[spmem:s2] =	stream.indirect.scatter.add.f32 [tilespmem:s13], [sflag:$0x1], $0x1, s19, s12, $0xb8;
	[tilespmem:$0x1D80] =	vst v63  }
0x5c: {  	_ = 	snop  }
0x5d: {  	[spmem:s2] =	stream.indirect.scatter.add.f32 [tilespmem:s13], [sflag:$0x1], $0x1, s20, s12, $0xb8;
	[tilespmem:$0x1D80] =	vst v63  }
0x5e: {  	_ =	swait.ge [sflag:s21], $0x80  }
0x5f: {  	[sflag:s21] =	ssyncset.done $0x0  }
0x60: {  	[sflag:s21] =	ssyncadd.s32 $0xFFFFFF80  }
0x61: {  	_ =	swait.ge [sflag:s21], $0x80  }
0x62: {  	[sflag:s21] =	ssyncset.done $0x0  }
0x63: {  	[sflag:s21] =	ssyncadd.s32 $0xFFFFFF80  }
0x64: {  	_ =	swait.ge [sflag:s21], $0x80  }
0x65: {  	[sflag:s21] =	ssyncset.done $0x0  }
0x66: {  	[sflag:s21] =	ssyncadd.s32 $0xFFFFFF80  }
0x67: {  	_ =	swait.ge [sflag:s21], $0x80  }
0x68: {  	[sflag:s21] =	ssyncset.done $0x0  }
0x69: {  	[sflag:s21] =	ssyncadd.s32 $0xFFFFFF80  }
0x6a: {  	_ =	swait.ge [sflag:s21], $0x80  }
0x6b: {  	[sflag:s21] =	ssyncset.done $0x0  }
0x6c: {  	[sflag:s21] =	ssyncadd.s32 $0xFFFFFF80  }
0x6d: {  	_ =	swait.ge [sflag:s21], $0x80  }
0x6e: {  	[sflag:s21] =	ssyncset.done $0x0  }
0x6f: {  	[sflag:s21] =	ssyncadd.s32 $0xFFFFFF80  }
.Ltmp0:
0x70: {  	_ =	swait.ge [sflag:s21], $0x80;
	(pc) =	sbr.rel @p0 .LBB2_2-.Ltmp0, $4  }
0x71: {  	[sflag:s21] =	ssyncset.done $0x0  }
0x72: {  	[sflag:s21] =	ssyncadd.s32 $0xFFFFFF80  }
0x73: {  	_ =	swait.ge [sflag:s21], $0x80  }
0x74: {  	s25 =	smov.u32 s24;
	[sflag:s21] =	ssyncset.done $0x0  }
0x75: {  	s23 =	sadd.s32 s23, s8;
	[sflag:s21] =	ssyncadd.s32 $0xFFFFFF80  }
0x76: {  	[tilespmem:s11], [sflag:$0x2] =	stream.linear.gather [hbm4b:s23+s3], $0x400, $0x38;
	[tilespmem:$0x1D80] =	vst v63  }
0x77: {  	_ =	swait.ge [sflag:s10], $0x400  }
0x78: {  	[sflag:s10] =	ssyncset.done $0x0  }
0x79: {  	[sflag:s10] =	ssyncadd.s32 $0xFFFFFC00  }
0x7a: {  	[spmem:s2] =	stream.indirect.scatter.add.f32 [tilespmem:s13], [sflag:$0x1], $0x1, s11, s12, $0xb8;
	[tilespmem:$0x1D80] =	vst v63  }
0x7b: {  	_ = 	snop  }
0x7c: {  	[spmem:s2] =	stream.indirect.scatter.add.f32 [tilespmem:s13], [sflag:$0x1], $0x1, s14, s12, $0xb8;
	[tilespmem:$0x1D80] =	vst v63  }
0x7d: {  	_ = 	snop  }
0x7e: {  	[spmem:s2] =	stream.indirect.scatter.add.f32 [tilespmem:s13], [sflag:$0x1], $0x1, s15, s12, $0xb8;
	[tilespmem:$0x1D80] =	vst v63  }
0x7f: {  	_ = 	snop  }
0x80: {  	[spmem:s2] =	stream.indirect.scatter.add.f32 [tilespmem:s13], [sflag:$0x1], $0x1, s16, s12, $0xb8;
	[tilespmem:$0x1D80] =	vst v63  }
0x81: {  	_ = 	snop  }
0x82: {  	[spmem:s2] =	stream.indirect.scatter.add.f32 [tilespmem:s13], [sflag:$0x1], $0x1, s17, s12, $0xb8;
	[tilespmem:$0x1D80] =	vst v63  }
0x83: {  	_ = 	snop  }
0x84: {  	[spmem:s2] =	stream.indirect.scatter.add.f32 [tilespmem:s13], [sflag:$0x1], $0x1, s18, s12, $0xb8;
	[tilespmem:$0x1D80] =	vst v63  }
0x85: {  	_ = 	snop  }
0x86: {  	[spmem:s2] =	stream.indirect.scatter.add.f32 [tilespmem:s13], [sflag:$0x1], $0x1, s19, s12, $0xb8;
	[tilespmem:$0x1D80] =	vst v63  }
0x87: {  	_ = 	snop  }
0x88: {  	[spmem:s2] =	stream.indirect.scatter.add.f32 [tilespmem:s13], [sflag:$0x1], $0x1, s20, s12, $0xb8;
	[tilespmem:$0x1D80] =	vst v63  }
0x89: {  	_ =	swait.ge [sflag:s21], $0x80  }
0x8a: {  	[sflag:s21] =	ssyncset.done $0x0  }
0x8b: {  	[sflag:s21] =	ssyncadd.s32 $0xFFFFFF80  }
0x8c: {  	_ =	swait.ge [sflag:s21], $0x80  }
0x8d: {  	[sflag:s21] =	ssyncset.done $0x0  }
0x8e: {  	[sflag:s21] =	ssyncadd.s32 $0xFFFFFF80  }
0x8f: {  	_ =	swait.ge [sflag:s21], $0x80  }
0x90: {  	[sflag:s21] =	ssyncset.done $0x0  }
0x91: {  	[sflag:s21] =	ssyncadd.s32 $0xFFFFFF80  }
0x92: {  	_ =	swait.ge [sflag:s21], $0x80  }
0x93: {  	[sflag:s21] =	ssyncset.done $0x0  }
0x94: {  	[sflag:s21] =	ssyncadd.s32 $0xFFFFFF80  }
0x95: {  	_ =	swait.ge [sflag:s21], $0x80  }
0x96: {  	[sflag:s21] =	ssyncset.done $0x0  }
0x97: {  	[sflag:s21] =	ssyncadd.s32 $0xFFFFFF80  }
0x98: {  	_ =	swait.ge [sflag:s21], $0x80  }
0x99: {  	[sflag:s21] =	ssyncset.done $0x0  }
0x9a: {  	[sflag:s21] =	ssyncadd.s32 $0xFFFFFF80  }
0x9b: {  	_ =	swait.ge [sflag:s21], $0x80  }
0x9c: {  	[sflag:s21] =	ssyncset.done $0x0  }
0x9d: {  	[sflag:s21] =	ssyncadd.s32 $0xFFFFFF80  }
0x9e: {  	_ =	swait.ge [sflag:s21], $0x80  }
0x9f: {  	s22 =	sadd.s32 $0x1, s22;
	[sflag:s21] =	ssyncset.done $0x0  }
0xa0: {  	p0 =	sne.s32 s22, s7;
	[sflag:s21] =	ssyncadd.s32 $0xFFFFFF80  }
.Ltmp1:
0xa1: {  	[bflag:$0x0] =	sbarrier.arrive $0xFFFF;
	(pc) =	sbr.rel @p0 .LBB2_1-.Ltmp1, $4  }
0xa2: {  	[hbm:s6], [sflag:s5] =	dma.local [spmem:s9], $0x320  }
0xa3: {  	_ =	swait.ge [sflag:s10], $0x320  }
0xa4: {  	[sflag:s10] =	ssyncset.done $0x0  }
0xa5: {  	[sflag:s10] =	ssyncadd.s32 $0xFFFFFCE0  }
0xa6: {  	_ =	sfence.sel $0x180000  }
0xa7: {  	[bflag:$0x0] =	sbarrier.arrive $0xFFFF  }
0xa8: {  	p0 =	sne.s32 s0, $0x0;
	_ =	strace $0x90000047  }
0xa9: {  	s0 =	sadd.s32 @!p0 $0x100000, s1;
	[bflag:$0x2] =	sbarrier.arrive $0xFFFF  }
0xaa: {  	[sflag:s0] =	ssyncadd.tile.s32 @!p0 $0x1;
	_ =	shalt  }
.Lfunc_end2:
_tile_overlayer_lowered:
.L_overlay_start_2:
0xab: {  	(tag) =	ssettag $0x2  }
0xac: {  	s0 =	rddreg [dreg:$0x0];
	s2 =	stileid.u32  }
0xad: {  	s1 =	rddreg [dreg:$0x1];
	p0 =	sne.s32 s2, $0x0  }
0xae: {  	s3 =	rddreg [dreg:$0x2];
	[bflag:$0x3] =	sbarrier.arrive $0xFFFF;
	s2 =	simm.s32 @!p0 $0x1C02  }
0xaf: {  	[timem:s3], [sflag:s2] =	dma.local @!p0 [hbm:s0], s1  }
0xb0: {  	s0 =	simm.s32 @!p0 $0x2  }
0xb1: {  	_ =	swait.ge @!p0 [sflag:s0], s1  }
0xb2: {  	s1 =	ssub.s32 @!p0 $0x0, s1;
	[sflag:s0] =	ssyncset.done @!p0 $0x0  }
0xb3: {  	[sflag:s0] =	ssyncadd.s32 @!p0 s1  }
0xb4: {  	[bflag:$0x3] =	sbarrier.arrive $0xFFFF  }
0xb5: {  	_ =	shalt  }

</sc_bundles>
